<compile_context>
chip_gen: v7x
topology: tpu7x:2x2x1
jax: 0.10.2.dev20260603
libtpu: 0.0.44.dev20260713+nightly
codegen_flags: <defaults>
</compile_context>

<pallas_src>
import functools

import jax
import jax.numpy as jnp
from jax import lax
from jax.experimental import pallas as pl
from jax.experimental.pallas import tpu as pltpu
from jax.experimental.pallas import tpu_sc as plsc

N = 10000
E = 320000
IN_CH, HID1, HID2, OUT_CH = 128, 64, 32, 32

NC, NS = 2, 16
NW = NC * NS
EPW = 10752
E_PAD = NW * EPW
N_PAD = 10112
RPT = N_PAD // NS

_mesh = plsc.VectorSubcoreMesh(core_axis_name="c", subcore_axis_name="s")


def _make_sc_edge_pass(D, NBUF, C, CH):
    assert C * CH == EPW and CH % NBUF == 0

    @functools.partial(
        pl.kernel,
        out_type=jax.ShapeDtypeStruct((NC, N_PAD, D), jnp.float32),
        mesh=_mesh,
        scratch_types=[
            pltpu.VMEM((CH, C), jnp.int32),
            pltpu.VMEM((CH, C), jnp.int32),
            [pltpu.VMEM((C, D), jnp.float32)] * NBUF,
            pltpu.VMEM_SHARED((N, D), jnp.float32),
            pltpu.VMEM_SHARED((N_PAD, D), jnp.float32),
            [pltpu.SemaphoreType.DMA] * NBUF,
            [pltpu.SemaphoreType.DMA] * NBUF,
        ],
        compiler_params=pltpu.CompilerParams(use_tc_tiling_on_sc=False),
    )
    def k(hs_hbm, src_hbm, dst_hbm, zeros_hbm, out_hbm,
          src_v, dst_v, rows, hs_sh, acc_sh, gsem, ssem):
        cid = lax.axis_index("c")
        sid = lax.axis_index("s")
        wid = sid * NC + cid
        pltpu.sync_copy(src_hbm.at[wid], src_v)
        pltpu.sync_copy(dst_hbm.at[wid], dst_v)
        SR = 624
        pltpu.sync_copy(hs_hbm.at[pl.ds(sid * SR, SR)],
                        hs_sh.at[pl.ds(sid * SR, SR)])

        @pl.when(sid == NS - 1)
        def _():
            pltpu.sync_copy(hs_hbm.at[pl.ds(NS * SR, N - NS * SR)],
                            hs_sh.at[pl.ds(NS * SR, N - NS * SR)])

        pltpu.sync_copy(zeros_hbm, acc_sh.at[pl.ds(sid * RPT, RPT)])
        plsc.subcore_barrier()

        for b in range(NBUF):
            pltpu.async_copy(hs_sh.at[src_v.at[b]], rows[b], gsem[b])

        def body(p, carry):
            j0 = p * NBUF
            for b in range(NBUF):
                j = j0 + b
                pltpu.make_async_copy(
                    hs_sh.at[src_v.at[j]], rows[b], gsem[b]).wait()
                pltpu.async_copy(
                    rows[b], acc_sh.at[dst_v.at[j]], ssem[b], add=True)

                @pl.when(j + NBUF < CH)
                def _():
                    pltpu.make_async_copy(
                        rows[b], acc_sh.at[dst_v.at[j]], ssem[b]).wait()
                    pltpu.async_copy(
                        hs_sh.at[src_v.at[j + NBUF]], rows[b], gsem[b])

            return carry

        lax.fori_loop(0, CH // NBUF, body, 0)
        for b in range(NBUF):
            pltpu.make_async_copy(
                rows[b], acc_sh.at[dst_v.at[CH - NBUF + b]], ssem[b]).wait()
        plsc.subcore_barrier()
        pltpu.sync_copy(acc_sh.at[pl.ds(sid * RPT, RPT)],
                        out_hbm.at[cid, pl.ds(sid * RPT, RPT)])

    return k


DEG_W = 8
DC = 256
DCH = EPW // DC


@functools.partial(
    pl.kernel,
    out_type=jax.ShapeDtypeStruct((NC, N_PAD, DEG_W), jnp.float32),
    mesh=_mesh,
    scratch_types=[
        pltpu.VMEM((DCH, DC), jnp.int32),
        pltpu.VMEM((DC, DEG_W), jnp.float32),
        pltpu.VMEM_SHARED((N_PAD, DEG_W), jnp.float32),
        pltpu.SemaphoreType.DMA,
    ],
    compiler_params=pltpu.CompilerParams(use_tc_tiling_on_sc=False),
)
def _sc_degree(dst_hbm, ones_hbm, zeros_hbm, out_hbm, dst_v, ones_v, acc_sh,
               sem):
    cid = lax.axis_index("c")
    sid = lax.axis_index("s")
    wid = sid * NC + cid
    pltpu.sync_copy(dst_hbm.at[wid], dst_v)
    pltpu.sync_copy(ones_hbm, ones_v)
    pltpu.sync_copy(zeros_hbm, acc_sh.at[pl.ds(sid * RPT, RPT)])
    plsc.subcore_barrier()

    DK = 14

    def body(p, carry):
        j0 = p * DK
        for b in range(DK):
            pltpu.async_copy(ones_v, acc_sh.at[dst_v.at[j0 + b]], sem,
                             add=True)
        for b in range(DK):
            pltpu.make_async_copy(ones_v, acc_sh.at[dst_v.at[j0 + b]],
                                  sem).wait()
        return carry

    lax.fori_loop(0, DCH // DK, body, 0)
    plsc.subcore_barrier()
    pltpu.sync_copy(acc_sh.at[pl.ds(sid * RPT, RPT)],
                    out_hbm.at[cid, pl.ds(sid * RPT, RPT)])


ROWS = 2000
_DOT = functools.partial(jnp.dot, precision=lax.Precision.HIGHEST,
                         preferred_element_type=jnp.float32)


def _tc_xw1(x, W1):

    def body(x_ref, w_ref, out_ref):
        out_ref[...] = _DOT(x_ref[...], w_ref[...])

    return pl.pallas_call(
        body,
        grid=(N // ROWS,),
        in_specs=[
            pl.BlockSpec((ROWS, IN_CH), lambda i: (i, 0)),
            pl.BlockSpec((IN_CH, HID1), lambda i: (0, 0)),
        ],
        out_specs=pl.BlockSpec((ROWS, HID1), lambda i: (i, 0)),
        out_shape=jax.ShapeDtypeStruct((N, HID1), jnp.float32),
    )(x, W1)


def _tc_first(deg, xw1):

    def body(deg_ref, xw_ref, dinv_ref, hs_ref):
        d = deg_ref[0, :, 0:1] + deg_ref[1, :, 0:1] + 1.0
        dinv = lax.rsqrt(d)
        dinv_ref[...] = dinv
        hs_ref[...] = dinv * xw_ref[...]

    return pl.pallas_call(
        body,
        grid=(N // ROWS,),
        in_specs=[
            pl.BlockSpec((NC, ROWS, DEG_W), lambda i: (0, i, 0)),
            pl.BlockSpec((ROWS, HID1), lambda i: (i, 0)),
        ],
        out_specs=[
            pl.BlockSpec((ROWS, 1), lambda i: (i, 0)),
            pl.BlockSpec((ROWS, HID1), lambda i: (i, 0)),
        ],
        out_shape=[
            jax.ShapeDtypeStruct((N, 1), jnp.float32),
            jax.ShapeDtypeStruct((N, HID1), jnp.float32),
        ],
    )(deg, xw1)


def _tc_mid(acc, hs, dinv, b, W_next, D, D_next):

    def body(acc_ref, hs_ref, dinv_ref, b_ref, w_ref, out_ref):
        a = acc_ref[0] + acc_ref[1] + hs_ref[...]
        h = jnp.maximum(dinv_ref[...] * a + b_ref[...], 0.0)
        out_ref[...] = dinv_ref[...] * _DOT(h, w_ref[...])

    return pl.pallas_call(
        body,
        grid=(N // ROWS,),
        in_specs=[
            pl.BlockSpec((NC, ROWS, D), lambda i: (0, i, 0)),
            pl.BlockSpec((ROWS, D), lambda i: (i, 0)),
            pl.BlockSpec((ROWS, 1), lambda i: (i, 0)),
            pl.BlockSpec((1, D), lambda i: (0, 0)),
            pl.BlockSpec((D, D_next), lambda i: (0, 0)),
        ],
        out_specs=pl.BlockSpec((ROWS, D_next), lambda i: (i, 0)),
        out_shape=jax.ShapeDtypeStruct((N, D_next), jnp.float32),
    )(acc, hs, dinv, b, W_next)


def _tc_last(acc, hs, dinv, b):

    def body(acc_ref, hs_ref, dinv_ref, b_ref, out_ref):
        a = acc_ref[0] + acc_ref[1] + hs_ref[...]
        out_ref[...] = dinv_ref[...] * a + b_ref[...]

    return pl.pallas_call(
        body,
        grid=(N // ROWS,),
        in_specs=[
            pl.BlockSpec((NC, ROWS, OUT_CH), lambda i: (0, i, 0)),
            pl.BlockSpec((ROWS, OUT_CH), lambda i: (i, 0)),
            pl.BlockSpec((ROWS, 1), lambda i: (i, 0)),
            pl.BlockSpec((1, OUT_CH), lambda i: (0, 0)),
        ],
        out_specs=pl.BlockSpec((ROWS, OUT_CH), lambda i: (i, 0)),
        out_shape=jax.ShapeDtypeStruct((N, OUT_CH), jnp.float32),
    )(acc, hs, dinv, b)


_sc_edge64 = _make_sc_edge_pass(HID1, 3, 128, 84)
_sc_edge32 = _make_sc_edge_pass(HID2, 7, 256, 42)


def kernel(x, edge_index, W1, b1, W2, b2, W3, b3):
    pad = E_PAD - E
    src_p = jnp.concatenate(
        [edge_index[0], jnp.zeros((pad,), jnp.int32)]).reshape(NW, 84, 128)
    dst_p = jnp.concatenate(
        [edge_index[1], jnp.full((pad,), N, jnp.int32)]).reshape(NW, 84, 128)
    src_w = src_p.reshape(NW, 42, 256)
    dst_w = dst_p.reshape(NW, 42, 256)

    ones8 = jnp.ones((DC, DEG_W), jnp.float32)
    zeros8 = jnp.zeros((RPT, DEG_W), jnp.float32)
    zeros64 = jnp.zeros((RPT, HID1), jnp.float32)
    zeros32 = jnp.zeros((RPT, HID2), jnp.float32)

    deg = _sc_degree(dst_w, ones8, zeros8)
    xw1 = _tc_xw1(x, W1)

    dinv, hs1 = _tc_first(deg, xw1)
    acc1 = _sc_edge64(hs1, src_p, dst_p, zeros64)
    hs2 = _tc_mid(acc1, hs1, dinv, b1[None, :], W2, HID1, HID2)
    acc2 = _sc_edge32(hs2, src_w, dst_w, zeros32)
    hs3 = _tc_mid(acc2, hs2, dinv, b2[None, :], W3, HID2, OUT_CH)
    acc3 = _sc_edge32(hs3, src_w, dst_w, zeros32)
    return _tc_last(acc3, hs3, dinv, b3[None, :])

# --- scband reference (transcript-rebuilt; emitter-appended) ---
"""Pipeline reference for scband-topo-encoder-66803921322594 (READ-ONLY COPY).

The authoritative reference and input builder live on the scoring server;
editing this copy changes nothing except your own understanding.
"""

import jax, jax.numpy as jnp
import numpy as np

N_NODES = 10000
N_EDGES = 320000
IN_CH = 128
HID1 = 64
HID2 = 32
OUT_CH = 32


def gcn_conv(x, edge_index, W, b):
    n = x.shape[0]
    src = edge_index[0]
    dst = edge_index[1]
    loop = jnp.arange(n, dtype=src.dtype)
    src = jnp.concatenate([src, loop])
    dst = jnp.concatenate([dst, loop])
    deg = jnp.zeros((n,), x.dtype).at[dst].add(1.0)
    dinv = jnp.where(deg > 0, deg ** -0.5, 0.0)
    norm = dinv[src] * dinv[dst]
    h = x @ W
    msg = jnp.take(h, src, axis=0) * norm[:, None]
    out = jnp.zeros((n, W.shape[1]), x.dtype).at[dst].add(msg)
    return out + b


def setup_inputs(seed: int = 0) -> dict:
    key = jax.random.key(seed)
    ks = jax.random.split(key, 8)
    x = jax.random.normal(ks[0], (N_NODES, IN_CH), dtype=jnp.float32)
    edge_index = jax.random.randint(ks[1], (2, N_EDGES), 0, N_NODES, dtype=jnp.int32)
    W1 = jax.random.normal(ks[2], (IN_CH, HID1), dtype=jnp.float32) * (2.0 / (IN_CH + HID1)) ** 0.5
    b1 = jnp.zeros((HID1,), dtype=jnp.float32)
    W2 = jax.random.normal(ks[3], (HID1, HID2), dtype=jnp.float32) * (2.0 / (HID1 + HID2)) ** 0.5
    b2 = jnp.zeros((HID2,), dtype=jnp.float32)
    W3 = jax.random.normal(ks[4], (HID2, OUT_CH), dtype=jnp.float32) * (2.0 / (HID2 + OUT_CH)) ** 0.5
    b3 = jnp.zeros((OUT_CH,), dtype=jnp.float32)
    return {"x": x, "edge_index": edge_index, "W1": W1, "b1": b1, "W2": W2, "b2": b2, "W3": W3, "b3": b3}


def reference(x, edge_index, W1, b1, W2, b2, W3, b3):
    h = jax.nn.relu(gcn_conv(x, edge_index, W1, b1))
    h = jax.nn.relu(gcn_conv(h, edge_index, W2, b2))
    latent = gcn_conv(h, edge_index, W3, b3)
    return latent

if __name__ == "__main__":
    import jax
    _d = setup_inputs()
    print(jax.jit(kernel)(*tuple(_d.values())))

</pallas_src>

<mosaic_0001>
#map = affine_map<(d0, d1) -> (0, 0)>
#map1 = affine_map<(d0, d1) -> (0, 0, 0)>
module attributes {stable_mosaic.version = 14 : i64} {
  func.func @k(%arg0: i32, %arg1: i32, %arg2: memref<10000x32xf32, #tpu.memory_space<hbm>>, %arg3: memref<32x42x256xi32, #tpu.memory_space<hbm>>, %arg4: memref<32x42x256xi32, #tpu.memory_space<hbm>>, %arg5: memref<632x32xf32, #tpu.memory_space<hbm>>, %arg6: memref<2x10112x32xf32, #tpu.memory_space<hbm>>, %arg7: memref<42x256xi32, #tpu.memory_space<vmem>>, %arg8: memref<42x256xi32, #tpu.memory_space<vmem>>, %arg9: memref<256x32xf32, #tpu.memory_space<vmem>>, %arg10: memref<256x32xf32, #tpu.memory_space<vmem>>, %arg11: memref<256x32xf32, #tpu.memory_space<vmem>>, %arg12: memref<256x32xf32, #tpu.memory_space<vmem>>, %arg13: memref<256x32xf32, #tpu.memory_space<vmem>>, %arg14: memref<256x32xf32, #tpu.memory_space<vmem>>, %arg15: memref<256x32xf32, #tpu.memory_space<vmem>>, %arg16: memref<10000x32xf32, #tpu.memory_space<vmem_shared>>, %arg17: memref<10112x32xf32, #tpu.memory_space<vmem_shared>>, %arg18: memref<!tpu.dma_semaphore, #tpu.memory_space<semaphore_mem>>, %arg19: memref<!tpu.dma_semaphore, #tpu.memory_space<semaphore_mem>>, %arg20: memref<!tpu.dma_semaphore, #tpu.memory_space<semaphore_mem>>, %arg21: memref<!tpu.dma_semaphore, #tpu.memory_space<semaphore_mem>>, %arg22: memref<!tpu.dma_semaphore, #tpu.memory_space<semaphore_mem>>, %arg23: memref<!tpu.dma_semaphore, #tpu.memory_space<semaphore_mem>>, %arg24: memref<!tpu.dma_semaphore, #tpu.memory_space<semaphore_mem>>, %arg25: memref<!tpu.dma_semaphore, #tpu.memory_space<semaphore_mem>>, %arg26: memref<!tpu.dma_semaphore, #tpu.memory_space<semaphore_mem>>, %arg27: memref<!tpu.dma_semaphore, #tpu.memory_space<semaphore_mem>>, %arg28: memref<!tpu.dma_semaphore, #tpu.memory_space<semaphore_mem>>, %arg29: memref<!tpu.dma_semaphore, #tpu.memory_space<semaphore_mem>>, %arg30: memref<!tpu.dma_semaphore, #tpu.memory_space<semaphore_mem>>, %arg31: memref<!tpu.dma_semaphore, #tpu.memory_space<semaphore_mem>>) attributes {dimension_semantics = [#tpu.dimension_semantics<core_parallel>, #tpu.dimension_semantics<subcore_parallel>], iteration_bounds = array<i64: 2, 16>, scalar_prefetch = 0 : i64, scratch_operands = 25 : i64, tpu.core_type = #tpu.core_type<sc_vector_subcore>, window_params = [{transform_indices = #map}, {transform_indices = #map1}, {transform_indices = #map1}, {transform_indices = #map}, {transform_indices = #map1}]} {
    %mul3A = arith.constant 2 : i32
    %mul3A_0 = arith.muli %arg1, %mul3A : i32
    %add3A = arith.addi %mul3A_0, %arg0 : i32
    "tpu.region"() ({
      %run_scoped3A = tpu.sem_alloc : memref<!tpu.dma_semaphore, #tpu.memory_space<semaphore_mem>>
      %dma_start3A_115 = arith.constant 0 : i32
      %dma_start3A_116 = arith.constant 0 : i32
      %dma_start3A_117 = tpu.memref_slice %arg3[%add3A, %dma_start3A_115, %dma_start3A_116] : memref<32x42x256xi32, #tpu.memory_space<hbm>> -> memref<1x42x256xi32, #tpu.memory_space<hbm>>
      %dma_start3A_118 = tpu.memref_squeeze %dma_start3A_117 : memref<1x42x256xi32, #tpu.memory_space<hbm>> -> memref<42x256xi32, #tpu.memory_space<hbm>>
      %dma_start3A_119 = arith.constant 0 : i32
      %dma_start3A_120 = arith.constant 0 : i32
      %dma_start3A_121 = tpu.memref_slice %arg3[%add3A, %dma_start3A_119, %dma_start3A_120] : memref<32x42x256xi32, #tpu.memory_space<hbm>> -> memref<1x42x256xi32, #tpu.memory_space<hbm>>
      %dma_start3A_122 = tpu.memref_squeeze %dma_start3A_121 : memref<1x42x256xi32, #tpu.memory_space<hbm>> -> memref<42x256xi32, #tpu.memory_space<hbm>>
      tpu.enqueue_dma source(%dma_start3A_122 : memref<42x256xi32, #tpu.memory_space<hbm>>) target(%arg7 : memref<42x256xi32, #tpu.memory_space<vmem>>) target_semaphore(%run_scoped3A : memref<!tpu.dma_semaphore, #tpu.memory_space<semaphore_mem>>)
      %dma_wait3A_123 = arith.constant 0 : i32
      %dma_wait3A_124 = arith.constant 0 : i32
      %dma_wait3A_125 = tpu.memref_slice %arg3[%add3A, %dma_wait3A_123, %dma_wait3A_124] : memref<32x42x256xi32, #tpu.memory_space<hbm>> -> memref<1x42x256xi32, #tpu.memory_space<hbm>>
      %dma_wait3A_126 = tpu.memref_squeeze %dma_wait3A_125 : memref<1x42x256xi32, #tpu.memory_space<hbm>> -> memref<42x256xi32, #tpu.memory_space<hbm>>
      %dma_wait3A_127 = arith.constant 0 : i32
      %dma_wait3A_128 = arith.constant 0 : i32
      %dma_wait3A_129 = tpu.memref_slice %arg3[%add3A, %dma_wait3A_127, %dma_wait3A_128] : memref<32x42x256xi32, #tpu.memory_space<hbm>> -> memref<1x42x256xi32, #tpu.memory_space<hbm>>
      %dma_wait3A_130 = tpu.memref_squeeze %dma_wait3A_129 : memref<1x42x256xi32, #tpu.memory_space<hbm>> -> memref<42x256xi32, #tpu.memory_space<hbm>>
      tpu.wait_dma2 semaphore(%run_scoped3A : memref<!tpu.dma_semaphore, #tpu.memory_space<semaphore_mem>>) src(%dma_wait3A_130 : memref<42x256xi32, #tpu.memory_space<hbm>>) dst(%arg7 : memref<42x256xi32, #tpu.memory_space<vmem>>)
      tpu.yield
    }) : () -> ()
    "tpu.region"() ({
      %run_scoped3A = tpu.sem_alloc : memref<!tpu.dma_semaphore, #tpu.memory_space<semaphore_mem>>
      %dma_start3A_115 = arith.constant 0 : i32
      %dma_start3A_116 = arith.constant 0 : i32
      %dma_start3A_117 = tpu.memref_slice %arg4[%add3A, %dma_start3A_115, %dma_start3A_116] : memref<32x42x256xi32, #tpu.memory_space<hbm>> -> memref<1x42x256xi32, #tpu.memory_space<hbm>>
      %dma_start3A_118 = tpu.memref_squeeze %dma_start3A_117 : memref<1x42x256xi32, #tpu.memory_space<hbm>> -> memref<42x256xi32, #tpu.memory_space<hbm>>
      %dma_start3A_119 = arith.constant 0 : i32
      %dma_start3A_120 = arith.constant 0 : i32
      %dma_start3A_121 = tpu.memref_slice %arg4[%add3A, %dma_start3A_119, %dma_start3A_120] : memref<32x42x256xi32, #tpu.memory_space<hbm>> -> memref<1x42x256xi32, #tpu.memory_space<hbm>>
      %dma_start3A_122 = tpu.memref_squeeze %dma_start3A_121 : memref<1x42x256xi32, #tpu.memory_space<hbm>> -> memref<42x256xi32, #tpu.memory_space<hbm>>
      tpu.enqueue_dma source(%dma_start3A_122 : memref<42x256xi32, #tpu.memory_space<hbm>>) target(%arg8 : memref<42x256xi32, #tpu.memory_space<vmem>>) target_semaphore(%run_scoped3A : memref<!tpu.dma_semaphore, #tpu.memory_space<semaphore_mem>>)
      %dma_wait3A_123 = arith.constant 0 : i32
      %dma_wait3A_124 = arith.constant 0 : i32
      %dma_wait3A_125 = tpu.memref_slice %arg4[%add3A, %dma_wait3A_123, %dma_wait3A_124] : memref<32x42x256xi32, #tpu.memory_space<hbm>> -> memref<1x42x256xi32, #tpu.memory_space<hbm>>
      %dma_wait3A_126 = tpu.memref_squeeze %dma_wait3A_125 : memref<1x42x256xi32, #tpu.memory_space<hbm>> -> memref<42x256xi32, #tpu.memory_space<hbm>>
      %dma_wait3A_127 = arith.constant 0 : i32
      %dma_wait3A_128 = arith.constant 0 : i32
      %dma_wait3A_129 = tpu.memref_slice %arg4[%add3A, %dma_wait3A_127, %dma_wait3A_128] : memref<32x42x256xi32, #tpu.memory_space<hbm>> -> memref<1x42x256xi32, #tpu.memory_space<hbm>>
      %dma_wait3A_130 = tpu.memref_squeeze %dma_wait3A_129 : memref<1x42x256xi32, #tpu.memory_space<hbm>> -> memref<42x256xi32, #tpu.memory_space<hbm>>
      tpu.wait_dma2 semaphore(%run_scoped3A : memref<!tpu.dma_semaphore, #tpu.memory_space<semaphore_mem>>) src(%dma_wait3A_130 : memref<42x256xi32, #tpu.memory_space<hbm>>) dst(%arg8 : memref<42x256xi32, #tpu.memory_space<vmem>>)
      tpu.yield
    }) : () -> ()
    %mul3A_1 = arith.constant 624 : i32
    %mul3A_2 = arith.muli %arg1, %mul3A_1 : i32
    %mul3A_3 = arith.constant 624 : i32
    %mul3A_4 = arith.muli %arg1, %mul3A_3 : i32
    "tpu.region"() ({
      %run_scoped3A = tpu.sem_alloc : memref<!tpu.dma_semaphore, #tpu.memory_space<semaphore_mem>>
      %dma_start3A_115 = arith.constant 0 : i32
      %dma_start3A_116 = tpu.memref_slice %arg16[%mul3A_4, %dma_start3A_115] : memref<10000x32xf32, #tpu.memory_space<vmem_shared>> -> memref<624x32xf32, #tpu.memory_space<vmem_shared>>
      %dma_start3A_117 = arith.constant 0 : i32
      %dma_start3A_118 = tpu.memref_slice %arg2[%mul3A_2, %dma_start3A_117] : memref<10000x32xf32, #tpu.memory_space<hbm>> -> memref<624x32xf32, #tpu.memory_space<hbm>>
      tpu.enqueue_dma source(%dma_start3A_118 : memref<624x32xf32, #tpu.memory_space<hbm>>) target(%dma_start3A_116 : memref<624x32xf32, #tpu.memory_space<vmem_shared>>) target_semaphore(%run_scoped3A : memref<!tpu.dma_semaphore, #tpu.memory_space<semaphore_mem>>)
      %dma_wait3A_119 = arith.constant 0 : i32
      %dma_wait3A_120 = tpu.memref_slice %arg16[%mul3A_4, %dma_wait3A_119] : memref<10000x32xf32, #tpu.memory_space<vmem_shared>> -> memref<624x32xf32, #tpu.memory_space<vmem_shared>>
      %dma_wait3A_121 = arith.constant 0 : i32
      %dma_wait3A_122 = tpu.memref_slice %arg2[%mul3A_2, %dma_wait3A_121] : memref<10000x32xf32, #tpu.memory_space<hbm>> -> memref<624x32xf32, #tpu.memory_space<hbm>>
      tpu.wait_dma2 semaphore(%run_scoped3A : memref<!tpu.dma_semaphore, #tpu.memory_space<semaphore_mem>>) src(%dma_wait3A_122 : memref<624x32xf32, #tpu.memory_space<hbm>>) dst(%dma_wait3A_120 : memref<624x32xf32, #tpu.memory_space<vmem_shared>>)
      tpu.yield
    }) : () -> ()
    %eq3A = arith.constant 15 : i32
    %eq3A_5 = arith.cmpi eq, %arg1, %eq3A : i32
    %convert_element_type3A = arith.extui %eq3A_5 : i1 to i32
    %cond3A = arith.constant 0 : i32
    %cond3A_6 = arith.cmpi ne, %convert_element_type3A, %cond3A : i32
    scf.if %cond3A_6 {
      "tpu.region"() ({
        %run_scoped3A = tpu.sem_alloc : memref<!tpu.dma_semaphore, #tpu.memory_space<semaphore_mem>>
        %dma_start3A_115 = arith.constant 9984 : i32
        %dma_start3A_116 = arith.constant 0 : i32
        %dma_start3A_117 = tpu.memref_slice %arg16[%dma_start3A_115, %dma_start3A_116] : memref<10000x32xf32, #tpu.memory_space<vmem_shared>> -> memref<16x32xf32, #tpu.memory_space<vmem_shared>>
        %dma_start3A_118 = arith.constant 9984 : i32
        %dma_start3A_119 = arith.constant 0 : i32
        %dma_start3A_120 = tpu.memref_slice %arg2[%dma_start3A_118, %dma_start3A_119] : memref<10000x32xf32, #tpu.memory_space<hbm>> -> memref<16x32xf32, #tpu.memory_space<hbm>>
        tpu.enqueue_dma source(%dma_start3A_120 : memref<16x32xf32, #tpu.memory_space<hbm>>) target(%dma_start3A_117 : memref<16x32xf32, #tpu.memory_space<vmem_shared>>) target_semaphore(%run_scoped3A : memref<!tpu.dma_semaphore, #tpu.memory_space<semaphore_mem>>)
        %dma_wait3A_121 = arith.constant 9984 : i32
        %dma_wait3A_122 = arith.constant 0 : i32
        %dma_wait3A_123 = tpu.memref_slice %arg16[%dma_wait3A_121, %dma_wait3A_122] : memref<10000x32xf32, #tpu.memory_space<vmem_shared>> -> memref<16x32xf32, #tpu.memory_space<vmem_shared>>
        %dma_wait3A_124 = arith.constant 9984 : i32
        %dma_wait3A_125 = arith.constant 0 : i32
        %dma_wait3A_126 = tpu.memref_slice %arg2[%dma_wait3A_124, %dma_wait3A_125] : memref<10000x32xf32, #tpu.memory_space<hbm>> -> memref<16x32xf32, #tpu.memory_space<hbm>>
        tpu.wait_dma2 semaphore(%run_scoped3A : memref<!tpu.dma_semaphore, #tpu.memory_space<semaphore_mem>>) src(%dma_wait3A_126 : memref<16x32xf32, #tpu.memory_space<hbm>>) dst(%dma_wait3A_123 : memref<16x32xf32, #tpu.memory_space<vmem_shared>>)
        tpu.yield
      }) : () -> ()
    } else {
    }
    %mul3A_7 = arith.constant 632 : i32
    %mul3A_8 = arith.muli %arg1, %mul3A_7 : i32
    "tpu.region"() ({
      %run_scoped3A = tpu.sem_alloc : memref<!tpu.dma_semaphore, #tpu.memory_space<semaphore_mem>>
      %dma_start3A_115 = arith.constant 0 : i32
      %dma_start3A_116 = tpu.memref_slice %arg17[%mul3A_8, %dma_start3A_115] : memref<10112x32xf32, #tpu.memory_space<vmem_shared>> -> memref<632x32xf32, #tpu.memory_space<vmem_shared>>
      tpu.enqueue_dma source(%arg5 : memref<632x32xf32, #tpu.memory_space<hbm>>) target(%dma_start3A_116 : memref<632x32xf32, #tpu.memory_space<vmem_shared>>) target_semaphore(%run_scoped3A : memref<!tpu.dma_semaphore, #tpu.memory_space<semaphore_mem>>)
      %dma_wait3A_117 = arith.constant 0 : i32
      %dma_wait3A_118 = tpu.memref_slice %arg17[%mul3A_8, %dma_wait3A_117] : memref<10112x32xf32, #tpu.memory_space<vmem_shared>> -> memref<632x32xf32, #tpu.memory_space<vmem_shared>>
      tpu.wait_dma2 semaphore(%run_scoped3A : memref<!tpu.dma_semaphore, #tpu.memory_space<semaphore_mem>>) src(%arg5 : memref<632x32xf32, #tpu.memory_space<hbm>>) dst(%dma_wait3A_118 : memref<632x32xf32, #tpu.memory_space<vmem_shared>>)
      tpu.yield
    }) : () -> ()
    %barrier3A = arith.constant 0 : index
    tpu.barrier barrier_id(%barrier3A)
    %dma_start3A = arith.constant 0 : i32
    %dma_start3A_9 = arith.constant 0 : i32
    %dma_start3A_10 = tpu.memref_slice %arg7[%dma_start3A, %dma_start3A_9] : memref<42x256xi32, #tpu.memory_space<vmem>> -> memref<1x256xi32, #tpu.memory_space<vmem>>
    %dma_start3A_11 = tpu.memref_squeeze %dma_start3A_10 : memref<1x256xi32, #tpu.memory_space<vmem>> -> memref<256xi32, #tpu.memory_space<vmem>>
    %dma_start3A_12 = arith.constant 0 : i32
    %dma_start3A_13 = arith.constant 0 : i32
    %dma_start3A_14 = tpu.memref_slice %arg16[%dma_start3A_12, %dma_start3A_13] : memref<10000x32xf32, #tpu.memory_space<vmem_shared>> -> memref<10000x32xf32, #tpu.memory_space<vmem_shared>>
    tpu.enqueue_indirect_dma source(%dma_start3A_14 : memref<10000x32xf32, #tpu.memory_space<vmem_shared>>) target(%arg9 : memref<256x32xf32, #tpu.memory_space<vmem>>) offsets(%dma_start3A_11 : memref<256xi32, #tpu.memory_space<vmem>>) semaphore(%arg18 : memref<!tpu.dma_semaphore, #tpu.memory_space<semaphore_mem>>)
    %dma_start3A_15 = arith.constant 1 : i32
    %dma_start3A_16 = arith.constant 0 : i32
    %dma_start3A_17 = tpu.memref_slice %arg7[%dma_start3A_15, %dma_start3A_16] : memref<42x256xi32, #tpu.memory_space<vmem>> -> memref<1x256xi32, #tpu.memory_space<vmem>>
    %dma_start3A_18 = tpu.memref_squeeze %dma_start3A_17 : memref<1x256xi32, #tpu.memory_space<vmem>> -> memref<256xi32, #tpu.memory_space<vmem>>
    %dma_start3A_19 = arith.constant 0 : i32
    %dma_start3A_20 = arith.constant 0 : i32
    %dma_start3A_21 = tpu.memref_slice %arg16[%dma_start3A_19, %dma_start3A_20] : memref<10000x32xf32, #tpu.memory_space<vmem_shared>> -> memref<10000x32xf32, #tpu.memory_space<vmem_shared>>
    tpu.enqueue_indirect_dma source(%dma_start3A_21 : memref<10000x32xf32, #tpu.memory_space<vmem_shared>>) target(%arg10 : memref<256x32xf32, #tpu.memory_space<vmem>>) offsets(%dma_start3A_18 : memref<256xi32, #tpu.memory_space<vmem>>) semaphore(%arg19 : memref<!tpu.dma_semaphore, #tpu.memory_space<semaphore_mem>>)
    %dma_start3A_22 = arith.constant 2 : i32
    %dma_start3A_23 = arith.constant 0 : i32
    %dma_start3A_24 = tpu.memref_slice %arg7[%dma_start3A_22, %dma_start3A_23] : memref<42x256xi32, #tpu.memory_space<vmem>> -> memref<1x256xi32, #tpu.memory_space<vmem>>
    %dma_start3A_25 = tpu.memref_squeeze %dma_start3A_24 : memref<1x256xi32, #tpu.memory_space<vmem>> -> memref<256xi32, #tpu.memory_space<vmem>>
    %dma_start3A_26 = arith.constant 0 : i32
    %dma_start3A_27 = arith.constant 0 : i32
    %dma_start3A_28 = tpu.memref_slice %arg16[%dma_start3A_26, %dma_start3A_27] : memref<10000x32xf32, #tpu.memory_space<vmem_shared>> -> memref<10000x32xf32, #tpu.memory_space<vmem_shared>>
    tpu.enqueue_indirect_dma source(%dma_start3A_28 : memref<10000x32xf32, #tpu.memory_space<vmem_shared>>) target(%arg11 : memref<256x32xf32, #tpu.memory_space<vmem>>) offsets(%dma_start3A_25 : memref<256xi32, #tpu.memory_space<vmem>>) semaphore(%arg20 : memref<!tpu.dma_semaphore, #tpu.memory_space<semaphore_mem>>)
    %dma_start3A_29 = arith.constant 3 : i32
    %dma_start3A_30 = arith.constant 0 : i32
    %dma_start3A_31 = tpu.memref_slice %arg7[%dma_start3A_29, %dma_start3A_30] : memref<42x256xi32, #tpu.memory_space<vmem>> -> memref<1x256xi32, #tpu.memory_space<vmem>>
    %dma_start3A_32 = tpu.memref_squeeze %dma_start3A_31 : memref<1x256xi32, #tpu.memory_space<vmem>> -> memref<256xi32, #tpu.memory_space<vmem>>
    %dma_start3A_33 = arith.constant 0 : i32
    %dma_start3A_34 = arith.constant 0 : i32
    %dma_start3A_35 = tpu.memref_slice %arg16[%dma_start3A_33, %dma_start3A_34] : memref<10000x32xf32, #tpu.memory_space<vmem_shared>> -> memref<10000x32xf32, #tpu.memory_space<vmem_shared>>
    tpu.enqueue_indirect_dma source(%dma_start3A_35 : memref<10000x32xf32, #tpu.memory_space<vmem_shared>>) target(%arg12 : memref<256x32xf32, #tpu.memory_space<vmem>>) offsets(%dma_start3A_32 : memref<256xi32, #tpu.memory_space<vmem>>) semaphore(%arg21 : memref<!tpu.dma_semaphore, #tpu.memory_space<semaphore_mem>>)
    %dma_start3A_36 = arith.constant 4 : i32
    %dma_start3A_37 = arith.constant 0 : i32
    %dma_start3A_38 = tpu.memref_slice %arg7[%dma_start3A_36, %dma_start3A_37] : memref<42x256xi32, #tpu.memory_space<vmem>> -> memref<1x256xi32, #tpu.memory_space<vmem>>
    %dma_start3A_39 = tpu.memref_squeeze %dma_start3A_38 : memref<1x256xi32, #tpu.memory_space<vmem>> -> memref<256xi32, #tpu.memory_space<vmem>>
    %dma_start3A_40 = arith.constant 0 : i32
    %dma_start3A_41 = arith.constant 0 : i32
    %dma_start3A_42 = tpu.memref_slice %arg16[%dma_start3A_40, %dma_start3A_41] : memref<10000x32xf32, #tpu.memory_space<vmem_shared>> -> memref<10000x32xf32, #tpu.memory_space<vmem_shared>>
    tpu.enqueue_indirect_dma source(%dma_start3A_42 : memref<10000x32xf32, #tpu.memory_space<vmem_shared>>) target(%arg13 : memref<256x32xf32, #tpu.memory_space<vmem>>) offsets(%dma_start3A_39 : memref<256xi32, #tpu.memory_space<vmem>>) semaphore(%arg22 : memref<!tpu.dma_semaphore, #tpu.memory_space<semaphore_mem>>)
    %dma_start3A_43 = arith.constant 5 : i32
    %dma_start3A_44 = arith.constant 0 : i32
    %dma_start3A_45 = tpu.memref_slice %arg7[%dma_start3A_43, %dma_start3A_44] : memref<42x256xi32, #tpu.memory_space<vmem>> -> memref<1x256xi32, #tpu.memory_space<vmem>>
    %dma_start3A_46 = tpu.memref_squeeze %dma_start3A_45 : memref<1x256xi32, #tpu.memory_space<vmem>> -> memref<256xi32, #tpu.memory_space<vmem>>
    %dma_start3A_47 = arith.constant 0 : i32
    %dma_start3A_48 = arith.constant 0 : i32
    %dma_start3A_49 = tpu.memref_slice %arg16[%dma_start3A_47, %dma_start3A_48] : memref<10000x32xf32, #tpu.memory_space<vmem_shared>> -> memref<10000x32xf32, #tpu.memory_space<vmem_shared>>
    tpu.enqueue_indirect_dma source(%dma_start3A_49 : memref<10000x32xf32, #tpu.memory_space<vmem_shared>>) target(%arg14 : memref<256x32xf32, #tpu.memory_space<vmem>>) offsets(%dma_start3A_46 : memref<256xi32, #tpu.memory_space<vmem>>) semaphore(%arg23 : memref<!tpu.dma_semaphore, #tpu.memory_space<semaphore_mem>>)
    %dma_start3A_50 = arith.constant 6 : i32
    %dma_start3A_51 = arith.constant 0 : i32
    %dma_start3A_52 = tpu.memref_slice %arg7[%dma_start3A_50, %dma_start3A_51] : memref<42x256xi32, #tpu.memory_space<vmem>> -> memref<1x256xi32, #tpu.memory_space<vmem>>
    %dma_start3A_53 = tpu.memref_squeeze %dma_start3A_52 : memref<1x256xi32, #tpu.memory_space<vmem>> -> memref<256xi32, #tpu.memory_space<vmem>>
    %dma_start3A_54 = arith.constant 0 : i32
    %dma_start3A_55 = arith.constant 0 : i32
    %dma_start3A_56 = tpu.memref_slice %arg16[%dma_start3A_54, %dma_start3A_55] : memref<10000x32xf32, #tpu.memory_space<vmem_shared>> -> memref<10000x32xf32, #tpu.memory_space<vmem_shared>>
    tpu.enqueue_indirect_dma source(%dma_start3A_56 : memref<10000x32xf32, #tpu.memory_space<vmem_shared>>) target(%arg15 : memref<256x32xf32, #tpu.memory_space<vmem>>) offsets(%dma_start3A_53 : memref<256xi32, #tpu.memory_space<vmem>>) semaphore(%arg24 : memref<!tpu.dma_semaphore, #tpu.memory_space<semaphore_mem>>)
    %scan3A = arith.constant 0 : i32
    %scan3A_57 = arith.constant 0 : i32
    %scan3A_58 = arith.constant 6 : i32
    %scan3A_59 = arith.addi %scan3A_57, %scan3A_58 : i32
    %scan3A_60 = arith.constant 1 : i32
    scf.for %scan3A_115 = %scan3A_57 to %scan3A_59 step %scan3A_60  : i32 {
      %mul3A_116 = arith.constant 7 : i32
      %mul3A_117 = arith.muli %scan3A_115, %mul3A_116 : i32
      %add3A_118 = arith.constant 0 : i32
      %add3A_119 = arith.addi %mul3A_117, %add3A_118 : i32
      %dma_wait3A_120 = arith.constant 0 : i32
      %dma_wait3A_121 = tpu.memref_slice %arg7[%add3A_119, %dma_wait3A_120] : memref<42x256xi32, #tpu.memory_space<vmem>> -> memref<1x256xi32, #tpu.memory_space<vmem>>
      %dma_wait3A_122 = tpu.memref_squeeze %dma_wait3A_121 : memref<1x256xi32, #tpu.memory_space<vmem>> -> memref<256xi32, #tpu.memory_space<vmem>>
      %dma_wait3A_123 = arith.constant 0 : i32
      %dma_wait3A_124 = arith.constant 0 : i32
      %dma_wait3A_125 = tpu.memref_slice %arg16[%dma_wait3A_123, %dma_wait3A_124] : memref<10000x32xf32, #tpu.memory_space<vmem_shared>> -> memref<10000x32xf32, #tpu.memory_space<vmem_shared>>
      tpu.wait_indirect_dma semaphore(%arg18 : memref<!tpu.dma_semaphore, #tpu.memory_space<semaphore_mem>>) src(%dma_wait3A_125 : memref<10000x32xf32, #tpu.memory_space<vmem_shared>>) dst(%arg9 : memref<256x32xf32, #tpu.memory_space<vmem>>)
      %dma_start3A_126 = arith.constant 0 : i32
      %dma_start3A_127 = tpu.memref_slice %arg8[%add3A_119, %dma_start3A_126] : memref<42x256xi32, #tpu.memory_space<vmem>> -> memref<1x256xi32, #tpu.memory_space<vmem>>
      %dma_start3A_128 = tpu.memref_squeeze %dma_start3A_127 : memref<1x256xi32, #tpu.memory_space<vmem>> -> memref<256xi32, #tpu.memory_space<vmem>>
      %dma_start3A_129 = arith.constant 0 : i32
      %dma_start3A_130 = arith.constant 0 : i32
      %dma_start3A_131 = tpu.memref_slice %arg17[%dma_start3A_129, %dma_start3A_130] : memref<10112x32xf32, #tpu.memory_space<vmem_shared>> -> memref<10112x32xf32, #tpu.memory_space<vmem_shared>>
      tpu.enqueue_indirect_dma source(%arg9 : memref<256x32xf32, #tpu.memory_space<vmem>>) target(%dma_start3A_131 : memref<10112x32xf32, #tpu.memory_space<vmem_shared>>) offsets(%dma_start3A_128 : memref<256xi32, #tpu.memory_space<vmem>>) semaphore(%arg25 : memref<!tpu.dma_semaphore, #tpu.memory_space<semaphore_mem>>) {add = true}
      %add3A_132 = arith.constant 7 : i32
      %add3A_133 = arith.addi %add3A_119, %add3A_132 : i32
      %lt3A = arith.constant 42 : i32
      %lt3A_134 = arith.cmpi slt, %add3A_133, %lt3A : i32
      %convert_element_type3A_135 = arith.extui %lt3A_134 : i1 to i32
      %cond3A_136 = arith.constant 0 : i32
      %cond3A_137 = arith.cmpi ne, %convert_element_type3A_135, %cond3A_136 : i32
      scf.if %cond3A_137 {
        %dma_wait3A_264 = arith.constant 0 : i32
        %dma_wait3A_265 = tpu.memref_slice %arg8[%add3A_119, %dma_wait3A_264] : memref<42x256xi32, #tpu.memory_space<vmem>> -> memref<1x256xi32, #tpu.memory_space<vmem>>
        %dma_wait3A_266 = tpu.memref_squeeze %dma_wait3A_265 : memref<1x256xi32, #tpu.memory_space<vmem>> -> memref<256xi32, #tpu.memory_space<vmem>>
        %dma_wait3A_267 = arith.constant 0 : i32
        %dma_wait3A_268 = arith.constant 0 : i32
        %dma_wait3A_269 = tpu.memref_slice %arg17[%dma_wait3A_267, %dma_wait3A_268] : memref<10112x32xf32, #tpu.memory_space<vmem_shared>> -> memref<10112x32xf32, #tpu.memory_space<vmem_shared>>
        tpu.wait_indirect_dma semaphore(%arg25 : memref<!tpu.dma_semaphore, #tpu.memory_space<semaphore_mem>>) src(%arg9 : memref<256x32xf32, #tpu.memory_space<vmem>>) dst(%dma_wait3A_269 : memref<10112x32xf32, #tpu.memory_space<vmem_shared>>)
        %add3A_270 = arith.constant 7 : i32
        %add3A_271 = arith.addi %add3A_119, %add3A_270 : i32
        %dma_start3A_272 = arith.constant 0 : i32
        %dma_start3A_273 = tpu.memref_slice %arg7[%add3A_271, %dma_start3A_272] : memref<42x256xi32, #tpu.memory_space<vmem>> -> memref<1x256xi32, #tpu.memory_space<vmem>>
        %dma_start3A_274 = tpu.memref_squeeze %dma_start3A_273 : memref<1x256xi32, #tpu.memory_space<vmem>> -> memref<256xi32, #tpu.memory_space<vmem>>
        %dma_start3A_275 = arith.constant 0 : i32
        %dma_start3A_276 = arith.constant 0 : i32
        %dma_start3A_277 = tpu.memref_slice %arg16[%dma_start3A_275, %dma_start3A_276] : memref<10000x32xf32, #tpu.memory_space<vmem_shared>> -> memref<10000x32xf32, #tpu.memory_space<vmem_shared>>
        tpu.enqueue_indirect_dma source(%dma_start3A_277 : memref<10000x32xf32, #tpu.memory_space<vmem_shared>>) target(%arg9 : memref<256x32xf32, #tpu.memory_space<vmem>>) offsets(%dma_start3A_274 : memref<256xi32, #tpu.memory_space<vmem>>) semaphore(%arg18 : memref<!tpu.dma_semaphore, #tpu.memory_space<semaphore_mem>>)
      } else {
      }
      %add3A_138 = arith.constant 1 : i32
      %add3A_139 = arith.addi %mul3A_117, %add3A_138 : i32
      %dma_wait3A_140 = arith.constant 0 : i32
      %dma_wait3A_141 = tpu.memref_slice %arg7[%add3A_139, %dma_wait3A_140] : memref<42x256xi32, #tpu.memory_space<vmem>> -> memref<1x256xi32, #tpu.memory_space<vmem>>
      %dma_wait3A_142 = tpu.memref_squeeze %dma_wait3A_141 : memref<1x256xi32, #tpu.memory_space<vmem>> -> memref<256xi32, #tpu.memory_space<vmem>>
      %dma_wait3A_143 = arith.constant 0 : i32
      %dma_wait3A_144 = arith.constant 0 : i32
      %dma_wait3A_145 = tpu.memref_slice %arg16[%dma_wait3A_143, %dma_wait3A_144] : memref<10000x32xf32, #tpu.memory_space<vmem_shared>> -> memref<10000x32xf32, #tpu.memory_space<vmem_shared>>
      tpu.wait_indirect_dma semaphore(%arg19 : memref<!tpu.dma_semaphore, #tpu.memory_space<semaphore_mem>>) src(%dma_wait3A_145 : memref<10000x32xf32, #tpu.memory_space<vmem_shared>>) dst(%arg10 : memref<256x32xf32, #tpu.memory_space<vmem>>)
      %dma_start3A_146 = arith.constant 0 : i32
      %dma_start3A_147 = tpu.memref_slice %arg8[%add3A_139, %dma_start3A_146] : memref<42x256xi32, #tpu.memory_space<vmem>> -> memref<1x256xi32, #tpu.memory_space<vmem>>
      %dma_start3A_148 = tpu.memref_squeeze %dma_start3A_147 : memref<1x256xi32, #tpu.memory_space<vmem>> -> memref<256xi32, #tpu.memory_space<vmem>>
      %dma_start3A_149 = arith.constant 0 : i32
      %dma_start3A_150 = arith.constant 0 : i32
      %dma_start3A_151 = tpu.memref_slice %arg17[%dma_start3A_149, %dma_start3A_150] : memref<10112x32xf32, #tpu.memory_space<vmem_shared>> -> memref<10112x32xf32, #tpu.memory_space<vmem_shared>>
      tpu.enqueue_indirect_dma source(%arg10 : memref<256x32xf32, #tpu.memory_space<vmem>>) target(%dma_start3A_151 : memref<10112x32xf32, #tpu.memory_space<vmem_shared>>) offsets(%dma_start3A_148 : memref<256xi32, #tpu.memory_space<vmem>>) semaphore(%arg26 : memref<!tpu.dma_semaphore, #tpu.memory_space<semaphore_mem>>) {add = true}
      %add3A_152 = arith.constant 7 : i32
      %add3A_153 = arith.addi %add3A_139, %add3A_152 : i32
      %lt3A_154 = arith.constant 42 : i32
      %lt3A_155 = arith.cmpi slt, %add3A_153, %lt3A_154 : i32
      %convert_element_type3A_156 = arith.extui %lt3A_155 : i1 to i32
      %cond3A_157 = arith.constant 0 : i32
      %cond3A_158 = arith.cmpi ne, %convert_element_type3A_156, %cond3A_157 : i32
      scf.if %cond3A_158 {
        %dma_wait3A_264 = arith.constant 0 : i32
        %dma_wait3A_265 = tpu.memref_slice %arg8[%add3A_139, %dma_wait3A_264] : memref<42x256xi32, #tpu.memory_space<vmem>> -> memref<1x256xi32, #tpu.memory_space<vmem>>
        %dma_wait3A_266 = tpu.memref_squeeze %dma_wait3A_265 : memref<1x256xi32, #tpu.memory_space<vmem>> -> memref<256xi32, #tpu.memory_space<vmem>>
        %dma_wait3A_267 = arith.constant 0 : i32
        %dma_wait3A_268 = arith.constant 0 : i32
        %dma_wait3A_269 = tpu.memref_slice %arg17[%dma_wait3A_267, %dma_wait3A_268] : memref<10112x32xf32, #tpu.memory_space<vmem_shared>> -> memref<10112x32xf32, #tpu.memory_space<vmem_shared>>
        tpu.wait_indirect_dma semaphore(%arg26 : memref<!tpu.dma_semaphore, #tpu.memory_space<semaphore_mem>>) src(%arg10 : memref<256x32xf32, #tpu.memory_space<vmem>>) dst(%dma_wait3A_269 : memref<10112x32xf32, #tpu.memory_space<vmem_shared>>)
        %add3A_270 = arith.constant 7 : i32
        %add3A_271 = arith.addi %add3A_139, %add3A_270 : i32
        %dma_start3A_272 = arith.constant 0 : i32
        %dma_start3A_273 = tpu.memref_slice %arg7[%add3A_271, %dma_start3A_272] : memref<42x256xi32, #tpu.memory_space<vmem>> -> memref<1x256xi32, #tpu.memory_space<vmem>>
        %dma_start3A_274 = tpu.memref_squeeze %dma_start3A_273 : memref<1x256xi32, #tpu.memory_space<vmem>> -> memref<256xi32, #tpu.memory_space<vmem>>
        %dma_start3A_275 = arith.constant 0 : i32
        %dma_start3A_276 = arith.constant 0 : i32
        %dma_start3A_277 = tpu.memref_slice %arg16[%dma_start3A_275, %dma_start3A_276] : memref<10000x32xf32, #tpu.memory_space<vmem_shared>> -> memref<10000x32xf32, #tpu.memory_space<vmem_shared>>
        tpu.enqueue_indirect_dma source(%dma_start3A_277 : memref<10000x32xf32, #tpu.memory_space<vmem_shared>>) target(%arg10 : memref<256x32xf32, #tpu.memory_space<vmem>>) offsets(%dma_start3A_274 : memref<256xi32, #tpu.memory_space<vmem>>) semaphore(%arg19 : memref<!tpu.dma_semaphore, #tpu.memory_space<semaphore_mem>>)
      } else {
      }
      %add3A_159 = arith.constant 2 : i32
      %add3A_160 = arith.addi %mul3A_117, %add3A_159 : i32
      %dma_wait3A_161 = arith.constant 0 : i32
      %dma_wait3A_162 = tpu.memref_slice %arg7[%add3A_160, %dma_wait3A_161] : memref<42x256xi32, #tpu.memory_space<vmem>> -> memref<1x256xi32, #tpu.memory_space<vmem>>
      %dma_wait3A_163 = tpu.memref_squeeze %dma_wait3A_162 : memref<1x256xi32, #tpu.memory_space<vmem>> -> memref<256xi32, #tpu.memory_space<vmem>>
      %dma_wait3A_164 = arith.constant 0 : i32
      %dma_wait3A_165 = arith.constant 0 : i32
      %dma_wait3A_166 = tpu.memref_slice %arg16[%dma_wait3A_164, %dma_wait3A_165] : memref<10000x32xf32, #tpu.memory_space<vmem_shared>> -> memref<10000x32xf32, #tpu.memory_space<vmem_shared>>
      tpu.wait_indirect_dma semaphore(%arg20 : memref<!tpu.dma_semaphore, #tpu.memory_space<semaphore_mem>>) src(%dma_wait3A_166 : memref<10000x32xf32, #tpu.memory_space<vmem_shared>>) dst(%arg11 : memref<256x32xf32, #tpu.memory_space<vmem>>)
      %dma_start3A_167 = arith.constant 0 : i32
      %dma_start3A_168 = tpu.memref_slice %arg8[%add3A_160, %dma_start3A_167] : memref<42x256xi32, #tpu.memory_space<vmem>> -> memref<1x256xi32, #tpu.memory_space<vmem>>
      %dma_start3A_169 = tpu.memref_squeeze %dma_start3A_168 : memref<1x256xi32, #tpu.memory_space<vmem>> -> memref<256xi32, #tpu.memory_space<vmem>>
      %dma_start3A_170 = arith.constant 0 : i32
      %dma_start3A_171 = arith.constant 0 : i32
      %dma_start3A_172 = tpu.memref_slice %arg17[%dma_start3A_170, %dma_start3A_171] : memref<10112x32xf32, #tpu.memory_space<vmem_shared>> -> memref<10112x32xf32, #tpu.memory_space<vmem_shared>>
      tpu.enqueue_indirect_dma source(%arg11 : memref<256x32xf32, #tpu.memory_space<vmem>>) target(%dma_start3A_172 : memref<10112x32xf32, #tpu.memory_space<vmem_shared>>) offsets(%dma_start3A_169 : memref<256xi32, #tpu.memory_space<vmem>>) semaphore(%arg27 : memref<!tpu.dma_semaphore, #tpu.memory_space<semaphore_mem>>) {add = true}
      %add3A_173 = arith.constant 7 : i32
      %add3A_174 = arith.addi %add3A_160, %add3A_173 : i32
      %lt3A_175 = arith.constant 42 : i32
      %lt3A_176 = arith.cmpi slt, %add3A_174, %lt3A_175 : i32
      %convert_element_type3A_177 = arith.extui %lt3A_176 : i1 to i32
      %cond3A_178 = arith.constant 0 : i32
      %cond3A_179 = arith.cmpi ne, %convert_element_type3A_177, %cond3A_178 : i32
      scf.if %cond3A_179 {
        %dma_wait3A_264 = arith.constant 0 : i32
        %dma_wait3A_265 = tpu.memref_slice %arg8[%add3A_160, %dma_wait3A_264] : memref<42x256xi32, #tpu.memory_space<vmem>> -> memref<1x256xi32, #tpu.memory_space<vmem>>
        %dma_wait3A_266 = tpu.memref_squeeze %dma_wait3A_265 : memref<1x256xi32, #tpu.memory_space<vmem>> -> memref<256xi32, #tpu.memory_space<vmem>>
        %dma_wait3A_267 = arith.constant 0 : i32
        %dma_wait3A_268 = arith.constant 0 : i32
        %dma_wait3A_269 = tpu.memref_slice %arg17[%dma_wait3A_267, %dma_wait3A_268] : memref<10112x32xf32, #tpu.memory_space<vmem_shared>> -> memref<10112x32xf32, #tpu.memory_space<vmem_shared>>
        tpu.wait_indirect_dma semaphore(%arg27 : memref<!tpu.dma_semaphore, #tpu.memory_space<semaphore_mem>>) src(%arg11 : memref<256x32xf32, #tpu.memory_space<vmem>>) dst(%dma_wait3A_269 : memref<10112x32xf32, #tpu.memory_space<vmem_shared>>)
        %add3A_270 = arith.constant 7 : i32
        %add3A_271 = arith.addi %add3A_160, %add3A_270 : i32
        %dma_start3A_272 = arith.constant 0 : i32
        %dma_start3A_273 = tpu.memref_slice %arg7[%add3A_271, %dma_start3A_272] : memref<42x256xi32, #tpu.memory_space<vmem>> -> memref<1x256xi32, #tpu.memory_space<vmem>>
        %dma_start3A_274 = tpu.memref_squeeze %dma_start3A_273 : memref<1x256xi32, #tpu.memory_space<vmem>> -> memref<256xi32, #tpu.memory_space<vmem>>
        %dma_start3A_275 = arith.constant 0 : i32
        %dma_start3A_276 = arith.constant 0 : i32
        %dma_start3A_277 = tpu.memref_slice %arg16[%dma_start3A_275, %dma_start3A_276] : memref<10000x32xf32, #tpu.memory_space<vmem_shared>> -> memref<10000x32xf32, #tpu.memory_space<vmem_shared>>
        tpu.enqueue_indirect_dma source(%dma_start3A_277 : memref<10000x32xf32, #tpu.memory_space<vmem_shared>>) target(%arg11 : memref<256x32xf32, #tpu.memory_space<vmem>>) offsets(%dma_start3A_274 : memref<256xi32, #tpu.memory_space<vmem>>) semaphore(%arg20 : memref<!tpu.dma_semaphore, #tpu.memory_space<semaphore_mem>>)
      } else {
      }
      %add3A_180 = arith.constant 3 : i32
      %add3A_181 = arith.addi %mul3A_117, %add3A_180 : i32
      %dma_wait3A_182 = arith.constant 0 : i32
      %dma_wait3A_183 = tpu.memref_slice %arg7[%add3A_181, %dma_wait3A_182] : memref<42x256xi32, #tpu.memory_space<vmem>> -> memref<1x256xi32, #tpu.memory_space<vmem>>
      %dma_wait3A_184 = tpu.memref_squeeze %dma_wait3A_183 : memref<1x256xi32, #tpu.memory_space<vmem>> -> memref<256xi32, #tpu.memory_space<vmem>>
      %dma_wait3A_185 = arith.constant 0 : i32
      %dma_wait3A_186 = arith.constant 0 : i32
      %dma_wait3A_187 = tpu.memref_slice %arg16[%dma_wait3A_185, %dma_wait3A_186] : memref<10000x32xf32, #tpu.memory_space<vmem_shared>> -> memref<10000x32xf32, #tpu.memory_space<vmem_shared>>
      tpu.wait_indirect_dma semaphore(%arg21 : memref<!tpu.dma_semaphore, #tpu.memory_space<semaphore_mem>>) src(%dma_wait3A_187 : memref<10000x32xf32, #tpu.memory_space<vmem_shared>>) dst(%arg12 : memref<256x32xf32, #tpu.memory_space<vmem>>)
      %dma_start3A_188 = arith.constant 0 : i32
      %dma_start3A_189 = tpu.memref_slice %arg8[%add3A_181, %dma_start3A_188] : memref<42x256xi32, #tpu.memory_space<vmem>> -> memref<1x256xi32, #tpu.memory_space<vmem>>
      %dma_start3A_190 = tpu.memref_squeeze %dma_start3A_189 : memref<1x256xi32, #tpu.memory_space<vmem>> -> memref<256xi32, #tpu.memory_space<vmem>>
      %dma_start3A_191 = arith.constant 0 : i32
      %dma_start3A_192 = arith.constant 0 : i32
      %dma_start3A_193 = tpu.memref_slice %arg17[%dma_start3A_191, %dma_start3A_192] : memref<10112x32xf32, #tpu.memory_space<vmem_shared>> -> memref<10112x32xf32, #tpu.memory_space<vmem_shared>>
      tpu.enqueue_indirect_dma source(%arg12 : memref<256x32xf32, #tpu.memory_space<vmem>>) target(%dma_start3A_193 : memref<10112x32xf32, #tpu.memory_space<vmem_shared>>) offsets(%dma_start3A_190 : memref<256xi32, #tpu.memory_space<vmem>>) semaphore(%arg28 : memref<!tpu.dma_semaphore, #tpu.memory_space<semaphore_mem>>) {add = true}
      %add3A_194 = arith.constant 7 : i32
      %add3A_195 = arith.addi %add3A_181, %add3A_194 : i32
      %lt3A_196 = arith.constant 42 : i32
      %lt3A_197 = arith.cmpi slt, %add3A_195, %lt3A_196 : i32
      %convert_element_type3A_198 = arith.extui %lt3A_197 : i1 to i32
      %cond3A_199 = arith.constant 0 : i32
      %cond3A_200 = arith.cmpi ne, %convert_element_type3A_198, %cond3A_199 : i32
      scf.if %cond3A_200 {
        %dma_wait3A_264 = arith.constant 0 : i32
        %dma_wait3A_265 = tpu.memref_slice %arg8[%add3A_181, %dma_wait3A_264] : memref<42x256xi32, #tpu.memory_space<vmem>> -> memref<1x256xi32, #tpu.memory_space<vmem>>
        %dma_wait3A_266 = tpu.memref_squeeze %dma_wait3A_265 : memref<1x256xi32, #tpu.memory_space<vmem>> -> memref<256xi32, #tpu.memory_space<vmem>>
        %dma_wait3A_267 = arith.constant 0 : i32
        %dma_wait3A_268 = arith.constant 0 : i32
        %dma_wait3A_269 = tpu.memref_slice %arg17[%dma_wait3A_267, %dma_wait3A_268] : memref<10112x32xf32, #tpu.memory_space<vmem_shared>> -> memref<10112x32xf32, #tpu.memory_space<vmem_shared>>
        tpu.wait_indirect_dma semaphore(%arg28 : memref<!tpu.dma_semaphore, #tpu.memory_space<semaphore_mem>>) src(%arg12 : memref<256x32xf32, #tpu.memory_space<vmem>>) dst(%dma_wait3A_269 : memref<10112x32xf32, #tpu.memory_space<vmem_shared>>)
        %add3A_270 = arith.constant 7 : i32
        %add3A_271 = arith.addi %add3A_181, %add3A_270 : i32
        %dma_start3A_272 = arith.constant 0 : i32
        %dma_start3A_273 = tpu.memref_slice %arg7[%add3A_271, %dma_start3A_272] : memref<42x256xi32, #tpu.memory_space<vmem>> -> memref<1x256xi32, #tpu.memory_space<vmem>>
        %dma_start3A_274 = tpu.memref_squeeze %dma_start3A_273 : memref<1x256xi32, #tpu.memory_space<vmem>> -> memref<256xi32, #tpu.memory_space<vmem>>
        %dma_start3A_275 = arith.constant 0 : i32
        %dma_start3A_276 = arith.constant 0 : i32
        %dma_start3A_277 = tpu.memref_slice %arg16[%dma_start3A_275, %dma_start3A_276] : memref<10000x32xf32, #tpu.memory_space<vmem_shared>> -> memref<10000x32xf32, #tpu.memory_space<vmem_shared>>
        tpu.enqueue_indirect_dma source(%dma_start3A_277 : memref<10000x32xf32, #tpu.memory_space<vmem_shared>>) target(%arg12 : memref<256x32xf32, #tpu.memory_space<vmem>>) offsets(%dma_start3A_274 : memref<256xi32, #tpu.memory_space<vmem>>) semaphore(%arg21 : memref<!tpu.dma_semaphore, #tpu.memory_space<semaphore_mem>>)
      } else {
      }
      %add3A_201 = arith.constant 4 : i32
      %add3A_202 = arith.addi %mul3A_117, %add3A_201 : i32
      %dma_wait3A_203 = arith.constant 0 : i32
      %dma_wait3A_204 = tpu.memref_slice %arg7[%add3A_202, %dma_wait3A_203] : memref<42x256xi32, #tpu.memory_space<vmem>> -> memref<1x256xi32, #tpu.memory_space<vmem>>
      %dma_wait3A_205 = tpu.memref_squeeze %dma_wait3A_204 : memref<1x256xi32, #tpu.memory_space<vmem>> -> memref<256xi32, #tpu.memory_space<vmem>>
      %dma_wait3A_206 = arith.constant 0 : i32
      %dma_wait3A_207 = arith.constant 0 : i32
      %dma_wait3A_208 = tpu.memref_slice %arg16[%dma_wait3A_206, %dma_wait3A_207] : memref<10000x32xf32, #tpu.memory_space<vmem_shared>> -> memref<10000x32xf32, #tpu.memory_space<vmem_shared>>
      tpu.wait_indirect_dma semaphore(%arg22 : memref<!tpu.dma_semaphore, #tpu.memory_space<semaphore_mem>>) src(%dma_wait3A_208 : memref<10000x32xf32, #tpu.memory_space<vmem_shared>>) dst(%arg13 : memref<256x32xf32, #tpu.memory_space<vmem>>)
      %dma_start3A_209 = arith.constant 0 : i32
      %dma_start3A_210 = tpu.memref_slice %arg8[%add3A_202, %dma_start3A_209] : memref<42x256xi32, #tpu.memory_space<vmem>> -> memref<1x256xi32, #tpu.memory_space<vmem>>
      %dma_start3A_211 = tpu.memref_squeeze %dma_start3A_210 : memref<1x256xi32, #tpu.memory_space<vmem>> -> memref<256xi32, #tpu.memory_space<vmem>>
      %dma_start3A_212 = arith.constant 0 : i32
      %dma_start3A_213 = arith.constant 0 : i32
      %dma_start3A_214 = tpu.memref_slice %arg17[%dma_start3A_212, %dma_start3A_213] : memref<10112x32xf32, #tpu.memory_space<vmem_shared>> -> memref<10112x32xf32, #tpu.memory_space<vmem_shared>>
      tpu.enqueue_indirect_dma source(%arg13 : memref<256x32xf32, #tpu.memory_space<vmem>>) target(%dma_start3A_214 : memref<10112x32xf32, #tpu.memory_space<vmem_shared>>) offsets(%dma_start3A_211 : memref<256xi32, #tpu.memory_space<vmem>>) semaphore(%arg29 : memref<!tpu.dma_semaphore, #tpu.memory_space<semaphore_mem>>) {add = true}
      %add3A_215 = arith.constant 7 : i32
      %add3A_216 = arith.addi %add3A_202, %add3A_215 : i32
      %lt3A_217 = arith.constant 42 : i32
      %lt3A_218 = arith.cmpi slt, %add3A_216, %lt3A_217 : i32
      %convert_element_type3A_219 = arith.extui %lt3A_218 : i1 to i32
      %cond3A_220 = arith.constant 0 : i32
      %cond3A_221 = arith.cmpi ne, %convert_element_type3A_219, %cond3A_220 : i32
      scf.if %cond3A_221 {
        %dma_wait3A_264 = arith.constant 0 : i32
        %dma_wait3A_265 = tpu.memref_slice %arg8[%add3A_202, %dma_wait3A_264] : memref<42x256xi32, #tpu.memory_space<vmem>> -> memref<1x256xi32, #tpu.memory_space<vmem>>
        %dma_wait3A_266 = tpu.memref_squeeze %dma_wait3A_265 : memref<1x256xi32, #tpu.memory_space<vmem>> -> memref<256xi32, #tpu.memory_space<vmem>>
        %dma_wait3A_267 = arith.constant 0 : i32
        %dma_wait3A_268 = arith.constant 0 : i32
        %dma_wait3A_269 = tpu.memref_slice %arg17[%dma_wait3A_267, %dma_wait3A_268] : memref<10112x32xf32, #tpu.memory_space<vmem_shared>> -> memref<10112x32xf32, #tpu.memory_space<vmem_shared>>
        tpu.wait_indirect_dma semaphore(%arg29 : memref<!tpu.dma_semaphore, #tpu.memory_space<semaphore_mem>>) src(%arg13 : memref<256x32xf32, #tpu.memory_space<vmem>>) dst(%dma_wait3A_269 : memref<10112x32xf32, #tpu.memory_space<vmem_shared>>)
        %add3A_270 = arith.constant 7 : i32
        %add3A_271 = arith.addi %add3A_202, %add3A_270 : i32
        %dma_start3A_272 = arith.constant 0 : i32
        %dma_start3A_273 = tpu.memref_slice %arg7[%add3A_271, %dma_start3A_272] : memref<42x256xi32, #tpu.memory_space<vmem>> -> memref<1x256xi32, #tpu.memory_space<vmem>>
        %dma_start3A_274 = tpu.memref_squeeze %dma_start3A_273 : memref<1x256xi32, #tpu.memory_space<vmem>> -> memref<256xi32, #tpu.memory_space<vmem>>
        %dma_start3A_275 = arith.constant 0 : i32
        %dma_start3A_276 = arith.constant 0 : i32
        %dma_start3A_277 = tpu.memref_slice %arg16[%dma_start3A_275, %dma_start3A_276] : memref<10000x32xf32, #tpu.memory_space<vmem_shared>> -> memref<10000x32xf32, #tpu.memory_space<vmem_shared>>
        tpu.enqueue_indirect_dma source(%dma_start3A_277 : memref<10000x32xf32, #tpu.memory_space<vmem_shared>>) target(%arg13 : memref<256x32xf32, #tpu.memory_space<vmem>>) offsets(%dma_start3A_274 : memref<256xi32, #tpu.memory_space<vmem>>) semaphore(%arg22 : memref<!tpu.dma_semaphore, #tpu.memory_space<semaphore_mem>>)
      } else {
      }
      %add3A_222 = arith.constant 5 : i32
      %add3A_223 = arith.addi %mul3A_117, %add3A_222 : i32
      %dma_wait3A_224 = arith.constant 0 : i32
      %dma_wait3A_225 = tpu.memref_slice %arg7[%add3A_223, %dma_wait3A_224] : memref<42x256xi32, #tpu.memory_space<vmem>> -> memref<1x256xi32, #tpu.memory_space<vmem>>
      %dma_wait3A_226 = tpu.memref_squeeze %dma_wait3A_225 : memref<1x256xi32, #tpu.memory_space<vmem>> -> memref<256xi32, #tpu.memory_space<vmem>>
      %dma_wait3A_227 = arith.constant 0 : i32
      %dma_wait3A_228 = arith.constant 0 : i32
      %dma_wait3A_229 = tpu.memref_slice %arg16[%dma_wait3A_227, %dma_wait3A_228] : memref<10000x32xf32, #tpu.memory_space<vmem_shared>> -> memref<10000x32xf32, #tpu.memory_space<vmem_shared>>
      tpu.wait_indirect_dma semaphore(%arg23 : memref<!tpu.dma_semaphore, #tpu.memory_space<semaphore_mem>>) src(%dma_wait3A_229 : memref<10000x32xf32, #tpu.memory_space<vmem_shared>>) dst(%arg14 : memref<256x32xf32, #tpu.memory_space<vmem>>)
      %dma_start3A_230 = arith.constant 0 : i32
      %dma_start3A_231 = tpu.memref_slice %arg8[%add3A_223, %dma_start3A_230] : memref<42x256xi32, #tpu.memory_space<vmem>> -> memref<1x256xi32, #tpu.memory_space<vmem>>
      %dma_start3A_232 = tpu.memref_squeeze %dma_start3A_231 : memref<1x256xi32, #tpu.memory_space<vmem>> -> memref<256xi32, #tpu.memory_space<vmem>>
      %dma_start3A_233 = arith.constant 0 : i32
      %dma_start3A_234 = arith.constant 0 : i32
      %dma_start3A_235 = tpu.memref_slice %arg17[%dma_start3A_233, %dma_start3A_234] : memref<10112x32xf32, #tpu.memory_space<vmem_shared>> -> memref<10112x32xf32, #tpu.memory_space<vmem_shared>>
      tpu.enqueue_indirect_dma source(%arg14 : memref<256x32xf32, #tpu.memory_space<vmem>>) target(%dma_start3A_235 : memref<10112x32xf32, #tpu.memory_space<vmem_shared>>) offsets(%dma_start3A_232 : memref<256xi32, #tpu.memory_space<vmem>>) semaphore(%arg30 : memref<!tpu.dma_semaphore, #tpu.memory_space<semaphore_mem>>) {add = true}
      %add3A_236 = arith.constant 7 : i32
      %add3A_237 = arith.addi %add3A_223, %add3A_236 : i32
      %lt3A_238 = arith.constant 42 : i32
      %lt3A_239 = arith.cmpi slt, %add3A_237, %lt3A_238 : i32
      %convert_element_type3A_240 = arith.extui %lt3A_239 : i1 to i32
      %cond3A_241 = arith.constant 0 : i32
      %cond3A_242 = arith.cmpi ne, %convert_element_type3A_240, %cond3A_241 : i32
      scf.if %cond3A_242 {
        %dma_wait3A_264 = arith.constant 0 : i32
        %dma_wait3A_265 = tpu.memref_slice %arg8[%add3A_223, %dma_wait3A_264] : memref<42x256xi32, #tpu.memory_space<vmem>> -> memref<1x256xi32, #tpu.memory_space<vmem>>
        %dma_wait3A_266 = tpu.memref_squeeze %dma_wait3A_265 : memref<1x256xi32, #tpu.memory_space<vmem>> -> memref<256xi32, #tpu.memory_space<vmem>>
        %dma_wait3A_267 = arith.constant 0 : i32
        %dma_wait3A_268 = arith.constant 0 : i32
        %dma_wait3A_269 = tpu.memref_slice %arg17[%dma_wait3A_267, %dma_wait3A_268] : memref<10112x32xf32, #tpu.memory_space<vmem_shared>> -> memref<10112x32xf32, #tpu.memory_space<vmem_shared>>
        tpu.wait_indirect_dma semaphore(%arg30 : memref<!tpu.dma_semaphore, #tpu.memory_space<semaphore_mem>>) src(%arg14 : memref<256x32xf32, #tpu.memory_space<vmem>>) dst(%dma_wait3A_269 : memref<10112x32xf32, #tpu.memory_space<vmem_shared>>)
        %add3A_270 = arith.constant 7 : i32
        %add3A_271 = arith.addi %add3A_223, %add3A_270 : i32
        %dma_start3A_272 = arith.constant 0 : i32
        %dma_start3A_273 = tpu.memref_slice %arg7[%add3A_271, %dma_start3A_272] : memref<42x256xi32, #tpu.memory_space<vmem>> -> memref<1x256xi32, #tpu.memory_space<vmem>>
        %dma_start3A_274 = tpu.memref_squeeze %dma_start3A_273 : memref<1x256xi32, #tpu.memory_space<vmem>> -> memref<256xi32, #tpu.memory_space<vmem>>
        %dma_start3A_275 = arith.constant 0 : i32
        %dma_start3A_276 = arith.constant 0 : i32
        %dma_start3A_277 = tpu.memref_slice %arg16[%dma_start3A_275, %dma_start3A_276] : memref<10000x32xf32, #tpu.memory_space<vmem_shared>> -> memref<10000x32xf32, #tpu.memory_space<vmem_shared>>
        tpu.enqueue_indirect_dma source(%dma_start3A_277 : memref<10000x32xf32, #tpu.memory_space<vmem_shared>>) target(%arg14 : memref<256x32xf32, #tpu.memory_space<vmem>>) offsets(%dma_start3A_274 : memref<256xi32, #tpu.memory_space<vmem>>) semaphore(%arg23 : memref<!tpu.dma_semaphore, #tpu.memory_space<semaphore_mem>>)
      } else {
      }
      %add3A_243 = arith.constant 6 : i32
      %add3A_244 = arith.addi %mul3A_117, %add3A_243 : i32
      %dma_wait3A_245 = arith.constant 0 : i32
      %dma_wait3A_246 = tpu.memref_slice %arg7[%add3A_244, %dma_wait3A_245] : memref<42x256xi32, #tpu.memory_space<vmem>> -> memref<1x256xi32, #tpu.memory_space<vmem>>
      %dma_wait3A_247 = tpu.memref_squeeze %dma_wait3A_246 : memref<1x256xi32, #tpu.memory_space<vmem>> -> memref<256xi32, #tpu.memory_space<vmem>>
      %dma_wait3A_248 = arith.constant 0 : i32
      %dma_wait3A_249 = arith.constant 0 : i32
      %dma_wait3A_250 = tpu.memref_slice %arg16[%dma_wait3A_248, %dma_wait3A_249] : memref<10000x32xf32, #tpu.memory_space<vmem_shared>> -> memref<10000x32xf32, #tpu.memory_space<vmem_shared>>
      tpu.wait_indirect_dma semaphore(%arg24 : memref<!tpu.dma_semaphore, #tpu.memory_space<semaphore_mem>>) src(%dma_wait3A_250 : memref<10000x32xf32, #tpu.memory_space<vmem_shared>>) dst(%arg15 : memref<256x32xf32, #tpu.memory_space<vmem>>)
      %dma_start3A_251 = arith.constant 0 : i32
      %dma_start3A_252 = tpu.memref_slice %arg8[%add3A_244, %dma_start3A_251] : memref<42x256xi32, #tpu.memory_space<vmem>> -> memref<1x256xi32, #tpu.memory_space<vmem>>
      %dma_start3A_253 = tpu.memref_squeeze %dma_start3A_252 : memref<1x256xi32, #tpu.memory_space<vmem>> -> memref<256xi32, #tpu.memory_space<vmem>>
      %dma_start3A_254 = arith.constant 0 : i32
      %dma_start3A_255 = arith.constant 0 : i32
      %dma_start3A_256 = tpu.memref_slice %arg17[%dma_start3A_254, %dma_start3A_255] : memref<10112x32xf32, #tpu.memory_space<vmem_shared>> -> memref<10112x32xf32, #tpu.memory_space<vmem_shared>>
      tpu.enqueue_indirect_dma source(%arg15 : memref<256x32xf32, #tpu.memory_space<vmem>>) target(%dma_start3A_256 : memref<10112x32xf32, #tpu.memory_space<vmem_shared>>) offsets(%dma_start3A_253 : memref<256xi32, #tpu.memory_space<vmem>>) semaphore(%arg31 : memref<!tpu.dma_semaphore, #tpu.memory_space<semaphore_mem>>) {add = true}
      %add3A_257 = arith.constant 7 : i32
      %add3A_258 = arith.addi %add3A_244, %add3A_257 : i32
      %lt3A_259 = arith.constant 42 : i32
      %lt3A_260 = arith.cmpi slt, %add3A_258, %lt3A_259 : i32
      %convert_element_type3A_261 = arith.extui %lt3A_260 : i1 to i32
      %cond3A_262 = arith.constant 0 : i32
      %cond3A_263 = arith.cmpi ne, %convert_element_type3A_261, %cond3A_262 : i32
      scf.if %cond3A_263 {
        %dma_wait3A_264 = arith.constant 0 : i32
        %dma_wait3A_265 = tpu.memref_slice %arg8[%add3A_244, %dma_wait3A_264] : memref<42x256xi32, #tpu.memory_space<vmem>> -> memref<1x256xi32, #tpu.memory_space<vmem>>
        %dma_wait3A_266 = tpu.memref_squeeze %dma_wait3A_265 : memref<1x256xi32, #tpu.memory_space<vmem>> -> memref<256xi32, #tpu.memory_space<vmem>>
        %dma_wait3A_267 = arith.constant 0 : i32
        %dma_wait3A_268 = arith.constant 0 : i32
        %dma_wait3A_269 = tpu.memref_slice %arg17[%dma_wait3A_267, %dma_wait3A_268] : memref<10112x32xf32, #tpu.memory_space<vmem_shared>> -> memref<10112x32xf32, #tpu.memory_space<vmem_shared>>
        tpu.wait_indirect_dma semaphore(%arg31 : memref<!tpu.dma_semaphore, #tpu.memory_space<semaphore_mem>>) src(%arg15 : memref<256x32xf32, #tpu.memory_space<vmem>>) dst(%dma_wait3A_269 : memref<10112x32xf32, #tpu.memory_space<vmem_shared>>)
        %add3A_270 = arith.constant 7 : i32
        %add3A_271 = arith.addi %add3A_244, %add3A_270 : i32
        %dma_start3A_272 = arith.constant 0 : i32
        %dma_start3A_273 = tpu.memref_slice %arg7[%add3A_271, %dma_start3A_272] : memref<42x256xi32, #tpu.memory_space<vmem>> -> memref<1x256xi32, #tpu.memory_space<vmem>>
        %dma_start3A_274 = tpu.memref_squeeze %dma_start3A_273 : memref<1x256xi32, #tpu.memory_space<vmem>> -> memref<256xi32, #tpu.memory_space<vmem>>
        %dma_start3A_275 = arith.constant 0 : i32
        %dma_start3A_276 = arith.constant 0 : i32
        %dma_start3A_277 = tpu.memref_slice %arg16[%dma_start3A_275, %dma_start3A_276] : memref<10000x32xf32, #tpu.memory_space<vmem_shared>> -> memref<10000x32xf32, #tpu.memory_space<vmem_shared>>
        tpu.enqueue_indirect_dma source(%dma_start3A_277 : memref<10000x32xf32, #tpu.memory_space<vmem_shared>>) target(%arg15 : memref<256x32xf32, #tpu.memory_space<vmem>>) offsets(%dma_start3A_274 : memref<256xi32, #tpu.memory_space<vmem>>) semaphore(%arg24 : memref<!tpu.dma_semaphore, #tpu.memory_space<semaphore_mem>>)
      } else {
      }
    }
    %scan3A_61 = arith.constant 6 : i32
    %dma_wait3A = arith.constant 35 : i32
    %dma_wait3A_62 = arith.constant 0 : i32
    %dma_wait3A_63 = tpu.memref_slice %arg8[%dma_wait3A, %dma_wait3A_62] : memref<42x256xi32, #tpu.memory_space<vmem>> -> memref<1x256xi32, #tpu.memory_space<vmem>>
    %dma_wait3A_64 = tpu.memref_squeeze %dma_wait3A_63 : memref<1x256xi32, #tpu.memory_space<vmem>> -> memref<256xi32, #tpu.memory_space<vmem>>
    %dma_wait3A_65 = arith.constant 0 : i32
    %dma_wait3A_66 = arith.constant 0 : i32
    %dma_wait3A_67 = tpu.memref_slice %arg17[%dma_wait3A_65, %dma_wait3A_66] : memref<10112x32xf32, #tpu.memory_space<vmem_shared>> -> memref<10112x32xf32, #tpu.memory_space<vmem_shared>>
    tpu.wait_indirect_dma semaphore(%arg25 : memref<!tpu.dma_semaphore, #tpu.memory_space<semaphore_mem>>) src(%arg9 : memref<256x32xf32, #tpu.memory_space<vmem>>) dst(%dma_wait3A_67 : memref<10112x32xf32, #tpu.memory_space<vmem_shared>>)
    %dma_wait3A_68 = arith.constant 36 : i32
    %dma_wait3A_69 = arith.constant 0 : i32
    %dma_wait3A_70 = tpu.memref_slice %arg8[%dma_wait3A_68, %dma_wait3A_69] : memref<42x256xi32, #tpu.memory_space<vmem>> -> memref<1x256xi32, #tpu.memory_space<vmem>>
    %dma_wait3A_71 = tpu.memref_squeeze %dma_wait3A_70 : memref<1x256xi32, #tpu.memory_space<vmem>> -> memref<256xi32, #tpu.memory_space<vmem>>
    %dma_wait3A_72 = arith.constant 0 : i32
    %dma_wait3A_73 = arith.constant 0 : i32
    %dma_wait3A_74 = tpu.memref_slice %arg17[%dma_wait3A_72, %dma_wait3A_73] : memref<10112x32xf32, #tpu.memory_space<vmem_shared>> -> memref<10112x32xf32, #tpu.memory_space<vmem_shared>>
    tpu.wait_indirect_dma semaphore(%arg26 : memref<!tpu.dma_semaphore, #tpu.memory_space<semaphore_mem>>) src(%arg10 : memref<256x32xf32, #tpu.memory_space<vmem>>) dst(%dma_wait3A_74 : memref<10112x32xf32, #tpu.memory_space<vmem_shared>>)
    %dma_wait3A_75 = arith.constant 37 : i32
    %dma_wait3A_76 = arith.constant 0 : i32
    %dma_wait3A_77 = tpu.memref_slice %arg8[%dma_wait3A_75, %dma_wait3A_76] : memref<42x256xi32, #tpu.memory_space<vmem>> -> memref<1x256xi32, #tpu.memory_space<vmem>>
    %dma_wait3A_78 = tpu.memref_squeeze %dma_wait3A_77 : memref<1x256xi32, #tpu.memory_space<vmem>> -> memref<256xi32, #tpu.memory_space<vmem>>
    %dma_wait3A_79 = arith.constant 0 : i32
    %dma_wait3A_80 = arith.constant 0 : i32
    %dma_wait3A_81 = tpu.memref_slice %arg17[%dma_wait3A_79, %dma_wait3A_80] : memref<10112x32xf32, #tpu.memory_space<vmem_shared>> -> memref<10112x32xf32, #tpu.memory_space<vmem_shared>>
    tpu.wait_indirect_dma semaphore(%arg27 : memref<!tpu.dma_semaphore, #tpu.memory_space<semaphore_mem>>) src(%arg11 : memref<256x32xf32, #tpu.memory_space<vmem>>) dst(%dma_wait3A_81 : memref<10112x32xf32, #tpu.memory_space<vmem_shared>>)
    %dma_wait3A_82 = arith.constant 38 : i32
    %dma_wait3A_83 = arith.constant 0 : i32
    %dma_wait3A_84 = tpu.memref_slice %arg8[%dma_wait3A_82, %dma_wait3A_83] : memref<42x256xi32, #tpu.memory_space<vmem>> -> memref<1x256xi32, #tpu.memory_space<vmem>>
    %dma_wait3A_85 = tpu.memref_squeeze %dma_wait3A_84 : memref<1x256xi32, #tpu.memory_space<vmem>> -> memref<256xi32, #tpu.memory_space<vmem>>
    %dma_wait3A_86 = arith.constant 0 : i32
    %dma_wait3A_87 = arith.constant 0 : i32
    %dma_wait3A_88 = tpu.memref_slice %arg17[%dma_wait3A_86, %dma_wait3A_87] : memref<10112x32xf32, #tpu.memory_space<vmem_shared>> -> memref<10112x32xf32, #tpu.memory_space<vmem_shared>>
    tpu.wait_indirect_dma semaphore(%arg28 : memref<!tpu.dma_semaphore, #tpu.memory_space<semaphore_mem>>) src(%arg12 : memref<256x32xf32, #tpu.memory_space<vmem>>) dst(%dma_wait3A_88 : memref<10112x32xf32, #tpu.memory_space<vmem_shared>>)
    %dma_wait3A_89 = arith.constant 39 : i32
    %dma_wait3A_90 = arith.constant 0 : i32
    %dma_wait3A_91 = tpu.memref_slice %arg8[%dma_wait3A_89, %dma_wait3A_90] : memref<42x256xi32, #tpu.memory_space<vmem>> -> memref<1x256xi32, #tpu.memory_space<vmem>>
    %dma_wait3A_92 = tpu.memref_squeeze %dma_wait3A_91 : memref<1x256xi32, #tpu.memory_space<vmem>> -> memref<256xi32, #tpu.memory_space<vmem>>
    %dma_wait3A_93 = arith.constant 0 : i32
    %dma_wait3A_94 = arith.constant 0 : i32
    %dma_wait3A_95 = tpu.memref_slice %arg17[%dma_wait3A_93, %dma_wait3A_94] : memref<10112x32xf32, #tpu.memory_space<vmem_shared>> -> memref<10112x32xf32, #tpu.memory_space<vmem_shared>>
    tpu.wait_indirect_dma semaphore(%arg29 : memref<!tpu.dma_semaphore, #tpu.memory_space<semaphore_mem>>) src(%arg13 : memref<256x32xf32, #tpu.memory_space<vmem>>) dst(%dma_wait3A_95 : memref<10112x32xf32, #tpu.memory_space<vmem_shared>>)
    %dma_wait3A_96 = arith.constant 40 : i32
    %dma_wait3A_97 = arith.constant 0 : i32
    %dma_wait3A_98 = tpu.memref_slice %arg8[%dma_wait3A_96, %dma_wait3A_97] : memref<42x256xi32, #tpu.memory_space<vmem>> -> memref<1x256xi32, #tpu.memory_space<vmem>>
    %dma_wait3A_99 = tpu.memref_squeeze %dma_wait3A_98 : memref<1x256xi32, #tpu.memory_space<vmem>> -> memref<256xi32, #tpu.memory_space<vmem>>
    %dma_wait3A_100 = arith.constant 0 : i32
    %dma_wait3A_101 = arith.constant 0 : i32
    %dma_wait3A_102 = tpu.memref_slice %arg17[%dma_wait3A_100, %dma_wait3A_101] : memref<10112x32xf32, #tpu.memory_space<vmem_shared>> -> memref<10112x32xf32, #tpu.memory_space<vmem_shared>>
    tpu.wait_indirect_dma semaphore(%arg30 : memref<!tpu.dma_semaphore, #tpu.memory_space<semaphore_mem>>) src(%arg14 : memref<256x32xf32, #tpu.memory_space<vmem>>) dst(%dma_wait3A_102 : memref<10112x32xf32, #tpu.memory_space<vmem_shared>>)
    %dma_wait3A_103 = arith.constant 41 : i32
    %dma_wait3A_104 = arith.constant 0 : i32
    %dma_wait3A_105 = tpu.memref_slice %arg8[%dma_wait3A_103, %dma_wait3A_104] : memref<42x256xi32, #tpu.memory_space<vmem>> -> memref<1x256xi32, #tpu.memory_space<vmem>>
    %dma_wait3A_106 = tpu.memref_squeeze %dma_wait3A_105 : memref<1x256xi32, #tpu.memory_space<vmem>> -> memref<256xi32, #tpu.memory_space<vmem>>
    %dma_wait3A_107 = arith.constant 0 : i32
    %dma_wait3A_108 = arith.constant 0 : i32
    %dma_wait3A_109 = tpu.memref_slice %arg17[%dma_wait3A_107, %dma_wait3A_108] : memref<10112x32xf32, #tpu.memory_space<vmem_shared>> -> memref<10112x32xf32, #tpu.memory_space<vmem_shared>>
    tpu.wait_indirect_dma semaphore(%arg31 : memref<!tpu.dma_semaphore, #tpu.memory_space<semaphore_mem>>) src(%arg15 : memref<256x32xf32, #tpu.memory_space<vmem>>) dst(%dma_wait3A_109 : memref<10112x32xf32, #tpu.memory_space<vmem_shared>>)
    %barrier3A_110 = arith.constant 0 : index
    tpu.barrier barrier_id(%barrier3A_110)
    %mul3A_111 = arith.constant 632 : i32
    %mul3A_112 = arith.muli %arg1, %mul3A_111 : i32
    %mul3A_113 = arith.constant 632 : i32
    %mul3A_114 = arith.muli %arg1, %mul3A_113 : i32
    "tpu.region"() ({
      %run_scoped3A = tpu.sem_alloc : memref<!tpu.dma_semaphore, #tpu.memory_space<semaphore_mem>>
      %dma_start3A_115 = arith.constant 0 : i32
      %dma_start3A_116 = tpu.memref_slice %arg6[%arg0, %mul3A_114, %dma_start3A_115] : memref<2x10112x32xf32, #tpu.memory_space<hbm>> -> memref<1x632x32xf32, #tpu.memory_space<hbm>>
      %dma_start3A_117 = tpu.memref_squeeze %dma_start3A_116 : memref<1x632x32xf32, #tpu.memory_space<hbm>> -> memref<632x32xf32, #tpu.memory_space<hbm>>
      %dma_start3A_118 = arith.constant 0 : i32
      %dma_start3A_119 = tpu.memref_slice %arg17[%mul3A_112, %dma_start3A_118] : memref<10112x32xf32, #tpu.memory_space<vmem_shared>> -> memref<632x32xf32, #tpu.memory_space<vmem_shared>>
      tpu.enqueue_dma source(%dma_start3A_119 : memref<632x32xf32, #tpu.memory_space<vmem_shared>>) target(%dma_start3A_117 : memref<632x32xf32, #tpu.memory_space<hbm>>) target_semaphore(%run_scoped3A : memref<!tpu.dma_semaphore, #tpu.memory_space<semaphore_mem>>)
      %dma_wait3A_120 = arith.constant 0 : i32
      %dma_wait3A_121 = tpu.memref_slice %arg6[%arg0, %mul3A_114, %dma_wait3A_120] : memref<2x10112x32xf32, #tpu.memory_space<hbm>> -> memref<1x632x32xf32, #tpu.memory_space<hbm>>
      %dma_wait3A_122 = tpu.memref_squeeze %dma_wait3A_121 : memref<1x632x32xf32, #tpu.memory_space<hbm>> -> memref<632x32xf32, #tpu.memory_space<hbm>>
      %dma_wait3A_123 = arith.constant 0 : i32
      %dma_wait3A_124 = tpu.memref_slice %arg17[%mul3A_112, %dma_wait3A_123] : memref<10112x32xf32, #tpu.memory_space<vmem_shared>> -> memref<632x32xf32, #tpu.memory_space<vmem_shared>>
      tpu.wait_dma2 semaphore(%run_scoped3A : memref<!tpu.dma_semaphore, #tpu.memory_space<semaphore_mem>>) src(%dma_wait3A_124 : memref<632x32xf32, #tpu.memory_space<vmem_shared>>) dst(%dma_wait3A_122 : memref<632x32xf32, #tpu.memory_space<hbm>>)
      tpu.yield
    }) : () -> ()
    return
  }
}

#map = affine_map<(d0, d1) -> (0, 0)>
#map1 = affine_map<(d0, d1) -> (0, 0, 0)>
module attributes {stable_mosaic.version = 14 : i64} {
  func.func @k(%arg0: i32, %arg1: i32, %arg2: memref<10000x64xf32, #tpu.memory_space<hbm>>, %arg3: memref<32x84x128xi32, #tpu.memory_space<hbm>>, %arg4: memref<32x84x128xi32, #tpu.memory_space<hbm>>, %arg5: memref<632x64xf32, #tpu.memory_space<hbm>>, %arg6: memref<2x10112x64xf32, #tpu.memory_space<hbm>>, %arg7: memref<84x128xi32, #tpu.memory_space<vmem>>, %arg8: memref<84x128xi32, #tpu.memory_space<vmem>>, %arg9: memref<128x64xf32, #tpu.memory_space<vmem>>, %arg10: memref<128x64xf32, #tpu.memory_space<vmem>>, %arg11: memref<128x64xf32, #tpu.memory_space<vmem>>, %arg12: memref<10000x64xf32, #tpu.memory_space<vmem_shared>>, %arg13: memref<10112x64xf32, #tpu.memory_space<vmem_shared>>, %arg14: memref<!tpu.dma_semaphore, #tpu.memory_space<semaphore_mem>>, %arg15: memref<!tpu.dma_semaphore, #tpu.memory_space<semaphore_mem>>, %arg16: memref<!tpu.dma_semaphore, #tpu.memory_space<semaphore_mem>>, %arg17: memref<!tpu.dma_semaphore, #tpu.memory_space<semaphore_mem>>, %arg18: memref<!tpu.dma_semaphore, #tpu.memory_space<semaphore_mem>>, %arg19: memref<!tpu.dma_semaphore, #tpu.memory_space<semaphore_mem>>) attributes {dimension_semantics = [#tpu.dimension_semantics<core_parallel>, #tpu.dimension_semantics<subcore_parallel>], iteration_bounds = array<i64: 2, 16>, scalar_prefetch = 0 : i64, scratch_operands = 13 : i64, tpu.core_type = #tpu.core_type<sc_vector_subcore>, window_params = [{transform_indices = #map}, {transform_indices = #map1}, {transform_indices = #map1}, {transform_indices = #map}, {transform_indices = #map1}]} {
    %mul3A = arith.constant 2 : i32
    %mul3A_0 = arith.muli %arg1, %mul3A : i32
    %add3A = arith.addi %mul3A_0, %arg0 : i32
    "tpu.region"() ({
      %run_scoped3A = tpu.sem_alloc : memref<!tpu.dma_semaphore, #tpu.memory_space<semaphore_mem>>
      %dma_start3A_59 = arith.constant 0 : i32
      %dma_start3A_60 = arith.constant 0 : i32
      %dma_start3A_61 = tpu.memref_slice %arg3[%add3A, %dma_start3A_59, %dma_start3A_60] : memref<32x84x128xi32, #tpu.memory_space<hbm>> -> memref<1x84x128xi32, #tpu.memory_space<hbm>>
      %dma_start3A_62 = tpu.memref_squeeze %dma_start3A_61 : memref<1x84x128xi32, #tpu.memory_space<hbm>> -> memref<84x128xi32, #tpu.memory_space<hbm>>
      %dma_start3A_63 = arith.constant 0 : i32
      %dma_start3A_64 = arith.constant 0 : i32
      %dma_start3A_65 = tpu.memref_slice %arg3[%add3A, %dma_start3A_63, %dma_start3A_64] : memref<32x84x128xi32, #tpu.memory_space<hbm>> -> memref<1x84x128xi32, #tpu.memory_space<hbm>>
      %dma_start3A_66 = tpu.memref_squeeze %dma_start3A_65 : memref<1x84x128xi32, #tpu.memory_space<hbm>> -> memref<84x128xi32, #tpu.memory_space<hbm>>
      tpu.enqueue_dma source(%dma_start3A_66 : memref<84x128xi32, #tpu.memory_space<hbm>>) target(%arg7 : memref<84x128xi32, #tpu.memory_space<vmem>>) target_semaphore(%run_scoped3A : memref<!tpu.dma_semaphore, #tpu.memory_space<semaphore_mem>>)
      %dma_wait3A_67 = arith.constant 0 : i32
      %dma_wait3A_68 = arith.constant 0 : i32
      %dma_wait3A_69 = tpu.memref_slice %arg3[%add3A, %dma_wait3A_67, %dma_wait3A_68] : memref<32x84x128xi32, #tpu.memory_space<hbm>> -> memref<1x84x128xi32, #tpu.memory_space<hbm>>
      %dma_wait3A_70 = tpu.memref_squeeze %dma_wait3A_69 : memref<1x84x128xi32, #tpu.memory_space<hbm>> -> memref<84x128xi32, #tpu.memory_space<hbm>>
      %dma_wait3A_71 = arith.constant 0 : i32
      %dma_wait3A_72 = arith.constant 0 : i32
      %dma_wait3A_73 = tpu.memref_slice %arg3[%add3A, %dma_wait3A_71, %dma_wait3A_72] : memref<32x84x128xi32, #tpu.memory_space<hbm>> -> memref<1x84x128xi32, #tpu.memory_space<hbm>>
      %dma_wait3A_74 = tpu.memref_squeeze %dma_wait3A_73 : memref<1x84x128xi32, #tpu.memory_space<hbm>> -> memref<84x128xi32, #tpu.memory_space<hbm>>
      tpu.wait_dma2 semaphore(%run_scoped3A : memref<!tpu.dma_semaphore, #tpu.memory_space<semaphore_mem>>) src(%dma_wait3A_74 : memref<84x128xi32, #tpu.memory_space<hbm>>) dst(%arg7 : memref<84x128xi32, #tpu.memory_space<vmem>>)
      tpu.yield
    }) : () -> ()
    "tpu.region"() ({
      %run_scoped3A = tpu.sem_alloc : memref<!tpu.dma_semaphore, #tpu.memory_space<semaphore_mem>>
      %dma_start3A_59 = arith.constant 0 : i32
      %dma_start3A_60 = arith.constant 0 : i32
      %dma_start3A_61 = tpu.memref_slice %arg4[%add3A, %dma_start3A_59, %dma_start3A_60] : memref<32x84x128xi32, #tpu.memory_space<hbm>> -> memref<1x84x128xi32, #tpu.memory_space<hbm>>
      %dma_start3A_62 = tpu.memref_squeeze %dma_start3A_61 : memref<1x84x128xi32, #tpu.memory_space<hbm>> -> memref<84x128xi32, #tpu.memory_space<hbm>>
      %dma_start3A_63 = arith.constant 0 : i32
      %dma_start3A_64 = arith.constant 0 : i32
      %dma_start3A_65 = tpu.memref_slice %arg4[%add3A, %dma_start3A_63, %dma_start3A_64] : memref<32x84x128xi32, #tpu.memory_space<hbm>> -> memref<1x84x128xi32, #tpu.memory_space<hbm>>
      %dma_start3A_66 = tpu.memref_squeeze %dma_start3A_65 : memref<1x84x128xi32, #tpu.memory_space<hbm>> -> memref<84x128xi32, #tpu.memory_space<hbm>>
      tpu.enqueue_dma source(%dma_start3A_66 : memref<84x128xi32, #tpu.memory_space<hbm>>) target(%arg8 : memref<84x128xi32, #tpu.memory_space<vmem>>) target_semaphore(%run_scoped3A : memref<!tpu.dma_semaphore, #tpu.memory_space<semaphore_mem>>)
      %dma_wait3A_67 = arith.constant 0 : i32
      %dma_wait3A_68 = arith.constant 0 : i32
      %dma_wait3A_69 = tpu.memref_slice %arg4[%add3A, %dma_wait3A_67, %dma_wait3A_68] : memref<32x84x128xi32, #tpu.memory_space<hbm>> -> memref<1x84x128xi32, #tpu.memory_space<hbm>>
      %dma_wait3A_70 = tpu.memref_squeeze %dma_wait3A_69 : memref<1x84x128xi32, #tpu.memory_space<hbm>> -> memref<84x128xi32, #tpu.memory_space<hbm>>
      %dma_wait3A_71 = arith.constant 0 : i32
      %dma_wait3A_72 = arith.constant 0 : i32
      %dma_wait3A_73 = tpu.memref_slice %arg4[%add3A, %dma_wait3A_71, %dma_wait3A_72] : memref<32x84x128xi32, #tpu.memory_space<hbm>> -> memref<1x84x128xi32, #tpu.memory_space<hbm>>
      %dma_wait3A_74 = tpu.memref_squeeze %dma_wait3A_73 : memref<1x84x128xi32, #tpu.memory_space<hbm>> -> memref<84x128xi32, #tpu.memory_space<hbm>>
      tpu.wait_dma2 semaphore(%run_scoped3A : memref<!tpu.dma_semaphore, #tpu.memory_space<semaphore_mem>>) src(%dma_wait3A_74 : memref<84x128xi32, #tpu.memory_space<hbm>>) dst(%arg8 : memref<84x128xi32, #tpu.memory_space<vmem>>)
      tpu.yield
    }) : () -> ()
    %mul3A_1 = arith.constant 624 : i32
    %mul3A_2 = arith.muli %arg1, %mul3A_1 : i32
    %mul3A_3 = arith.constant 624 : i32
    %mul3A_4 = arith.muli %arg1, %mul3A_3 : i32
    "tpu.region"() ({
      %run_scoped3A = tpu.sem_alloc : memref<!tpu.dma_semaphore, #tpu.memory_space<semaphore_mem>>
      %dma_start3A_59 = arith.constant 0 : i32
      %dma_start3A_60 = tpu.memref_slice %arg12[%mul3A_4, %dma_start3A_59] : memref<10000x64xf32, #tpu.memory_space<vmem_shared>> -> memref<624x64xf32, #tpu.memory_space<vmem_shared>>
      %dma_start3A_61 = arith.constant 0 : i32
      %dma_start3A_62 = tpu.memref_slice %arg2[%mul3A_2, %dma_start3A_61] : memref<10000x64xf32, #tpu.memory_space<hbm>> -> memref<624x64xf32, #tpu.memory_space<hbm>>
      tpu.enqueue_dma source(%dma_start3A_62 : memref<624x64xf32, #tpu.memory_space<hbm>>) target(%dma_start3A_60 : memref<624x64xf32, #tpu.memory_space<vmem_shared>>) target_semaphore(%run_scoped3A : memref<!tpu.dma_semaphore, #tpu.memory_space<semaphore_mem>>)
      %dma_wait3A_63 = arith.constant 0 : i32
      %dma_wait3A_64 = tpu.memref_slice %arg12[%mul3A_4, %dma_wait3A_63] : memref<10000x64xf32, #tpu.memory_space<vmem_shared>> -> memref<624x64xf32, #tpu.memory_space<vmem_shared>>
      %dma_wait3A_65 = arith.constant 0 : i32
      %dma_wait3A_66 = tpu.memref_slice %arg2[%mul3A_2, %dma_wait3A_65] : memref<10000x64xf32, #tpu.memory_space<hbm>> -> memref<624x64xf32, #tpu.memory_space<hbm>>
      tpu.wait_dma2 semaphore(%run_scoped3A : memref<!tpu.dma_semaphore, #tpu.memory_space<semaphore_mem>>) src(%dma_wait3A_66 : memref<624x64xf32, #tpu.memory_space<hbm>>) dst(%dma_wait3A_64 : memref<624x64xf32, #tpu.memory_space<vmem_shared>>)
      tpu.yield
    }) : () -> ()
    %eq3A = arith.constant 15 : i32
    %eq3A_5 = arith.cmpi eq, %arg1, %eq3A : i32
    %convert_element_type3A = arith.extui %eq3A_5 : i1 to i32
    %cond3A = arith.constant 0 : i32
    %cond3A_6 = arith.cmpi ne, %convert_element_type3A, %cond3A : i32
    scf.if %cond3A_6 {
      "tpu.region"() ({
        %run_scoped3A = tpu.sem_alloc : memref<!tpu.dma_semaphore, #tpu.memory_space<semaphore_mem>>
        %dma_start3A_59 = arith.constant 9984 : i32
        %dma_start3A_60 = arith.constant 0 : i32
        %dma_start3A_61 = tpu.memref_slice %arg12[%dma_start3A_59, %dma_start3A_60] : memref<10000x64xf32, #tpu.memory_space<vmem_shared>> -> memref<16x64xf32, #tpu.memory_space<vmem_shared>>
        %dma_start3A_62 = arith.constant 9984 : i32
        %dma_start3A_63 = arith.constant 0 : i32
        %dma_start3A_64 = tpu.memref_slice %arg2[%dma_start3A_62, %dma_start3A_63] : memref<10000x64xf32, #tpu.memory_space<hbm>> -> memref<16x64xf32, #tpu.memory_space<hbm>>
        tpu.enqueue_dma source(%dma_start3A_64 : memref<16x64xf32, #tpu.memory_space<hbm>>) target(%dma_start3A_61 : memref<16x64xf32, #tpu.memory_space<vmem_shared>>) target_semaphore(%run_scoped3A : memref<!tpu.dma_semaphore, #tpu.memory_space<semaphore_mem>>)
        %dma_wait3A_65 = arith.constant 9984 : i32
        %dma_wait3A_66 = arith.constant 0 : i32
        %dma_wait3A_67 = tpu.memref_slice %arg12[%dma_wait3A_65, %dma_wait3A_66] : memref<10000x64xf32, #tpu.memory_space<vmem_shared>> -> memref<16x64xf32, #tpu.memory_space<vmem_shared>>
        %dma_wait3A_68 = arith.constant 9984 : i32
        %dma_wait3A_69 = arith.constant 0 : i32
        %dma_wait3A_70 = tpu.memref_slice %arg2[%dma_wait3A_68, %dma_wait3A_69] : memref<10000x64xf32, #tpu.memory_space<hbm>> -> memref<16x64xf32, #tpu.memory_space<hbm>>
        tpu.wait_dma2 semaphore(%run_scoped3A : memref<!tpu.dma_semaphore, #tpu.memory_space<semaphore_mem>>) src(%dma_wait3A_70 : memref<16x64xf32, #tpu.memory_space<hbm>>) dst(%dma_wait3A_67 : memref<16x64xf32, #tpu.memory_space<vmem_shared>>)
        tpu.yield
      }) : () -> ()
    } else {
    }
    %mul3A_7 = arith.constant 632 : i32
    %mul3A_8 = arith.muli %arg1, %mul3A_7 : i32
    "tpu.region"() ({
      %run_scoped3A = tpu.sem_alloc : memref<!tpu.dma_semaphore, #tpu.memory_space<semaphore_mem>>
      %dma_start3A_59 = arith.constant 0 : i32
      %dma_start3A_60 = tpu.memref_slice %arg13[%mul3A_8, %dma_start3A_59] : memref<10112x64xf32, #tpu.memory_space<vmem_shared>> -> memref<632x64xf32, #tpu.memory_space<vmem_shared>>
      tpu.enqueue_dma source(%arg5 : memref<632x64xf32, #tpu.memory_space<hbm>>) target(%dma_start3A_60 : memref<632x64xf32, #tpu.memory_space<vmem_shared>>) target_semaphore(%run_scoped3A : memref<!tpu.dma_semaphore, #tpu.memory_space<semaphore_mem>>)
      %dma_wait3A_61 = arith.constant 0 : i32
      %dma_wait3A_62 = tpu.memref_slice %arg13[%mul3A_8, %dma_wait3A_61] : memref<10112x64xf32, #tpu.memory_space<vmem_shared>> -> memref<632x64xf32, #tpu.memory_space<vmem_shared>>
      tpu.wait_dma2 semaphore(%run_scoped3A : memref<!tpu.dma_semaphore, #tpu.memory_space<semaphore_mem>>) src(%arg5 : memref<632x64xf32, #tpu.memory_space<hbm>>) dst(%dma_wait3A_62 : memref<632x64xf32, #tpu.memory_space<vmem_shared>>)
      tpu.yield
    }) : () -> ()
    %barrier3A = arith.constant 0 : index
    tpu.barrier barrier_id(%barrier3A)
    %dma_start3A = arith.constant 0 : i32
    %dma_start3A_9 = arith.constant 0 : i32
    %dma_start3A_10 = tpu.memref_slice %arg7[%dma_start3A, %dma_start3A_9] : memref<84x128xi32, #tpu.memory_space<vmem>> -> memref<1x128xi32, #tpu.memory_space<vmem>>
    %dma_start3A_11 = tpu.memref_squeeze %dma_start3A_10 : memref<1x128xi32, #tpu.memory_space<vmem>> -> memref<128xi32, #tpu.memory_space<vmem>>
    %dma_start3A_12 = arith.constant 0 : i32
    %dma_start3A_13 = arith.constant 0 : i32
    %dma_start3A_14 = tpu.memref_slice %arg12[%dma_start3A_12, %dma_start3A_13] : memref<10000x64xf32, #tpu.memory_space<vmem_shared>> -> memref<10000x64xf32, #tpu.memory_space<vmem_shared>>
    tpu.enqueue_indirect_dma source(%dma_start3A_14 : memref<10000x64xf32, #tpu.memory_space<vmem_shared>>) target(%arg9 : memref<128x64xf32, #tpu.memory_space<vmem>>) offsets(%dma_start3A_11 : memref<128xi32, #tpu.memory_space<vmem>>) semaphore(%arg14 : memref<!tpu.dma_semaphore, #tpu.memory_space<semaphore_mem>>)
    %dma_start3A_15 = arith.constant 1 : i32
    %dma_start3A_16 = arith.constant 0 : i32
    %dma_start3A_17 = tpu.memref_slice %arg7[%dma_start3A_15, %dma_start3A_16] : memref<84x128xi32, #tpu.memory_space<vmem>> -> memref<1x128xi32, #tpu.memory_space<vmem>>
    %dma_start3A_18 = tpu.memref_squeeze %dma_start3A_17 : memref<1x128xi32, #tpu.memory_space<vmem>> -> memref<128xi32, #tpu.memory_space<vmem>>
    %dma_start3A_19 = arith.constant 0 : i32
    %dma_start3A_20 = arith.constant 0 : i32
    %dma_start3A_21 = tpu.memref_slice %arg12[%dma_start3A_19, %dma_start3A_20] : memref<10000x64xf32, #tpu.memory_space<vmem_shared>> -> memref<10000x64xf32, #tpu.memory_space<vmem_shared>>
    tpu.enqueue_indirect_dma source(%dma_start3A_21 : memref<10000x64xf32, #tpu.memory_space<vmem_shared>>) target(%arg10 : memref<128x64xf32, #tpu.memory_space<vmem>>) offsets(%dma_start3A_18 : memref<128xi32, #tpu.memory_space<vmem>>) semaphore(%arg15 : memref<!tpu.dma_semaphore, #tpu.memory_space<semaphore_mem>>)
    %dma_start3A_22 = arith.constant 2 : i32
    %dma_start3A_23 = arith.constant 0 : i32
    %dma_start3A_24 = tpu.memref_slice %arg7[%dma_start3A_22, %dma_start3A_23] : memref<84x128xi32, #tpu.memory_space<vmem>> -> memref<1x128xi32, #tpu.memory_space<vmem>>
    %dma_start3A_25 = tpu.memref_squeeze %dma_start3A_24 : memref<1x128xi32, #tpu.memory_space<vmem>> -> memref<128xi32, #tpu.memory_space<vmem>>
    %dma_start3A_26 = arith.constant 0 : i32
    %dma_start3A_27 = arith.constant 0 : i32
    %dma_start3A_28 = tpu.memref_slice %arg12[%dma_start3A_26, %dma_start3A_27] : memref<10000x64xf32, #tpu.memory_space<vmem_shared>> -> memref<10000x64xf32, #tpu.memory_space<vmem_shared>>
    tpu.enqueue_indirect_dma source(%dma_start3A_28 : memref<10000x64xf32, #tpu.memory_space<vmem_shared>>) target(%arg11 : memref<128x64xf32, #tpu.memory_space<vmem>>) offsets(%dma_start3A_25 : memref<128xi32, #tpu.memory_space<vmem>>) semaphore(%arg16 : memref<!tpu.dma_semaphore, #tpu.memory_space<semaphore_mem>>)
    %scan3A = arith.constant 0 : i32
    %scan3A_29 = arith.constant 0 : i32
    %scan3A_30 = arith.constant 28 : i32
    %scan3A_31 = arith.addi %scan3A_29, %scan3A_30 : i32
    %scan3A_32 = arith.constant 1 : i32
    scf.for %scan3A_59 = %scan3A_29 to %scan3A_31 step %scan3A_32  : i32 {
      %mul3A_60 = arith.constant 3 : i32
      %mul3A_61 = arith.muli %scan3A_59, %mul3A_60 : i32
      %add3A_62 = arith.constant 0 : i32
      %add3A_63 = arith.addi %mul3A_61, %add3A_62 : i32
      %dma_wait3A_64 = arith.constant 0 : i32
      %dma_wait3A_65 = tpu.memref_slice %arg7[%add3A_63, %dma_wait3A_64] : memref<84x128xi32, #tpu.memory_space<vmem>> -> memref<1x128xi32, #tpu.memory_space<vmem>>
      %dma_wait3A_66 = tpu.memref_squeeze %dma_wait3A_65 : memref<1x128xi32, #tpu.memory_space<vmem>> -> memref<128xi32, #tpu.memory_space<vmem>>
      %dma_wait3A_67 = arith.constant 0 : i32
      %dma_wait3A_68 = arith.constant 0 : i32
      %dma_wait3A_69 = tpu.memref_slice %arg12[%dma_wait3A_67, %dma_wait3A_68] : memref<10000x64xf32, #tpu.memory_space<vmem_shared>> -> memref<10000x64xf32, #tpu.memory_space<vmem_shared>>
      tpu.wait_indirect_dma semaphore(%arg14 : memref<!tpu.dma_semaphore, #tpu.memory_space<semaphore_mem>>) src(%dma_wait3A_69 : memref<10000x64xf32, #tpu.memory_space<vmem_shared>>) dst(%arg9 : memref<128x64xf32, #tpu.memory_space<vmem>>)
      %dma_start3A_70 = arith.constant 0 : i32
      %dma_start3A_71 = tpu.memref_slice %arg8[%add3A_63, %dma_start3A_70] : memref<84x128xi32, #tpu.memory_space<vmem>> -> memref<1x128xi32, #tpu.memory_space<vmem>>
      %dma_start3A_72 = tpu.memref_squeeze %dma_start3A_71 : memref<1x128xi32, #tpu.memory_space<vmem>> -> memref<128xi32, #tpu.memory_space<vmem>>
      %dma_start3A_73 = arith.constant 0 : i32
      %dma_start3A_74 = arith.constant 0 : i32
      %dma_start3A_75 = tpu.memref_slice %arg13[%dma_start3A_73, %dma_start3A_74] : memref<10112x64xf32, #tpu.memory_space<vmem_shared>> -> memref<10112x64xf32, #tpu.memory_space<vmem_shared>>
      tpu.enqueue_indirect_dma source(%arg9 : memref<128x64xf32, #tpu.memory_space<vmem>>) target(%dma_start3A_75 : memref<10112x64xf32, #tpu.memory_space<vmem_shared>>) offsets(%dma_start3A_72 : memref<128xi32, #tpu.memory_space<vmem>>) semaphore(%arg17 : memref<!tpu.dma_semaphore, #tpu.memory_space<semaphore_mem>>) {add = true}
      %add3A_76 = arith.constant 3 : i32
      %add3A_77 = arith.addi %add3A_63, %add3A_76 : i32
      %lt3A = arith.constant 84 : i32
      %lt3A_78 = arith.cmpi slt, %add3A_77, %lt3A : i32
      %convert_element_type3A_79 = arith.extui %lt3A_78 : i1 to i32
      %cond3A_80 = arith.constant 0 : i32
      %cond3A_81 = arith.cmpi ne, %convert_element_type3A_79, %cond3A_80 : i32
      scf.if %cond3A_81 {
        %dma_wait3A_124 = arith.constant 0 : i32
        %dma_wait3A_125 = tpu.memref_slice %arg8[%add3A_63, %dma_wait3A_124] : memref<84x128xi32, #tpu.memory_space<vmem>> -> memref<1x128xi32, #tpu.memory_space<vmem>>
        %dma_wait3A_126 = tpu.memref_squeeze %dma_wait3A_125 : memref<1x128xi32, #tpu.memory_space<vmem>> -> memref<128xi32, #tpu.memory_space<vmem>>
        %dma_wait3A_127 = arith.constant 0 : i32
        %dma_wait3A_128 = arith.constant 0 : i32
        %dma_wait3A_129 = tpu.memref_slice %arg13[%dma_wait3A_127, %dma_wait3A_128] : memref<10112x64xf32, #tpu.memory_space<vmem_shared>> -> memref<10112x64xf32, #tpu.memory_space<vmem_shared>>
        tpu.wait_indirect_dma semaphore(%arg17 : memref<!tpu.dma_semaphore, #tpu.memory_space<semaphore_mem>>) src(%arg9 : memref<128x64xf32, #tpu.memory_space<vmem>>) dst(%dma_wait3A_129 : memref<10112x64xf32, #tpu.memory_space<vmem_shared>>)
        %add3A_130 = arith.constant 3 : i32
        %add3A_131 = arith.addi %add3A_63, %add3A_130 : i32
        %dma_start3A_132 = arith.constant 0 : i32
        %dma_start3A_133 = tpu.memref_slice %arg7[%add3A_131, %dma_start3A_132] : memref<84x128xi32, #tpu.memory_space<vmem>> -> memref<1x128xi32, #tpu.memory_space<vmem>>
        %dma_start3A_134 = tpu.memref_squeeze %dma_start3A_133 : memref<1x128xi32, #tpu.memory_space<vmem>> -> memref<128xi32, #tpu.memory_space<vmem>>
        %dma_start3A_135 = arith.constant 0 : i32
        %dma_start3A_136 = arith.constant 0 : i32
        %dma_start3A_137 = tpu.memref_slice %arg12[%dma_start3A_135, %dma_start3A_136] : memref<10000x64xf32, #tpu.memory_space<vmem_shared>> -> memref<10000x64xf32, #tpu.memory_space<vmem_shared>>
        tpu.enqueue_indirect_dma source(%dma_start3A_137 : memref<10000x64xf32, #tpu.memory_space<vmem_shared>>) target(%arg9 : memref<128x64xf32, #tpu.memory_space<vmem>>) offsets(%dma_start3A_134 : memref<128xi32, #tpu.memory_space<vmem>>) semaphore(%arg14 : memref<!tpu.dma_semaphore, #tpu.memory_space<semaphore_mem>>)
      } else {
      }
      %add3A_82 = arith.constant 1 : i32
      %add3A_83 = arith.addi %mul3A_61, %add3A_82 : i32
      %dma_wait3A_84 = arith.constant 0 : i32
      %dma_wait3A_85 = tpu.memref_slice %arg7[%add3A_83, %dma_wait3A_84] : memref<84x128xi32, #tpu.memory_space<vmem>> -> memref<1x128xi32, #tpu.memory_space<vmem>>
      %dma_wait3A_86 = tpu.memref_squeeze %dma_wait3A_85 : memref<1x128xi32, #tpu.memory_space<vmem>> -> memref<128xi32, #tpu.memory_space<vmem>>
      %dma_wait3A_87 = arith.constant 0 : i32
      %dma_wait3A_88 = arith.constant 0 : i32
      %dma_wait3A_89 = tpu.memref_slice %arg12[%dma_wait3A_87, %dma_wait3A_88] : memref<10000x64xf32, #tpu.memory_space<vmem_shared>> -> memref<10000x64xf32, #tpu.memory_space<vmem_shared>>
      tpu.wait_indirect_dma semaphore(%arg15 : memref<!tpu.dma_semaphore, #tpu.memory_space<semaphore_mem>>) src(%dma_wait3A_89 : memref<10000x64xf32, #tpu.memory_space<vmem_shared>>) dst(%arg10 : memref<128x64xf32, #tpu.memory_space<vmem>>)
      %dma_start3A_90 = arith.constant 0 : i32
      %dma_start3A_91 = tpu.memref_slice %arg8[%add3A_83, %dma_start3A_90] : memref<84x128xi32, #tpu.memory_space<vmem>> -> memref<1x128xi32, #tpu.memory_space<vmem>>
      %dma_start3A_92 = tpu.memref_squeeze %dma_start3A_91 : memref<1x128xi32, #tpu.memory_space<vmem>> -> memref<128xi32, #tpu.memory_space<vmem>>
      %dma_start3A_93 = arith.constant 0 : i32
      %dma_start3A_94 = arith.constant 0 : i32
      %dma_start3A_95 = tpu.memref_slice %arg13[%dma_start3A_93, %dma_start3A_94] : memref<10112x64xf32, #tpu.memory_space<vmem_shared>> -> memref<10112x64xf32, #tpu.memory_space<vmem_shared>>
      tpu.enqueue_indirect_dma source(%arg10 : memref<128x64xf32, #tpu.memory_space<vmem>>) target(%dma_start3A_95 : memref<10112x64xf32, #tpu.memory_space<vmem_shared>>) offsets(%dma_start3A_92 : memref<128xi32, #tpu.memory_space<vmem>>) semaphore(%arg18 : memref<!tpu.dma_semaphore, #tpu.memory_space<semaphore_mem>>) {add = true}
      %add3A_96 = arith.constant 3 : i32
      %add3A_97 = arith.addi %add3A_83, %add3A_96 : i32
      %lt3A_98 = arith.constant 84 : i32
      %lt3A_99 = arith.cmpi slt, %add3A_97, %lt3A_98 : i32
      %convert_element_type3A_100 = arith.extui %lt3A_99 : i1 to i32
      %cond3A_101 = arith.constant 0 : i32
      %cond3A_102 = arith.cmpi ne, %convert_element_type3A_100, %cond3A_101 : i32
      scf.if %cond3A_102 {
        %dma_wait3A_124 = arith.constant 0 : i32
        %dma_wait3A_125 = tpu.memref_slice %arg8[%add3A_83, %dma_wait3A_124] : memref<84x128xi32, #tpu.memory_space<vmem>> -> memref<1x128xi32, #tpu.memory_space<vmem>>
        %dma_wait3A_126 = tpu.memref_squeeze %dma_wait3A_125 : memref<1x128xi32, #tpu.memory_space<vmem>> -> memref<128xi32, #tpu.memory_space<vmem>>
        %dma_wait3A_127 = arith.constant 0 : i32
        %dma_wait3A_128 = arith.constant 0 : i32
        %dma_wait3A_129 = tpu.memref_slice %arg13[%dma_wait3A_127, %dma_wait3A_128] : memref<10112x64xf32, #tpu.memory_space<vmem_shared>> -> memref<10112x64xf32, #tpu.memory_space<vmem_shared>>
        tpu.wait_indirect_dma semaphore(%arg18 : memref<!tpu.dma_semaphore, #tpu.memory_space<semaphore_mem>>) src(%arg10 : memref<128x64xf32, #tpu.memory_space<vmem>>) dst(%dma_wait3A_129 : memref<10112x64xf32, #tpu.memory_space<vmem_shared>>)
        %add3A_130 = arith.constant 3 : i32
        %add3A_131 = arith.addi %add3A_83, %add3A_130 : i32
        %dma_start3A_132 = arith.constant 0 : i32
        %dma_start3A_133 = tpu.memref_slice %arg7[%add3A_131, %dma_start3A_132] : memref<84x128xi32, #tpu.memory_space<vmem>> -> memref<1x128xi32, #tpu.memory_space<vmem>>
        %dma_start3A_134 = tpu.memref_squeeze %dma_start3A_133 : memref<1x128xi32, #tpu.memory_space<vmem>> -> memref<128xi32, #tpu.memory_space<vmem>>
        %dma_start3A_135 = arith.constant 0 : i32
        %dma_start3A_136 = arith.constant 0 : i32
        %dma_start3A_137 = tpu.memref_slice %arg12[%dma_start3A_135, %dma_start3A_136] : memref<10000x64xf32, #tpu.memory_space<vmem_shared>> -> memref<10000x64xf32, #tpu.memory_space<vmem_shared>>
        tpu.enqueue_indirect_dma source(%dma_start3A_137 : memref<10000x64xf32, #tpu.memory_space<vmem_shared>>) target(%arg10 : memref<128x64xf32, #tpu.memory_space<vmem>>) offsets(%dma_start3A_134 : memref<128xi32, #tpu.memory_space<vmem>>) semaphore(%arg15 : memref<!tpu.dma_semaphore, #tpu.memory_space<semaphore_mem>>)
      } else {
      }
      %add3A_103 = arith.constant 2 : i32
      %add3A_104 = arith.addi %mul3A_61, %add3A_103 : i32
      %dma_wait3A_105 = arith.constant 0 : i32
      %dma_wait3A_106 = tpu.memref_slice %arg7[%add3A_104, %dma_wait3A_105] : memref<84x128xi32, #tpu.memory_space<vmem>> -> memref<1x128xi32, #tpu.memory_space<vmem>>
      %dma_wait3A_107 = tpu.memref_squeeze %dma_wait3A_106 : memref<1x128xi32, #tpu.memory_space<vmem>> -> memref<128xi32, #tpu.memory_space<vmem>>
      %dma_wait3A_108 = arith.constant 0 : i32
      %dma_wait3A_109 = arith.constant 0 : i32
      %dma_wait3A_110 = tpu.memref_slice %arg12[%dma_wait3A_108, %dma_wait3A_109] : memref<10000x64xf32, #tpu.memory_space<vmem_shared>> -> memref<10000x64xf32, #tpu.memory_space<vmem_shared>>
      tpu.wait_indirect_dma semaphore(%arg16 : memref<!tpu.dma_semaphore, #tpu.memory_space<semaphore_mem>>) src(%dma_wait3A_110 : memref<10000x64xf32, #tpu.memory_space<vmem_shared>>) dst(%arg11 : memref<128x64xf32, #tpu.memory_space<vmem>>)
      %dma_start3A_111 = arith.constant 0 : i32
      %dma_start3A_112 = tpu.memref_slice %arg8[%add3A_104, %dma_start3A_111] : memref<84x128xi32, #tpu.memory_space<vmem>> -> memref<1x128xi32, #tpu.memory_space<vmem>>
      %dma_start3A_113 = tpu.memref_squeeze %dma_start3A_112 : memref<1x128xi32, #tpu.memory_space<vmem>> -> memref<128xi32, #tpu.memory_space<vmem>>
      %dma_start3A_114 = arith.constant 0 : i32
      %dma_start3A_115 = arith.constant 0 : i32
      %dma_start3A_116 = tpu.memref_slice %arg13[%dma_start3A_114, %dma_start3A_115] : memref<10112x64xf32, #tpu.memory_space<vmem_shared>> -> memref<10112x64xf32, #tpu.memory_space<vmem_shared>>
      tpu.enqueue_indirect_dma source(%arg11 : memref<128x64xf32, #tpu.memory_space<vmem>>) target(%dma_start3A_116 : memref<10112x64xf32, #tpu.memory_space<vmem_shared>>) offsets(%dma_start3A_113 : memref<128xi32, #tpu.memory_space<vmem>>) semaphore(%arg19 : memref<!tpu.dma_semaphore, #tpu.memory_space<semaphore_mem>>) {add = true}
      %add3A_117 = arith.constant 3 : i32
      %add3A_118 = arith.addi %add3A_104, %add3A_117 : i32
      %lt3A_119 = arith.constant 84 : i32
      %lt3A_120 = arith.cmpi slt, %add3A_118, %lt3A_119 : i32
      %convert_element_type3A_121 = arith.extui %lt3A_120 : i1 to i32
      %cond3A_122 = arith.constant 0 : i32
      %cond3A_123 = arith.cmpi ne, %convert_element_type3A_121, %cond3A_122 : i32
      scf.if %cond3A_123 {
        %dma_wait3A_124 = arith.constant 0 : i32
        %dma_wait3A_125 = tpu.memref_slice %arg8[%add3A_104, %dma_wait3A_124] : memref<84x128xi32, #tpu.memory_space<vmem>> -> memref<1x128xi32, #tpu.memory_space<vmem>>
        %dma_wait3A_126 = tpu.memref_squeeze %dma_wait3A_125 : memref<1x128xi32, #tpu.memory_space<vmem>> -> memref<128xi32, #tpu.memory_space<vmem>>
        %dma_wait3A_127 = arith.constant 0 : i32
        %dma_wait3A_128 = arith.constant 0 : i32
        %dma_wait3A_129 = tpu.memref_slice %arg13[%dma_wait3A_127, %dma_wait3A_128] : memref<10112x64xf32, #tpu.memory_space<vmem_shared>> -> memref<10112x64xf32, #tpu.memory_space<vmem_shared>>
        tpu.wait_indirect_dma semaphore(%arg19 : memref<!tpu.dma_semaphore, #tpu.memory_space<semaphore_mem>>) src(%arg11 : memref<128x64xf32, #tpu.memory_space<vmem>>) dst(%dma_wait3A_129 : memref<10112x64xf32, #tpu.memory_space<vmem_shared>>)
        %add3A_130 = arith.constant 3 : i32
        %add3A_131 = arith.addi %add3A_104, %add3A_130 : i32
        %dma_start3A_132 = arith.constant 0 : i32
        %dma_start3A_133 = tpu.memref_slice %arg7[%add3A_131, %dma_start3A_132] : memref<84x128xi32, #tpu.memory_space<vmem>> -> memref<1x128xi32, #tpu.memory_space<vmem>>
        %dma_start3A_134 = tpu.memref_squeeze %dma_start3A_133 : memref<1x128xi32, #tpu.memory_space<vmem>> -> memref<128xi32, #tpu.memory_space<vmem>>
        %dma_start3A_135 = arith.constant 0 : i32
        %dma_start3A_136 = arith.constant 0 : i32
        %dma_start3A_137 = tpu.memref_slice %arg12[%dma_start3A_135, %dma_start3A_136] : memref<10000x64xf32, #tpu.memory_space<vmem_shared>> -> memref<10000x64xf32, #tpu.memory_space<vmem_shared>>
        tpu.enqueue_indirect_dma source(%dma_start3A_137 : memref<10000x64xf32, #tpu.memory_space<vmem_shared>>) target(%arg11 : memref<128x64xf32, #tpu.memory_space<vmem>>) offsets(%dma_start3A_134 : memref<128xi32, #tpu.memory_space<vmem>>) semaphore(%arg16 : memref<!tpu.dma_semaphore, #tpu.memory_space<semaphore_mem>>)
      } else {
      }
    }
    %scan3A_33 = arith.constant 28 : i32
    %dma_wait3A = arith.constant 81 : i32
    %dma_wait3A_34 = arith.constant 0 : i32
    %dma_wait3A_35 = tpu.memref_slice %arg8[%dma_wait3A, %dma_wait3A_34] : memref<84x128xi32, #tpu.memory_space<vmem>> -> memref<1x128xi32, #tpu.memory_space<vmem>>
    %dma_wait3A_36 = tpu.memref_squeeze %dma_wait3A_35 : memref<1x128xi32, #tpu.memory_space<vmem>> -> memref<128xi32, #tpu.memory_space<vmem>>
    %dma_wait3A_37 = arith.constant 0 : i32
    %dma_wait3A_38 = arith.constant 0 : i32
    %dma_wait3A_39 = tpu.memref_slice %arg13[%dma_wait3A_37, %dma_wait3A_38] : memref<10112x64xf32, #tpu.memory_space<vmem_shared>> -> memref<10112x64xf32, #tpu.memory_space<vmem_shared>>
    tpu.wait_indirect_dma semaphore(%arg17 : memref<!tpu.dma_semaphore, #tpu.memory_space<semaphore_mem>>) src(%arg9 : memref<128x64xf32, #tpu.memory_space<vmem>>) dst(%dma_wait3A_39 : memref<10112x64xf32, #tpu.memory_space<vmem_shared>>)
    %dma_wait3A_40 = arith.constant 82 : i32
    %dma_wait3A_41 = arith.constant 0 : i32
    %dma_wait3A_42 = tpu.memref_slice %arg8[%dma_wait3A_40, %dma_wait3A_41] : memref<84x128xi32, #tpu.memory_space<vmem>> -> memref<1x128xi32, #tpu.memory_space<vmem>>
    %dma_wait3A_43 = tpu.memref_squeeze %dma_wait3A_42 : memref<1x128xi32, #tpu.memory_space<vmem>> -> memref<128xi32, #tpu.memory_space<vmem>>
    %dma_wait3A_44 = arith.constant 0 : i32
    %dma_wait3A_45 = arith.constant 0 : i32
    %dma_wait3A_46 = tpu.memref_slice %arg13[%dma_wait3A_44, %dma_wait3A_45] : memref<10112x64xf32, #tpu.memory_space<vmem_shared>> -> memref<10112x64xf32, #tpu.memory_space<vmem_shared>>
    tpu.wait_indirect_dma semaphore(%arg18 : memref<!tpu.dma_semaphore, #tpu.memory_space<semaphore_mem>>) src(%arg10 : memref<128x64xf32, #tpu.memory_space<vmem>>) dst(%dma_wait3A_46 : memref<10112x64xf32, #tpu.memory_space<vmem_shared>>)
    %dma_wait3A_47 = arith.constant 83 : i32
    %dma_wait3A_48 = arith.constant 0 : i32
    %dma_wait3A_49 = tpu.memref_slice %arg8[%dma_wait3A_47, %dma_wait3A_48] : memref<84x128xi32, #tpu.memory_space<vmem>> -> memref<1x128xi32, #tpu.memory_space<vmem>>
    %dma_wait3A_50 = tpu.memref_squeeze %dma_wait3A_49 : memref<1x128xi32, #tpu.memory_space<vmem>> -> memref<128xi32, #tpu.memory_space<vmem>>
    %dma_wait3A_51 = arith.constant 0 : i32
    %dma_wait3A_52 = arith.constant 0 : i32
    %dma_wait3A_53 = tpu.memref_slice %arg13[%dma_wait3A_51, %dma_wait3A_52] : memref<10112x64xf32, #tpu.memory_space<vmem_shared>> -> memref<10112x64xf32, #tpu.memory_space<vmem_shared>>
    tpu.wait_indirect_dma semaphore(%arg19 : memref<!tpu.dma_semaphore, #tpu.memory_space<semaphore_mem>>) src(%arg11 : memref<128x64xf32, #tpu.memory_space<vmem>>) dst(%dma_wait3A_53 : memref<10112x64xf32, #tpu.memory_space<vmem_shared>>)
    %barrier3A_54 = arith.constant 0 : index
    tpu.barrier barrier_id(%barrier3A_54)
    %mul3A_55 = arith.constant 632 : i32
    %mul3A_56 = arith.muli %arg1, %mul3A_55 : i32
    %mul3A_57 = arith.constant 632 : i32
    %mul3A_58 = arith.muli %arg1, %mul3A_57 : i32
    "tpu.region"() ({
      %run_scoped3A = tpu.sem_alloc : memref<!tpu.dma_semaphore, #tpu.memory_space<semaphore_mem>>
      %dma_start3A_59 = arith.constant 0 : i32
      %dma_start3A_60 = tpu.memref_slice %arg6[%arg0, %mul3A_58, %dma_start3A_59] : memref<2x10112x64xf32, #tpu.memory_space<hbm>> -> memref<1x632x64xf32, #tpu.memory_space<hbm>>
      %dma_start3A_61 = tpu.memref_squeeze %dma_start3A_60 : memref<1x632x64xf32, #tpu.memory_space<hbm>> -> memref<632x64xf32, #tpu.memory_space<hbm>>
      %dma_start3A_62 = arith.constant 0 : i32
      %dma_start3A_63 = tpu.memref_slice %arg13[%mul3A_56, %dma_start3A_62] : memref<10112x64xf32, #tpu.memory_space<vmem_shared>> -> memref<632x64xf32, #tpu.memory_space<vmem_shared>>
      tpu.enqueue_dma source(%dma_start3A_63 : memref<632x64xf32, #tpu.memory_space<vmem_shared>>) target(%dma_start3A_61 : memref<632x64xf32, #tpu.memory_space<hbm>>) target_semaphore(%run_scoped3A : memref<!tpu.dma_semaphore, #tpu.memory_space<semaphore_mem>>)
      %dma_wait3A_64 = arith.constant 0 : i32
      %dma_wait3A_65 = tpu.memref_slice %arg6[%arg0, %mul3A_58, %dma_wait3A_64] : memref<2x10112x64xf32, #tpu.memory_space<hbm>> -> memref<1x632x64xf32, #tpu.memory_space<hbm>>
      %dma_wait3A_66 = tpu.memref_squeeze %dma_wait3A_65 : memref<1x632x64xf32, #tpu.memory_space<hbm>> -> memref<632x64xf32, #tpu.memory_space<hbm>>
      %dma_wait3A_67 = arith.constant 0 : i32
      %dma_wait3A_68 = tpu.memref_slice %arg13[%mul3A_56, %dma_wait3A_67] : memref<10112x64xf32, #tpu.memory_space<vmem_shared>> -> memref<632x64xf32, #tpu.memory_space<vmem_shared>>
      tpu.wait_dma2 semaphore(%run_scoped3A : memref<!tpu.dma_semaphore, #tpu.memory_space<semaphore_mem>>) src(%dma_wait3A_68 : memref<632x64xf32, #tpu.memory_space<vmem_shared>>) dst(%dma_wait3A_66 : memref<632x64xf32, #tpu.memory_space<hbm>>)
      tpu.yield
    }) : () -> ()
    return
  }
}

#map = affine_map<(d0, d1) -> (0, 0, 0)>
#map1 = affine_map<(d0, d1) -> (0, 0)>
module attributes {stable_mosaic.version = 14 : i64} {
  func.func @_sc_degree(%arg0: i32, %arg1: i32, %arg2: memref<32x42x256xi32, #tpu.memory_space<hbm>>, %arg3: memref<256x8xf32, #tpu.memory_space<hbm>>, %arg4: memref<632x8xf32, #tpu.memory_space<hbm>>, %arg5: memref<2x10112x8xf32, #tpu.memory_space<hbm>>, %arg6: memref<42x256xi32, #tpu.memory_space<vmem>>, %arg7: memref<256x8xf32, #tpu.memory_space<vmem>>, %arg8: memref<10112x8xf32, #tpu.memory_space<vmem_shared>>, %arg9: memref<!tpu.dma_semaphore, #tpu.memory_space<semaphore_mem>>) attributes {dimension_semantics = [#tpu.dimension_semantics<core_parallel>, #tpu.dimension_semantics<subcore_parallel>], iteration_bounds = array<i64: 2, 16>, scalar_prefetch = 0 : i64, scratch_operands = 4 : i64, tpu.core_type = #tpu.core_type<sc_vector_subcore>, window_params = [{transform_indices = #map}, {transform_indices = #map1}, {transform_indices = #map1}, {transform_indices = #map}]} {
    %mul3A = arith.constant 2 : i32
    %mul3A_0 = arith.muli %arg1, %mul3A : i32
    %add3A = arith.addi %mul3A_0, %arg0 : i32
    "tpu.region"() ({
      %run_scoped3A = tpu.sem_alloc : memref<!tpu.dma_semaphore, #tpu.memory_space<semaphore_mem>>
      %dma_start3A = arith.constant 0 : i32
      %dma_start3A_13 = arith.constant 0 : i32
      %dma_start3A_14 = tpu.memref_slice %arg2[%add3A, %dma_start3A, %dma_start3A_13] : memref<32x42x256xi32, #tpu.memory_space<hbm>> -> memref<1x42x256xi32, #tpu.memory_space<hbm>>
      %dma_start3A_15 = tpu.memref_squeeze %dma_start3A_14 : memref<1x42x256xi32, #tpu.memory_space<hbm>> -> memref<42x256xi32, #tpu.memory_space<hbm>>
      %dma_start3A_16 = arith.constant 0 : i32
      %dma_start3A_17 = arith.constant 0 : i32
      %dma_start3A_18 = tpu.memref_slice %arg2[%add3A, %dma_start3A_16, %dma_start3A_17] : memref<32x42x256xi32, #tpu.memory_space<hbm>> -> memref<1x42x256xi32, #tpu.memory_space<hbm>>
      %dma_start3A_19 = tpu.memref_squeeze %dma_start3A_18 : memref<1x42x256xi32, #tpu.memory_space<hbm>> -> memref<42x256xi32, #tpu.memory_space<hbm>>
      tpu.enqueue_dma source(%dma_start3A_19 : memref<42x256xi32, #tpu.memory_space<hbm>>) target(%arg6 : memref<42x256xi32, #tpu.memory_space<vmem>>) target_semaphore(%run_scoped3A : memref<!tpu.dma_semaphore, #tpu.memory_space<semaphore_mem>>)
      %dma_wait3A = arith.constant 0 : i32
      %dma_wait3A_20 = arith.constant 0 : i32
      %dma_wait3A_21 = tpu.memref_slice %arg2[%add3A, %dma_wait3A, %dma_wait3A_20] : memref<32x42x256xi32, #tpu.memory_space<hbm>> -> memref<1x42x256xi32, #tpu.memory_space<hbm>>
      %dma_wait3A_22 = tpu.memref_squeeze %dma_wait3A_21 : memref<1x42x256xi32, #tpu.memory_space<hbm>> -> memref<42x256xi32, #tpu.memory_space<hbm>>
      %dma_wait3A_23 = arith.constant 0 : i32
      %dma_wait3A_24 = arith.constant 0 : i32
      %dma_wait3A_25 = tpu.memref_slice %arg2[%add3A, %dma_wait3A_23, %dma_wait3A_24] : memref<32x42x256xi32, #tpu.memory_space<hbm>> -> memref<1x42x256xi32, #tpu.memory_space<hbm>>
      %dma_wait3A_26 = tpu.memref_squeeze %dma_wait3A_25 : memref<1x42x256xi32, #tpu.memory_space<hbm>> -> memref<42x256xi32, #tpu.memory_space<hbm>>
      tpu.wait_dma2 semaphore(%run_scoped3A : memref<!tpu.dma_semaphore, #tpu.memory_space<semaphore_mem>>) src(%dma_wait3A_26 : memref<42x256xi32, #tpu.memory_space<hbm>>) dst(%arg6 : memref<42x256xi32, #tpu.memory_space<vmem>>)
      tpu.yield
    }) : () -> ()
    "tpu.region"() ({
      %run_scoped3A = tpu.sem_alloc : memref<!tpu.dma_semaphore, #tpu.memory_space<semaphore_mem>>
      tpu.enqueue_dma source(%arg3 : memref<256x8xf32, #tpu.memory_space<hbm>>) target(%arg7 : memref<256x8xf32, #tpu.memory_space<vmem>>) target_semaphore(%run_scoped3A : memref<!tpu.dma_semaphore, #tpu.memory_space<semaphore_mem>>)
      tpu.wait_dma2 semaphore(%run_scoped3A : memref<!tpu.dma_semaphore, #tpu.memory_space<semaphore_mem>>) src(%arg3 : memref<256x8xf32, #tpu.memory_space<hbm>>) dst(%arg7 : memref<256x8xf32, #tpu.memory_space<vmem>>)
      tpu.yield
    }) : () -> ()
    %mul3A_1 = arith.constant 632 : i32
    %mul3A_2 = arith.muli %arg1, %mul3A_1 : i32
    "tpu.region"() ({
      %run_scoped3A = tpu.sem_alloc : memref<!tpu.dma_semaphore, #tpu.memory_space<semaphore_mem>>
      %dma_start3A = arith.constant 0 : i32
      %dma_start3A_13 = tpu.memref_slice %arg8[%mul3A_2, %dma_start3A] : memref<10112x8xf32, #tpu.memory_space<vmem_shared>> -> memref<632x8xf32, #tpu.memory_space<vmem_shared>>
      tpu.enqueue_dma source(%arg4 : memref<632x8xf32, #tpu.memory_space<hbm>>) target(%dma_start3A_13 : memref<632x8xf32, #tpu.memory_space<vmem_shared>>) target_semaphore(%run_scoped3A : memref<!tpu.dma_semaphore, #tpu.memory_space<semaphore_mem>>)
      %dma_wait3A = arith.constant 0 : i32
      %dma_wait3A_14 = tpu.memref_slice %arg8[%mul3A_2, %dma_wait3A] : memref<10112x8xf32, #tpu.memory_space<vmem_shared>> -> memref<632x8xf32, #tpu.memory_space<vmem_shared>>
      tpu.wait_dma2 semaphore(%run_scoped3A : memref<!tpu.dma_semaphore, #tpu.memory_space<semaphore_mem>>) src(%arg4 : memref<632x8xf32, #tpu.memory_space<hbm>>) dst(%dma_wait3A_14 : memref<632x8xf32, #tpu.memory_space<vmem_shared>>)
      tpu.yield
    }) : () -> ()
    %barrier3A = arith.constant 0 : index
    tpu.barrier barrier_id(%barrier3A)
    %scan3A = arith.constant 0 : i32
    %scan3A_3 = arith.constant 0 : i32
    %scan3A_4 = arith.constant 3 : i32
    %scan3A_5 = arith.addi %scan3A_3, %scan3A_4 : i32
    %scan3A_6 = arith.constant 1 : i32
    scf.for %scan3A_13 = %scan3A_3 to %scan3A_5 step %scan3A_6  : i32 {
      %mul3A_14 = arith.constant 14 : i32
      %mul3A_15 = arith.muli %scan3A_13, %mul3A_14 : i32
      %add3A_16 = arith.constant 0 : i32
      %add3A_17 = arith.addi %mul3A_15, %add3A_16 : i32
      %dma_start3A = arith.constant 0 : i32
      %dma_start3A_18 = tpu.memref_slice %arg6[%add3A_17, %dma_start3A] : memref<42x256xi32, #tpu.memory_space<vmem>> -> memref<1x256xi32, #tpu.memory_space<vmem>>
      %dma_start3A_19 = tpu.memref_squeeze %dma_start3A_18 : memref<1x256xi32, #tpu.memory_space<vmem>> -> memref<256xi32, #tpu.memory_space<vmem>>
      %dma_start3A_20 = arith.constant 0 : i32
      %dma_start3A_21 = arith.constant 0 : i32
      %dma_start3A_22 = tpu.memref_slice %arg8[%dma_start3A_20, %dma_start3A_21] : memref<10112x8xf32, #tpu.memory_space<vmem_shared>> -> memref<10112x8xf32, #tpu.memory_space<vmem_shared>>
      tpu.enqueue_indirect_dma source(%arg7 : memref<256x8xf32, #tpu.memory_space<vmem>>) target(%dma_start3A_22 : memref<10112x8xf32, #tpu.memory_space<vmem_shared>>) offsets(%dma_start3A_19 : memref<256xi32, #tpu.memory_space<vmem>>) semaphore(%arg9 : memref<!tpu.dma_semaphore, #tpu.memory_space<semaphore_mem>>) {add = true}
      %add3A_23 = arith.constant 1 : i32
      %add3A_24 = arith.addi %mul3A_15, %add3A_23 : i32
      %dma_start3A_25 = arith.constant 0 : i32
      %dma_start3A_26 = tpu.memref_slice %arg6[%add3A_24, %dma_start3A_25] : memref<42x256xi32, #tpu.memory_space<vmem>> -> memref<1x256xi32, #tpu.memory_space<vmem>>
      %dma_start3A_27 = tpu.memref_squeeze %dma_start3A_26 : memref<1x256xi32, #tpu.memory_space<vmem>> -> memref<256xi32, #tpu.memory_space<vmem>>
      %dma_start3A_28 = arith.constant 0 : i32
      %dma_start3A_29 = arith.constant 0 : i32
      %dma_start3A_30 = tpu.memref_slice %arg8[%dma_start3A_28, %dma_start3A_29] : memref<10112x8xf32, #tpu.memory_space<vmem_shared>> -> memref<10112x8xf32, #tpu.memory_space<vmem_shared>>
      tpu.enqueue_indirect_dma source(%arg7 : memref<256x8xf32, #tpu.memory_space<vmem>>) target(%dma_start3A_30 : memref<10112x8xf32, #tpu.memory_space<vmem_shared>>) offsets(%dma_start3A_27 : memref<256xi32, #tpu.memory_space<vmem>>) semaphore(%arg9 : memref<!tpu.dma_semaphore, #tpu.memory_space<semaphore_mem>>) {add = true}
      %add3A_31 = arith.constant 2 : i32
      %add3A_32 = arith.addi %mul3A_15, %add3A_31 : i32
      %dma_start3A_33 = arith.constant 0 : i32
      %dma_start3A_34 = tpu.memref_slice %arg6[%add3A_32, %dma_start3A_33] : memref<42x256xi32, #tpu.memory_space<vmem>> -> memref<1x256xi32, #tpu.memory_space<vmem>>
      %dma_start3A_35 = tpu.memref_squeeze %dma_start3A_34 : memref<1x256xi32, #tpu.memory_space<vmem>> -> memref<256xi32, #tpu.memory_space<vmem>>
      %dma_start3A_36 = arith.constant 0 : i32
      %dma_start3A_37 = arith.constant 0 : i32
      %dma_start3A_38 = tpu.memref_slice %arg8[%dma_start3A_36, %dma_start3A_37] : memref<10112x8xf32, #tpu.memory_space<vmem_shared>> -> memref<10112x8xf32, #tpu.memory_space<vmem_shared>>
      tpu.enqueue_indirect_dma source(%arg7 : memref<256x8xf32, #tpu.memory_space<vmem>>) target(%dma_start3A_38 : memref<10112x8xf32, #tpu.memory_space<vmem_shared>>) offsets(%dma_start3A_35 : memref<256xi32, #tpu.memory_space<vmem>>) semaphore(%arg9 : memref<!tpu.dma_semaphore, #tpu.memory_space<semaphore_mem>>) {add = true}
      %add3A_39 = arith.constant 3 : i32
      %add3A_40 = arith.addi %mul3A_15, %add3A_39 : i32
      %dma_start3A_41 = arith.constant 0 : i32
      %dma_start3A_42 = tpu.memref_slice %arg6[%add3A_40, %dma_start3A_41] : memref<42x256xi32, #tpu.memory_space<vmem>> -> memref<1x256xi32, #tpu.memory_space<vmem>>
      %dma_start3A_43 = tpu.memref_squeeze %dma_start3A_42 : memref<1x256xi32, #tpu.memory_space<vmem>> -> memref<256xi32, #tpu.memory_space<vmem>>
      %dma_start3A_44 = arith.constant 0 : i32
      %dma_start3A_45 = arith.constant 0 : i32
      %dma_start3A_46 = tpu.memref_slice %arg8[%dma_start3A_44, %dma_start3A_45] : memref<10112x8xf32, #tpu.memory_space<vmem_shared>> -> memref<10112x8xf32, #tpu.memory_space<vmem_shared>>
      tpu.enqueue_indirect_dma source(%arg7 : memref<256x8xf32, #tpu.memory_space<vmem>>) target(%dma_start3A_46 : memref<10112x8xf32, #tpu.memory_space<vmem_shared>>) offsets(%dma_start3A_43 : memref<256xi32, #tpu.memory_space<vmem>>) semaphore(%arg9 : memref<!tpu.dma_semaphore, #tpu.memory_space<semaphore_mem>>) {add = true}
      %add3A_47 = arith.constant 4 : i32
      %add3A_48 = arith.addi %mul3A_15, %add3A_47 : i32
      %dma_start3A_49 = arith.constant 0 : i32
      %dma_start3A_50 = tpu.memref_slice %arg6[%add3A_48, %dma_start3A_49] : memref<42x256xi32, #tpu.memory_space<vmem>> -> memref<1x256xi32, #tpu.memory_space<vmem>>
      %dma_start3A_51 = tpu.memref_squeeze %dma_start3A_50 : memref<1x256xi32, #tpu.memory_space<vmem>> -> memref<256xi32, #tpu.memory_space<vmem>>
      %dma_start3A_52 = arith.constant 0 : i32
      %dma_start3A_53 = arith.constant 0 : i32
      %dma_start3A_54 = tpu.memref_slice %arg8[%dma_start3A_52, %dma_start3A_53] : memref<10112x8xf32, #tpu.memory_space<vmem_shared>> -> memref<10112x8xf32, #tpu.memory_space<vmem_shared>>
      tpu.enqueue_indirect_dma source(%arg7 : memref<256x8xf32, #tpu.memory_space<vmem>>) target(%dma_start3A_54 : memref<10112x8xf32, #tpu.memory_space<vmem_shared>>) offsets(%dma_start3A_51 : memref<256xi32, #tpu.memory_space<vmem>>) semaphore(%arg9 : memref<!tpu.dma_semaphore, #tpu.memory_space<semaphore_mem>>) {add = true}
      %add3A_55 = arith.constant 5 : i32
      %add3A_56 = arith.addi %mul3A_15, %add3A_55 : i32
      %dma_start3A_57 = arith.constant 0 : i32
      %dma_start3A_58 = tpu.memref_slice %arg6[%add3A_56, %dma_start3A_57] : memref<42x256xi32, #tpu.memory_space<vmem>> -> memref<1x256xi32, #tpu.memory_space<vmem>>
      %dma_start3A_59 = tpu.memref_squeeze %dma_start3A_58 : memref<1x256xi32, #tpu.memory_space<vmem>> -> memref<256xi32, #tpu.memory_space<vmem>>
      %dma_start3A_60 = arith.constant 0 : i32
      %dma_start3A_61 = arith.constant 0 : i32
      %dma_start3A_62 = tpu.memref_slice %arg8[%dma_start3A_60, %dma_start3A_61] : memref<10112x8xf32, #tpu.memory_space<vmem_shared>> -> memref<10112x8xf32, #tpu.memory_space<vmem_shared>>
      tpu.enqueue_indirect_dma source(%arg7 : memref<256x8xf32, #tpu.memory_space<vmem>>) target(%dma_start3A_62 : memref<10112x8xf32, #tpu.memory_space<vmem_shared>>) offsets(%dma_start3A_59 : memref<256xi32, #tpu.memory_space<vmem>>) semaphore(%arg9 : memref<!tpu.dma_semaphore, #tpu.memory_space<semaphore_mem>>) {add = true}
      %add3A_63 = arith.constant 6 : i32
      %add3A_64 = arith.addi %mul3A_15, %add3A_63 : i32
      %dma_start3A_65 = arith.constant 0 : i32
      %dma_start3A_66 = tpu.memref_slice %arg6[%add3A_64, %dma_start3A_65] : memref<42x256xi32, #tpu.memory_space<vmem>> -> memref<1x256xi32, #tpu.memory_space<vmem>>
      %dma_start3A_67 = tpu.memref_squeeze %dma_start3A_66 : memref<1x256xi32, #tpu.memory_space<vmem>> -> memref<256xi32, #tpu.memory_space<vmem>>
      %dma_start3A_68 = arith.constant 0 : i32
      %dma_start3A_69 = arith.constant 0 : i32
      %dma_start3A_70 = tpu.memref_slice %arg8[%dma_start3A_68, %dma_start3A_69] : memref<10112x8xf32, #tpu.memory_space<vmem_shared>> -> memref<10112x8xf32, #tpu.memory_space<vmem_shared>>
      tpu.enqueue_indirect_dma source(%arg7 : memref<256x8xf32, #tpu.memory_space<vmem>>) target(%dma_start3A_70 : memref<10112x8xf32, #tpu.memory_space<vmem_shared>>) offsets(%dma_start3A_67 : memref<256xi32, #tpu.memory_space<vmem>>) semaphore(%arg9 : memref<!tpu.dma_semaphore, #tpu.memory_space<semaphore_mem>>) {add = true}
      %add3A_71 = arith.constant 7 : i32
      %add3A_72 = arith.addi %mul3A_15, %add3A_71 : i32
      %dma_start3A_73 = arith.constant 0 : i32
      %dma_start3A_74 = tpu.memref_slice %arg6[%add3A_72, %dma_start3A_73] : memref<42x256xi32, #tpu.memory_space<vmem>> -> memref<1x256xi32, #tpu.memory_space<vmem>>
      %dma_start3A_75 = tpu.memref_squeeze %dma_start3A_74 : memref<1x256xi32, #tpu.memory_space<vmem>> -> memref<256xi32, #tpu.memory_space<vmem>>
      %dma_start3A_76 = arith.constant 0 : i32
      %dma_start3A_77 = arith.constant 0 : i32
      %dma_start3A_78 = tpu.memref_slice %arg8[%dma_start3A_76, %dma_start3A_77] : memref<10112x8xf32, #tpu.memory_space<vmem_shared>> -> memref<10112x8xf32, #tpu.memory_space<vmem_shared>>
      tpu.enqueue_indirect_dma source(%arg7 : memref<256x8xf32, #tpu.memory_space<vmem>>) target(%dma_start3A_78 : memref<10112x8xf32, #tpu.memory_space<vmem_shared>>) offsets(%dma_start3A_75 : memref<256xi32, #tpu.memory_space<vmem>>) semaphore(%arg9 : memref<!tpu.dma_semaphore, #tpu.memory_space<semaphore_mem>>) {add = true}
      %add3A_79 = arith.constant 8 : i32
      %add3A_80 = arith.addi %mul3A_15, %add3A_79 : i32
      %dma_start3A_81 = arith.constant 0 : i32
      %dma_start3A_82 = tpu.memref_slice %arg6[%add3A_80, %dma_start3A_81] : memref<42x256xi32, #tpu.memory_space<vmem>> -> memref<1x256xi32, #tpu.memory_space<vmem>>
      %dma_start3A_83 = tpu.memref_squeeze %dma_start3A_82 : memref<1x256xi32, #tpu.memory_space<vmem>> -> memref<256xi32, #tpu.memory_space<vmem>>
      %dma_start3A_84 = arith.constant 0 : i32
      %dma_start3A_85 = arith.constant 0 : i32
      %dma_start3A_86 = tpu.memref_slice %arg8[%dma_start3A_84, %dma_start3A_85] : memref<10112x8xf32, #tpu.memory_space<vmem_shared>> -> memref<10112x8xf32, #tpu.memory_space<vmem_shared>>
      tpu.enqueue_indirect_dma source(%arg7 : memref<256x8xf32, #tpu.memory_space<vmem>>) target(%dma_start3A_86 : memref<10112x8xf32, #tpu.memory_space<vmem_shared>>) offsets(%dma_start3A_83 : memref<256xi32, #tpu.memory_space<vmem>>) semaphore(%arg9 : memref<!tpu.dma_semaphore, #tpu.memory_space<semaphore_mem>>) {add = true}
      %add3A_87 = arith.constant 9 : i32
      %add3A_88 = arith.addi %mul3A_15, %add3A_87 : i32
      %dma_start3A_89 = arith.constant 0 : i32
      %dma_start3A_90 = tpu.memref_slice %arg6[%add3A_88, %dma_start3A_89] : memref<42x256xi32, #tpu.memory_space<vmem>> -> memref<1x256xi32, #tpu.memory_space<vmem>>
      %dma_start3A_91 = tpu.memref_squeeze %dma_start3A_90 : memref<1x256xi32, #tpu.memory_space<vmem>> -> memref<256xi32, #tpu.memory_space<vmem>>
      %dma_start3A_92 = arith.constant 0 : i32
      %dma_start3A_93 = arith.constant 0 : i32
      %dma_start3A_94 = tpu.memref_slice %arg8[%dma_start3A_92, %dma_start3A_93] : memref<10112x8xf32, #tpu.memory_space<vmem_shared>> -> memref<10112x8xf32, #tpu.memory_space<vmem_shared>>
      tpu.enqueue_indirect_dma source(%arg7 : memref<256x8xf32, #tpu.memory_space<vmem>>) target(%dma_start3A_94 : memref<10112x8xf32, #tpu.memory_space<vmem_shared>>) offsets(%dma_start3A_91 : memref<256xi32, #tpu.memory_space<vmem>>) semaphore(%arg9 : memref<!tpu.dma_semaphore, #tpu.memory_space<semaphore_mem>>) {add = true}
      %add3A_95 = arith.constant 10 : i32
      %add3A_96 = arith.addi %mul3A_15, %add3A_95 : i32
      %dma_start3A_97 = arith.constant 0 : i32
      %dma_start3A_98 = tpu.memref_slice %arg6[%add3A_96, %dma_start3A_97] : memref<42x256xi32, #tpu.memory_space<vmem>> -> memref<1x256xi32, #tpu.memory_space<vmem>>
      %dma_start3A_99 = tpu.memref_squeeze %dma_start3A_98 : memref<1x256xi32, #tpu.memory_space<vmem>> -> memref<256xi32, #tpu.memory_space<vmem>>
      %dma_start3A_100 = arith.constant 0 : i32
      %dma_start3A_101 = arith.constant 0 : i32
      %dma_start3A_102 = tpu.memref_slice %arg8[%dma_start3A_100, %dma_start3A_101] : memref<10112x8xf32, #tpu.memory_space<vmem_shared>> -> memref<10112x8xf32, #tpu.memory_space<vmem_shared>>
      tpu.enqueue_indirect_dma source(%arg7 : memref<256x8xf32, #tpu.memory_space<vmem>>) target(%dma_start3A_102 : memref<10112x8xf32, #tpu.memory_space<vmem_shared>>) offsets(%dma_start3A_99 : memref<256xi32, #tpu.memory_space<vmem>>) semaphore(%arg9 : memref<!tpu.dma_semaphore, #tpu.memory_space<semaphore_mem>>) {add = true}
      %add3A_103 = arith.constant 11 : i32
      %add3A_104 = arith.addi %mul3A_15, %add3A_103 : i32
      %dma_start3A_105 = arith.constant 0 : i32
      %dma_start3A_106 = tpu.memref_slice %arg6[%add3A_104, %dma_start3A_105] : memref<42x256xi32, #tpu.memory_space<vmem>> -> memref<1x256xi32, #tpu.memory_space<vmem>>
      %dma_start3A_107 = tpu.memref_squeeze %dma_start3A_106 : memref<1x256xi32, #tpu.memory_space<vmem>> -> memref<256xi32, #tpu.memory_space<vmem>>
      %dma_start3A_108 = arith.constant 0 : i32
      %dma_start3A_109 = arith.constant 0 : i32
      %dma_start3A_110 = tpu.memref_slice %arg8[%dma_start3A_108, %dma_start3A_109] : memref<10112x8xf32, #tpu.memory_space<vmem_shared>> -> memref<10112x8xf32, #tpu.memory_space<vmem_shared>>
      tpu.enqueue_indirect_dma source(%arg7 : memref<256x8xf32, #tpu.memory_space<vmem>>) target(%dma_start3A_110 : memref<10112x8xf32, #tpu.memory_space<vmem_shared>>) offsets(%dma_start3A_107 : memref<256xi32, #tpu.memory_space<vmem>>) semaphore(%arg9 : memref<!tpu.dma_semaphore, #tpu.memory_space<semaphore_mem>>) {add = true}
      %add3A_111 = arith.constant 12 : i32
      %add3A_112 = arith.addi %mul3A_15, %add3A_111 : i32
      %dma_start3A_113 = arith.constant 0 : i32
      %dma_start3A_114 = tpu.memref_slice %arg6[%add3A_112, %dma_start3A_113] : memref<42x256xi32, #tpu.memory_space<vmem>> -> memref<1x256xi32, #tpu.memory_space<vmem>>
      %dma_start3A_115 = tpu.memref_squeeze %dma_start3A_114 : memref<1x256xi32, #tpu.memory_space<vmem>> -> memref<256xi32, #tpu.memory_space<vmem>>
      %dma_start3A_116 = arith.constant 0 : i32
      %dma_start3A_117 = arith.constant 0 : i32
      %dma_start3A_118 = tpu.memref_slice %arg8[%dma_start3A_116, %dma_start3A_117] : memref<10112x8xf32, #tpu.memory_space<vmem_shared>> -> memref<10112x8xf32, #tpu.memory_space<vmem_shared>>
      tpu.enqueue_indirect_dma source(%arg7 : memref<256x8xf32, #tpu.memory_space<vmem>>) target(%dma_start3A_118 : memref<10112x8xf32, #tpu.memory_space<vmem_shared>>) offsets(%dma_start3A_115 : memref<256xi32, #tpu.memory_space<vmem>>) semaphore(%arg9 : memref<!tpu.dma_semaphore, #tpu.memory_space<semaphore_mem>>) {add = true}
      %add3A_119 = arith.constant 13 : i32
      %add3A_120 = arith.addi %mul3A_15, %add3A_119 : i32
      %dma_start3A_121 = arith.constant 0 : i32
      %dma_start3A_122 = tpu.memref_slice %arg6[%add3A_120, %dma_start3A_121] : memref<42x256xi32, #tpu.memory_space<vmem>> -> memref<1x256xi32, #tpu.memory_space<vmem>>
      %dma_start3A_123 = tpu.memref_squeeze %dma_start3A_122 : memref<1x256xi32, #tpu.memory_space<vmem>> -> memref<256xi32, #tpu.memory_space<vmem>>
      %dma_start3A_124 = arith.constant 0 : i32
      %dma_start3A_125 = arith.constant 0 : i32
      %dma_start3A_126 = tpu.memref_slice %arg8[%dma_start3A_124, %dma_start3A_125] : memref<10112x8xf32, #tpu.memory_space<vmem_shared>> -> memref<10112x8xf32, #tpu.memory_space<vmem_shared>>
      tpu.enqueue_indirect_dma source(%arg7 : memref<256x8xf32, #tpu.memory_space<vmem>>) target(%dma_start3A_126 : memref<10112x8xf32, #tpu.memory_space<vmem_shared>>) offsets(%dma_start3A_123 : memref<256xi32, #tpu.memory_space<vmem>>) semaphore(%arg9 : memref<!tpu.dma_semaphore, #tpu.memory_space<semaphore_mem>>) {add = true}
      %add3A_127 = arith.constant 0 : i32
      %add3A_128 = arith.addi %mul3A_15, %add3A_127 : i32
      %dma_wait3A = arith.constant 0 : i32
      %dma_wait3A_129 = tpu.memref_slice %arg6[%add3A_128, %dma_wait3A] : memref<42x256xi32, #tpu.memory_space<vmem>> -> memref<1x256xi32, #tpu.memory_space<vmem>>
      %dma_wait3A_130 = tpu.memref_squeeze %dma_wait3A_129 : memref<1x256xi32, #tpu.memory_space<vmem>> -> memref<256xi32, #tpu.memory_space<vmem>>
      %dma_wait3A_131 = arith.constant 0 : i32
      %dma_wait3A_132 = arith.constant 0 : i32
      %dma_wait3A_133 = tpu.memref_slice %arg8[%dma_wait3A_131, %dma_wait3A_132] : memref<10112x8xf32, #tpu.memory_space<vmem_shared>> -> memref<10112x8xf32, #tpu.memory_space<vmem_shared>>
      tpu.wait_indirect_dma semaphore(%arg9 : memref<!tpu.dma_semaphore, #tpu.memory_space<semaphore_mem>>) src(%arg7 : memref<256x8xf32, #tpu.memory_space<vmem>>) dst(%dma_wait3A_133 : memref<10112x8xf32, #tpu.memory_space<vmem_shared>>)
      %add3A_134 = arith.constant 1 : i32
      %add3A_135 = arith.addi %mul3A_15, %add3A_134 : i32
      %dma_wait3A_136 = arith.constant 0 : i32
      %dma_wait3A_137 = tpu.memref_slice %arg6[%add3A_135, %dma_wait3A_136] : memref<42x256xi32, #tpu.memory_space<vmem>> -> memref<1x256xi32, #tpu.memory_space<vmem>>
      %dma_wait3A_138 = tpu.memref_squeeze %dma_wait3A_137 : memref<1x256xi32, #tpu.memory_space<vmem>> -> memref<256xi32, #tpu.memory_space<vmem>>
      %dma_wait3A_139 = arith.constant 0 : i32
      %dma_wait3A_140 = arith.constant 0 : i32
      %dma_wait3A_141 = tpu.memref_slice %arg8[%dma_wait3A_139, %dma_wait3A_140] : memref<10112x8xf32, #tpu.memory_space<vmem_shared>> -> memref<10112x8xf32, #tpu.memory_space<vmem_shared>>
      tpu.wait_indirect_dma semaphore(%arg9 : memref<!tpu.dma_semaphore, #tpu.memory_space<semaphore_mem>>) src(%arg7 : memref<256x8xf32, #tpu.memory_space<vmem>>) dst(%dma_wait3A_141 : memref<10112x8xf32, #tpu.memory_space<vmem_shared>>)
      %add3A_142 = arith.constant 2 : i32
      %add3A_143 = arith.addi %mul3A_15, %add3A_142 : i32
      %dma_wait3A_144 = arith.constant 0 : i32
      %dma_wait3A_145 = tpu.memref_slice %arg6[%add3A_143, %dma_wait3A_144] : memref<42x256xi32, #tpu.memory_space<vmem>> -> memref<1x256xi32, #tpu.memory_space<vmem>>
      %dma_wait3A_146 = tpu.memref_squeeze %dma_wait3A_145 : memref<1x256xi32, #tpu.memory_space<vmem>> -> memref<256xi32, #tpu.memory_space<vmem>>
      %dma_wait3A_147 = arith.constant 0 : i32
      %dma_wait3A_148 = arith.constant 0 : i32
      %dma_wait3A_149 = tpu.memref_slice %arg8[%dma_wait3A_147, %dma_wait3A_148] : memref<10112x8xf32, #tpu.memory_space<vmem_shared>> -> memref<10112x8xf32, #tpu.memory_space<vmem_shared>>
      tpu.wait_indirect_dma semaphore(%arg9 : memref<!tpu.dma_semaphore, #tpu.memory_space<semaphore_mem>>) src(%arg7 : memref<256x8xf32, #tpu.memory_space<vmem>>) dst(%dma_wait3A_149 : memref<10112x8xf32, #tpu.memory_space<vmem_shared>>)
      %add3A_150 = arith.constant 3 : i32
      %add3A_151 = arith.addi %mul3A_15, %add3A_150 : i32
      %dma_wait3A_152 = arith.constant 0 : i32
      %dma_wait3A_153 = tpu.memref_slice %arg6[%add3A_151, %dma_wait3A_152] : memref<42x256xi32, #tpu.memory_space<vmem>> -> memref<1x256xi32, #tpu.memory_space<vmem>>
      %dma_wait3A_154 = tpu.memref_squeeze %dma_wait3A_153 : memref<1x256xi32, #tpu.memory_space<vmem>> -> memref<256xi32, #tpu.memory_space<vmem>>
      %dma_wait3A_155 = arith.constant 0 : i32
      %dma_wait3A_156 = arith.constant 0 : i32
      %dma_wait3A_157 = tpu.memref_slice %arg8[%dma_wait3A_155, %dma_wait3A_156] : memref<10112x8xf32, #tpu.memory_space<vmem_shared>> -> memref<10112x8xf32, #tpu.memory_space<vmem_shared>>
      tpu.wait_indirect_dma semaphore(%arg9 : memref<!tpu.dma_semaphore, #tpu.memory_space<semaphore_mem>>) src(%arg7 : memref<256x8xf32, #tpu.memory_space<vmem>>) dst(%dma_wait3A_157 : memref<10112x8xf32, #tpu.memory_space<vmem_shared>>)
      %add3A_158 = arith.constant 4 : i32
      %add3A_159 = arith.addi %mul3A_15, %add3A_158 : i32
      %dma_wait3A_160 = arith.constant 0 : i32
      %dma_wait3A_161 = tpu.memref_slice %arg6[%add3A_159, %dma_wait3A_160] : memref<42x256xi32, #tpu.memory_space<vmem>> -> memref<1x256xi32, #tpu.memory_space<vmem>>
      %dma_wait3A_162 = tpu.memref_squeeze %dma_wait3A_161 : memref<1x256xi32, #tpu.memory_space<vmem>> -> memref<256xi32, #tpu.memory_space<vmem>>
      %dma_wait3A_163 = arith.constant 0 : i32
      %dma_wait3A_164 = arith.constant 0 : i32
      %dma_wait3A_165 = tpu.memref_slice %arg8[%dma_wait3A_163, %dma_wait3A_164] : memref<10112x8xf32, #tpu.memory_space<vmem_shared>> -> memref<10112x8xf32, #tpu.memory_space<vmem_shared>>
      tpu.wait_indirect_dma semaphore(%arg9 : memref<!tpu.dma_semaphore, #tpu.memory_space<semaphore_mem>>) src(%arg7 : memref<256x8xf32, #tpu.memory_space<vmem>>) dst(%dma_wait3A_165 : memref<10112x8xf32, #tpu.memory_space<vmem_shared>>)
      %add3A_166 = arith.constant 5 : i32
      %add3A_167 = arith.addi %mul3A_15, %add3A_166 : i32
      %dma_wait3A_168 = arith.constant 0 : i32
      %dma_wait3A_169 = tpu.memref_slice %arg6[%add3A_167, %dma_wait3A_168] : memref<42x256xi32, #tpu.memory_space<vmem>> -> memref<1x256xi32, #tpu.memory_space<vmem>>
      %dma_wait3A_170 = tpu.memref_squeeze %dma_wait3A_169 : memref<1x256xi32, #tpu.memory_space<vmem>> -> memref<256xi32, #tpu.memory_space<vmem>>
      %dma_wait3A_171 = arith.constant 0 : i32
      %dma_wait3A_172 = arith.constant 0 : i32
      %dma_wait3A_173 = tpu.memref_slice %arg8[%dma_wait3A_171, %dma_wait3A_172] : memref<10112x8xf32, #tpu.memory_space<vmem_shared>> -> memref<10112x8xf32, #tpu.memory_space<vmem_shared>>
      tpu.wait_indirect_dma semaphore(%arg9 : memref<!tpu.dma_semaphore, #tpu.memory_space<semaphore_mem>>) src(%arg7 : memref<256x8xf32, #tpu.memory_space<vmem>>) dst(%dma_wait3A_173 : memref<10112x8xf32, #tpu.memory_space<vmem_shared>>)
      %add3A_174 = arith.constant 6 : i32
      %add3A_175 = arith.addi %mul3A_15, %add3A_174 : i32
      %dma_wait3A_176 = arith.constant 0 : i32
      %dma_wait3A_177 = tpu.memref_slice %arg6[%add3A_175, %dma_wait3A_176] : memref<42x256xi32, #tpu.memory_space<vmem>> -> memref<1x256xi32, #tpu.memory_space<vmem>>
      %dma_wait3A_178 = tpu.memref_squeeze %dma_wait3A_177 : memref<1x256xi32, #tpu.memory_space<vmem>> -> memref<256xi32, #tpu.memory_space<vmem>>
      %dma_wait3A_179 = arith.constant 0 : i32
      %dma_wait3A_180 = arith.constant 0 : i32
      %dma_wait3A_181 = tpu.memref_slice %arg8[%dma_wait3A_179, %dma_wait3A_180] : memref<10112x8xf32, #tpu.memory_space<vmem_shared>> -> memref<10112x8xf32, #tpu.memory_space<vmem_shared>>
      tpu.wait_indirect_dma semaphore(%arg9 : memref<!tpu.dma_semaphore, #tpu.memory_space<semaphore_mem>>) src(%arg7 : memref<256x8xf32, #tpu.memory_space<vmem>>) dst(%dma_wait3A_181 : memref<10112x8xf32, #tpu.memory_space<vmem_shared>>)
      %add3A_182 = arith.constant 7 : i32
      %add3A_183 = arith.addi %mul3A_15, %add3A_182 : i32
      %dma_wait3A_184 = arith.constant 0 : i32
      %dma_wait3A_185 = tpu.memref_slice %arg6[%add3A_183, %dma_wait3A_184] : memref<42x256xi32, #tpu.memory_space<vmem>> -> memref<1x256xi32, #tpu.memory_space<vmem>>
      %dma_wait3A_186 = tpu.memref_squeeze %dma_wait3A_185 : memref<1x256xi32, #tpu.memory_space<vmem>> -> memref<256xi32, #tpu.memory_space<vmem>>
      %dma_wait3A_187 = arith.constant 0 : i32
      %dma_wait3A_188 = arith.constant 0 : i32
      %dma_wait3A_189 = tpu.memref_slice %arg8[%dma_wait3A_187, %dma_wait3A_188] : memref<10112x8xf32, #tpu.memory_space<vmem_shared>> -> memref<10112x8xf32, #tpu.memory_space<vmem_shared>>
      tpu.wait_indirect_dma semaphore(%arg9 : memref<!tpu.dma_semaphore, #tpu.memory_space<semaphore_mem>>) src(%arg7 : memref<256x8xf32, #tpu.memory_space<vmem>>) dst(%dma_wait3A_189 : memref<10112x8xf32, #tpu.memory_space<vmem_shared>>)
      %add3A_190 = arith.constant 8 : i32
      %add3A_191 = arith.addi %mul3A_15, %add3A_190 : i32
      %dma_wait3A_192 = arith.constant 0 : i32
      %dma_wait3A_193 = tpu.memref_slice %arg6[%add3A_191, %dma_wait3A_192] : memref<42x256xi32, #tpu.memory_space<vmem>> -> memref<1x256xi32, #tpu.memory_space<vmem>>
      %dma_wait3A_194 = tpu.memref_squeeze %dma_wait3A_193 : memref<1x256xi32, #tpu.memory_space<vmem>> -> memref<256xi32, #tpu.memory_space<vmem>>
      %dma_wait3A_195 = arith.constant 0 : i32
      %dma_wait3A_196 = arith.constant 0 : i32
      %dma_wait3A_197 = tpu.memref_slice %arg8[%dma_wait3A_195, %dma_wait3A_196] : memref<10112x8xf32, #tpu.memory_space<vmem_shared>> -> memref<10112x8xf32, #tpu.memory_space<vmem_shared>>
      tpu.wait_indirect_dma semaphore(%arg9 : memref<!tpu.dma_semaphore, #tpu.memory_space<semaphore_mem>>) src(%arg7 : memref<256x8xf32, #tpu.memory_space<vmem>>) dst(%dma_wait3A_197 : memref<10112x8xf32, #tpu.memory_space<vmem_shared>>)
      %add3A_198 = arith.constant 9 : i32
      %add3A_199 = arith.addi %mul3A_15, %add3A_198 : i32
      %dma_wait3A_200 = arith.constant 0 : i32
      %dma_wait3A_201 = tpu.memref_slice %arg6[%add3A_199, %dma_wait3A_200] : memref<42x256xi32, #tpu.memory_space<vmem>> -> memref<1x256xi32, #tpu.memory_space<vmem>>
      %dma_wait3A_202 = tpu.memref_squeeze %dma_wait3A_201 : memref<1x256xi32, #tpu.memory_space<vmem>> -> memref<256xi32, #tpu.memory_space<vmem>>
      %dma_wait3A_203 = arith.constant 0 : i32
      %dma_wait3A_204 = arith.constant 0 : i32
      %dma_wait3A_205 = tpu.memref_slice %arg8[%dma_wait3A_203, %dma_wait3A_204] : memref<10112x8xf32, #tpu.memory_space<vmem_shared>> -> memref<10112x8xf32, #tpu.memory_space<vmem_shared>>
      tpu.wait_indirect_dma semaphore(%arg9 : memref<!tpu.dma_semaphore, #tpu.memory_space<semaphore_mem>>) src(%arg7 : memref<256x8xf32, #tpu.memory_space<vmem>>) dst(%dma_wait3A_205 : memref<10112x8xf32, #tpu.memory_space<vmem_shared>>)
      %add3A_206 = arith.constant 10 : i32
      %add3A_207 = arith.addi %mul3A_15, %add3A_206 : i32
      %dma_wait3A_208 = arith.constant 0 : i32
      %dma_wait3A_209 = tpu.memref_slice %arg6[%add3A_207, %dma_wait3A_208] : memref<42x256xi32, #tpu.memory_space<vmem>> -> memref<1x256xi32, #tpu.memory_space<vmem>>
      %dma_wait3A_210 = tpu.memref_squeeze %dma_wait3A_209 : memref<1x256xi32, #tpu.memory_space<vmem>> -> memref<256xi32, #tpu.memory_space<vmem>>
      %dma_wait3A_211 = arith.constant 0 : i32
      %dma_wait3A_212 = arith.constant 0 : i32
      %dma_wait3A_213 = tpu.memref_slice %arg8[%dma_wait3A_211, %dma_wait3A_212] : memref<10112x8xf32, #tpu.memory_space<vmem_shared>> -> memref<10112x8xf32, #tpu.memory_space<vmem_shared>>
      tpu.wait_indirect_dma semaphore(%arg9 : memref<!tpu.dma_semaphore, #tpu.memory_space<semaphore_mem>>) src(%arg7 : memref<256x8xf32, #tpu.memory_space<vmem>>) dst(%dma_wait3A_213 : memref<10112x8xf32, #tpu.memory_space<vmem_shared>>)
      %add3A_214 = arith.constant 11 : i32
      %add3A_215 = arith.addi %mul3A_15, %add3A_214 : i32
      %dma_wait3A_216 = arith.constant 0 : i32
      %dma_wait3A_217 = tpu.memref_slice %arg6[%add3A_215, %dma_wait3A_216] : memref<42x256xi32, #tpu.memory_space<vmem>> -> memref<1x256xi32, #tpu.memory_space<vmem>>
      %dma_wait3A_218 = tpu.memref_squeeze %dma_wait3A_217 : memref<1x256xi32, #tpu.memory_space<vmem>> -> memref<256xi32, #tpu.memory_space<vmem>>
      %dma_wait3A_219 = arith.constant 0 : i32
      %dma_wait3A_220 = arith.constant 0 : i32
      %dma_wait3A_221 = tpu.memref_slice %arg8[%dma_wait3A_219, %dma_wait3A_220] : memref<10112x8xf32, #tpu.memory_space<vmem_shared>> -> memref<10112x8xf32, #tpu.memory_space<vmem_shared>>
      tpu.wait_indirect_dma semaphore(%arg9 : memref<!tpu.dma_semaphore, #tpu.memory_space<semaphore_mem>>) src(%arg7 : memref<256x8xf32, #tpu.memory_space<vmem>>) dst(%dma_wait3A_221 : memref<10112x8xf32, #tpu.memory_space<vmem_shared>>)
      %add3A_222 = arith.constant 12 : i32
      %add3A_223 = arith.addi %mul3A_15, %add3A_222 : i32
      %dma_wait3A_224 = arith.constant 0 : i32
      %dma_wait3A_225 = tpu.memref_slice %arg6[%add3A_223, %dma_wait3A_224] : memref<42x256xi32, #tpu.memory_space<vmem>> -> memref<1x256xi32, #tpu.memory_space<vmem>>
      %dma_wait3A_226 = tpu.memref_squeeze %dma_wait3A_225 : memref<1x256xi32, #tpu.memory_space<vmem>> -> memref<256xi32, #tpu.memory_space<vmem>>
      %dma_wait3A_227 = arith.constant 0 : i32
      %dma_wait3A_228 = arith.constant 0 : i32
      %dma_wait3A_229 = tpu.memref_slice %arg8[%dma_wait3A_227, %dma_wait3A_228] : memref<10112x8xf32, #tpu.memory_space<vmem_shared>> -> memref<10112x8xf32, #tpu.memory_space<vmem_shared>>
      tpu.wait_indirect_dma semaphore(%arg9 : memref<!tpu.dma_semaphore, #tpu.memory_space<semaphore_mem>>) src(%arg7 : memref<256x8xf32, #tpu.memory_space<vmem>>) dst(%dma_wait3A_229 : memref<10112x8xf32, #tpu.memory_space<vmem_shared>>)
      %add3A_230 = arith.constant 13 : i32
      %add3A_231 = arith.addi %mul3A_15, %add3A_230 : i32
      %dma_wait3A_232 = arith.constant 0 : i32
      %dma_wait3A_233 = tpu.memref_slice %arg6[%add3A_231, %dma_wait3A_232] : memref<42x256xi32, #tpu.memory_space<vmem>> -> memref<1x256xi32, #tpu.memory_space<vmem>>
      %dma_wait3A_234 = tpu.memref_squeeze %dma_wait3A_233 : memref<1x256xi32, #tpu.memory_space<vmem>> -> memref<256xi32, #tpu.memory_space<vmem>>
      %dma_wait3A_235 = arith.constant 0 : i32
      %dma_wait3A_236 = arith.constant 0 : i32
      %dma_wait3A_237 = tpu.memref_slice %arg8[%dma_wait3A_235, %dma_wait3A_236] : memref<10112x8xf32, #tpu.memory_space<vmem_shared>> -> memref<10112x8xf32, #tpu.memory_space<vmem_shared>>
      tpu.wait_indirect_dma semaphore(%arg9 : memref<!tpu.dma_semaphore, #tpu.memory_space<semaphore_mem>>) src(%arg7 : memref<256x8xf32, #tpu.memory_space<vmem>>) dst(%dma_wait3A_237 : memref<10112x8xf32, #tpu.memory_space<vmem_shared>>)
    }
    %scan3A_7 = arith.constant 3 : i32
    %barrier3A_8 = arith.constant 0 : index
    tpu.barrier barrier_id(%barrier3A_8)
    %mul3A_9 = arith.constant 632 : i32
    %mul3A_10 = arith.muli %arg1, %mul3A_9 : i32
    %mul3A_11 = arith.constant 632 : i32
    %mul3A_12 = arith.muli %arg1, %mul3A_11 : i32
    "tpu.region"() ({
      %run_scoped3A = tpu.sem_alloc : memref<!tpu.dma_semaphore, #tpu.memory_space<semaphore_mem>>
      %dma_start3A = arith.constant 0 : i32
      %dma_start3A_13 = tpu.memref_slice %arg5[%arg0, %mul3A_12, %dma_start3A] : memref<2x10112x8xf32, #tpu.memory_space<hbm>> -> memref<1x632x8xf32, #tpu.memory_space<hbm>>
      %dma_start3A_14 = tpu.memref_squeeze %dma_start3A_13 : memref<1x632x8xf32, #tpu.memory_space<hbm>> -> memref<632x8xf32, #tpu.memory_space<hbm>>
      %dma_start3A_15 = arith.constant 0 : i32
      %dma_start3A_16 = tpu.memref_slice %arg8[%mul3A_10, %dma_start3A_15] : memref<10112x8xf32, #tpu.memory_space<vmem_shared>> -> memref<632x8xf32, #tpu.memory_space<vmem_shared>>
      tpu.enqueue_dma source(%dma_start3A_16 : memref<632x8xf32, #tpu.memory_space<vmem_shared>>) target(%dma_start3A_14 : memref<632x8xf32, #tpu.memory_space<hbm>>) target_semaphore(%run_scoped3A : memref<!tpu.dma_semaphore, #tpu.memory_space<semaphore_mem>>)
      %dma_wait3A = arith.constant 0 : i32
      %dma_wait3A_17 = tpu.memref_slice %arg5[%arg0, %mul3A_12, %dma_wait3A] : memref<2x10112x8xf32, #tpu.memory_space<hbm>> -> memref<1x632x8xf32, #tpu.memory_space<hbm>>
      %dma_wait3A_18 = tpu.memref_squeeze %dma_wait3A_17 : memref<1x632x8xf32, #tpu.memory_space<hbm>> -> memref<632x8xf32, #tpu.memory_space<hbm>>
      %dma_wait3A_19 = arith.constant 0 : i32
      %dma_wait3A_20 = tpu.memref_slice %arg8[%mul3A_10, %dma_wait3A_19] : memref<10112x8xf32, #tpu.memory_space<vmem_shared>> -> memref<632x8xf32, #tpu.memory_space<vmem_shared>>
      tpu.wait_dma2 semaphore(%run_scoped3A : memref<!tpu.dma_semaphore, #tpu.memory_space<semaphore_mem>>) src(%dma_wait3A_20 : memref<632x8xf32, #tpu.memory_space<vmem_shared>>) dst(%dma_wait3A_18 : memref<632x8xf32, #tpu.memory_space<hbm>>)
      tpu.yield
    }) : () -> ()
    return
  }
}

#map = affine_map<(d0, d1) -> (0, 0)>
#map1 = affine_map<(d0, d1) -> (0, 0, 0)>
module attributes {stable_mosaic.version = 14 : i64} {
  func.func @k(%arg0: i32, %arg1: i32, %arg2: memref<10000x32xf32, #tpu.memory_space<hbm>>, %arg3: memref<32x42x256xi32, #tpu.memory_space<hbm>>, %arg4: memref<32x42x256xi32, #tpu.memory_space<hbm>>, %arg5: memref<632x32xf32, #tpu.memory_space<hbm>>, %arg6: memref<2x10112x32xf32, #tpu.memory_space<hbm>>, %arg7: memref<42x256xi32, #tpu.memory_space<vmem>>, %arg8: memref<42x256xi32, #tpu.memory_space<vmem>>, %arg9: memref<256x32xf32, #tpu.memory_space<vmem>>, %arg10: memref<256x32xf32, #tpu.memory_space<vmem>>, %arg11: memref<256x32xf32, #tpu.memory_space<vmem>>, %arg12: memref<256x32xf32, #tpu.memory_space<vmem>>, %arg13: memref<256x32xf32, #tpu.memory_space<vmem>>, %arg14: memref<256x32xf32, #tpu.memory_space<vmem>>, %arg15: memref<256x32xf32, #tpu.memory_space<vmem>>, %arg16: memref<10000x32xf32, #tpu.memory_space<vmem_shared>>, %arg17: memref<10112x32xf32, #tpu.memory_space<vmem_shared>>, %arg18: memref<!tpu.dma_semaphore, #tpu.memory_space<semaphore_mem>>, %arg19: memref<!tpu.dma_semaphore, #tpu.memory_space<semaphore_mem>>, %arg20: memref<!tpu.dma_semaphore, #tpu.memory_space<semaphore_mem>>, %arg21: memref<!tpu.dma_semaphore, #tpu.memory_space<semaphore_mem>>, %arg22: memref<!tpu.dma_semaphore, #tpu.memory_space<semaphore_mem>>, %arg23: memref<!tpu.dma_semaphore, #tpu.memory_space<semaphore_mem>>, %arg24: memref<!tpu.dma_semaphore, #tpu.memory_space<semaphore_mem>>, %arg25: memref<!tpu.dma_semaphore, #tpu.memory_space<semaphore_mem>>, %arg26: memref<!tpu.dma_semaphore, #tpu.memory_space<semaphore_mem>>, %arg27: memref<!tpu.dma_semaphore, #tpu.memory_space<semaphore_mem>>, %arg28: memref<!tpu.dma_semaphore, #tpu.memory_space<semaphore_mem>>, %arg29: memref<!tpu.dma_semaphore, #tpu.memory_space<semaphore_mem>>, %arg30: memref<!tpu.dma_semaphore, #tpu.memory_space<semaphore_mem>>, %arg31: memref<!tpu.dma_semaphore, #tpu.memory_space<semaphore_mem>>) attributes {dimension_semantics = [#tpu.dimension_semantics<core_parallel>, #tpu.dimension_semantics<subcore_parallel>], iteration_bounds = array<i64: 2, 16>, scalar_prefetch = 0 : i64, scratch_operands = 25 : i64, tpu.core_type = #tpu.core_type<sc_vector_subcore>, window_params = [{transform_indices = #map}, {transform_indices = #map1}, {transform_indices = #map1}, {transform_indices = #map}, {transform_indices = #map1}]} {
    %mul3A = arith.constant 2 : i32
    %mul3A_0 = arith.muli %arg1, %mul3A : i32
    %add3A = arith.addi %mul3A_0, %arg0 : i32
    "tpu.region"() ({
      %run_scoped3A = tpu.sem_alloc : memref<!tpu.dma_semaphore, #tpu.memory_space<semaphore_mem>>
      %dma_start3A_115 = arith.constant 0 : i32
      %dma_start3A_116 = arith.constant 0 : i32
      %dma_start3A_117 = tpu.memref_slice %arg3[%add3A, %dma_start3A_115, %dma_start3A_116] : memref<32x42x256xi32, #tpu.memory_space<hbm>> -> memref<1x42x256xi32, #tpu.memory_space<hbm>>
      %dma_start3A_118 = tpu.memref_squeeze %dma_start3A_117 : memref<1x42x256xi32, #tpu.memory_space<hbm>> -> memref<42x256xi32, #tpu.memory_space<hbm>>
      %dma_start3A_119 = arith.constant 0 : i32
      %dma_start3A_120 = arith.constant 0 : i32
      %dma_start3A_121 = tpu.memref_slice %arg3[%add3A, %dma_start3A_119, %dma_start3A_120] : memref<32x42x256xi32, #tpu.memory_space<hbm>> -> memref<1x42x256xi32, #tpu.memory_space<hbm>>
      %dma_start3A_122 = tpu.memref_squeeze %dma_start3A_121 : memref<1x42x256xi32, #tpu.memory_space<hbm>> -> memref<42x256xi32, #tpu.memory_space<hbm>>
      tpu.enqueue_dma source(%dma_start3A_122 : memref<42x256xi32, #tpu.memory_space<hbm>>) target(%arg7 : memref<42x256xi32, #tpu.memory_space<vmem>>) target_semaphore(%run_scoped3A : memref<!tpu.dma_semaphore, #tpu.memory_space<semaphore_mem>>)
      %dma_wait3A_123 = arith.constant 0 : i32
      %dma_wait3A_124 = arith.constant 0 : i32
      %dma_wait3A_125 = tpu.memref_slice %arg3[%add3A, %dma_wait3A_123, %dma_wait3A_124] : memref<32x42x256xi32, #tpu.memory_space<hbm>> -> memref<1x42x256xi32, #tpu.memory_space<hbm>>
      %dma_wait3A_126 = tpu.memref_squeeze %dma_wait3A_125 : memref<1x42x256xi32, #tpu.memory_space<hbm>> -> memref<42x256xi32, #tpu.memory_space<hbm>>
      %dma_wait3A_127 = arith.constant 0 : i32
      %dma_wait3A_128 = arith.constant 0 : i32
      %dma_wait3A_129 = tpu.memref_slice %arg3[%add3A, %dma_wait3A_127, %dma_wait3A_128] : memref<32x42x256xi32, #tpu.memory_space<hbm>> -> memref<1x42x256xi32, #tpu.memory_space<hbm>>
      %dma_wait3A_130 = tpu.memref_squeeze %dma_wait3A_129 : memref<1x42x256xi32, #tpu.memory_space<hbm>> -> memref<42x256xi32, #tpu.memory_space<hbm>>
      tpu.wait_dma2 semaphore(%run_scoped3A : memref<!tpu.dma_semaphore, #tpu.memory_space<semaphore_mem>>) src(%dma_wait3A_130 : memref<42x256xi32, #tpu.memory_space<hbm>>) dst(%arg7 : memref<42x256xi32, #tpu.memory_space<vmem>>)
      tpu.yield
    }) : () -> ()
    "tpu.region"() ({
      %run_scoped3A = tpu.sem_alloc : memref<!tpu.dma_semaphore, #tpu.memory_space<semaphore_mem>>
      %dma_start3A_115 = arith.constant 0 : i32
      %dma_start3A_116 = arith.constant 0 : i32
      %dma_start3A_117 = tpu.memref_slice %arg4[%add3A, %dma_start3A_115, %dma_start3A_116] : memref<32x42x256xi32, #tpu.memory_space<hbm>> -> memref<1x42x256xi32, #tpu.memory_space<hbm>>
      %dma_start3A_118 = tpu.memref_squeeze %dma_start3A_117 : memref<1x42x256xi32, #tpu.memory_space<hbm>> -> memref<42x256xi32, #tpu.memory_space<hbm>>
      %dma_start3A_119 = arith.constant 0 : i32
      %dma_start3A_120 = arith.constant 0 : i32
      %dma_start3A_121 = tpu.memref_slice %arg4[%add3A, %dma_start3A_119, %dma_start3A_120] : memref<32x42x256xi32, #tpu.memory_space<hbm>> -> memref<1x42x256xi32, #tpu.memory_space<hbm>>
      %dma_start3A_122 = tpu.memref_squeeze %dma_start3A_121 : memref<1x42x256xi32, #tpu.memory_space<hbm>> -> memref<42x256xi32, #tpu.memory_space<hbm>>
      tpu.enqueue_dma source(%dma_start3A_122 : memref<42x256xi32, #tpu.memory_space<hbm>>) target(%arg8 : memref<42x256xi32, #tpu.memory_space<vmem>>) target_semaphore(%run_scoped3A : memref<!tpu.dma_semaphore, #tpu.memory_space<semaphore_mem>>)
      %dma_wait3A_123 = arith.constant 0 : i32
      %dma_wait3A_124 = arith.constant 0 : i32
      %dma_wait3A_125 = tpu.memref_slice %arg4[%add3A, %dma_wait3A_123, %dma_wait3A_124] : memref<32x42x256xi32, #tpu.memory_space<hbm>> -> memref<1x42x256xi32, #tpu.memory_space<hbm>>
      %dma_wait3A_126 = tpu.memref_squeeze %dma_wait3A_125 : memref<1x42x256xi32, #tpu.memory_space<hbm>> -> memref<42x256xi32, #tpu.memory_space<hbm>>
      %dma_wait3A_127 = arith.constant 0 : i32
      %dma_wait3A_128 = arith.constant 0 : i32
      %dma_wait3A_129 = tpu.memref_slice %arg4[%add3A, %dma_wait3A_127, %dma_wait3A_128] : memref<32x42x256xi32, #tpu.memory_space<hbm>> -> memref<1x42x256xi32, #tpu.memory_space<hbm>>
      %dma_wait3A_130 = tpu.memref_squeeze %dma_wait3A_129 : memref<1x42x256xi32, #tpu.memory_space<hbm>> -> memref<42x256xi32, #tpu.memory_space<hbm>>
      tpu.wait_dma2 semaphore(%run_scoped3A : memref<!tpu.dma_semaphore, #tpu.memory_space<semaphore_mem>>) src(%dma_wait3A_130 : memref<42x256xi32, #tpu.memory_space<hbm>>) dst(%arg8 : memref<42x256xi32, #tpu.memory_space<vmem>>)
      tpu.yield
    }) : () -> ()
    %mul3A_1 = arith.constant 624 : i32
    %mul3A_2 = arith.muli %arg1, %mul3A_1 : i32
    %mul3A_3 = arith.constant 624 : i32
    %mul3A_4 = arith.muli %arg1, %mul3A_3 : i32
    "tpu.region"() ({
      %run_scoped3A = tpu.sem_alloc : memref<!tpu.dma_semaphore, #tpu.memory_space<semaphore_mem>>
      %dma_start3A_115 = arith.constant 0 : i32
      %dma_start3A_116 = tpu.memref_slice %arg16[%mul3A_4, %dma_start3A_115] : memref<10000x32xf32, #tpu.memory_space<vmem_shared>> -> memref<624x32xf32, #tpu.memory_space<vmem_shared>>
      %dma_start3A_117 = arith.constant 0 : i32
      %dma_start3A_118 = tpu.memref_slice %arg2[%mul3A_2, %dma_start3A_117] : memref<10000x32xf32, #tpu.memory_space<hbm>> -> memref<624x32xf32, #tpu.memory_space<hbm>>
      tpu.enqueue_dma source(%dma_start3A_118 : memref<624x32xf32, #tpu.memory_space<hbm>>) target(%dma_start3A_116 : memref<624x32xf32, #tpu.memory_space<vmem_shared>>) target_semaphore(%run_scoped3A : memref<!tpu.dma_semaphore, #tpu.memory_space<semaphore_mem>>)
      %dma_wait3A_119 = arith.constant 0 : i32
      %dma_wait3A_120 = tpu.memref_slice %arg16[%mul3A_4, %dma_wait3A_119] : memref<10000x32xf32, #tpu.memory_space<vmem_shared>> -> memref<624x32xf32, #tpu.memory_space<vmem_shared>>
      %dma_wait3A_121 = arith.constant 0 : i32
      %dma_wait3A_122 = tpu.memref_slice %arg2[%mul3A_2, %dma_wait3A_121] : memref<10000x32xf32, #tpu.memory_space<hbm>> -> memref<624x32xf32, #tpu.memory_space<hbm>>
      tpu.wait_dma2 semaphore(%run_scoped3A : memref<!tpu.dma_semaphore, #tpu.memory_space<semaphore_mem>>) src(%dma_wait3A_122 : memref<624x32xf32, #tpu.memory_space<hbm>>) dst(%dma_wait3A_120 : memref<624x32xf32, #tpu.memory_space<vmem_shared>>)
      tpu.yield
    }) : () -> ()
    %eq3A = arith.constant 15 : i32
    %eq3A_5 = arith.cmpi eq, %arg1, %eq3A : i32
    %convert_element_type3A = arith.extui %eq3A_5 : i1 to i32
    %cond3A = arith.constant 0 : i32
    %cond3A_6 = arith.cmpi ne, %convert_element_type3A, %cond3A : i32
    scf.if %cond3A_6 {
      "tpu.region"() ({
        %run_scoped3A = tpu.sem_alloc : memref<!tpu.dma_semaphore, #tpu.memory_space<semaphore_mem>>
        %dma_start3A_115 = arith.constant 9984 : i32
        %dma_start3A_116 = arith.constant 0 : i32
        %dma_start3A_117 = tpu.memref_slice %arg16[%dma_start3A_115, %dma_start3A_116] : memref<10000x32xf32, #tpu.memory_space<vmem_shared>> -> memref<16x32xf32, #tpu.memory_space<vmem_shared>>
        %dma_start3A_118 = arith.constant 9984 : i32
        %dma_start3A_119 = arith.constant 0 : i32
        %dma_start3A_120 = tpu.memref_slice %arg2[%dma_start3A_118, %dma_start3A_119] : memref<10000x32xf32, #tpu.memory_space<hbm>> -> memref<16x32xf32, #tpu.memory_space<hbm>>
        tpu.enqueue_dma source(%dma_start3A_120 : memref<16x32xf32, #tpu.memory_space<hbm>>) target(%dma_start3A_117 : memref<16x32xf32, #tpu.memory_space<vmem_shared>>) target_semaphore(%run_scoped3A : memref<!tpu.dma_semaphore, #tpu.memory_space<semaphore_mem>>)
        %dma_wait3A_121 = arith.constant 9984 : i32
        %dma_wait3A_122 = arith.constant 0 : i32
        %dma_wait3A_123 = tpu.memref_slice %arg16[%dma_wait3A_121, %dma_wait3A_122] : memref<10000x32xf32, #tpu.memory_space<vmem_shared>> -> memref<16x32xf32, #tpu.memory_space<vmem_shared>>
        %dma_wait3A_124 = arith.constant 9984 : i32
        %dma_wait3A_125 = arith.constant 0 : i32
        %dma_wait3A_126 = tpu.memref_slice %arg2[%dma_wait3A_124, %dma_wait3A_125] : memref<10000x32xf32, #tpu.memory_space<hbm>> -> memref<16x32xf32, #tpu.memory_space<hbm>>
        tpu.wait_dma2 semaphore(%run_scoped3A : memref<!tpu.dma_semaphore, #tpu.memory_space<semaphore_mem>>) src(%dma_wait3A_126 : memref<16x32xf32, #tpu.memory_space<hbm>>) dst(%dma_wait3A_123 : memref<16x32xf32, #tpu.memory_space<vmem_shared>>)
        tpu.yield
      }) : () -> ()
    } else {
    }
    %mul3A_7 = arith.constant 632 : i32
    %mul3A_8 = arith.muli %arg1, %mul3A_7 : i32
    "tpu.region"() ({
      %run_scoped3A = tpu.sem_alloc : memref<!tpu.dma_semaphore, #tpu.memory_space<semaphore_mem>>
      %dma_start3A_115 = arith.constant 0 : i32
      %dma_start3A_116 = tpu.memref_slice %arg17[%mul3A_8, %dma_start3A_115] : memref<10112x32xf32, #tpu.memory_space<vmem_shared>> -> memref<632x32xf32, #tpu.memory_space<vmem_shared>>
      tpu.enqueue_dma source(%arg5 : memref<632x32xf32, #tpu.memory_space<hbm>>) target(%dma_start3A_116 : memref<632x32xf32, #tpu.memory_space<vmem_shared>>) target_semaphore(%run_scoped3A : memref<!tpu.dma_semaphore, #tpu.memory_space<semaphore_mem>>)
      %dma_wait3A_117 = arith.constant 0 : i32
      %dma_wait3A_118 = tpu.memref_slice %arg17[%mul3A_8, %dma_wait3A_117] : memref<10112x32xf32, #tpu.memory_space<vmem_shared>> -> memref<632x32xf32, #tpu.memory_space<vmem_shared>>
      tpu.wait_dma2 semaphore(%run_scoped3A : memref<!tpu.dma_semaphore, #tpu.memory_space<semaphore_mem>>) src(%arg5 : memref<632x32xf32, #tpu.memory_space<hbm>>) dst(%dma_wait3A_118 : memref<632x32xf32, #tpu.memory_space<vmem_shared>>)
      tpu.yield
    }) : () -> ()
    %barrier3A = arith.constant 0 : index
    tpu.barrier barrier_id(%barrier3A)
    %dma_start3A = arith.constant 0 : i32
    %dma_start3A_9 = arith.constant 0 : i32
    %dma_start3A_10 = tpu.memref_slice %arg7[%dma_start3A, %dma_start3A_9] : memref<42x256xi32, #tpu.memory_space<vmem>> -> memref<1x256xi32, #tpu.memory_space<vmem>>
    %dma_start3A_11 = tpu.memref_squeeze %dma_start3A_10 : memref<1x256xi32, #tpu.memory_space<vmem>> -> memref<256xi32, #tpu.memory_space<vmem>>
    %dma_start3A_12 = arith.constant 0 : i32
    %dma_start3A_13 = arith.constant 0 : i32
    %dma_start3A_14 = tpu.memref_slice %arg16[%dma_start3A_12, %dma_start3A_13] : memref<10000x32xf32, #tpu.memory_space<vmem_shared>> -> memref<10000x32xf32, #tpu.memory_space<vmem_shared>>
    tpu.enqueue_indirect_dma source(%dma_start3A_14 : memref<10000x32xf32, #tpu.memory_space<vmem_shared>>) target(%arg9 : memref<256x32xf32, #tpu.memory_space<vmem>>) offsets(%dma_start3A_11 : memref<256xi32, #tpu.memory_space<vmem>>) semaphore(%arg18 : memref<!tpu.dma_semaphore, #tpu.memory_space<semaphore_mem>>)
    %dma_start3A_15 = arith.constant 1 : i32
    %dma_start3A_16 = arith.constant 0 : i32
    %dma_start3A_17 = tpu.memref_slice %arg7[%dma_start3A_15, %dma_start3A_16] : memref<42x256xi32, #tpu.memory_space<vmem>> -> memref<1x256xi32, #tpu.memory_space<vmem>>
    %dma_start3A_18 = tpu.memref_squeeze %dma_start3A_17 : memref<1x256xi32, #tpu.memory_space<vmem>> -> memref<256xi32, #tpu.memory_space<vmem>>
    %dma_start3A_19 = arith.constant 0 : i32
    %dma_start3A_20 = arith.constant 0 : i32
    %dma_start3A_21 = tpu.memref_slice %arg16[%dma_start3A_19, %dma_start3A_20] : memref<10000x32xf32, #tpu.memory_space<vmem_shared>> -> memref<10000x32xf32, #tpu.memory_space<vmem_shared>>
    tpu.enqueue_indirect_dma source(%dma_start3A_21 : memref<10000x32xf32, #tpu.memory_space<vmem_shared>>) target(%arg10 : memref<256x32xf32, #tpu.memory_space<vmem>>) offsets(%dma_start3A_18 : memref<256xi32, #tpu.memory_space<vmem>>) semaphore(%arg19 : memref<!tpu.dma_semaphore, #tpu.memory_space<semaphore_mem>>)
    %dma_start3A_22 = arith.constant 2 : i32
    %dma_start3A_23 = arith.constant 0 : i32
    %dma_start3A_24 = tpu.memref_slice %arg7[%dma_start3A_22, %dma_start3A_23] : memref<42x256xi32, #tpu.memory_space<vmem>> -> memref<1x256xi32, #tpu.memory_space<vmem>>
    %dma_start3A_25 = tpu.memref_squeeze %dma_start3A_24 : memref<1x256xi32, #tpu.memory_space<vmem>> -> memref<256xi32, #tpu.memory_space<vmem>>
    %dma_start3A_26 = arith.constant 0 : i32
    %dma_start3A_27 = arith.constant 0 : i32
    %dma_start3A_28 = tpu.memref_slice %arg16[%dma_start3A_26, %dma_start3A_27] : memref<10000x32xf32, #tpu.memory_space<vmem_shared>> -> memref<10000x32xf32, #tpu.memory_space<vmem_shared>>
    tpu.enqueue_indirect_dma source(%dma_start3A_28 : memref<10000x32xf32, #tpu.memory_space<vmem_shared>>) target(%arg11 : memref<256x32xf32, #tpu.memory_space<vmem>>) offsets(%dma_start3A_25 : memref<256xi32, #tpu.memory_space<vmem>>) semaphore(%arg20 : memref<!tpu.dma_semaphore, #tpu.memory_space<semaphore_mem>>)
    %dma_start3A_29 = arith.constant 3 : i32
    %dma_start3A_30 = arith.constant 0 : i32
    %dma_start3A_31 = tpu.memref_slice %arg7[%dma_start3A_29, %dma_start3A_30] : memref<42x256xi32, #tpu.memory_space<vmem>> -> memref<1x256xi32, #tpu.memory_space<vmem>>
    %dma_start3A_32 = tpu.memref_squeeze %dma_start3A_31 : memref<1x256xi32, #tpu.memory_space<vmem>> -> memref<256xi32, #tpu.memory_space<vmem>>
    %dma_start3A_33 = arith.constant 0 : i32
    %dma_start3A_34 = arith.constant 0 : i32
    %dma_start3A_35 = tpu.memref_slice %arg16[%dma_start3A_33, %dma_start3A_34] : memref<10000x32xf32, #tpu.memory_space<vmem_shared>> -> memref<10000x32xf32, #tpu.memory_space<vmem_shared>>
    tpu.enqueue_indirect_dma source(%dma_start3A_35 : memref<10000x32xf32, #tpu.memory_space<vmem_shared>>) target(%arg12 : memref<256x32xf32, #tpu.memory_space<vmem>>) offsets(%dma_start3A_32 : memref<256xi32, #tpu.memory_space<vmem>>) semaphore(%arg21 : memref<!tpu.dma_semaphore, #tpu.memory_space<semaphore_mem>>)
    %dma_start3A_36 = arith.constant 4 : i32
    %dma_start3A_37 = arith.constant 0 : i32
    %dma_start3A_38 = tpu.memref_slice %arg7[%dma_start3A_36, %dma_start3A_37] : memref<42x256xi32, #tpu.memory_space<vmem>> -> memref<1x256xi32, #tpu.memory_space<vmem>>
    %dma_start3A_39 = tpu.memref_squeeze %dma_start3A_38 : memref<1x256xi32, #tpu.memory_space<vmem>> -> memref<256xi32, #tpu.memory_space<vmem>>
    %dma_start3A_40 = arith.constant 0 : i32
    %dma_start3A_41 = arith.constant 0 : i32
    %dma_start3A_42 = tpu.memref_slice %arg16[%dma_start3A_40, %dma_start3A_41] : memref<10000x32xf32, #tpu.memory_space<vmem_shared>> -> memref<10000x32xf32, #tpu.memory_space<vmem_shared>>
    tpu.enqueue_indirect_dma source(%dma_start3A_42 : memref<10000x32xf32, #tpu.memory_space<vmem_shared>>) target(%arg13 : memref<256x32xf32, #tpu.memory_space<vmem>>) offsets(%dma_start3A_39 : memref<256xi32, #tpu.memory_space<vmem>>) semaphore(%arg22 : memref<!tpu.dma_semaphore, #tpu.memory_space<semaphore_mem>>)
    %dma_start3A_43 = arith.constant 5 : i32
    %dma_start3A_44 = arith.constant 0 : i32
    %dma_start3A_45 = tpu.memref_slice %arg7[%dma_start3A_43, %dma_start3A_44] : memref<42x256xi32, #tpu.memory_space<vmem>> -> memref<1x256xi32, #tpu.memory_space<vmem>>
    %dma_start3A_46 = tpu.memref_squeeze %dma_start3A_45 : memref<1x256xi32, #tpu.memory_space<vmem>> -> memref<256xi32, #tpu.memory_space<vmem>>
    %dma_start3A_47 = arith.constant 0 : i32
    %dma_start3A_48 = arith.constant 0 : i32
    %dma_start3A_49 = tpu.memref_slice %arg16[%dma_start3A_47, %dma_start3A_48] : memref<10000x32xf32, #tpu.memory_space<vmem_shared>> -> memref<10000x32xf32, #tpu.memory_space<vmem_shared>>
    tpu.enqueue_indirect_dma source(%dma_start3A_49 : memref<10000x32xf32, #tpu.memory_space<vmem_shared>>) target(%arg14 : memref<256x32xf32, #tpu.memory_space<vmem>>) offsets(%dma_start3A_46 : memref<256xi32, #tpu.memory_space<vmem>>) semaphore(%arg23 : memref<!tpu.dma_semaphore, #tpu.memory_space<semaphore_mem>>)
    %dma_start3A_50 = arith.constant 6 : i32
    %dma_start3A_51 = arith.constant 0 : i32
    %dma_start3A_52 = tpu.memref_slice %arg7[%dma_start3A_50, %dma_start3A_51] : memref<42x256xi32, #tpu.memory_space<vmem>> -> memref<1x256xi32, #tpu.memory_space<vmem>>
    %dma_start3A_53 = tpu.memref_squeeze %dma_start3A_52 : memref<1x256xi32, #tpu.memory_space<vmem>> -> memref<256xi32, #tpu.memory_space<vmem>>
    %dma_start3A_54 = arith.constant 0 : i32
    %dma_start3A_55 = arith.constant 0 : i32
    %dma_start3A_56 = tpu.memref_slice %arg16[%dma_start3A_54, %dma_start3A_55] : memref<10000x32xf32, #tpu.memory_space<vmem_shared>> -> memref<10000x32xf32, #tpu.memory_space<vmem_shared>>
    tpu.enqueue_indirect_dma source(%dma_start3A_56 : memref<10000x32xf32, #tpu.memory_space<vmem_shared>>) target(%arg15 : memref<256x32xf32, #tpu.memory_space<vmem>>) offsets(%dma_start3A_53 : memref<256xi32, #tpu.memory_space<vmem>>) semaphore(%arg24 : memref<!tpu.dma_semaphore, #tpu.memory_space<semaphore_mem>>)
    %scan3A = arith.constant 0 : i32
    %scan3A_57 = arith.constant 0 : i32
    %scan3A_58 = arith.constant 6 : i32
    %scan3A_59 = arith.addi %scan3A_57, %scan3A_58 : i32
    %scan3A_60 = arith.constant 1 : i32
    scf.for %scan3A_115 = %scan3A_57 to %scan3A_59 step %scan3A_60  : i32 {
      %mul3A_116 = arith.constant 7 : i32
      %mul3A_117 = arith.muli %scan3A_115, %mul3A_116 : i32
      %add3A_118 = arith.constant 0 : i32
      %add3A_119 = arith.addi %mul3A_117, %add3A_118 : i32
      %dma_wait3A_120 = arith.constant 0 : i32
      %dma_wait3A_121 = tpu.memref_slice %arg7[%add3A_119, %dma_wait3A_120] : memref<42x256xi32, #tpu.memory_space<vmem>> -> memref<1x256xi32, #tpu.memory_space<vmem>>
      %dma_wait3A_122 = tpu.memref_squeeze %dma_wait3A_121 : memref<1x256xi32, #tpu.memory_space<vmem>> -> memref<256xi32, #tpu.memory_space<vmem>>
      %dma_wait3A_123 = arith.constant 0 : i32
      %dma_wait3A_124 = arith.constant 0 : i32
      %dma_wait3A_125 = tpu.memref_slice %arg16[%dma_wait3A_123, %dma_wait3A_124] : memref<10000x32xf32, #tpu.memory_space<vmem_shared>> -> memref<10000x32xf32, #tpu.memory_space<vmem_shared>>
      tpu.wait_indirect_dma semaphore(%arg18 : memref<!tpu.dma_semaphore, #tpu.memory_space<semaphore_mem>>) src(%dma_wait3A_125 : memref<10000x32xf32, #tpu.memory_space<vmem_shared>>) dst(%arg9 : memref<256x32xf32, #tpu.memory_space<vmem>>)
      %dma_start3A_126 = arith.constant 0 : i32
      %dma_start3A_127 = tpu.memref_slice %arg8[%add3A_119, %dma_start3A_126] : memref<42x256xi32, #tpu.memory_space<vmem>> -> memref<1x256xi32, #tpu.memory_space<vmem>>
      %dma_start3A_128 = tpu.memref_squeeze %dma_start3A_127 : memref<1x256xi32, #tpu.memory_space<vmem>> -> memref<256xi32, #tpu.memory_space<vmem>>
      %dma_start3A_129 = arith.constant 0 : i32
      %dma_start3A_130 = arith.constant 0 : i32
      %dma_start3A_131 = tpu.memref_slice %arg17[%dma_start3A_129, %dma_start3A_130] : memref<10112x32xf32, #tpu.memory_space<vmem_shared>> -> memref<10112x32xf32, #tpu.memory_space<vmem_shared>>
      tpu.enqueue_indirect_dma source(%arg9 : memref<256x32xf32, #tpu.memory_space<vmem>>) target(%dma_start3A_131 : memref<10112x32xf32, #tpu.memory_space<vmem_shared>>) offsets(%dma_start3A_128 : memref<256xi32, #tpu.memory_space<vmem>>) semaphore(%arg25 : memref<!tpu.dma_semaphore, #tpu.memory_space<semaphore_mem>>) {add = true}
      %add3A_132 = arith.constant 7 : i32
      %add3A_133 = arith.addi %add3A_119, %add3A_132 : i32
      %lt3A = arith.constant 42 : i32
      %lt3A_134 = arith.cmpi slt, %add3A_133, %lt3A : i32
      %convert_element_type3A_135 = arith.extui %lt3A_134 : i1 to i32
      %cond3A_136 = arith.constant 0 : i32
      %cond3A_137 = arith.cmpi ne, %convert_element_type3A_135, %cond3A_136 : i32
      scf.if %cond3A_137 {
        %dma_wait3A_264 = arith.constant 0 : i32
        %dma_wait3A_265 = tpu.memref_slice %arg8[%add3A_119, %dma_wait3A_264] : memref<42x256xi32, #tpu.memory_space<vmem>> -> memref<1x256xi32, #tpu.memory_space<vmem>>
        %dma_wait3A_266 = tpu.memref_squeeze %dma_wait3A_265 : memref<1x256xi32, #tpu.memory_space<vmem>> -> memref<256xi32, #tpu.memory_space<vmem>>
        %dma_wait3A_267 = arith.constant 0 : i32
        %dma_wait3A_268 = arith.constant 0 : i32
        %dma_wait3A_269 = tpu.memref_slice %arg17[%dma_wait3A_267, %dma_wait3A_268] : memref<10112x32xf32, #tpu.memory_space<vmem_shared>> -> memref<10112x32xf32, #tpu.memory_space<vmem_shared>>
        tpu.wait_indirect_dma semaphore(%arg25 : memref<!tpu.dma_semaphore, #tpu.memory_space<semaphore_mem>>) src(%arg9 : memref<256x32xf32, #tpu.memory_space<vmem>>) dst(%dma_wait3A_269 : memref<10112x32xf32, #tpu.memory_space<vmem_shared>>)
        %add3A_270 = arith.constant 7 : i32
        %add3A_271 = arith.addi %add3A_119, %add3A_270 : i32
        %dma_start3A_272 = arith.constant 0 : i32
        %dma_start3A_273 = tpu.memref_slice %arg7[%add3A_271, %dma_start3A_272] : memref<42x256xi32, #tpu.memory_space<vmem>> -> memref<1x256xi32, #tpu.memory_space<vmem>>
        %dma_start3A_274 = tpu.memref_squeeze %dma_start3A_273 : memref<1x256xi32, #tpu.memory_space<vmem>> -> memref<256xi32, #tpu.memory_space<vmem>>
        %dma_start3A_275 = arith.constant 0 : i32
        %dma_start3A_276 = arith.constant 0 : i32
        %dma_start3A_277 = tpu.memref_slice %arg16[%dma_start3A_275, %dma_start3A_276] : memref<10000x32xf32, #tpu.memory_space<vmem_shared>> -> memref<10000x32xf32, #tpu.memory_space<vmem_shared>>
        tpu.enqueue_indirect_dma source(%dma_start3A_277 : memref<10000x32xf32, #tpu.memory_space<vmem_shared>>) target(%arg9 : memref<256x32xf32, #tpu.memory_space<vmem>>) offsets(%dma_start3A_274 : memref<256xi32, #tpu.memory_space<vmem>>) semaphore(%arg18 : memref<!tpu.dma_semaphore, #tpu.memory_space<semaphore_mem>>)
      } else {
      }
      %add3A_138 = arith.constant 1 : i32
      %add3A_139 = arith.addi %mul3A_117, %add3A_138 : i32
      %dma_wait3A_140 = arith.constant 0 : i32
      %dma_wait3A_141 = tpu.memref_slice %arg7[%add3A_139, %dma_wait3A_140] : memref<42x256xi32, #tpu.memory_space<vmem>> -> memref<1x256xi32, #tpu.memory_space<vmem>>
      %dma_wait3A_142 = tpu.memref_squeeze %dma_wait3A_141 : memref<1x256xi32, #tpu.memory_space<vmem>> -> memref<256xi32, #tpu.memory_space<vmem>>
      %dma_wait3A_143 = arith.constant 0 : i32
      %dma_wait3A_144 = arith.constant 0 : i32
      %dma_wait3A_145 = tpu.memref_slice %arg16[%dma_wait3A_143, %dma_wait3A_144] : memref<10000x32xf32, #tpu.memory_space<vmem_shared>> -> memref<10000x32xf32, #tpu.memory_space<vmem_shared>>
      tpu.wait_indirect_dma semaphore(%arg19 : memref<!tpu.dma_semaphore, #tpu.memory_space<semaphore_mem>>) src(%dma_wait3A_145 : memref<10000x32xf32, #tpu.memory_space<vmem_shared>>) dst(%arg10 : memref<256x32xf32, #tpu.memory_space<vmem>>)
      %dma_start3A_146 = arith.constant 0 : i32
      %dma_start3A_147 = tpu.memref_slice %arg8[%add3A_139, %dma_start3A_146] : memref<42x256xi32, #tpu.memory_space<vmem>> -> memref<1x256xi32, #tpu.memory_space<vmem>>
      %dma_start3A_148 = tpu.memref_squeeze %dma_start3A_147 : memref<1x256xi32, #tpu.memory_space<vmem>> -> memref<256xi32, #tpu.memory_space<vmem>>
      %dma_start3A_149 = arith.constant 0 : i32
      %dma_start3A_150 = arith.constant 0 : i32
      %dma_start3A_151 = tpu.memref_slice %arg17[%dma_start3A_149, %dma_start3A_150] : memref<10112x32xf32, #tpu.memory_space<vmem_shared>> -> memref<10112x32xf32, #tpu.memory_space<vmem_shared>>
      tpu.enqueue_indirect_dma source(%arg10 : memref<256x32xf32, #tpu.memory_space<vmem>>) target(%dma_start3A_151 : memref<10112x32xf32, #tpu.memory_space<vmem_shared>>) offsets(%dma_start3A_148 : memref<256xi32, #tpu.memory_space<vmem>>) semaphore(%arg26 : memref<!tpu.dma_semaphore, #tpu.memory_space<semaphore_mem>>) {add = true}
      %add3A_152 = arith.constant 7 : i32
      %add3A_153 = arith.addi %add3A_139, %add3A_152 : i32
      %lt3A_154 = arith.constant 42 : i32
      %lt3A_155 = arith.cmpi slt, %add3A_153, %lt3A_154 : i32
      %convert_element_type3A_156 = arith.extui %lt3A_155 : i1 to i32
      %cond3A_157 = arith.constant 0 : i32
      %cond3A_158 = arith.cmpi ne, %convert_element_type3A_156, %cond3A_157 : i32
      scf.if %cond3A_158 {
        %dma_wait3A_264 = arith.constant 0 : i32
        %dma_wait3A_265 = tpu.memref_slice %arg8[%add3A_139, %dma_wait3A_264] : memref<42x256xi32, #tpu.memory_space<vmem>> -> memref<1x256xi32, #tpu.memory_space<vmem>>
        %dma_wait3A_266 = tpu.memref_squeeze %dma_wait3A_265 : memref<1x256xi32, #tpu.memory_space<vmem>> -> memref<256xi32, #tpu.memory_space<vmem>>
        %dma_wait3A_267 = arith.constant 0 : i32
        %dma_wait3A_268 = arith.constant 0 : i32
        %dma_wait3A_269 = tpu.memref_slice %arg17[%dma_wait3A_267, %dma_wait3A_268] : memref<10112x32xf32, #tpu.memory_space<vmem_shared>> -> memref<10112x32xf32, #tpu.memory_space<vmem_shared>>
        tpu.wait_indirect_dma semaphore(%arg26 : memref<!tpu.dma_semaphore, #tpu.memory_space<semaphore_mem>>) src(%arg10 : memref<256x32xf32, #tpu.memory_space<vmem>>) dst(%dma_wait3A_269 : memref<10112x32xf32, #tpu.memory_space<vmem_shared>>)
        %add3A_270 = arith.constant 7 : i32
        %add3A_271 = arith.addi %add3A_139, %add3A_270 : i32
        %dma_start3A_272 = arith.constant 0 : i32
        %dma_start3A_273 = tpu.memref_slice %arg7[%add3A_271, %dma_start3A_272] : memref<42x256xi32, #tpu.memory_space<vmem>> -> memref<1x256xi32, #tpu.memory_space<vmem>>
        %dma_start3A_274 = tpu.memref_squeeze %dma_start3A_273 : memref<1x256xi32, #tpu.memory_space<vmem>> -> memref<256xi32, #tpu.memory_space<vmem>>
        %dma_start3A_275 = arith.constant 0 : i32
        %dma_start3A_276 = arith.constant 0 : i32
        %dma_start3A_277 = tpu.memref_slice %arg16[%dma_start3A_275, %dma_start3A_276] : memref<10000x32xf32, #tpu.memory_space<vmem_shared>> -> memref<10000x32xf32, #tpu.memory_space<vmem_shared>>
        tpu.enqueue_indirect_dma source(%dma_start3A_277 : memref<10000x32xf32, #tpu.memory_space<vmem_shared>>) target(%arg10 : memref<256x32xf32, #tpu.memory_space<vmem>>) offsets(%dma_start3A_274 : memref<256xi32, #tpu.memory_space<vmem>>) semaphore(%arg19 : memref<!tpu.dma_semaphore, #tpu.memory_space<semaphore_mem>>)
      } else {
      }
      %add3A_159 = arith.constant 2 : i32
      %add3A_160 = arith.addi %mul3A_117, %add3A_159 : i32
      %dma_wait3A_161 = arith.constant 0 : i32
      %dma_wait3A_162 = tpu.memref_slice %arg7[%add3A_160, %dma_wait3A_161] : memref<42x256xi32, #tpu.memory_space<vmem>> -> memref<1x256xi32, #tpu.memory_space<vmem>>
      %dma_wait3A_163 = tpu.memref_squeeze %dma_wait3A_162 : memref<1x256xi32, #tpu.memory_space<vmem>> -> memref<256xi32, #tpu.memory_space<vmem>>
      %dma_wait3A_164 = arith.constant 0 : i32
      %dma_wait3A_165 = arith.constant 0 : i32
      %dma_wait3A_166 = tpu.memref_slice %arg16[%dma_wait3A_164, %dma_wait3A_165] : memref<10000x32xf32, #tpu.memory_space<vmem_shared>> -> memref<10000x32xf32, #tpu.memory_space<vmem_shared>>
      tpu.wait_indirect_dma semaphore(%arg20 : memref<!tpu.dma_semaphore, #tpu.memory_space<semaphore_mem>>) src(%dma_wait3A_166 : memref<10000x32xf32, #tpu.memory_space<vmem_shared>>) dst(%arg11 : memref<256x32xf32, #tpu.memory_space<vmem>>)
      %dma_start3A_167 = arith.constant 0 : i32
      %dma_start3A_168 = tpu.memref_slice %arg8[%add3A_160, %dma_start3A_167] : memref<42x256xi32, #tpu.memory_space<vmem>> -> memref<1x256xi32, #tpu.memory_space<vmem>>
      %dma_start3A_169 = tpu.memref_squeeze %dma_start3A_168 : memref<1x256xi32, #tpu.memory_space<vmem>> -> memref<256xi32, #tpu.memory_space<vmem>>
      %dma_start3A_170 = arith.constant 0 : i32
      %dma_start3A_171 = arith.constant 0 : i32
      %dma_start3A_172 = tpu.memref_slice %arg17[%dma_start3A_170, %dma_start3A_171] : memref<10112x32xf32, #tpu.memory_space<vmem_shared>> -> memref<10112x32xf32, #tpu.memory_space<vmem_shared>>
      tpu.enqueue_indirect_dma source(%arg11 : memref<256x32xf32, #tpu.memory_space<vmem>>) target(%dma_start3A_172 : memref<10112x32xf32, #tpu.memory_space<vmem_shared>>) offsets(%dma_start3A_169 : memref<256xi32, #tpu.memory_space<vmem>>) semaphore(%arg27 : memref<!tpu.dma_semaphore, #tpu.memory_space<semaphore_mem>>) {add = true}
      %add3A_173 = arith.constant 7 : i32
      %add3A_174 = arith.addi %add3A_160, %add3A_173 : i32
      %lt3A_175 = arith.constant 42 : i32
      %lt3A_176 = arith.cmpi slt, %add3A_174, %lt3A_175 : i32
      %convert_element_type3A_177 = arith.extui %lt3A_176 : i1 to i32
      %cond3A_178 = arith.constant 0 : i32
      %cond3A_179 = arith.cmpi ne, %convert_element_type3A_177, %cond3A_178 : i32
      scf.if %cond3A_179 {
        %dma_wait3A_264 = arith.constant 0 : i32
        %dma_wait3A_265 = tpu.memref_slice %arg8[%add3A_160, %dma_wait3A_264] : memref<42x256xi32, #tpu.memory_space<vmem>> -> memref<1x256xi32, #tpu.memory_space<vmem>>
        %dma_wait3A_266 = tpu.memref_squeeze %dma_wait3A_265 : memref<1x256xi32, #tpu.memory_space<vmem>> -> memref<256xi32, #tpu.memory_space<vmem>>
        %dma_wait3A_267 = arith.constant 0 : i32
        %dma_wait3A_268 = arith.constant 0 : i32
        %dma_wait3A_269 = tpu.memref_slice %arg17[%dma_wait3A_267, %dma_wait3A_268] : memref<10112x32xf32, #tpu.memory_space<vmem_shared>> -> memref<10112x32xf32, #tpu.memory_space<vmem_shared>>
        tpu.wait_indirect_dma semaphore(%arg27 : memref<!tpu.dma_semaphore, #tpu.memory_space<semaphore_mem>>) src(%arg11 : memref<256x32xf32, #tpu.memory_space<vmem>>) dst(%dma_wait3A_269 : memref<10112x32xf32, #tpu.memory_space<vmem_shared>>)
        %add3A_270 = arith.constant 7 : i32
        %add3A_271 = arith.addi %add3A_160, %add3A_270 : i32
        %dma_start3A_272 = arith.constant 0 : i32
        %dma_start3A_273 = tpu.memref_slice %arg7[%add3A_271, %dma_start3A_272] : memref<42x256xi32, #tpu.memory_space<vmem>> -> memref<1x256xi32, #tpu.memory_space<vmem>>
        %dma_start3A_274 = tpu.memref_squeeze %dma_start3A_273 : memref<1x256xi32, #tpu.memory_space<vmem>> -> memref<256xi32, #tpu.memory_space<vmem>>
        %dma_start3A_275 = arith.constant 0 : i32
        %dma_start3A_276 = arith.constant 0 : i32
        %dma_start3A_277 = tpu.memref_slice %arg16[%dma_start3A_275, %dma_start3A_276] : memref<10000x32xf32, #tpu.memory_space<vmem_shared>> -> memref<10000x32xf32, #tpu.memory_space<vmem_shared>>
        tpu.enqueue_indirect_dma source(%dma_start3A_277 : memref<10000x32xf32, #tpu.memory_space<vmem_shared>>) target(%arg11 : memref<256x32xf32, #tpu.memory_space<vmem>>) offsets(%dma_start3A_274 : memref<256xi32, #tpu.memory_space<vmem>>) semaphore(%arg20 : memref<!tpu.dma_semaphore, #tpu.memory_space<semaphore_mem>>)
      } else {
      }
      %add3A_180 = arith.constant 3 : i32
      %add3A_181 = arith.addi %mul3A_117, %add3A_180 : i32
      %dma_wait3A_182 = arith.constant 0 : i32
      %dma_wait3A_183 = tpu.memref_slice %arg7[%add3A_181, %dma_wait3A_182] : memref<42x256xi32, #tpu.memory_space<vmem>> -> memref<1x256xi32, #tpu.memory_space<vmem>>
      %dma_wait3A_184 = tpu.memref_squeeze %dma_wait3A_183 : memref<1x256xi32, #tpu.memory_space<vmem>> -> memref<256xi32, #tpu.memory_space<vmem>>
      %dma_wait3A_185 = arith.constant 0 : i32
      %dma_wait3A_186 = arith.constant 0 : i32
      %dma_wait3A_187 = tpu.memref_slice %arg16[%dma_wait3A_185, %dma_wait3A_186] : memref<10000x32xf32, #tpu.memory_space<vmem_shared>> -> memref<10000x32xf32, #tpu.memory_space<vmem_shared>>
      tpu.wait_indirect_dma semaphore(%arg21 : memref<!tpu.dma_semaphore, #tpu.memory_space<semaphore_mem>>) src(%dma_wait3A_187 : memref<10000x32xf32, #tpu.memory_space<vmem_shared>>) dst(%arg12 : memref<256x32xf32, #tpu.memory_space<vmem>>)
      %dma_start3A_188 = arith.constant 0 : i32
      %dma_start3A_189 = tpu.memref_slice %arg8[%add3A_181, %dma_start3A_188] : memref<42x256xi32, #tpu.memory_space<vmem>> -> memref<1x256xi32, #tpu.memory_space<vmem>>
      %dma_start3A_190 = tpu.memref_squeeze %dma_start3A_189 : memref<1x256xi32, #tpu.memory_space<vmem>> -> memref<256xi32, #tpu.memory_space<vmem>>
      %dma_start3A_191 = arith.constant 0 : i32
      %dma_start3A_192 = arith.constant 0 : i32
      %dma_start3A_193 = tpu.memref_slice %arg17[%dma_start3A_191, %dma_start3A_192] : memref<10112x32xf32, #tpu.memory_space<vmem_shared>> -> memref<10112x32xf32, #tpu.memory_space<vmem_shared>>
      tpu.enqueue_indirect_dma source(%arg12 : memref<256x32xf32, #tpu.memory_space<vmem>>) target(%dma_start3A_193 : memref<10112x32xf32, #tpu.memory_space<vmem_shared>>) offsets(%dma_start3A_190 : memref<256xi32, #tpu.memory_space<vmem>>) semaphore(%arg28 : memref<!tpu.dma_semaphore, #tpu.memory_space<semaphore_mem>>) {add = true}
      %add3A_194 = arith.constant 7 : i32
      %add3A_195 = arith.addi %add3A_181, %add3A_194 : i32
      %lt3A_196 = arith.constant 42 : i32
      %lt3A_197 = arith.cmpi slt, %add3A_195, %lt3A_196 : i32
      %convert_element_type3A_198 = arith.extui %lt3A_197 : i1 to i32
      %cond3A_199 = arith.constant 0 : i32
      %cond3A_200 = arith.cmpi ne, %convert_element_type3A_198, %cond3A_199 : i32
      scf.if %cond3A_200 {
        %dma_wait3A_264 = arith.constant 0 : i32
        %dma_wait3A_265 = tpu.memref_slice %arg8[%add3A_181, %dma_wait3A_264] : memref<42x256xi32, #tpu.memory_space<vmem>> -> memref<1x256xi32, #tpu.memory_space<vmem>>
        %dma_wait3A_266 = tpu.memref_squeeze %dma_wait3A_265 : memref<1x256xi32, #tpu.memory_space<vmem>> -> memref<256xi32, #tpu.memory_space<vmem>>
        %dma_wait3A_267 = arith.constant 0 : i32
        %dma_wait3A_268 = arith.constant 0 : i32
        %dma_wait3A_269 = tpu.memref_slice %arg17[%dma_wait3A_267, %dma_wait3A_268] : memref<10112x32xf32, #tpu.memory_space<vmem_shared>> -> memref<10112x32xf32, #tpu.memory_space<vmem_shared>>
        tpu.wait_indirect_dma semaphore(%arg28 : memref<!tpu.dma_semaphore, #tpu.memory_space<semaphore_mem>>) src(%arg12 : memref<256x32xf32, #tpu.memory_space<vmem>>) dst(%dma_wait3A_269 : memref<10112x32xf32, #tpu.memory_space<vmem_shared>>)
        %add3A_270 = arith.constant 7 : i32
        %add3A_271 = arith.addi %add3A_181, %add3A_270 : i32
        %dma_start3A_272 = arith.constant 0 : i32
        %dma_start3A_273 = tpu.memref_slice %arg7[%add3A_271, %dma_start3A_272] : memref<42x256xi32, #tpu.memory_space<vmem>> -> memref<1x256xi32, #tpu.memory_space<vmem>>
        %dma_start3A_274 = tpu.memref_squeeze %dma_start3A_273 : memref<1x256xi32, #tpu.memory_space<vmem>> -> memref<256xi32, #tpu.memory_space<vmem>>
        %dma_start3A_275 = arith.constant 0 : i32
        %dma_start3A_276 = arith.constant 0 : i32
        %dma_start3A_277 = tpu.memref_slice %arg16[%dma_start3A_275, %dma_start3A_276] : memref<10000x32xf32, #tpu.memory_space<vmem_shared>> -> memref<10000x32xf32, #tpu.memory_space<vmem_shared>>
        tpu.enqueue_indirect_dma source(%dma_start3A_277 : memref<10000x32xf32, #tpu.memory_space<vmem_shared>>) target(%arg12 : memref<256x32xf32, #tpu.memory_space<vmem>>) offsets(%dma_start3A_274 : memref<256xi32, #tpu.memory_space<vmem>>) semaphore(%arg21 : memref<!tpu.dma_semaphore, #tpu.memory_space<semaphore_mem>>)
      } else {
      }
      %add3A_201 = arith.constant 4 : i32
      %add3A_202 = arith.addi %mul3A_117, %add3A_201 : i32
      %dma_wait3A_203 = arith.constant 0 : i32
      %dma_wait3A_204 = tpu.memref_slice %arg7[%add3A_202, %dma_wait3A_203] : memref<42x256xi32, #tpu.memory_space<vmem>> -> memref<1x256xi32, #tpu.memory_space<vmem>>
      %dma_wait3A_205 = tpu.memref_squeeze %dma_wait3A_204 : memref<1x256xi32, #tpu.memory_space<vmem>> -> memref<256xi32, #tpu.memory_space<vmem>>
      %dma_wait3A_206 = arith.constant 0 : i32
      %dma_wait3A_207 = arith.constant 0 : i32
      %dma_wait3A_208 = tpu.memref_slice %arg16[%dma_wait3A_206, %dma_wait3A_207] : memref<10000x32xf32, #tpu.memory_space<vmem_shared>> -> memref<10000x32xf32, #tpu.memory_space<vmem_shared>>
      tpu.wait_indirect_dma semaphore(%arg22 : memref<!tpu.dma_semaphore, #tpu.memory_space<semaphore_mem>>) src(%dma_wait3A_208 : memref<10000x32xf32, #tpu.memory_space<vmem_shared>>) dst(%arg13 : memref<256x32xf32, #tpu.memory_space<vmem>>)
      %dma_start3A_209 = arith.constant 0 : i32
      %dma_start3A_210 = tpu.memref_slice %arg8[%add3A_202, %dma_start3A_209] : memref<42x256xi32, #tpu.memory_space<vmem>> -> memref<1x256xi32, #tpu.memory_space<vmem>>
      %dma_start3A_211 = tpu.memref_squeeze %dma_start3A_210 : memref<1x256xi32, #tpu.memory_space<vmem>> -> memref<256xi32, #tpu.memory_space<vmem>>
      %dma_start3A_212 = arith.constant 0 : i32
      %dma_start3A_213 = arith.constant 0 : i32
      %dma_start3A_214 = tpu.memref_slice %arg17[%dma_start3A_212, %dma_start3A_213] : memref<10112x32xf32, #tpu.memory_space<vmem_shared>> -> memref<10112x32xf32, #tpu.memory_space<vmem_shared>>
      tpu.enqueue_indirect_dma source(%arg13 : memref<256x32xf32, #tpu.memory_space<vmem>>) target(%dma_start3A_214 : memref<10112x32xf32, #tpu.memory_space<vmem_shared>>) offsets(%dma_start3A_211 : memref<256xi32, #tpu.memory_space<vmem>>) semaphore(%arg29 : memref<!tpu.dma_semaphore, #tpu.memory_space<semaphore_mem>>) {add = true}
      %add3A_215 = arith.constant 7 : i32
      %add3A_216 = arith.addi %add3A_202, %add3A_215 : i32
      %lt3A_217 = arith.constant 42 : i32
      %lt3A_218 = arith.cmpi slt, %add3A_216, %lt3A_217 : i32
      %convert_element_type3A_219 = arith.extui %lt3A_218 : i1 to i32
      %cond3A_220 = arith.constant 0 : i32
      %cond3A_221 = arith.cmpi ne, %convert_element_type3A_219, %cond3A_220 : i32
      scf.if %cond3A_221 {
        %dma_wait3A_264 = arith.constant 0 : i32
        %dma_wait3A_265 = tpu.memref_slice %arg8[%add3A_202, %dma_wait3A_264] : memref<42x256xi32, #tpu.memory_space<vmem>> -> memref<1x256xi32, #tpu.memory_space<vmem>>
        %dma_wait3A_266 = tpu.memref_squeeze %dma_wait3A_265 : memref<1x256xi32, #tpu.memory_space<vmem>> -> memref<256xi32, #tpu.memory_space<vmem>>
        %dma_wait3A_267 = arith.constant 0 : i32
        %dma_wait3A_268 = arith.constant 0 : i32
        %dma_wait3A_269 = tpu.memref_slice %arg17[%dma_wait3A_267, %dma_wait3A_268] : memref<10112x32xf32, #tpu.memory_space<vmem_shared>> -> memref<10112x32xf32, #tpu.memory_space<vmem_shared>>
        tpu.wait_indirect_dma semaphore(%arg29 : memref<!tpu.dma_semaphore, #tpu.memory_space<semaphore_mem>>) src(%arg13 : memref<256x32xf32, #tpu.memory_space<vmem>>) dst(%dma_wait3A_269 : memref<10112x32xf32, #tpu.memory_space<vmem_shared>>)
        %add3A_270 = arith.constant 7 : i32
        %add3A_271 = arith.addi %add3A_202, %add3A_270 : i32
        %dma_start3A_272 = arith.constant 0 : i32
        %dma_start3A_273 = tpu.memref_slice %arg7[%add3A_271, %dma_start3A_272] : memref<42x256xi32, #tpu.memory_space<vmem>> -> memref<1x256xi32, #tpu.memory_space<vmem>>
        %dma_start3A_274 = tpu.memref_squeeze %dma_start3A_273 : memref<1x256xi32, #tpu.memory_space<vmem>> -> memref<256xi32, #tpu.memory_space<vmem>>
        %dma_start3A_275 = arith.constant 0 : i32
        %dma_start3A_276 = arith.constant 0 : i32
        %dma_start3A_277 = tpu.memref_slice %arg16[%dma_start3A_275, %dma_start3A_276] : memref<10000x32xf32, #tpu.memory_space<vmem_shared>> -> memref<10000x32xf32, #tpu.memory_space<vmem_shared>>
        tpu.enqueue_indirect_dma source(%dma_start3A_277 : memref<10000x32xf32, #tpu.memory_space<vmem_shared>>) target(%arg13 : memref<256x32xf32, #tpu.memory_space<vmem>>) offsets(%dma_start3A_274 : memref<256xi32, #tpu.memory_space<vmem>>) semaphore(%arg22 : memref<!tpu.dma_semaphore, #tpu.memory_space<semaphore_mem>>)
      } else {
      }
      %add3A_222 = arith.constant 5 : i32
      %add3A_223 = arith.addi %mul3A_117, %add3A_222 : i32
      %dma_wait3A_224 = arith.constant 0 : i32
      %dma_wait3A_225 = tpu.memref_slice %arg7[%add3A_223, %dma_wait3A_224] : memref<42x256xi32, #tpu.memory_space<vmem>> -> memref<1x256xi32, #tpu.memory_space<vmem>>
      %dma_wait3A_226 = tpu.memref_squeeze %dma_wait3A_225 : memref<1x256xi32, #tpu.memory_space<vmem>> -> memref<256xi32, #tpu.memory_space<vmem>>
      %dma_wait3A_227 = arith.constant 0 : i32
      %dma_wait3A_228 = arith.constant 0 : i32
      %dma_wait3A_229 = tpu.memref_slice %arg16[%dma_wait3A_227, %dma_wait3A_228] : memref<10000x32xf32, #tpu.memory_space<vmem_shared>> -> memref<10000x32xf32, #tpu.memory_space<vmem_shared>>
      tpu.wait_indirect_dma semaphore(%arg23 : memref<!tpu.dma_semaphore, #tpu.memory_space<semaphore_mem>>) src(%dma_wait3A_229 : memref<10000x32xf32, #tpu.memory_space<vmem_shared>>) dst(%arg14 : memref<256x32xf32, #tpu.memory_space<vmem>>)
      %dma_start3A_230 = arith.constant 0 : i32
      %dma_start3A_231 = tpu.memref_slice %arg8[%add3A_223, %dma_start3A_230] : memref<42x256xi32, #tpu.memory_space<vmem>> -> memref<1x256xi32, #tpu.memory_space<vmem>>
      %dma_start3A_232 = tpu.memref_squeeze %dma_start3A_231 : memref<1x256xi32, #tpu.memory_space<vmem>> -> memref<256xi32, #tpu.memory_space<vmem>>
      %dma_start3A_233 = arith.constant 0 : i32
      %dma_start3A_234 = arith.constant 0 : i32
      %dma_start3A_235 = tpu.memref_slice %arg17[%dma_start3A_233, %dma_start3A_234] : memref<10112x32xf32, #tpu.memory_space<vmem_shared>> -> memref<10112x32xf32, #tpu.memory_space<vmem_shared>>
      tpu.enqueue_indirect_dma source(%arg14 : memref<256x32xf32, #tpu.memory_space<vmem>>) target(%dma_start3A_235 : memref<10112x32xf32, #tpu.memory_space<vmem_shared>>) offsets(%dma_start3A_232 : memref<256xi32, #tpu.memory_space<vmem>>) semaphore(%arg30 : memref<!tpu.dma_semaphore, #tpu.memory_space<semaphore_mem>>) {add = true}
      %add3A_236 = arith.constant 7 : i32
      %add3A_237 = arith.addi %add3A_223, %add3A_236 : i32
      %lt3A_238 = arith.constant 42 : i32
      %lt3A_239 = arith.cmpi slt, %add3A_237, %lt3A_238 : i32
      %convert_element_type3A_240 = arith.extui %lt3A_239 : i1 to i32
      %cond3A_241 = arith.constant 0 : i32
      %cond3A_242 = arith.cmpi ne, %convert_element_type3A_240, %cond3A_241 : i32
      scf.if %cond3A_242 {
        %dma_wait3A_264 = arith.constant 0 : i32
        %dma_wait3A_265 = tpu.memref_slice %arg8[%add3A_223, %dma_wait3A_264] : memref<42x256xi32, #tpu.memory_space<vmem>> -> memref<1x256xi32, #tpu.memory_space<vmem>>
        %dma_wait3A_266 = tpu.memref_squeeze %dma_wait3A_265 : memref<1x256xi32, #tpu.memory_space<vmem>> -> memref<256xi32, #tpu.memory_space<vmem>>
        %dma_wait3A_267 = arith.constant 0 : i32
        %dma_wait3A_268 = arith.constant 0 : i32
        %dma_wait3A_269 = tpu.memref_slice %arg17[%dma_wait3A_267, %dma_wait3A_268] : memref<10112x32xf32, #tpu.memory_space<vmem_shared>> -> memref<10112x32xf32, #tpu.memory_space<vmem_shared>>
        tpu.wait_indirect_dma semaphore(%arg30 : memref<!tpu.dma_semaphore, #tpu.memory_space<semaphore_mem>>) src(%arg14 : memref<256x32xf32, #tpu.memory_space<vmem>>) dst(%dma_wait3A_269 : memref<10112x32xf32, #tpu.memory_space<vmem_shared>>)
        %add3A_270 = arith.constant 7 : i32
        %add3A_271 = arith.addi %add3A_223, %add3A_270 : i32
        %dma_start3A_272 = arith.constant 0 : i32
        %dma_start3A_273 = tpu.memref_slice %arg7[%add3A_271, %dma_start3A_272] : memref<42x256xi32, #tpu.memory_space<vmem>> -> memref<1x256xi32, #tpu.memory_space<vmem>>
        %dma_start3A_274 = tpu.memref_squeeze %dma_start3A_273 : memref<1x256xi32, #tpu.memory_space<vmem>> -> memref<256xi32, #tpu.memory_space<vmem>>
        %dma_start3A_275 = arith.constant 0 : i32
        %dma_start3A_276 = arith.constant 0 : i32
        %dma_start3A_277 = tpu.memref_slice %arg16[%dma_start3A_275, %dma_start3A_276] : memref<10000x32xf32, #tpu.memory_space<vmem_shared>> -> memref<10000x32xf32, #tpu.memory_space<vmem_shared>>
        tpu.enqueue_indirect_dma source(%dma_start3A_277 : memref<10000x32xf32, #tpu.memory_space<vmem_shared>>) target(%arg14 : memref<256x32xf32, #tpu.memory_space<vmem>>) offsets(%dma_start3A_274 : memref<256xi32, #tpu.memory_space<vmem>>) semaphore(%arg23 : memref<!tpu.dma_semaphore, #tpu.memory_space<semaphore_mem>>)
      } else {
      }
      %add3A_243 = arith.constant 6 : i32
      %add3A_244 = arith.addi %mul3A_117, %add3A_243 : i32
      %dma_wait3A_245 = arith.constant 0 : i32
      %dma_wait3A_246 = tpu.memref_slice %arg7[%add3A_244, %dma_wait3A_245] : memref<42x256xi32, #tpu.memory_space<vmem>> -> memref<1x256xi32, #tpu.memory_space<vmem>>
      %dma_wait3A_247 = tpu.memref_squeeze %dma_wait3A_246 : memref<1x256xi32, #tpu.memory_space<vmem>> -> memref<256xi32, #tpu.memory_space<vmem>>
      %dma_wait3A_248 = arith.constant 0 : i32
      %dma_wait3A_249 = arith.constant 0 : i32
      %dma_wait3A_250 = tpu.memref_slice %arg16[%dma_wait3A_248, %dma_wait3A_249] : memref<10000x32xf32, #tpu.memory_space<vmem_shared>> -> memref<10000x32xf32, #tpu.memory_space<vmem_shared>>
      tpu.wait_indirect_dma semaphore(%arg24 : memref<!tpu.dma_semaphore, #tpu.memory_space<semaphore_mem>>) src(%dma_wait3A_250 : memref<10000x32xf32, #tpu.memory_space<vmem_shared>>) dst(%arg15 : memref<256x32xf32, #tpu.memory_space<vmem>>)
      %dma_start3A_251 = arith.constant 0 : i32
      %dma_start3A_252 = tpu.memref_slice %arg8[%add3A_244, %dma_start3A_251] : memref<42x256xi32, #tpu.memory_space<vmem>> -> memref<1x256xi32, #tpu.memory_space<vmem>>
      %dma_start3A_253 = tpu.memref_squeeze %dma_start3A_252 : memref<1x256xi32, #tpu.memory_space<vmem>> -> memref<256xi32, #tpu.memory_space<vmem>>
      %dma_start3A_254 = arith.constant 0 : i32
      %dma_start3A_255 = arith.constant 0 : i32
      %dma_start3A_256 = tpu.memref_slice %arg17[%dma_start3A_254, %dma_start3A_255] : memref<10112x32xf32, #tpu.memory_space<vmem_shared>> -> memref<10112x32xf32, #tpu.memory_space<vmem_shared>>
      tpu.enqueue_indirect_dma source(%arg15 : memref<256x32xf32, #tpu.memory_space<vmem>>) target(%dma_start3A_256 : memref<10112x32xf32, #tpu.memory_space<vmem_shared>>) offsets(%dma_start3A_253 : memref<256xi32, #tpu.memory_space<vmem>>) semaphore(%arg31 : memref<!tpu.dma_semaphore, #tpu.memory_space<semaphore_mem>>) {add = true}
      %add3A_257 = arith.constant 7 : i32
      %add3A_258 = arith.addi %add3A_244, %add3A_257 : i32
      %lt3A_259 = arith.constant 42 : i32
      %lt3A_260 = arith.cmpi slt, %add3A_258, %lt3A_259 : i32
      %convert_element_type3A_261 = arith.extui %lt3A_260 : i1 to i32
      %cond3A_262 = arith.constant 0 : i32
      %cond3A_263 = arith.cmpi ne, %convert_element_type3A_261, %cond3A_262 : i32
      scf.if %cond3A_263 {
        %dma_wait3A_264 = arith.constant 0 : i32
        %dma_wait3A_265 = tpu.memref_slice %arg8[%add3A_244, %dma_wait3A_264] : memref<42x256xi32, #tpu.memory_space<vmem>> -> memref<1x256xi32, #tpu.memory_space<vmem>>
        %dma_wait3A_266 = tpu.memref_squeeze %dma_wait3A_265 : memref<1x256xi32, #tpu.memory_space<vmem>> -> memref<256xi32, #tpu.memory_space<vmem>>
        %dma_wait3A_267 = arith.constant 0 : i32
        %dma_wait3A_268 = arith.constant 0 : i32
        %dma_wait3A_269 = tpu.memref_slice %arg17[%dma_wait3A_267, %dma_wait3A_268] : memref<10112x32xf32, #tpu.memory_space<vmem_shared>> -> memref<10112x32xf32, #tpu.memory_space<vmem_shared>>
        tpu.wait_indirect_dma semaphore(%arg31 : memref<!tpu.dma_semaphore, #tpu.memory_space<semaphore_mem>>) src(%arg15 : memref<256x32xf32, #tpu.memory_space<vmem>>) dst(%dma_wait3A_269 : memref<10112x32xf32, #tpu.memory_space<vmem_shared>>)
        %add3A_270 = arith.constant 7 : i32
        %add3A_271 = arith.addi %add3A_244, %add3A_270 : i32
        %dma_start3A_272 = arith.constant 0 : i32
        %dma_start3A_273 = tpu.memref_slice %arg7[%add3A_271, %dma_start3A_272] : memref<42x256xi32, #tpu.memory_space<vmem>> -> memref<1x256xi32, #tpu.memory_space<vmem>>
        %dma_start3A_274 = tpu.memref_squeeze %dma_start3A_273 : memref<1x256xi32, #tpu.memory_space<vmem>> -> memref<256xi32, #tpu.memory_space<vmem>>
        %dma_start3A_275 = arith.constant 0 : i32
        %dma_start3A_276 = arith.constant 0 : i32
        %dma_start3A_277 = tpu.memref_slice %arg16[%dma_start3A_275, %dma_start3A_276] : memref<10000x32xf32, #tpu.memory_space<vmem_shared>> -> memref<10000x32xf32, #tpu.memory_space<vmem_shared>>
        tpu.enqueue_indirect_dma source(%dma_start3A_277 : memref<10000x32xf32, #tpu.memory_space<vmem_shared>>) target(%arg15 : memref<256x32xf32, #tpu.memory_space<vmem>>) offsets(%dma_start3A_274 : memref<256xi32, #tpu.memory_space<vmem>>) semaphore(%arg24 : memref<!tpu.dma_semaphore, #tpu.memory_space<semaphore_mem>>)
      } else {
      }
    }
    %scan3A_61 = arith.constant 6 : i32
    %dma_wait3A = arith.constant 35 : i32
    %dma_wait3A_62 = arith.constant 0 : i32
    %dma_wait3A_63 = tpu.memref_slice %arg8[%dma_wait3A, %dma_wait3A_62] : memref<42x256xi32, #tpu.memory_space<vmem>> -> memref<1x256xi32, #tpu.memory_space<vmem>>
    %dma_wait3A_64 = tpu.memref_squeeze %dma_wait3A_63 : memref<1x256xi32, #tpu.memory_space<vmem>> -> memref<256xi32, #tpu.memory_space<vmem>>
    %dma_wait3A_65 = arith.constant 0 : i32
    %dma_wait3A_66 = arith.constant 0 : i32
    %dma_wait3A_67 = tpu.memref_slice %arg17[%dma_wait3A_65, %dma_wait3A_66] : memref<10112x32xf32, #tpu.memory_space<vmem_shared>> -> memref<10112x32xf32, #tpu.memory_space<vmem_shared>>
    tpu.wait_indirect_dma semaphore(%arg25 : memref<!tpu.dma_semaphore, #tpu.memory_space<semaphore_mem>>) src(%arg9 : memref<256x32xf32, #tpu.memory_space<vmem>>) dst(%dma_wait3A_67 : memref<10112x32xf32, #tpu.memory_space<vmem_shared>>)
    %dma_wait3A_68 = arith.constant 36 : i32
    %dma_wait3A_69 = arith.constant 0 : i32
    %dma_wait3A_70 = tpu.memref_slice %arg8[%dma_wait3A_68, %dma_wait3A_69] : memref<42x256xi32, #tpu.memory_space<vmem>> -> memref<1x256xi32, #tpu.memory_space<vmem>>
    %dma_wait3A_71 = tpu.memref_squeeze %dma_wait3A_70 : memref<1x256xi32, #tpu.memory_space<vmem>> -> memref<256xi32, #tpu.memory_space<vmem>>
    %dma_wait3A_72 = arith.constant 0 : i32
    %dma_wait3A_73 = arith.constant 0 : i32
    %dma_wait3A_74 = tpu.memref_slice %arg17[%dma_wait3A_72, %dma_wait3A_73] : memref<10112x32xf32, #tpu.memory_space<vmem_shared>> -> memref<10112x32xf32, #tpu.memory_space<vmem_shared>>
    tpu.wait_indirect_dma semaphore(%arg26 : memref<!tpu.dma_semaphore, #tpu.memory_space<semaphore_mem>>) src(%arg10 : memref<256x32xf32, #tpu.memory_space<vmem>>) dst(%dma_wait3A_74 : memref<10112x32xf32, #tpu.memory_space<vmem_shared>>)
    %dma_wait3A_75 = arith.constant 37 : i32
    %dma_wait3A_76 = arith.constant 0 : i32
    %dma_wait3A_77 = tpu.memref_slice %arg8[%dma_wait3A_75, %dma_wait3A_76] : memref<42x256xi32, #tpu.memory_space<vmem>> -> memref<1x256xi32, #tpu.memory_space<vmem>>
    %dma_wait3A_78 = tpu.memref_squeeze %dma_wait3A_77 : memref<1x256xi32, #tpu.memory_space<vmem>> -> memref<256xi32, #tpu.memory_space<vmem>>
    %dma_wait3A_79 = arith.constant 0 : i32
    %dma_wait3A_80 = arith.constant 0 : i32
    %dma_wait3A_81 = tpu.memref_slice %arg17[%dma_wait3A_79, %dma_wait3A_80] : memref<10112x32xf32, #tpu.memory_space<vmem_shared>> -> memref<10112x32xf32, #tpu.memory_space<vmem_shared>>
    tpu.wait_indirect_dma semaphore(%arg27 : memref<!tpu.dma_semaphore, #tpu.memory_space<semaphore_mem>>) src(%arg11 : memref<256x32xf32, #tpu.memory_space<vmem>>) dst(%dma_wait3A_81 : memref<10112x32xf32, #tpu.memory_space<vmem_shared>>)
    %dma_wait3A_82 = arith.constant 38 : i32
    %dma_wait3A_83 = arith.constant 0 : i32
    %dma_wait3A_84 = tpu.memref_slice %arg8[%dma_wait3A_82, %dma_wait3A_83] : memref<42x256xi32, #tpu.memory_space<vmem>> -> memref<1x256xi32, #tpu.memory_space<vmem>>
    %dma_wait3A_85 = tpu.memref_squeeze %dma_wait3A_84 : memref<1x256xi32, #tpu.memory_space<vmem>> -> memref<256xi32, #tpu.memory_space<vmem>>
    %dma_wait3A_86 = arith.constant 0 : i32
    %dma_wait3A_87 = arith.constant 0 : i32
    %dma_wait3A_88 = tpu.memref_slice %arg17[%dma_wait3A_86, %dma_wait3A_87] : memref<10112x32xf32, #tpu.memory_space<vmem_shared>> -> memref<10112x32xf32, #tpu.memory_space<vmem_shared>>
    tpu.wait_indirect_dma semaphore(%arg28 : memref<!tpu.dma_semaphore, #tpu.memory_space<semaphore_mem>>) src(%arg12 : memref<256x32xf32, #tpu.memory_space<vmem>>) dst(%dma_wait3A_88 : memref<10112x32xf32, #tpu.memory_space<vmem_shared>>)
    %dma_wait3A_89 = arith.constant 39 : i32
    %dma_wait3A_90 = arith.constant 0 : i32
    %dma_wait3A_91 = tpu.memref_slice %arg8[%dma_wait3A_89, %dma_wait3A_90] : memref<42x256xi32, #tpu.memory_space<vmem>> -> memref<1x256xi32, #tpu.memory_space<vmem>>
    %dma_wait3A_92 = tpu.memref_squeeze %dma_wait3A_91 : memref<1x256xi32, #tpu.memory_space<vmem>> -> memref<256xi32, #tpu.memory_space<vmem>>
    %dma_wait3A_93 = arith.constant 0 : i32
    %dma_wait3A_94 = arith.constant 0 : i32
    %dma_wait3A_95 = tpu.memref_slice %arg17[%dma_wait3A_93, %dma_wait3A_94] : memref<10112x32xf32, #tpu.memory_space<vmem_shared>> -> memref<10112x32xf32, #tpu.memory_space<vmem_shared>>
    tpu.wait_indirect_dma semaphore(%arg29 : memref<!tpu.dma_semaphore, #tpu.memory_space<semaphore_mem>>) src(%arg13 : memref<256x32xf32, #tpu.memory_space<vmem>>) dst(%dma_wait3A_95 : memref<10112x32xf32, #tpu.memory_space<vmem_shared>>)
    %dma_wait3A_96 = arith.constant 40 : i32
    %dma_wait3A_97 = arith.constant 0 : i32
    %dma_wait3A_98 = tpu.memref_slice %arg8[%dma_wait3A_96, %dma_wait3A_97] : memref<42x256xi32, #tpu.memory_space<vmem>> -> memref<1x256xi32, #tpu.memory_space<vmem>>
    %dma_wait3A_99 = tpu.memref_squeeze %dma_wait3A_98 : memref<1x256xi32, #tpu.memory_space<vmem>> -> memref<256xi32, #tpu.memory_space<vmem>>
    %dma_wait3A_100 = arith.constant 0 : i32
    %dma_wait3A_101 = arith.constant 0 : i32
    %dma_wait3A_102 = tpu.memref_slice %arg17[%dma_wait3A_100, %dma_wait3A_101] : memref<10112x32xf32, #tpu.memory_space<vmem_shared>> -> memref<10112x32xf32, #tpu.memory_space<vmem_shared>>
    tpu.wait_indirect_dma semaphore(%arg30 : memref<!tpu.dma_semaphore, #tpu.memory_space<semaphore_mem>>) src(%arg14 : memref<256x32xf32, #tpu.memory_space<vmem>>) dst(%dma_wait3A_102 : memref<10112x32xf32, #tpu.memory_space<vmem_shared>>)
    %dma_wait3A_103 = arith.constant 41 : i32
    %dma_wait3A_104 = arith.constant 0 : i32
    %dma_wait3A_105 = tpu.memref_slice %arg8[%dma_wait3A_103, %dma_wait3A_104] : memref<42x256xi32, #tpu.memory_space<vmem>> -> memref<1x256xi32, #tpu.memory_space<vmem>>
    %dma_wait3A_106 = tpu.memref_squeeze %dma_wait3A_105 : memref<1x256xi32, #tpu.memory_space<vmem>> -> memref<256xi32, #tpu.memory_space<vmem>>
    %dma_wait3A_107 = arith.constant 0 : i32
    %dma_wait3A_108 = arith.constant 0 : i32
    %dma_wait3A_109 = tpu.memref_slice %arg17[%dma_wait3A_107, %dma_wait3A_108] : memref<10112x32xf32, #tpu.memory_space<vmem_shared>> -> memref<10112x32xf32, #tpu.memory_space<vmem_shared>>
    tpu.wait_indirect_dma semaphore(%arg31 : memref<!tpu.dma_semaphore, #tpu.memory_space<semaphore_mem>>) src(%arg15 : memref<256x32xf32, #tpu.memory_space<vmem>>) dst(%dma_wait3A_109 : memref<10112x32xf32, #tpu.memory_space<vmem_shared>>)
    %barrier3A_110 = arith.constant 0 : index
    tpu.barrier barrier_id(%barrier3A_110)
    %mul3A_111 = arith.constant 632 : i32
    %mul3A_112 = arith.muli %arg1, %mul3A_111 : i32
    %mul3A_113 = arith.constant 632 : i32
    %mul3A_114 = arith.muli %arg1, %mul3A_113 : i32
    "tpu.region"() ({
      %run_scoped3A = tpu.sem_alloc : memref<!tpu.dma_semaphore, #tpu.memory_space<semaphore_mem>>
      %dma_start3A_115 = arith.constant 0 : i32
      %dma_start3A_116 = tpu.memref_slice %arg6[%arg0, %mul3A_114, %dma_start3A_115] : memref<2x10112x32xf32, #tpu.memory_space<hbm>> -> memref<1x632x32xf32, #tpu.memory_space<hbm>>
      %dma_start3A_117 = tpu.memref_squeeze %dma_start3A_116 : memref<1x632x32xf32, #tpu.memory_space<hbm>> -> memref<632x32xf32, #tpu.memory_space<hbm>>
      %dma_start3A_118 = arith.constant 0 : i32
      %dma_start3A_119 = tpu.memref_slice %arg17[%mul3A_112, %dma_start3A_118] : memref<10112x32xf32, #tpu.memory_space<vmem_shared>> -> memref<632x32xf32, #tpu.memory_space<vmem_shared>>
      tpu.enqueue_dma source(%dma_start3A_119 : memref<632x32xf32, #tpu.memory_space<vmem_shared>>) target(%dma_start3A_117 : memref<632x32xf32, #tpu.memory_space<hbm>>) target_semaphore(%run_scoped3A : memref<!tpu.dma_semaphore, #tpu.memory_space<semaphore_mem>>)
      %dma_wait3A_120 = arith.constant 0 : i32
      %dma_wait3A_121 = tpu.memref_slice %arg6[%arg0, %mul3A_114, %dma_wait3A_120] : memref<2x10112x32xf32, #tpu.memory_space<hbm>> -> memref<1x632x32xf32, #tpu.memory_space<hbm>>
      %dma_wait3A_122 = tpu.memref_squeeze %dma_wait3A_121 : memref<1x632x32xf32, #tpu.memory_space<hbm>> -> memref<632x32xf32, #tpu.memory_space<hbm>>
      %dma_wait3A_123 = arith.constant 0 : i32
      %dma_wait3A_124 = tpu.memref_slice %arg17[%mul3A_112, %dma_wait3A_123] : memref<10112x32xf32, #tpu.memory_space<vmem_shared>> -> memref<632x32xf32, #tpu.memory_space<vmem_shared>>
      tpu.wait_dma2 semaphore(%run_scoped3A : memref<!tpu.dma_semaphore, #tpu.memory_space<semaphore_mem>>) src(%dma_wait3A_124 : memref<632x32xf32, #tpu.memory_space<vmem_shared>>) dst(%dma_wait3A_122 : memref<632x32xf32, #tpu.memory_space<hbm>>)
      tpu.yield
    }) : () -> ()
    return
  }
}

module attributes {stable_mosaic.version = 14 : i64} {
  func.func @body(%arg0: i32, %arg1: memref<2000x128xf32, #tpu.memory_space<vmem>>, %arg2: memref<128x64xf32, #tpu.memory_space<vmem>>, %arg3: memref<2000x64xf32, #tpu.memory_space<vmem>>) attributes {dimension_semantics = [#tpu.dimension_semantics<arbitrary>], iteration_bounds = array<i64: 5>, scalar_prefetch = 0 : i64, scratch_operands = 0 : i64, tpu.core_type = #tpu.core_type<tc>, window_params = [{transform_indices = @transform_0, window_bounds = array<i64: 2000, 128>}, {pipeline_mode = #tpu.pipeline_mode<synchronous>, transform_indices = @transform_1, window_bounds = array<i64: 128, 64>}, {transform_indices = @transform_2, window_bounds = array<i64: 2000, 64>}]} {
    %get3A = arith.constant 0 : index
    %get3A_0 = arith.constant 0 : index
    %get3A_1 = vector.load %arg1[%get3A, %get3A_0] : memref<2000x128xf32, #tpu.memory_space<vmem>>, vector<2000x128xf32>
    %get3A_2 = arith.constant 0 : index
    %get3A_3 = arith.constant 0 : index
    %get3A_4 = vector.load %arg2[%get3A_2, %get3A_3] : memref<128x64xf32, #tpu.memory_space<vmem>>, vector<128x64xf32>
    %dot_general3A = arith.constant dense<0.000000e+00> : vector<2000x64xf32>
    %dot_general3A_5 = tpu.matmul %get3A_1, %get3A_4, %dot_general3A {dimension_numbers = #tpu.dot_dimension_numbers<[1], [0], [0], [1], [0, 0, 1, 1], [], []>, precision = #tpu.contract_precision<fp32>, transpose_lhs_hint = false} : vector<2000x128xf32>, vector<128x64xf32>, vector<2000x64xf32> -> vector<2000x64xf32>
    %swap3A = arith.constant 0 : index
    %swap3A_6 = arith.constant 0 : index
    %swap3A_7 = vector.load %arg3[%swap3A, %swap3A_6] : memref<2000x64xf32, #tpu.memory_space<vmem>>, vector<2000x64xf32>
    tpu.vector_store %arg3[%swap3A, %swap3A_6], %dot_general3A_5 {strides = array<i32>} : memref<2000x64xf32, #tpu.memory_space<vmem>>, vector<2000x64xf32>,
    return
  }
  func.func @transform_0(%arg0: i32) -> (i32, i32) {
    %c0_i32 = arith.constant 0 : i32
    %c0_i32_0 = arith.constant 0 : i32
    return %arg0, %c0_i32 : i32, i32
  }
  func.func @transform_1(%arg0: i32) -> (i32, i32) {
    %c0_i32 = arith.constant 0 : i32
    %c0_i32_0 = arith.constant 0 : i32
    %c0_i32_1 = arith.constant 0 : i32
    return %c0_i32, %c0_i32_0 : i32, i32
  }
  func.func @transform_2(%arg0: i32) -> (i32, i32) {
    %c0_i32 = arith.constant 0 : i32
    %c0_i32_0 = arith.constant 0 : i32
    return %arg0, %c0_i32 : i32, i32
  }
}

module attributes {stable_mosaic.version = 14 : i64} {
  func.func @body(%arg0: i32, %arg1: memref<2x2000x8xf32, #tpu.memory_space<vmem>>, %arg2: memref<2000x64xf32, #tpu.memory_space<vmem>>, %arg3: memref<2000x1xf32, #tpu.memory_space<vmem>>, %arg4: memref<2000x64xf32, #tpu.memory_space<vmem>>) attributes {dimension_semantics = [#tpu.dimension_semantics<arbitrary>], iteration_bounds = array<i64: 5>, scalar_prefetch = 0 : i64, scratch_operands = 0 : i64, tpu.core_type = #tpu.core_type<tc>, window_params = [{transform_indices = @transform_0, window_bounds = array<i64: 2, 2000, 8>}, {transform_indices = @transform_1, window_bounds = array<i64: 2000, 64>}, {transform_indices = @transform_2, window_bounds = array<i64: 2000, 1>}, {transform_indices = @transform_3, window_bounds = array<i64: 2000, 64>}]} {
    %get3A = arith.constant 0 : index
    %get3A_0 = arith.constant 0 : index
    %get3A_1 = arith.constant 0 : index
    %get3A_2 = vector.load %arg1[%get3A, %get3A_0, %get3A_1] : memref<2x2000x8xf32, #tpu.memory_space<vmem>>, vector<1x2000x1xf32>
    %get3A_3 = vector.shape_cast %get3A_2 : vector<1x2000x1xf32> to vector<2000x1xf32>
    %get3A_4 = arith.constant 1 : index
    %get3A_5 = arith.constant 0 : index
    %get3A_6 = arith.constant 0 : index
    %get3A_7 = vector.load %arg1[%get3A_4, %get3A_5, %get3A_6] : memref<2x2000x8xf32, #tpu.memory_space<vmem>>, vector<1x2000x1xf32>
    %get3A_8 = vector.shape_cast %get3A_7 : vector<1x2000x1xf32> to vector<2000x1xf32>
    %add3A = arith.addf %get3A_3, %get3A_8 : vector<2000x1xf32>
    %add3A_9 = arith.constant 1.000000e+00 : f32
    %add3A_10 = vector.broadcast %add3A_9 : f32 to vector<2000x1xf32>
    %add3A_11 = arith.addf %add3A, %add3A_10 : vector<2000x1xf32>
    %rsqrt3A = math.rsqrt %add3A_11 : vector<2000x1xf32>
    %swap3A = arith.constant 0 : index
    %swap3A_12 = arith.constant 0 : index
    %swap3A_13 = vector.load %arg3[%swap3A, %swap3A_12] : memref<2000x1xf32, #tpu.memory_space<vmem>>, vector<2000x1xf32>
    tpu.vector_store %arg3[%swap3A, %swap3A_12], %rsqrt3A {strides = array<i32>} : memref<2000x1xf32, #tpu.memory_space<vmem>>, vector<2000x1xf32>,
    %get3A_14 = arith.constant 0 : index
    %get3A_15 = arith.constant 0 : index
    %get3A_16 = vector.load %arg2[%get3A_14, %get3A_15] : memref<2000x64xf32, #tpu.memory_space<vmem>>, vector<2000x64xf32>
    %mul3A = vector.broadcast %rsqrt3A : vector<2000x1xf32> to vector<2000x64xf32>
    %mul3A_17 = arith.mulf %mul3A, %get3A_16 : vector<2000x64xf32>
    %swap3A_18 = arith.constant 0 : index
    %swap3A_19 = arith.constant 0 : index
    %swap3A_20 = vector.load %arg4[%swap3A_18, %swap3A_19] : memref<2000x64xf32, #tpu.memory_space<vmem>>, vector<2000x64xf32>
    tpu.vector_store %arg4[%swap3A_18, %swap3A_19], %mul3A_17 {strides = array<i32>} : memref<2000x64xf32, #tpu.memory_space<vmem>>, vector<2000x64xf32>,
    return
  }
  func.func @transform_0(%arg0: i32) -> (i32, i32, i32) {
    %c0_i32 = arith.constant 0 : i32
    %c0_i32_0 = arith.constant 0 : i32
    %c0_i32_1 = arith.constant 0 : i32
    return %c0_i32, %arg0, %c0_i32_0 : i32, i32, i32
  }
  func.func @transform_1(%arg0: i32) -> (i32, i32) {
    %c0_i32 = arith.constant 0 : i32
    %c0_i32_0 = arith.constant 0 : i32
    return %arg0, %c0_i32 : i32, i32
  }
  func.func @transform_2(%arg0: i32) -> (i32, i32) {
    %c0_i32 = arith.constant 0 : i32
    %c0_i32_0 = arith.constant 0 : i32
    return %arg0, %c0_i32 : i32, i32
  }
  func.func @transform_3(%arg0: i32) -> (i32, i32) {
    %c0_i32 = arith.constant 0 : i32
    %c0_i32_0 = arith.constant 0 : i32
    return %arg0, %c0_i32 : i32, i32
  }
}

module attributes {stable_mosaic.version = 14 : i64} {
  func.func @body(%arg0: i32, %arg1: memref<2x2000x64xf32, #tpu.memory_space<vmem>>, %arg2: memref<2000x64xf32, #tpu.memory_space<vmem>>, %arg3: memref<2000x1xf32, #tpu.memory_space<vmem>>, %arg4: memref<1x64xf32, #tpu.memory_space<vmem>>, %arg5: memref<64x32xf32, #tpu.memory_space<vmem>>, %arg6: memref<2000x32xf32, #tpu.memory_space<vmem>>) attributes {dimension_semantics = [#tpu.dimension_semantics<arbitrary>], iteration_bounds = array<i64: 5>, scalar_prefetch = 0 : i64, scratch_operands = 0 : i64, tpu.core_type = #tpu.core_type<tc>, window_params = [{transform_indices = @transform_0, window_bounds = array<i64: 2, 2000, 64>}, {transform_indices = @transform_1, window_bounds = array<i64: 2000, 64>}, {transform_indices = @transform_2, window_bounds = array<i64: 2000, 1>}, {pipeline_mode = #tpu.pipeline_mode<synchronous>, transform_indices = @transform_3, window_bounds = array<i64: 1, 64>}, {pipeline_mode = #tpu.pipeline_mode<synchronous>, transform_indices = @transform_4, window_bounds = array<i64: 64, 32>}, {transform_indices = @transform_5, window_bounds = array<i64: 2000, 32>}]} {
    %get3A = arith.constant 0 : index
    %get3A_0 = arith.constant 0 : index
    %get3A_1 = arith.constant 0 : index
    %get3A_2 = vector.load %arg1[%get3A, %get3A_0, %get3A_1] : memref<2x2000x64xf32, #tpu.memory_space<vmem>>, vector<1x2000x64xf32>
    %get3A_3 = vector.shape_cast %get3A_2 : vector<1x2000x64xf32> to vector<2000x64xf32>
    %get3A_4 = arith.constant 1 : index
    %get3A_5 = arith.constant 0 : index
    %get3A_6 = arith.constant 0 : index
    %get3A_7 = vector.load %arg1[%get3A_4, %get3A_5, %get3A_6] : memref<2x2000x64xf32, #tpu.memory_space<vmem>>, vector<1x2000x64xf32>
    %get3A_8 = vector.shape_cast %get3A_7 : vector<1x2000x64xf32> to vector<2000x64xf32>
    %add3A = arith.addf %get3A_3, %get3A_8 : vector<2000x64xf32>
    %get3A_9 = arith.constant 0 : index
    %get3A_10 = arith.constant 0 : index
    %get3A_11 = vector.load %arg2[%get3A_9, %get3A_10] : memref<2000x64xf32, #tpu.memory_space<vmem>>, vector<2000x64xf32>
    %add3A_12 = arith.addf %add3A, %get3A_11 : vector<2000x64xf32>
    %get3A_13 = arith.constant 0 : index
    %get3A_14 = arith.constant 0 : index
    %get3A_15 = vector.load %arg3[%get3A_13, %get3A_14] : memref<2000x1xf32, #tpu.memory_space<vmem>>, vector<2000x1xf32>
    %mul3A = vector.broadcast %get3A_15 : vector<2000x1xf32> to vector<2000x64xf32>
    %mul3A_16 = arith.mulf %mul3A, %add3A_12 : vector<2000x64xf32>
    %get3A_17 = arith.constant 0 : index
    %get3A_18 = arith.constant 0 : index
    %get3A_19 = vector.load %arg4[%get3A_17, %get3A_18] : memref<1x64xf32, #tpu.memory_space<vmem>>, vector<1x64xf32>
    %add3A_20 = vector.broadcast %get3A_19 : vector<1x64xf32> to vector<2000x64xf32>
    %add3A_21 = arith.addf %mul3A_16, %add3A_20 : vector<2000x64xf32>
    %max3A = arith.constant 0.000000e+00 : f32
    %max3A_22 = vector.broadcast %max3A : f32 to vector<2000x64xf32>
    %max3A_23 = arith.maximumf %add3A_21, %max3A_22 : vector<2000x64xf32>
    %get3A_24 = arith.constant 0 : index
    %get3A_25 = arith.constant 0 : index
    %get3A_26 = vector.load %arg3[%get3A_24, %get3A_25] : memref<2000x1xf32, #tpu.memory_space<vmem>>, vector<2000x1xf32>
    %get3A_27 = arith.constant 0 : index
    %get3A_28 = arith.constant 0 : index
    %get3A_29 = vector.load %arg5[%get3A_27, %get3A_28] : memref<64x32xf32, #tpu.memory_space<vmem>>, vector<64x32xf32>
    %dot_general3A = arith.constant dense<0.000000e+00> : vector<2000x32xf32>
    %dot_general3A_30 = tpu.matmul %max3A_23, %get3A_29, %dot_general3A {dimension_numbers = #tpu.dot_dimension_numbers<[1], [0], [0], [1], [0, 0, 1, 1], [], []>, precision = #tpu.contract_precision<fp32>, transpose_lhs_hint = false} : vector<2000x64xf32>, vector<64x32xf32>, vector<2000x32xf32> -> vector<2000x32xf32>
    %mul3A_31 = vector.broadcast %get3A_26 : vector<2000x1xf32> to vector<2000x32xf32>
    %mul3A_32 = arith.mulf %mul3A_31, %dot_general3A_30 : vector<2000x32xf32>
    %swap3A = arith.constant 0 : index
    %swap3A_33 = arith.constant 0 : index
    %swap3A_34 = vector.load %arg6[%swap3A, %swap3A_33] : memref<2000x32xf32, #tpu.memory_space<vmem>>, vector<2000x32xf32>
    tpu.vector_store %arg6[%swap3A, %swap3A_33], %mul3A_32 {strides = array<i32>} : memref<2000x32xf32, #tpu.memory_space<vmem>>, vector<2000x32xf32>,
    return
  }
  func.func @transform_0(%arg0: i32) -> (i32, i32, i32) {
    %c0_i32 = arith.constant 0 : i32
    %c0_i32_0 = arith.constant 0 : i32
    %c0_i32_1 = arith.constant 0 : i32
    return %c0_i32, %arg0, %c0_i32_0 : i32, i32, i32
  }
  func.func @transform_1(%arg0: i32) -> (i32, i32) {
    %c0_i32 = arith.constant 0 : i32
    %c0_i32_0 = arith.constant 0 : i32
    return %arg0, %c0_i32 : i32, i32
  }
  func.func @transform_2(%arg0: i32) -> (i32, i32) {
    %c0_i32 = arith.constant 0 : i32
    %c0_i32_0 = arith.constant 0 : i32
    return %arg0, %c0_i32 : i32, i32
  }
  func.func @transform_3(%arg0: i32) -> (i32, i32) {
    %c0_i32 = arith.constant 0 : i32
    %c0_i32_0 = arith.constant 0 : i32
    %c0_i32_1 = arith.constant 0 : i32
    return %c0_i32, %c0_i32_0 : i32, i32
  }
  func.func @transform_4(%arg0: i32) -> (i32, i32) {
    %c0_i32 = arith.constant 0 : i32
    %c0_i32_0 = arith.constant 0 : i32
    %c0_i32_1 = arith.constant 0 : i32
    return %c0_i32, %c0_i32_0 : i32, i32
  }
  func.func @transform_5(%arg0: i32) -> (i32, i32) {
    %c0_i32 = arith.constant 0 : i32
    %c0_i32_0 = arith.constant 0 : i32
    return %arg0, %c0_i32 : i32, i32
  }
}

module attributes {stable_mosaic.version = 14 : i64} {
  func.func @body(%arg0: i32, %arg1: memref<2x2000x32xf32, #tpu.memory_space<vmem>>, %arg2: memref<2000x32xf32, #tpu.memory_space<vmem>>, %arg3: memref<2000x1xf32, #tpu.memory_space<vmem>>, %arg4: memref<1x32xf32, #tpu.memory_space<vmem>>, %arg5: memref<32x32xf32, #tpu.memory_space<vmem>>, %arg6: memref<2000x32xf32, #tpu.memory_space<vmem>>) attributes {dimension_semantics = [#tpu.dimension_semantics<arbitrary>], iteration_bounds = array<i64: 5>, scalar_prefetch = 0 : i64, scratch_operands = 0 : i64, tpu.core_type = #tpu.core_type<tc>, window_params = [{transform_indices = @transform_0, window_bounds = array<i64: 2, 2000, 32>}, {transform_indices = @transform_1, window_bounds = array<i64: 2000, 32>}, {transform_indices = @transform_2, window_bounds = array<i64: 2000, 1>}, {pipeline_mode = #tpu.pipeline_mode<synchronous>, transform_indices = @transform_3, window_bounds = array<i64: 1, 32>}, {pipeline_mode = #tpu.pipeline_mode<synchronous>, transform_indices = @transform_4, window_bounds = array<i64: 32, 32>}, {transform_indices = @transform_5, window_bounds = array<i64: 2000, 32>}]} {
    %get3A = arith.constant 0 : index
    %get3A_0 = arith.constant 0 : index
    %get3A_1 = arith.constant 0 : index
    %get3A_2 = vector.load %arg1[%get3A, %get3A_0, %get3A_1] : memref<2x2000x32xf32, #tpu.memory_space<vmem>>, vector<1x2000x32xf32>
    %get3A_3 = vector.shape_cast %get3A_2 : vector<1x2000x32xf32> to vector<2000x32xf32>
    %get3A_4 = arith.constant 1 : index
    %get3A_5 = arith.constant 0 : index
    %get3A_6 = arith.constant 0 : index
    %get3A_7 = vector.load %arg1[%get3A_4, %get3A_5, %get3A_6] : memref<2x2000x32xf32, #tpu.memory_space<vmem>>, vector<1x2000x32xf32>
    %get3A_8 = vector.shape_cast %get3A_7 : vector<1x2000x32xf32> to vector<2000x32xf32>
    %add3A = arith.addf %get3A_3, %get3A_8 : vector<2000x32xf32>
    %get3A_9 = arith.constant 0 : index
    %get3A_10 = arith.constant 0 : index
    %get3A_11 = vector.load %arg2[%get3A_9, %get3A_10] : memref<2000x32xf32, #tpu.memory_space<vmem>>, vector<2000x32xf32>
    %add3A_12 = arith.addf %add3A, %get3A_11 : vector<2000x32xf32>
    %get3A_13 = arith.constant 0 : index
    %get3A_14 = arith.constant 0 : index
    %get3A_15 = vector.load %arg3[%get3A_13, %get3A_14] : memref<2000x1xf32, #tpu.memory_space<vmem>>, vector<2000x1xf32>
    %mul3A = vector.broadcast %get3A_15 : vector<2000x1xf32> to vector<2000x32xf32>
    %mul3A_16 = arith.mulf %mul3A, %add3A_12 : vector<2000x32xf32>
    %get3A_17 = arith.constant 0 : index
    %get3A_18 = arith.constant 0 : index
    %get3A_19 = vector.load %arg4[%get3A_17, %get3A_18] : memref<1x32xf32, #tpu.memory_space<vmem>>, vector<1x32xf32>
    %add3A_20 = vector.broadcast %get3A_19 : vector<1x32xf32> to vector<2000x32xf32>
    %add3A_21 = arith.addf %mul3A_16, %add3A_20 : vector<2000x32xf32>
    %max3A = arith.constant 0.000000e+00 : f32
    %max3A_22 = vector.broadcast %max3A : f32 to vector<2000x32xf32>
    %max3A_23 = arith.maximumf %add3A_21, %max3A_22 : vector<2000x32xf32>
    %get3A_24 = arith.constant 0 : index
    %get3A_25 = arith.constant 0 : index
    %get3A_26 = vector.load %arg3[%get3A_24, %get3A_25] : memref<2000x1xf32, #tpu.memory_space<vmem>>, vector<2000x1xf32>
    %get3A_27 = arith.constant 0 : index
    %get3A_28 = arith.constant 0 : index
    %get3A_29 = vector.load %arg5[%get3A_27, %get3A_28] : memref<32x32xf32, #tpu.memory_space<vmem>>, vector<32x32xf32>
    %dot_general3A = arith.constant dense<0.000000e+00> : vector<2000x32xf32>
    %dot_general3A_30 = tpu.matmul %max3A_23, %get3A_29, %dot_general3A {dimension_numbers = #tpu.dot_dimension_numbers<[1], [0], [0], [1], [0, 0, 1, 1], [], []>, precision = #tpu.contract_precision<fp32>, transpose_lhs_hint = false} : vector<2000x32xf32>, vector<32x32xf32>, vector<2000x32xf32> -> vector<2000x32xf32>
    %mul3A_31 = vector.broadcast %get3A_26 : vector<2000x1xf32> to vector<2000x32xf32>
    %mul3A_32 = arith.mulf %mul3A_31, %dot_general3A_30 : vector<2000x32xf32>
    %swap3A = arith.constant 0 : index
    %swap3A_33 = arith.constant 0 : index
    %swap3A_34 = vector.load %arg6[%swap3A, %swap3A_33] : memref<2000x32xf32, #tpu.memory_space<vmem>>, vector<2000x32xf32>
    tpu.vector_store %arg6[%swap3A, %swap3A_33], %mul3A_32 {strides = array<i32>} : memref<2000x32xf32, #tpu.memory_space<vmem>>, vector<2000x32xf32>,
    return
  }
  func.func @transform_0(%arg0: i32) -> (i32, i32, i32) {
    %c0_i32 = arith.constant 0 : i32
    %c0_i32_0 = arith.constant 0 : i32
    %c0_i32_1 = arith.constant 0 : i32
    return %c0_i32, %arg0, %c0_i32_0 : i32, i32, i32
  }
  func.func @transform_1(%arg0: i32) -> (i32, i32) {
    %c0_i32 = arith.constant 0 : i32
    %c0_i32_0 = arith.constant 0 : i32
    return %arg0, %c0_i32 : i32, i32
  }
  func.func @transform_2(%arg0: i32) -> (i32, i32) {
    %c0_i32 = arith.constant 0 : i32
    %c0_i32_0 = arith.constant 0 : i32
    return %arg0, %c0_i32 : i32, i32
  }
  func.func @transform_3(%arg0: i32) -> (i32, i32) {
    %c0_i32 = arith.constant 0 : i32
    %c0_i32_0 = arith.constant 0 : i32
    %c0_i32_1 = arith.constant 0 : i32
    return %c0_i32, %c0_i32_0 : i32, i32
  }
  func.func @transform_4(%arg0: i32) -> (i32, i32) {
    %c0_i32 = arith.constant 0 : i32
    %c0_i32_0 = arith.constant 0 : i32
    %c0_i32_1 = arith.constant 0 : i32
    return %c0_i32, %c0_i32_0 : i32, i32
  }
  func.func @transform_5(%arg0: i32) -> (i32, i32) {
    %c0_i32 = arith.constant 0 : i32
    %c0_i32_0 = arith.constant 0 : i32
    return %arg0, %c0_i32 : i32, i32
  }
}

module attributes {stable_mosaic.version = 14 : i64} {
  func.func @body(%arg0: i32, %arg1: memref<2x2000x32xf32, #tpu.memory_space<vmem>>, %arg2: memref<2000x32xf32, #tpu.memory_space<vmem>>, %arg3: memref<2000x1xf32, #tpu.memory_space<vmem>>, %arg4: memref<1x32xf32, #tpu.memory_space<vmem>>, %arg5: memref<2000x32xf32, #tpu.memory_space<vmem>>) attributes {dimension_semantics = [#tpu.dimension_semantics<arbitrary>], iteration_bounds = array<i64: 5>, scalar_prefetch = 0 : i64, scratch_operands = 0 : i64, tpu.core_type = #tpu.core_type<tc>, window_params = [{transform_indices = @transform_0, window_bounds = array<i64: 2, 2000, 32>}, {transform_indices = @transform_1, window_bounds = array<i64: 2000, 32>}, {transform_indices = @transform_2, window_bounds = array<i64: 2000, 1>}, {pipeline_mode = #tpu.pipeline_mode<synchronous>, transform_indices = @transform_3, window_bounds = array<i64: 1, 32>}, {transform_indices = @transform_4, window_bounds = array<i64: 2000, 32>}]} {
    %get3A = arith.constant 0 : index
    %get3A_0 = arith.constant 0 : index
    %get3A_1 = arith.constant 0 : index
    %get3A_2 = vector.load %arg1[%get3A, %get3A_0, %get3A_1] : memref<2x2000x32xf32, #tpu.memory_space<vmem>>, vector<1x2000x32xf32>
    %get3A_3 = vector.shape_cast %get3A_2 : vector<1x2000x32xf32> to vector<2000x32xf32>
    %get3A_4 = arith.constant 1 : index
    %get3A_5 = arith.constant 0 : index
    %get3A_6 = arith.constant 0 : index
    %get3A_7 = vector.load %arg1[%get3A_4, %get3A_5, %get3A_6] : memref<2x2000x32xf32, #tpu.memory_space<vmem>>, vector<1x2000x32xf32>
    %get3A_8 = vector.shape_cast %get3A_7 : vector<1x2000x32xf32> to vector<2000x32xf32>
    %add3A = arith.addf %get3A_3, %get3A_8 : vector<2000x32xf32>
    %get3A_9 = arith.constant 0 : index
    %get3A_10 = arith.constant 0 : index
    %get3A_11 = vector.load %arg2[%get3A_9, %get3A_10] : memref<2000x32xf32, #tpu.memory_space<vmem>>, vector<2000x32xf32>
    %add3A_12 = arith.addf %add3A, %get3A_11 : vector<2000x32xf32>
    %get3A_13 = arith.constant 0 : index
    %get3A_14 = arith.constant 0 : index
    %get3A_15 = vector.load %arg3[%get3A_13, %get3A_14] : memref<2000x1xf32, #tpu.memory_space<vmem>>, vector<2000x1xf32>
    %mul3A = vector.broadcast %get3A_15 : vector<2000x1xf32> to vector<2000x32xf32>
    %mul3A_16 = arith.mulf %mul3A, %add3A_12 : vector<2000x32xf32>
    %get3A_17 = arith.constant 0 : index
    %get3A_18 = arith.constant 0 : index
    %get3A_19 = vector.load %arg4[%get3A_17, %get3A_18] : memref<1x32xf32, #tpu.memory_space<vmem>>, vector<1x32xf32>
    %add3A_20 = vector.broadcast %get3A_19 : vector<1x32xf32> to vector<2000x32xf32>
    %add3A_21 = arith.addf %mul3A_16, %add3A_20 : vector<2000x32xf32>
    %swap3A = arith.constant 0 : index
    %swap3A_22 = arith.constant 0 : index
    %swap3A_23 = vector.load %arg5[%swap3A, %swap3A_22] : memref<2000x32xf32, #tpu.memory_space<vmem>>, vector<2000x32xf32>
    tpu.vector_store %arg5[%swap3A, %swap3A_22], %add3A_21 {strides = array<i32>} : memref<2000x32xf32, #tpu.memory_space<vmem>>, vector<2000x32xf32>,
    return
  }
  func.func @transform_0(%arg0: i32) -> (i32, i32, i32) {
    %c0_i32 = arith.constant 0 : i32
    %c0_i32_0 = arith.constant 0 : i32
    %c0_i32_1 = arith.constant 0 : i32
    return %c0_i32, %arg0, %c0_i32_0 : i32, i32, i32
  }
  func.func @transform_1(%arg0: i32) -> (i32, i32) {
    %c0_i32 = arith.constant 0 : i32
    %c0_i32_0 = arith.constant 0 : i32
    return %arg0, %c0_i32 : i32, i32
  }
  func.func @transform_2(%arg0: i32) -> (i32, i32) {
    %c0_i32 = arith.constant 0 : i32
    %c0_i32_0 = arith.constant 0 : i32
    return %arg0, %c0_i32 : i32, i32
  }
  func.func @transform_3(%arg0: i32) -> (i32, i32) {
    %c0_i32 = arith.constant 0 : i32
    %c0_i32_0 = arith.constant 0 : i32
    %c0_i32_1 = arith.constant 0 : i32
    return %c0_i32, %c0_i32_0 : i32, i32
  }
  func.func @transform_4(%arg0: i32) -> (i32, i32) {
    %c0_i32 = arith.constant 0 : i32
    %c0_i32_0 = arith.constant 0 : i32
    return %arg0, %c0_i32 : i32, i32
  }
}

</mosaic_0001>

<sc_bundles>
// kernel: kernel.11.cloned.1.call-start
scs
__scs_entry_jumppad:
0x0: {  	(pc) =	sbr.rel $0x88, $3  }
0x1: {  	(tag) =	ssettag $0x0;
	lr =	simm.s32 $0x1  }
0x2: {  	[smem:$0x3F99] =	sst lr;
	_ =	strace $0xD0000000  }
0x3: {  	_ = 	snop  }
0x4: {  	_ = 	snop  }
0x5: {  	_ = 	snop  }
0x6: {  	_ = 	snop  }
0x7: {  	_ = 	snop  }
__scs_overlays_trampoline_lowered:
0x8: {  	[smem:$0x3FA8] =	sst s0  }
0x9: {  	[smem:$0x3FA9] =	sst s1  }
0xa: {  	[smem:$0x3FAA] =	sst s2  }
0xb: {  	[smem:$0x3FAB] =	sst s3  }
0xc: {  	[smem:$0x3FAC] =	sst s4  }
0xd: {  	[smem:$0x3FAD] =	sst s5  }
0xe: {  	[smem:$0x3FAE] =	sst s6  }
0xf: {  	[smem:$0x3FAF] =	sst s7  }
0x10: {  	[smem:$0x3FB0] =	sst s8  }
0x11: {  	[smem:$0x3FB1] =	sst s9;
	s0 =	simm.s32 @!p0 $0x0  }
0x12: {  	s1 =	sld [smem:$0x3F97];
	s0 =	simm.s32 @p0 $0x1  }
0x13: {  	[smem:$0x3FB2] =	sst s0;
	s0 =	simm.s32 @!p1 $0x0  }
0x14: {  	s2 =	sld [smem:$0x3F96];
	s0 =	simm.s32 @p1 $0x1  }
0x15: {  	[smem:$0x3FB3] =	sst s0;
	s0 =	simm.s32 @!p2 $0x0  }
0x16: {  	s3 =	sld [smem:$0x3FDB];
	s0 =	simm.s32 @p2 $0x1  }
0x17: {  	s4 =	simm.s32 $0x1BF5;
	[smem:$0x3FB5] =	sst s0  }
0x18: {  	s0 =	sld [smem:$0x3F98];
	_ =	swait.ge [sflag:s4], $0x0  }
0x19: {  	s7 =	sld [smem:$0x3F99]  }
0x1a: {  	s8 =	sadd.s32 $0xFFFFE003, lr  }
0x1b: {  	s9 =	sadd.s32 $0xFFFFFEF7, lr;
	s5 =	simm.s32 $0xFFFFFFFF;
	p2 =	slt.u32 s8, $0xFFFFF086  }
0x1c: {  	p1 =	slt.u32 s9, $0xF7A;
	s5 =	simm.s32 @!p2 $0x0  }
0x1d: {  	s5 =	simm.s32 @p1 $0x1;
	p0 =	seq.s32 s7, s2  }
0x1e: {  	s7 =	smul.u32 @!p0 $0xF7A, s2;
	p2 =	seq.s32 @!p0 s5, $0x0  }
0x1f: {  	s9 =	smul.u32 $0xF7A, s1;
	s8 =	simm.s32 @!p0 $0x1BF5;
	p2 =	por !p2, p0  }
0x20: {  	[sflag:s8] =	ssyncset.s32 @!p0 $0xFFFFF086;
	s6 =	sadd.s32 @!p0 s3, s7;
	s7 =	simm.s32 @!p0 $0x108  }
0x21: {  	s3 =	sadd.s32 s3, s9;
	s6 =	sadd.s32 @!p0 $0x88, s6;
	s7 =	simm.s32 @p2 $0x1082  }
0x22: {  	[simem:s7], [sflag:s8] =	dma.local @!p0 [hbm:s6], $0xF7A  }
0x23: {  	s9 =	sor.u32 $0xD0000000, s2;
	s6 =	simm.s32 $0x108;
	_ =	swait.ge @!p0 [sflag:s8], $0x0  }
0x24: {  	s3 =	sadd.s32 $0x88, s3;
	s6 =	simm.s32 @!p1 $0x1082;
	[sflag:s4] =	ssyncset.s32 $0xFFFFF086  }
0x25: {  	[simem:s6], [sflag:s4] =	dma.local [hbm:s3], $0xF7A  }
0x26: {  	[smem:$0x3F99] =	sst s1;
	(tag) =	ssettag s2;
	_ =	strace s9  }
0x27: {  	s1 =	sld [smem:$0x3FA9]  }
0x28: {  	s2 =	sld [smem:$0x3FAA]  }
0x29: {  	s4 =	sld [smem:$0x3FAC]  }
0x2a: {  	p0 =	seq.s32 s5, $0x0;
	s5 =	sld [smem:$0x3FAD]  }
0x2b: {  	s6 =	sld [smem:$0x3FAE]  }
0x2c: {  	s7 =	sld [smem:$0x3FAF]  }
0x2d: {  	s3 =	simm.s32 $0x108;
	s8 =	sld [smem:$0x3FB0]  }
0x2e: {  	s3 =	simm.s32 @!p0 $0x1082;
	s9 =	sld [smem:$0x3FB1]  }
0x2f: {  	lr =	sadd.s32 s0, s3;
	s0 =	sld [smem:$0x3FA8]  }
0x30: {  	s3 =	sld [smem:$0x3FAB]  }
0x31: {  	[smem:$0x3FB4] =	sst s10  }
0x32: {  	s10 =	sld [smem:$0x3FB2];
	_ =	sdelay $0x3  }
0x33: {  	p0 =	seq.s32 s10, $0x1;
	s10 =	sld [smem:$0x3FB4];
	_ =	sdelay $0x3  }
0x34: {  	[smem:$0x3FB4] =	sst s10  }
0x35: {  	s10 =	sld [smem:$0x3FB3];
	_ =	sdelay $0x3  }
0x36: {  	p1 =	seq.s32 s10, $0x1;
	s10 =	sld [smem:$0x3FB4];
	_ =	sdelay $0x3  }
0x37: {  	[smem:$0x3FB4] =	sst s10  }
0x38: {  	s10 =	sld [smem:$0x3FB5]  }
0x39: {  	_ = 	snop;
	(pc) =	sbr.ind lr, $3  }
0x3a: {  	_ = 	snop  }
0x3b: {  	_ = 	snop  }
0x3c: {  	p2 =	seq.s32 s10, $0x1;
	s10 =	sld [smem:$0x3FB4]  }
0x3d: {  	_ =	shalt  }
0x3e: {  	_ =	shalt  }
0x3f: {  	_ =	shalt  }
0x40: {  	_ =	shalt  }
0x41: {  	_ =	shalt  }
0x42: {  	_ =	shalt  }
0x43: {  	_ =	shalt  }
0x44: {  	_ =	shalt  }
0x45: {  	_ =	shalt  }
0x46: {  	_ =	shalt  }
0x47: {  	_ =	shalt  }
0x48: {  	_ =	shalt  }
0x49: {  	_ =	shalt  }
0x4a: {  	_ =	shalt  }
0x4b: {  	_ =	shalt  }
0x4c: {  	_ =	shalt  }
0x4d: {  	_ =	shalt  }
0x4e: {  	_ =	shalt  }
0x4f: {  	_ =	shalt  }
0x50: {  	_ =	shalt  }
0x51: {  	_ =	shalt  }
0x52: {  	_ =	shalt  }
0x53: {  	_ =	shalt  }
0x54: {  	_ =	shalt  }
0x55: {  	_ =	shalt  }
0x56: {  	_ =	shalt  }
0x57: {  	_ =	shalt  }
0x58: {  	_ =	shalt  }
0x59: {  	_ =	shalt  }
0x5a: {  	_ =	shalt  }
0x5b: {  	_ =	shalt  }
0x5c: {  	_ =	shalt  }
0x5d: {  	_ =	shalt  }
0x5e: {  	_ =	shalt  }
0x5f: {  	_ =	shalt  }
0x60: {  	_ =	shalt  }
0x61: {  	_ =	shalt  }
0x62: {  	_ =	shalt  }
0x63: {  	_ =	shalt  }
0x64: {  	_ =	shalt  }
0x65: {  	_ =	shalt  }
0x66: {  	_ =	shalt  }
0x67: {  	_ =	shalt  }
0x68: {  	_ =	shalt  }
0x69: {  	_ =	shalt  }
0x6a: {  	_ =	shalt  }
0x6b: {  	_ =	shalt  }
0x6c: {  	_ =	shalt  }
0x6d: {  	_ =	shalt  }
0x6e: {  	_ =	shalt  }
0x6f: {  	_ =	shalt  }
0x70: {  	_ =	shalt  }
0x71: {  	_ =	shalt  }
0x72: {  	_ =	shalt  }
0x73: {  	_ =	shalt  }
0x74: {  	_ =	shalt  }
0x75: {  	_ =	shalt  }
0x76: {  	_ =	shalt  }
0x77: {  	_ =	shalt  }
0x78: {  	_ =	shalt  }
0x79: {  	_ =	shalt  }
0x7a: {  	_ =	shalt  }
0x7b: {  	_ =	shalt  }
0x7c: {  	_ =	shalt  }
0x7d: {  	_ =	shalt  }
0x7e: {  	_ =	shalt  }
0x7f: {  	_ =	shalt  }
0x80: {  	_ =	shalt  }
0x81: {  	_ =	shalt  }
0x82: {  	_ =	shalt  }
0x83: {  	_ =	shalt  }
0x84: {  	_ =	shalt  }
0x85: {  	_ =	shalt  }
0x86: {  	_ =	shalt  }
0x87: {  	_ =	shalt  }
.Lfunc_end0:
.L_simem_size_0:
called_computation_lowered:
.L_overlay_start_0:
0x88: {  	s2 =	sld [smem:$0x3FD9]  }
0x89: {  	s3 =	sld [smem:$0x3FFE];
	_ =	sdelay $0x1  }
0x8a: {  	s1 =	srdreg.scid  }
0x8b: {  	s0 =	sand.u32 $0x1, s1  }
0x8c: {  	s17 =	sshll.u32 s0, $0xA;
	s2 =	sadd.s32 s3, s2  }
0x8d: {  	s2 =	sadd.s32 s2, s17  }
0x8e: {  	[smem:$0x3FC0] =	sst s2  }
0x8f: {  	_ = 	snop  }
0x90: {  	s2 =	sld [smem:$0x3FD0];
	(tm) =	ssettm $0x1  }
0x91: {  	s18 =	sld [smem:$0x3FFB];
	_ =	sdelay $0x3  }
0x92: {  	_ =	strace s18  }
0x93: {  	s3 =	sld [smem:$0x3FFC];
	_ =	sdelay $0x3  }
0x94: {  	_ =	strace s3  }
0x95: {  	s3 =	sld [smem:$0x3FFD];
	_ =	sdelay $0x3  }
0x96: {  	_ =	strace s3  }
0x97: {  	_ =	strace $0x8FFFFFFF  }
0x98: {  	s19 =	sld [smem:$0x3FDB];
	_ =	sdelay $0x1  }
0x99: {  	s4 =	simm.s32 $_scs_section_size  }
0x9a: {  	s5 =	simm.s32 $_size__tile_overlayer_lowered;
	s6 =	simm.s32 $_tile_overlayer_lowered  }
0x9b: {  	s22 =	simm.s32 $0x1BFF;
	s21 =	sshll.u32 s6, $0x1;
	s3 =	sadd.s32 s4, s19  }
0x9c: {  	s7 =	simm.s32 $0x0;
	s20 =	sshll.u32 s5, $0x1;
	s5 =	sadd.s32 s21, s3  }
0x9d: {  	[timem:s7], [sflag:s22] =	dma.local [hbm:s5], s20  }
0x9e: {  	_ =	swait.ge [sflag:s22], s20  }
0x9f: {  	s4 =	ssub.s32 $0x0, s20;
	[sflag:s22] =	ssyncset.done $0x0  }
0xa0: {  	[sflag:s22] =	ssyncadd.s32 s4;
	_ =	sdelay $0x1  }
0xa1: {  	s23 =	simm.s32 $0x1B8B  }
0xa2: {  	_ =	swait.ge [sflag:s23], $0x1  }
0xa3: {  	[sflag:s23] =	ssyncset.done $0x0  }
0xa4: {  	s25 =	simm.s32 $0x1B8E;
	s24 =	sld [smem:$0x3FFE];
	[sflag:s23] =	ssyncadd.s32 $0xFFFFFFFF  }
0xa5: {  	s26 =	simm.s32 $execute0_lowered;
	[smem:$0x3FD2] =	sst s25  }
0xa6: {  	s5 =	sshll.u32 s26, $0x1;
	_ =	strace $0x80000046;
	[dreg:$0x1] =	wrdreg $0xFFFFFFFF  }
0xa7: {  	s28 =	simm.s32 $_size_execute0_lowered;
	s3 =	sadd.s32 s3, s5;
	[dreg:$0x0] =	wrdreg $0x0  }
0xa8: {  	s5 =	sshll.u32 s28, $0x1;
	[dreg:$0x2] =	wrdreg s3  }
0xa9: {  	[dreg:$0x3] =	wrdreg s5  }
0xaa: {  	[dreg:$0x4] =	wrdreg $0xC0  }
0xab: {  	_ =	task [dreg:s7], $0x5FFFF  }
0xac: {  	[dreg:$0x1] =	wrdreg $0xFFFFFFFF  }
0xad: {  	[dreg:$0x0] =	wrdreg $0x60  }
0xae: {  	[dreg:$0x2] =	wrdreg s24  }
0xaf: {  	[dreg:$0x3] =	wrdreg s2  }
0xb0: {  	[dreg:$0x4] =	wrdreg $0x32000  }
0xb1: {  	[dreg:$0x5] =	wrdreg $0x9  }
0xb2: {  	_ =	task.clear_ibuf [dreg:s7], $0x6FFFF;
	_ =	strace $0x90000046  }
0xb3: {  	s29 =	simm.s32 $0x9;
	_ =	strace $0x80000048  }
0xb4: {  	_ =	swait.ge [sflag:s29], $0x1  }
0xb5: {  	[sflag:s29] =	ssyncadd.s32 $0xFFFFFFFF  }
0xb6: {  	_ =	strace $0x90000048  }
0xb7: {  	_ =	sfence  }
0xb8: {  	s30 =	sld [smem:$0x0];
	_ =	sdelay $0x2  }
0xb9: {  	s31 =	sshll.u32 s1, $0xD;
	s1 =	sshrl.u32 s1, $0x2  }
0xba: {  	s3 =	sand.u32 $0x4000, s31;
	s1 =	sadd.s32 s1, s30  }
0xbb: {  	s0 =	sor.u32 s3, s0;
	s1 =	sshll.u32 s1, $0x11  }
0xbc: {  	s0 =	sor.u32 s1, s0  }
0xbd: {  	s0 =	sadd.s32 $0x8F2B, s0  }
0xbe: {  	[sflag:s0] =	ssyncadd.remote.s32 $0x1  }
0xbf: {  	_ =	sfence.sel $0xFFFF  }
0xc0: {  	[dreg:$0x0] =	wrdreg $0xFFFFFFFF;
	(pc) =	sbr.abs _section_cstart, $3  }
0xc1: {  	[dreg:$0x1] =	wrdreg $0xFFFFFFFF  }
0xc2: {  	_ =	task.clear_ibuf [dreg:s7], $0x2FFFF;
	_ =	strace $0x9FFFFFFF  }
0xc3: {  	(tm) =	ssettm $0x7FFFFFFF  }
tec
execute0_lowered:
.L_overlay_start_1:
0x0: {  	(tag) =	ssettag $0x1  }
0x1: {  	s5 =	rddreg [dreg:$0x0]  }
0x2: {  	s1 =	srdreg.scid;
	s7 =	rddreg [dreg:$0x1]  }
0x3: {  	s0 =	stileid.u32;
	s2 =	rddreg [dreg:$0x2]  }
0x4: {  	s3 =	simm.s32 $0x0;
	s13 =	simm.s32 $0x100;
	s14 =	simm.s32 $0x1  }
0x5: {  	s15 =	simm.s32 $0x0;
	s4 =	sand.u32 $0x1, s1;
	s30 =	sshll.u32 s0, $0x1  }
0x6: {  	s8 =	smul.u32 $0x13C0, s0;
	[smem:$0x7FF] =	sst s3;
	s31 =	sshll.u32 s0, $0x6  }
0x7: {  	s1 =	sor.u32 s4, s30;
	s9 =	smul.u32 $0x13C00, s4;
	s10 =	ssub.s32 $0x2, s4  }
0x8: {  	s4 =	sadd.s32 $0xCA00, s5;
	s6 =	smul.u32 $0x540, s1;
	s1 =	rddreg [dreg:$0x3]  }
0x9: {  	_ =	strace $0x80000047;
	s11 =	sshrl.u32 s10, $0x1;
	s12 =	sadd.s32 s8, s2  }
0xa: {  	s9 =	sadd.s32 s8, s9;
	s10 =	ssub.s32 s10, s11;
	s11 =	sor.u32 $0x1C02, s31  }
0xb: {  	s12 =	sshrl.u32 s12, $0x3;
	s6 =	sadd.s32 s6, s5;
	s5 =	sadd.s32 $0xC600, s5  }
0xc: {  	s9 =	sshrl.u32 s9, $0x3;
	s8 =	smax.u32 s10, $0x1;
	s10 =	simm.s32 $0x2A00  }
0xd: {  	s6 =	sadd.s32 $0x1E00, s6;
	s7 =	sadd.s32 s7, s9;
	s9 =	simm.s32 $0x2  }
.LBB2_1:
0xe: {  	[tilespmem:s3], [sflag:$0x2] =	stream.linear.gather [hbm4b:s6+s3], $0x2A00, $0x38;
	[tilespmem:$0x45C0] =	vst v63  }
0xf: {  	_ =	swait.ge [sflag:s9], $0x2A00  }
0x10: {  	[sflag:s9] =	ssyncset.done $0x0  }
0x11: {  	[sflag:s9] =	ssyncadd.s32 $0xFFFFD600  }
0x12: {  	[tilespmem:s10], [sflag:$0x2] =	stream.linear.gather [hbm4b:s4+s3], $0x800, $0x38;
	[tilespmem:$0x45C0] =	vst v63  }
0x13: {  	_ =	swait.ge [sflag:s9], $0x800  }
0x14: {  	[sflag:s9] =	ssyncset.done $0x0  }
0x15: {  	[sflag:s9] =	ssyncadd.s32 $0xFFFFF800  }
0x16: {  	[spmem:s12], [sflag:s11] =	dma.local [hbm:s5], $0x278  }
0x17: {  	_ =	swait.ge [sflag:s9], $0x278  }
0x18: {  	[sflag:s9] =	ssyncset.done $0x0  }
0x19: {  	[sflag:s9] =	ssyncadd.s32 $0xFFFFFD88  }
0x1a: {  	s16 =	simm.s32 $0x0;
	[bflag:$0x0] =	sbarrier.arrive $0xFFFF  }
0x1b: {  	[spmem:s2] =	stream.indirect.scatter.add.f32 [tilespmem:s10], [sflag:$0x1], $0x8, s16, s13, $0xb8;
	[tilespmem:$0x45C0] =	vst v63  }
0x1c: {  	s18 =	simm.s32 $0x100  }
0x1d: {  	[spmem:s2] =	stream.indirect.scatter.add.f32 [tilespmem:s10], [sflag:$0x1], $0x8, s18, s13, $0xb8;
	[tilespmem:$0x45C0] =	vst v63  }
0x1e: {  	s19 =	simm.s32 $0x200  }
0x1f: {  	[spmem:s2] =	stream.indirect.scatter.add.f32 [tilespmem:s10], [sflag:$0x1], $0x8, s19, s13, $0xb8;
	[tilespmem:$0x45C0] =	vst v63  }
0x20: {  	s20 =	simm.s32 $0x300  }
0x21: {  	[spmem:s2] =	stream.indirect.scatter.add.f32 [tilespmem:s10], [sflag:$0x1], $0x8, s20, s13, $0xb8;
	[tilespmem:$0x45C0] =	vst v63  }
0x22: {  	s21 =	simm.s32 $0x400  }
0x23: {  	[spmem:s2] =	stream.indirect.scatter.add.f32 [tilespmem:s10], [sflag:$0x1], $0x8, s21, s13, $0xb8;
	[tilespmem:$0x45C0] =	vst v63  }
0x24: {  	s22 =	simm.s32 $0x500  }
0x25: {  	[spmem:s2] =	stream.indirect.scatter.add.f32 [tilespmem:s10], [sflag:$0x1], $0x8, s22, s13, $0xb8;
	[tilespmem:$0x45C0] =	vst v63  }
0x26: {  	s23 =	simm.s32 $0x600  }
0x27: {  	[spmem:s2] =	stream.indirect.scatter.add.f32 [tilespmem:s10], [sflag:$0x1], $0x8, s23, s13, $0xb8;
	[tilespmem:$0x45C0] =	vst v63  }
0x28: {  	s24 =	simm.s32 $0x700  }
0x29: {  	[spmem:s2] =	stream.indirect.scatter.add.f32 [tilespmem:s10], [sflag:$0x1], $0x8, s24, s13, $0xb8;
	[tilespmem:$0x45C0] =	vst v63  }
0x2a: {  	s25 =	simm.s32 $0x800  }
0x2b: {  	[spmem:s2] =	stream.indirect.scatter.add.f32 [tilespmem:s10], [sflag:$0x1], $0x8, s25, s13, $0xb8;
	[tilespmem:$0x45C0] =	vst v63  }
0x2c: {  	s26 =	simm.s32 $0x900  }
0x2d: {  	[spmem:s2] =	stream.indirect.scatter.add.f32 [tilespmem:s10], [sflag:$0x1], $0x8, s26, s13, $0xb8;
	[tilespmem:$0x45C0] =	vst v63  }
0x2e: {  	s28 =	simm.s32 $0xA00  }
0x2f: {  	[spmem:s2] =	stream.indirect.scatter.add.f32 [tilespmem:s10], [sflag:$0x1], $0x8, s28, s13, $0xb8;
	[tilespmem:$0x45C0] =	vst v63  }
0x30: {  	s29 =	simm.s32 $0xB00  }
0x31: {  	[spmem:s2] =	stream.indirect.scatter.add.f32 [tilespmem:s10], [sflag:$0x1], $0x8, s29, s13, $0xb8;
	[tilespmem:$0x45C0] =	vst v63  }
0x32: {  	s30 =	simm.s32 $0xC00  }
0x33: {  	[spmem:s2] =	stream.indirect.scatter.add.f32 [tilespmem:s10], [sflag:$0x1], $0x8, s30, s13, $0xb8;
	[tilespmem:$0x45C0] =	vst v63  }
0x34: {  	s31 =	simm.s32 $0xD00  }
0x35: {  	[spmem:s2] =	stream.indirect.scatter.add.f32 [tilespmem:s10], [sflag:$0x1], $0x8, s31, s13, $0xb8;
	[tilespmem:$0x45C0] =	vst v63  }
0x36: {  	_ =	swait.ge [sflag:s14], $0x800  }
0x37: {  	[sflag:s14] =	ssyncset.done $0x0  }
0x38: {  	[sflag:s14] =	ssyncadd.s32 $0xFFFFF800  }
0x39: {  	_ =	swait.ge [sflag:s14], $0x800  }
0x3a: {  	[sflag:s14] =	ssyncset.done $0x0  }
0x3b: {  	[sflag:s14] =	ssyncadd.s32 $0xFFFFF800  }
0x3c: {  	_ =	swait.ge [sflag:s14], $0x800  }
0x3d: {  	[sflag:s14] =	ssyncset.done $0x0  }
0x3e: {  	[sflag:s14] =	ssyncadd.s32 $0xFFFFF800  }
0x3f: {  	_ =	swait.ge [sflag:s14], $0x800  }
0x40: {  	[sflag:s14] =	ssyncset.done $0x0  }
0x41: {  	[sflag:s14] =	ssyncadd.s32 $0xFFFFF800  }
0x42: {  	_ =	swait.ge [sflag:s14], $0x800  }
0x43: {  	[sflag:s14] =	ssyncset.done $0x0  }
0x44: {  	[sflag:s14] =	ssyncadd.s32 $0xFFFFF800  }
0x45: {  	_ =	swait.ge [sflag:s14], $0x800  }
0x46: {  	[sflag:s14] =	ssyncset.done $0x0  }
0x47: {  	[sflag:s14] =	ssyncadd.s32 $0xFFFFF800  }
0x48: {  	_ =	swait.ge [sflag:s14], $0x800  }
0x49: {  	[sflag:s14] =	ssyncset.done $0x0  }
0x4a: {  	[sflag:s14] =	ssyncadd.s32 $0xFFFFF800  }
0x4b: {  	_ =	swait.ge [sflag:s14], $0x800  }
0x4c: {  	[sflag:s14] =	ssyncset.done $0x0  }
0x4d: {  	[sflag:s14] =	ssyncadd.s32 $0xFFFFF800  }
0x4e: {  	_ =	swait.ge [sflag:s14], $0x800  }
0x4f: {  	[sflag:s14] =	ssyncset.done $0x0  }
0x50: {  	[sflag:s14] =	ssyncadd.s32 $0xFFFFF800  }
0x51: {  	_ =	swait.ge [sflag:s14], $0x800  }
0x52: {  	[sflag:s14] =	ssyncset.done $0x0  }
0x53: {  	[sflag:s14] =	ssyncadd.s32 $0xFFFFF800  }
0x54: {  	_ =	swait.ge [sflag:s14], $0x800  }
0x55: {  	[sflag:s14] =	ssyncset.done $0x0  }
0x56: {  	[sflag:s14] =	ssyncadd.s32 $0xFFFFF800  }
0x57: {  	_ =	swait.ge [sflag:s14], $0x800  }
0x58: {  	[sflag:s14] =	ssyncset.done $0x0  }
0x59: {  	[sflag:s14] =	ssyncadd.s32 $0xFFFFF800  }
0x5a: {  	_ =	swait.ge [sflag:s14], $0x800  }
0x5b: {  	[sflag:s14] =	ssyncset.done $0x0  }
0x5c: {  	[sflag:s14] =	ssyncadd.s32 $0xFFFFF800  }
0x5d: {  	_ =	swait.ge [sflag:s14], $0x800  }
0x5e: {  	s16 =	simm.s32 $0x3800;
	[sflag:s14] =	ssyncset.done $0x0  }
.LBB2_2:
0x5f: {  	p0 =	sne.s32 s16, $0x7000  }
0x60: {  	[sflag:s14] =	ssyncadd.s32 $0xFFFFF800;
	s17 =	smov.u32 s16;
	s16 =	sadd.s32 $0x3800, s16  }
0x61: {  	s17 =	sshra.s32 s17, $0x2  }
0x62: {  	[spmem:s2] =	stream.indirect.scatter.add.f32 [tilespmem:s10], [sflag:$0x1], $0x8, s17, s13, $0xb8;
	[tilespmem:$0x45C0] =	vst v63  }
0x63: {  	s18 =	sadd.s32 $0x100, s17  }
0x64: {  	[spmem:s2] =	stream.indirect.scatter.add.f32 [tilespmem:s10], [sflag:$0x1], $0x8, s18, s13, $0xb8;
	[tilespmem:$0x45C0] =	vst v63  }
0x65: {  	s18 =	sadd.s32 $0x200, s17  }
0x66: {  	[spmem:s2] =	stream.indirect.scatter.add.f32 [tilespmem:s10], [sflag:$0x1], $0x8, s18, s13, $0xb8;
	[tilespmem:$0x45C0] =	vst v63  }
0x67: {  	s18 =	sadd.s32 $0x300, s17  }
0x68: {  	[spmem:s2] =	stream.indirect.scatter.add.f32 [tilespmem:s10], [sflag:$0x1], $0x8, s18, s13, $0xb8;
	[tilespmem:$0x45C0] =	vst v63  }
0x69: {  	s18 =	sadd.s32 $0x400, s17  }
0x6a: {  	[spmem:s2] =	stream.indirect.scatter.add.f32 [tilespmem:s10], [sflag:$0x1], $0x8, s18, s13, $0xb8;
	[tilespmem:$0x45C0] =	vst v63  }
0x6b: {  	s18 =	sadd.s32 $0x500, s17  }
0x6c: {  	[spmem:s2] =	stream.indirect.scatter.add.f32 [tilespmem:s10], [sflag:$0x1], $0x8, s18, s13, $0xb8;
	[tilespmem:$0x45C0] =	vst v63  }
0x6d: {  	s18 =	sadd.s32 $0x600, s17  }
0x6e: {  	[spmem:s2] =	stream.indirect.scatter.add.f32 [tilespmem:s10], [sflag:$0x1], $0x8, s18, s13, $0xb8;
	[tilespmem:$0x45C0] =	vst v63  }
0x6f: {  	s18 =	sadd.s32 $0x700, s17  }
0x70: {  	[spmem:s2] =	stream.indirect.scatter.add.f32 [tilespmem:s10], [sflag:$0x1], $0x8, s18, s13, $0xb8;
	[tilespmem:$0x45C0] =	vst v63  }
0x71: {  	s18 =	sadd.s32 $0x800, s17  }
0x72: {  	[spmem:s2] =	stream.indirect.scatter.add.f32 [tilespmem:s10], [sflag:$0x1], $0x8, s18, s13, $0xb8;
	[tilespmem:$0x45C0] =	vst v63  }
0x73: {  	s18 =	sadd.s32 $0x900, s17  }
0x74: {  	[spmem:s2] =	stream.indirect.scatter.add.f32 [tilespmem:s10], [sflag:$0x1], $0x8, s18, s13, $0xb8;
	[tilespmem:$0x45C0] =	vst v63  }
0x75: {  	s18 =	sadd.s32 $0xA00, s17  }
0x76: {  	[spmem:s2] =	stream.indirect.scatter.add.f32 [tilespmem:s10], [sflag:$0x1], $0x8, s18, s13, $0xb8;
	[tilespmem:$0x45C0] =	vst v63  }
0x77: {  	s18 =	sadd.s32 $0xB00, s17  }
0x78: {  	[spmem:s2] =	stream.indirect.scatter.add.f32 [tilespmem:s10], [sflag:$0x1], $0x8, s18, s13, $0xb8;
	[tilespmem:$0x45C0] =	vst v63  }
0x79: {  	s18 =	sadd.s32 $0xC00, s17  }
0x7a: {  	[spmem:s2] =	stream.indirect.scatter.add.f32 [tilespmem:s10], [sflag:$0x1], $0x8, s18, s13, $0xb8;
	[tilespmem:$0x45C0] =	vst v63  }
0x7b: {  	s17 =	sadd.s32 $0xD00, s17  }
0x7c: {  	[spmem:s2] =	stream.indirect.scatter.add.f32 [tilespmem:s10], [sflag:$0x1], $0x8, s17, s13, $0xb8;
	[tilespmem:$0x45C0] =	vst v63  }
0x7d: {  	_ =	swait.ge [sflag:s14], $0x800  }
0x7e: {  	[sflag:s14] =	ssyncset.done $0x0  }
0x7f: {  	[sflag:s14] =	ssyncadd.s32 $0xFFFFF800  }
0x80: {  	_ =	swait.ge [sflag:s14], $0x800  }
0x81: {  	[sflag:s14] =	ssyncset.done $0x0  }
0x82: {  	[sflag:s14] =	ssyncadd.s32 $0xFFFFF800  }
0x83: {  	_ =	swait.ge [sflag:s14], $0x800  }
0x84: {  	[sflag:s14] =	ssyncset.done $0x0  }
0x85: {  	[sflag:s14] =	ssyncadd.s32 $0xFFFFF800  }
0x86: {  	_ =	swait.ge [sflag:s14], $0x800  }
0x87: {  	[sflag:s14] =	ssyncset.done $0x0  }
0x88: {  	[sflag:s14] =	ssyncadd.s32 $0xFFFFF800  }
0x89: {  	_ =	swait.ge [sflag:s14], $0x800  }
0x8a: {  	[sflag:s14] =	ssyncset.done $0x0  }
0x8b: {  	[sflag:s14] =	ssyncadd.s32 $0xFFFFF800  }
0x8c: {  	_ =	swait.ge [sflag:s14], $0x800  }
0x8d: {  	[sflag:s14] =	ssyncset.done $0x0  }
0x8e: {  	[sflag:s14] =	ssyncadd.s32 $0xFFFFF800  }
0x8f: {  	_ =	swait.ge [sflag:s14], $0x800  }
0x90: {  	[sflag:s14] =	ssyncset.done $0x0  }
0x91: {  	[sflag:s14] =	ssyncadd.s32 $0xFFFFF800  }
0x92: {  	_ =	swait.ge [sflag:s14], $0x800  }
0x93: {  	[sflag:s14] =	ssyncset.done $0x0  }
0x94: {  	[sflag:s14] =	ssyncadd.s32 $0xFFFFF800  }
0x95: {  	_ =	swait.ge [sflag:s14], $0x800  }
0x96: {  	[sflag:s14] =	ssyncset.done $0x0  }
0x97: {  	[sflag:s14] =	ssyncadd.s32 $0xFFFFF800  }
0x98: {  	_ =	swait.ge [sflag:s14], $0x800  }
0x99: {  	[sflag:s14] =	ssyncset.done $0x0  }
0x9a: {  	[sflag:s14] =	ssyncadd.s32 $0xFFFFF800  }
0x9b: {  	_ =	swait.ge [sflag:s14], $0x800  }
0x9c: {  	[sflag:s14] =	ssyncset.done $0x0  }
0x9d: {  	[sflag:s14] =	ssyncadd.s32 $0xFFFFF800  }
0x9e: {  	_ =	swait.ge [sflag:s14], $0x800  }
0x9f: {  	[sflag:s14] =	ssyncset.done $0x0  }
0xa0: {  	[sflag:s14] =	ssyncadd.s32 $0xFFFFF800  }
.Ltmp0:
0xa1: {  	_ =	swait.ge [sflag:s14], $0x800;
	(pc) =	sbr.rel @p0 .LBB2_2-.Ltmp0, $4  }
0xa2: {  	[sflag:s14] =	ssyncset.done $0x0  }
0xa3: {  	[sflag:s14] =	ssyncadd.s32 $0xFFFFF800  }
0xa4: {  	_ =	swait.ge [sflag:s14], $0x800  }
0xa5: {  	[sflag:s14] =	ssyncset.done $0x0  }
0xa6: {  	s15 =	sadd.s32 $0x1, s15  }
0xa7: {  	[sflag:s14] =	ssyncadd.s32 $0xFFFFF800;
	p0 =	sne.s32 s15, s8  }
.Ltmp1:
0xa8: {  	[bflag:$0x0] =	sbarrier.arrive $0xFFFF;
	(pc) =	sbr.rel @p0 .LBB2_1-.Ltmp1, $4  }
0xa9: {  	[hbm:s7], [sflag:s11] =	dma.local [spmem:s12], $0x278  }
0xaa: {  	_ =	swait.ge [sflag:s9], $0x278  }
0xab: {  	[sflag:s9] =	ssyncset.done $0x0  }
0xac: {  	[sflag:s9] =	ssyncadd.s32 $0xFFFFFD88  }
0xad: {  	_ =	sfence.sel $0x180000  }
0xae: {  	[bflag:$0x0] =	sbarrier.arrive $0xFFFF  }
0xaf: {  	p0 =	sne.s32 s0, $0x0;
	_ =	strace $0x90000047  }
0xb0: {  	s0 =	sadd.s32 @!p0 $0x100000, s1;
	[bflag:$0x2] =	sbarrier.arrive $0xFFFF  }
0xb1: {  	[sflag:s0] =	ssyncadd.tile.s32 @!p0 $0x1;
	_ =	shalt  }
.Lfunc_end2:
_tile_overlayer_lowered:
.L_overlay_start_2:
0xb2: {  	(tag) =	ssettag $0x2  }
0xb3: {  	s0 =	rddreg [dreg:$0x0];
	s2 =	stileid.u32  }
0xb4: {  	s1 =	rddreg [dreg:$0x1];
	p0 =	sne.s32 s2, $0x0  }
0xb5: {  	s3 =	rddreg [dreg:$0x2];
	[bflag:$0x3] =	sbarrier.arrive $0xFFFF;
	s2 =	simm.s32 @!p0 $0x1C02  }
0xb6: {  	[timem:s3], [sflag:s2] =	dma.local @!p0 [hbm:s0], s1  }
0xb7: {  	s0 =	simm.s32 @!p0 $0x2  }
0xb8: {  	_ =	swait.ge @!p0 [sflag:s0], s1  }
0xb9: {  	s1 =	ssub.s32 @!p0 $0x0, s1;
	[sflag:s0] =	ssyncset.done @!p0 $0x0  }
0xba: {  	[sflag:s0] =	ssyncadd.s32 @!p0 s1  }
0xbb: {  	[bflag:$0x3] =	sbarrier.arrive $0xFFFF  }
0xbc: {  	_ =	shalt  }

// kernel: kernel.14.cloned.1.call-start
scs
__scs_entry_jumppad:
0x0: {  	(pc) =	sbr.rel $0x88, $3  }
0x1: {  	(tag) =	ssettag $0x0;
	lr =	simm.s32 $0x1  }
0x2: {  	[smem:$0x3F99] =	sst lr;
	_ =	strace $0xD0000000  }
0x3: {  	_ = 	snop  }
0x4: {  	_ = 	snop  }
0x5: {  	_ = 	snop  }
0x6: {  	_ = 	snop  }
0x7: {  	_ = 	snop  }
__scs_overlays_trampoline_lowered:
0x8: {  	[smem:$0x3FA8] =	sst s0  }
0x9: {  	[smem:$0x3FA9] =	sst s1  }
0xa: {  	[smem:$0x3FAA] =	sst s2  }
0xb: {  	[smem:$0x3FAB] =	sst s3  }
0xc: {  	[smem:$0x3FAC] =	sst s4  }
0xd: {  	[smem:$0x3FAD] =	sst s5  }
0xe: {  	[smem:$0x3FAE] =	sst s6  }
0xf: {  	[smem:$0x3FAF] =	sst s7  }
0x10: {  	[smem:$0x3FB0] =	sst s8  }
0x11: {  	[smem:$0x3FB1] =	sst s9;
	s0 =	simm.s32 @!p0 $0x0  }
0x12: {  	s1 =	sld [smem:$0x3F97];
	s0 =	simm.s32 @p0 $0x1  }
0x13: {  	[smem:$0x3FB2] =	sst s0;
	s0 =	simm.s32 @!p1 $0x0  }
0x14: {  	s2 =	sld [smem:$0x3F96];
	s0 =	simm.s32 @p1 $0x1  }
0x15: {  	[smem:$0x3FB3] =	sst s0;
	s0 =	simm.s32 @!p2 $0x0  }
0x16: {  	s3 =	sld [smem:$0x3FDB];
	s0 =	simm.s32 @p2 $0x1  }
0x17: {  	s4 =	simm.s32 $0x1BF5;
	[smem:$0x3FB5] =	sst s0  }
0x18: {  	s0 =	sld [smem:$0x3F98];
	_ =	swait.ge [sflag:s4], $0x0  }
0x19: {  	s7 =	sld [smem:$0x3F99]  }
0x1a: {  	s8 =	sadd.s32 $0xFFFFE003, lr  }
0x1b: {  	s9 =	sadd.s32 $0xFFFFFEF7, lr;
	s5 =	simm.s32 $0xFFFFFFFF;
	p2 =	slt.u32 s8, $0xFFFFF086  }
0x1c: {  	p1 =	slt.u32 s9, $0xF7A;
	s5 =	simm.s32 @!p2 $0x0  }
0x1d: {  	s5 =	simm.s32 @p1 $0x1;
	p0 =	seq.s32 s7, s2  }
0x1e: {  	s7 =	smul.u32 @!p0 $0xF7A, s2;
	p2 =	seq.s32 @!p0 s5, $0x0  }
0x1f: {  	s9 =	smul.u32 $0xF7A, s1;
	s8 =	simm.s32 @!p0 $0x1BF5;
	p2 =	por !p2, p0  }
0x20: {  	[sflag:s8] =	ssyncset.s32 @!p0 $0xFFFFF086;
	s6 =	sadd.s32 @!p0 s3, s7;
	s7 =	simm.s32 @!p0 $0x108  }
0x21: {  	s3 =	sadd.s32 s3, s9;
	s6 =	sadd.s32 @!p0 $0x88, s6;
	s7 =	simm.s32 @p2 $0x1082  }
0x22: {  	[simem:s7], [sflag:s8] =	dma.local @!p0 [hbm:s6], $0xF7A  }
0x23: {  	s9 =	sor.u32 $0xD0000000, s2;
	s6 =	simm.s32 $0x108;
	_ =	swait.ge @!p0 [sflag:s8], $0x0  }
0x24: {  	s3 =	sadd.s32 $0x88, s3;
	s6 =	simm.s32 @!p1 $0x1082;
	[sflag:s4] =	ssyncset.s32 $0xFFFFF086  }
0x25: {  	[simem:s6], [sflag:s4] =	dma.local [hbm:s3], $0xF7A  }
0x26: {  	[smem:$0x3F99] =	sst s1;
	(tag) =	ssettag s2;
	_ =	strace s9  }
0x27: {  	s1 =	sld [smem:$0x3FA9]  }
0x28: {  	s2 =	sld [smem:$0x3FAA]  }
0x29: {  	s4 =	sld [smem:$0x3FAC]  }
0x2a: {  	p0 =	seq.s32 s5, $0x0;
	s5 =	sld [smem:$0x3FAD]  }
0x2b: {  	s6 =	sld [smem:$0x3FAE]  }
0x2c: {  	s7 =	sld [smem:$0x3FAF]  }
0x2d: {  	s3 =	simm.s32 $0x108;
	s8 =	sld [smem:$0x3FB0]  }
0x2e: {  	s3 =	simm.s32 @!p0 $0x1082;
	s9 =	sld [smem:$0x3FB1]  }
0x2f: {  	lr =	sadd.s32 s0, s3;
	s0 =	sld [smem:$0x3FA8]  }
0x30: {  	s3 =	sld [smem:$0x3FAB]  }
0x31: {  	[smem:$0x3FB4] =	sst s10  }
0x32: {  	s10 =	sld [smem:$0x3FB2];
	_ =	sdelay $0x3  }
0x33: {  	p0 =	seq.s32 s10, $0x1;
	s10 =	sld [smem:$0x3FB4];
	_ =	sdelay $0x3  }
0x34: {  	[smem:$0x3FB4] =	sst s10  }
0x35: {  	s10 =	sld [smem:$0x3FB3];
	_ =	sdelay $0x3  }
0x36: {  	p1 =	seq.s32 s10, $0x1;
	s10 =	sld [smem:$0x3FB4];
	_ =	sdelay $0x3  }
0x37: {  	[smem:$0x3FB4] =	sst s10  }
0x38: {  	s10 =	sld [smem:$0x3FB5]  }
0x39: {  	_ = 	snop;
	(pc) =	sbr.ind lr, $3  }
0x3a: {  	_ = 	snop  }
0x3b: {  	_ = 	snop  }
0x3c: {  	p2 =	seq.s32 s10, $0x1;
	s10 =	sld [smem:$0x3FB4]  }
0x3d: {  	_ =	shalt  }
0x3e: {  	_ =	shalt  }
0x3f: {  	_ =	shalt  }
0x40: {  	_ =	shalt  }
0x41: {  	_ =	shalt  }
0x42: {  	_ =	shalt  }
0x43: {  	_ =	shalt  }
0x44: {  	_ =	shalt  }
0x45: {  	_ =	shalt  }
0x46: {  	_ =	shalt  }
0x47: {  	_ =	shalt  }
0x48: {  	_ =	shalt  }
0x49: {  	_ =	shalt  }
0x4a: {  	_ =	shalt  }
0x4b: {  	_ =	shalt  }
0x4c: {  	_ =	shalt  }
0x4d: {  	_ =	shalt  }
0x4e: {  	_ =	shalt  }
0x4f: {  	_ =	shalt  }
0x50: {  	_ =	shalt  }
0x51: {  	_ =	shalt  }
0x52: {  	_ =	shalt  }
0x53: {  	_ =	shalt  }
0x54: {  	_ =	shalt  }
0x55: {  	_ =	shalt  }
0x56: {  	_ =	shalt  }
0x57: {  	_ =	shalt  }
0x58: {  	_ =	shalt  }
0x59: {  	_ =	shalt  }
0x5a: {  	_ =	shalt  }
0x5b: {  	_ =	shalt  }
0x5c: {  	_ =	shalt  }
0x5d: {  	_ =	shalt  }
0x5e: {  	_ =	shalt  }
0x5f: {  	_ =	shalt  }
0x60: {  	_ =	shalt  }
0x61: {  	_ =	shalt  }
0x62: {  	_ =	shalt  }
0x63: {  	_ =	shalt  }
0x64: {  	_ =	shalt  }
0x65: {  	_ =	shalt  }
0x66: {  	_ =	shalt  }
0x67: {  	_ =	shalt  }
0x68: {  	_ =	shalt  }
0x69: {  	_ =	shalt  }
0x6a: {  	_ =	shalt  }
0x6b: {  	_ =	shalt  }
0x6c: {  	_ =	shalt  }
0x6d: {  	_ =	shalt  }
0x6e: {  	_ =	shalt  }
0x6f: {  	_ =	shalt  }
0x70: {  	_ =	shalt  }
0x71: {  	_ =	shalt  }
0x72: {  	_ =	shalt  }
0x73: {  	_ =	shalt  }
0x74: {  	_ =	shalt  }
0x75: {  	_ =	shalt  }
0x76: {  	_ =	shalt  }
0x77: {  	_ =	shalt  }
0x78: {  	_ =	shalt  }
0x79: {  	_ =	shalt  }
0x7a: {  	_ =	shalt  }
0x7b: {  	_ =	shalt  }
0x7c: {  	_ =	shalt  }
0x7d: {  	_ =	shalt  }
0x7e: {  	_ =	shalt  }
0x7f: {  	_ =	shalt  }
0x80: {  	_ =	shalt  }
0x81: {  	_ =	shalt  }
0x82: {  	_ =	shalt  }
0x83: {  	_ =	shalt  }
0x84: {  	_ =	shalt  }
0x85: {  	_ =	shalt  }
0x86: {  	_ =	shalt  }
0x87: {  	_ =	shalt  }
.Lfunc_end0:
.L_simem_size_0:
called_computation.1_lowered:
.L_overlay_start_0:
0x88: {  	s2 =	sld [smem:$0x3FD9]  }
0x89: {  	s3 =	sld [smem:$0x3FFE];
	_ =	sdelay $0x1  }
0x8a: {  	s1 =	srdreg.scid  }
0x8b: {  	s0 =	sand.u32 $0x1, s1  }
0x8c: {  	s17 =	sshll.u32 s0, $0xA;
	s2 =	sadd.s32 s3, s2  }
0x8d: {  	s2 =	sadd.s32 s2, s17  }
0x8e: {  	[smem:$0x3FC0] =	sst s2  }
0x8f: {  	_ = 	snop  }
0x90: {  	s2 =	sld [smem:$0x3FD0];
	(tm) =	ssettm $0x1  }
0x91: {  	s18 =	sld [smem:$0x3FFB];
	_ =	sdelay $0x3  }
0x92: {  	_ =	strace s18  }
0x93: {  	s3 =	sld [smem:$0x3FFC];
	_ =	sdelay $0x3  }
0x94: {  	_ =	strace s3  }
0x95: {  	s3 =	sld [smem:$0x3FFD];
	_ =	sdelay $0x3  }
0x96: {  	_ =	strace s3  }
0x97: {  	_ =	strace $0x8FFFFFFF  }
0x98: {  	s19 =	sld [smem:$0x3FDB];
	_ =	sdelay $0x1  }
0x99: {  	s4 =	simm.s32 $_scs_section_size  }
0x9a: {  	s5 =	simm.s32 $_size__tile_overlayer_lowered;
	s6 =	simm.s32 $_tile_overlayer_lowered  }
0x9b: {  	s22 =	simm.s32 $0x1BFF;
	s21 =	sshll.u32 s6, $0x1;
	s3 =	sadd.s32 s4, s19  }
0x9c: {  	s7 =	simm.s32 $0x0;
	s20 =	sshll.u32 s5, $0x1;
	s5 =	sadd.s32 s21, s3  }
0x9d: {  	[timem:s7], [sflag:s22] =	dma.local [hbm:s5], s20  }
0x9e: {  	_ =	swait.ge [sflag:s22], s20  }
0x9f: {  	s4 =	ssub.s32 $0x0, s20;
	[sflag:s22] =	ssyncset.done $0x0  }
0xa0: {  	[sflag:s22] =	ssyncadd.s32 s4;
	_ =	sdelay $0x1  }
0xa1: {  	s23 =	simm.s32 $0x1B8B  }
0xa2: {  	_ =	swait.ge [sflag:s23], $0x1  }
0xa3: {  	[sflag:s23] =	ssyncset.done $0x0  }
0xa4: {  	s25 =	simm.s32 $0x1B8E;
	s24 =	sld [smem:$0x3FFE];
	[sflag:s23] =	ssyncadd.s32 $0xFFFFFFFF  }
0xa5: {  	s26 =	simm.s32 $execute0_lowered;
	[smem:$0x3FD2] =	sst s25  }
0xa6: {  	s5 =	sshll.u32 s26, $0x1;
	_ =	strace $0x80000049;
	[dreg:$0x1] =	wrdreg $0xFFFFFFFF  }
0xa7: {  	s28 =	simm.s32 $_size_execute0_lowered;
	s3 =	sadd.s32 s3, s5;
	[dreg:$0x0] =	wrdreg $0x0  }
0xa8: {  	s5 =	sshll.u32 s28, $0x1;
	[dreg:$0x2] =	wrdreg s3  }
0xa9: {  	[dreg:$0x3] =	wrdreg s5  }
0xaa: {  	[dreg:$0x4] =	wrdreg $0xC0  }
0xab: {  	_ =	task [dreg:s7], $0x5FFFF  }
0xac: {  	[dreg:$0x1] =	wrdreg $0xFFFFFFFF  }
0xad: {  	[dreg:$0x0] =	wrdreg $0x60  }
0xae: {  	[dreg:$0x2] =	wrdreg s24  }
0xaf: {  	[dreg:$0x3] =	wrdreg s2  }
0xb0: {  	[dreg:$0x4] =	wrdreg $0xB4000  }
0xb1: {  	[dreg:$0x5] =	wrdreg $0x150400  }
0xb2: {  	[dreg:$0x6] =	wrdreg $0x9  }
0xb3: {  	_ =	task.clear_ibuf [dreg:s7], $0x7FFFF;
	_ =	strace $0x90000049  }
0xb4: {  	s29 =	simm.s32 $0x9;
	_ =	strace $0x8000004B  }
0xb5: {  	_ =	swait.ge [sflag:s29], $0x1  }
0xb6: {  	[sflag:s29] =	ssyncadd.s32 $0xFFFFFFFF  }
0xb7: {  	_ =	strace $0x9000004B  }
0xb8: {  	_ =	sfence  }
0xb9: {  	s30 =	sld [smem:$0x0];
	_ =	sdelay $0x2  }
0xba: {  	s31 =	sshll.u32 s1, $0xD;
	s1 =	sshrl.u32 s1, $0x2  }
0xbb: {  	s3 =	sand.u32 $0x4000, s31;
	s1 =	sadd.s32 s1, s30  }
0xbc: {  	s0 =	sor.u32 s3, s0;
	s1 =	sshll.u32 s1, $0x11  }
0xbd: {  	s0 =	sor.u32 s1, s0  }
0xbe: {  	s0 =	sadd.s32 $0x8F2B, s0  }
0xbf: {  	[sflag:s0] =	ssyncadd.remote.s32 $0x1  }
0xc0: {  	_ =	sfence.sel $0xFFFF  }
0xc1: {  	[dreg:$0x0] =	wrdreg $0xFFFFFFFF;
	(pc) =	sbr.abs _section_cstart, $3  }
0xc2: {  	[dreg:$0x1] =	wrdreg $0xFFFFFFFF  }
0xc3: {  	_ =	task.clear_ibuf [dreg:s7], $0x2FFFF;
	_ =	strace $0x9FFFFFFF  }
0xc4: {  	(tm) =	ssettm $0x7FFFFFFF  }
0xc5: {  	_ =	shalt  }
tec
execute0_lowered:
.L_overlay_start_1:
0x0: {  	(tag) =	ssettag $0x1  }
0x1: {  	s0 =	rddreg [dreg:$0x0]  }
0x2: {  	s3 =	rddreg [dreg:$0x2]  }
0x3: {  	s4 =	rddreg [dreg:$0x3]  }
0x4: {  	s12 =	stileid.u32;
	s2 =	srdreg.scid;
	s5 =	simm.s32 $0x0  }
0x5: {  	s18 =	simm.s32 $0x80;
	s19 =	simm.s32 $0x5400;
	s20 =	simm.s32 $0x7400  }
0x6: {  	s22 =	simm.s32 $0x9400;
	s23 =	simm.s32 $0x1;
	s28 =	simm.s32 $0x3  }
0x7: {  	s29 =	simm.s32 $0x6;
	s30 =	simm.s32 $0x5280;
	s1 =	smul.u32 $0x9C00, s12  }
0x8: {  	s31 =	simm.s32 $0x5300;
	s2 =	sand.u32 $0x1, s2;
	s10 =	smul.u32 $0x9E00, s12  }
0x9: {  	[smem:$0x7FF] =	sst s5;
	s6 =	sshll.u32 s12, $0x1;
	s13 =	sadd.s32 $0x9C000, s3  }
0xa: {  	p0 =	sne.s32 s12, $0xF;
	s26 =	sshll.u32 s12, $0x6;
	s12 =	simm.s32 $0x7  }
0xb: {  	s7 =	smul.u32 $0x9E000, s2;
	_ =	strace $0x8000004A;
	s6 =	sor.u32 s2, s6  }
0xc: {  	s2 =	ssub.s32 $0x2, s2;
	s14 =	sor.u32 $0x1C07, s26;
	s16 =	sshrl.u32 @!p0 s13, $0x3  }
0xd: {  	s26 =	simm.s32 $0x5;
	s8 =	sshrl.u32 s1, $0x3;
	s6 =	smul.u32 $0x540, s6  }
0xe: {  	s24 =	sshrl.u32 s2, $0x1;
	s1 =	sadd.s32 s1, s3;
	s25 =	sadd.s32 s10, s4  }
0xf: {  	s7 =	sadd.s32 s10, s7;
	s8 =	sadd.s32 s8, s0;
	s2 =	ssub.s32 s2, s24  }
0x10: {  	s15 =	sshrl.u32 s1, $0x3;
	s17 =	sshrl.u32 s25, $0x3;
	s24 =	simm.s32 $0x4  }
0x11: {  	s25 =	simm.s32 $0x2;
	s1 =	simm.s32 $0x0;
	s7 =	sshrl.u32 s7, $0x3  }
0x12: {  	s9 =	sadd.s32 s6, s0;
	s8 =	sadd.s32 $0x17400, s8;
	s11 =	sadd.s32 s7, s0  }
0x13: {  	s6 =	sadd.s32 $0xCC00, s9;
	s7 =	sadd.s32 $0x1E00, s9;
	s9 =	sadd.s32 $0x2AC00, s0  }
0x14: {  	s0 =	simm.s32 $0x5380;
	s10 =	sadd.s32 $0x2AE00, s11;
	s11 =	smax.u32 s2, $0x1  }
.LBB2_1:
0x15: {  	[tilespmem:s5], [sflag:$0x7] =	stream.linear.gather [hbm4b:s6+s5], $0x2A00, $0x38;
	[tilespmem:$0x1EE40] =	vst v63  }
0x16: {  	_ =	swait.ge [sflag:s12], $0x2A00  }
0x17: {  	[sflag:s12] =	ssyncset.done $0x0  }
0x18: {  	s2 =	simm.s32 $0x2A00;
	[sflag:s12] =	ssyncadd.s32 $0xFFFFD600  }
0x19: {  	[tilespmem:s2], [sflag:$0x7] =	stream.linear.gather [hbm4b:s7+s5], $0x2A00, $0x38;
	[tilespmem:$0x1EE40] =	vst v63  }
0x1a: {  	_ =	swait.ge [sflag:s12], $0x2A00  }
0x1b: {  	[sflag:s12] =	ssyncset.done $0x0  }
0x1c: {  	[sflag:s12] =	ssyncadd.s32 $0xFFFFD600  }
0x1d: {  	[spmem:s15], [sflag:s14] =	dma.local [hbm:s8], $0x1380  }
0x1e: {  	_ =	swait.ge [sflag:s12], $0x1380  }
0x1f: {  	[sflag:s12] =	ssyncset.done $0x0  }
0x20: {  	s2 =	simm.s32 @!p0 $0x7;
	[sflag:s12] =	ssyncadd.s32 $0xFFFFEC80  }
0x21: {  	[spmem:s16], [sflag:s14] =	dma.local @!p0 [hbm:s9], $0x80  }
0x22: {  	_ =	swait.ge @!p0 [sflag:s2], $0x80  }
0x23: {  	[sflag:s2] =	ssyncset.done @!p0 $0x0  }
0x24: {  	[sflag:s2] =	ssyncadd.s32 @!p0 $0xFFFFFF80  }
0x25: {  	s2 =	rddreg [dreg:$0x1]  }
0x26: {  	[spmem:s17], [sflag:s14] =	dma.local [hbm:s2], $0x13C0  }
0x27: {  	_ =	swait.ge [sflag:s12], $0x13C0  }
0x28: {  	[sflag:s12] =	ssyncset.done $0x0  }
0x29: {  	[sflag:s12] =	ssyncadd.s32 $0xFFFFEC40  }
0x2a: {  	[bflag:$0x0] =	sbarrier.arrive $0xFFFF  }
0x2b: {  	[tilespmem:s19], [sflag:$0x1] =	stream.indirect.gather [spmem:s3], $0x40, s5, s18, $0xb8;
	[tilespmem:$0x1EE40] =	vst v63  }
0x2c: {  	_ = 	snop  }
0x2d: {  	[tilespmem:s20], [sflag:$0x2] =	stream.indirect.gather [spmem:s3], $0x40, s18, s18, $0xb8;
	[tilespmem:$0x1EE40] =	vst v63  }
0x2e: {  	s13 =	simm.s32 $0x100  }
0x2f: {  	[tilespmem:s22], [sflag:$0x3] =	stream.indirect.gather [spmem:s3], $0x40, s13, s18, $0xb8;
	[tilespmem:$0x1EE40] =	vst v63  }
0x30: {  	_ =	swait.ge [sflag:s23], $0x2000  }
0x31: {  	[sflag:s23] =	ssyncset.done $0x0  }
0x32: {  	s21 =	simm.s32 $0x2A00;
	[sflag:s23] =	ssyncadd.s32 $0xFFFFE000  }
0x33: {  	[spmem:s4] =	stream.indirect.scatter.add.f32 [tilespmem:s19], [sflag:$0x4], $0x40, s21, s18, $0xb8;
	[tilespmem:$0x1EE40] =	vst v63  }
0x34: {  	_ =	swait.ge [sflag:s24], $0x2000  }
0x35: {  	[sflag:s24] =	ssyncset.done $0x0  }
0x36: {  	s13 =	simm.s32 $0x180;
	[sflag:s24] =	ssyncadd.s32 $0xFFFFE000  }
0x37: {  	[tilespmem:s19], [sflag:$0x1] =	stream.indirect.gather [spmem:s3], $0x40, s13, s18, $0xb8;
	[tilespmem:$0x1EE40] =	vst v63  }
0x38: {  	_ =	swait.ge [sflag:s25], $0x2000  }
0x39: {  	[sflag:s25] =	ssyncset.done $0x0  }
0x3a: {  	s21 =	simm.s32 $0x2A80;
	[sflag:s25] =	ssyncadd.s32 $0xFFFFE000  }
0x3b: {  	[spmem:s4] =	stream.indirect.scatter.add.f32 [tilespmem:s20], [sflag:$0x5], $0x40, s21, s18, $0xb8;
	[tilespmem:$0x1EE40] =	vst v63  }
0x3c: {  	_ =	swait.ge [sflag:s26], $0x2000  }
0x3d: {  	[sflag:s26] =	ssyncset.done $0x0  }
0x3e: {  	s13 =	simm.s32 $0x200;
	[sflag:s26] =	ssyncadd.s32 $0xFFFFE000  }
0x3f: {  	[tilespmem:s20], [sflag:$0x2] =	stream.indirect.gather [spmem:s3], $0x40, s13, s18, $0xb8;
	[tilespmem:$0x1EE40] =	vst v63  }
0x40: {  	_ =	swait.ge [sflag:s28], $0x2000  }
0x41: {  	[sflag:s28] =	ssyncset.done $0x0  }
0x42: {  	s21 =	simm.s32 $0x2B00;
	[sflag:s28] =	ssyncadd.s32 $0xFFFFE000  }
0x43: {  	[spmem:s4] =	stream.indirect.scatter.add.f32 [tilespmem:s22], [sflag:$0x6], $0x40, s21, s18, $0xb8;
	[tilespmem:$0x1EE40] =	vst v63  }
0x44: {  	_ =	swait.ge [sflag:s29], $0x2000  }
0x45: {  	[sflag:s29] =	ssyncset.done $0x0  }
0x46: {  	s2 =	simm.s32 $0x600;
	s13 =	simm.s32 $0x280;
	[sflag:s29] =	ssyncadd.s32 $0xFFFFE000  }
.LBB2_2:
0x47: {  	[tilespmem:s22], [sflag:$0x3] =	stream.indirect.gather [spmem:s3], $0x40, s13, s18, $0xb8;
	[tilespmem:$0x1EE40] =	vst v63  }
0x48: {  	s13 =	smov.u32 s2  }
0x49: {  	p1 =	sne.s32 s2, $0x9C00;
	s2 =	sadd.s32 $0x600, s2;
	_ =	swait.ge [sflag:s23], $0x2000  }
0x4a: {  	s13 =	sshra.s32 s13, $0x2;
	[sflag:s23] =	ssyncset.done $0x0  }
0x4b: {  	s21 =	sadd.s32 $0x2A00, s13;
	[sflag:s23] =	ssyncadd.s32 $0xFFFFE000  }
0x4c: {  	[spmem:s4] =	stream.indirect.scatter.add.f32 [tilespmem:s19], [sflag:$0x4], $0x40, s21, s18, $0xb8;
	[tilespmem:$0x1EE40] =	vst v63  }
0x4d: {  	_ =	swait.ge [sflag:s24], $0x2000  }
0x4e: {  	[sflag:s24] =	ssyncset.done $0x0  }
0x4f: {  	s21 =	sadd.s32 $0x180, s13;
	[sflag:s24] =	ssyncadd.s32 $0xFFFFE000  }
0x50: {  	[tilespmem:s19], [sflag:$0x1] =	stream.indirect.gather [spmem:s3], $0x40, s21, s18, $0xb8;
	[tilespmem:$0x1EE40] =	vst v63  }
0x51: {  	_ =	swait.ge [sflag:s25], $0x2000  }
0x52: {  	[sflag:s25] =	ssyncset.done $0x0  }
0x53: {  	s21 =	sadd.s32 $0x2A80, s13;
	[sflag:s25] =	ssyncadd.s32 $0xFFFFE000  }
0x54: {  	[spmem:s4] =	stream.indirect.scatter.add.f32 [tilespmem:s20], [sflag:$0x5], $0x40, s21, s18, $0xb8;
	[tilespmem:$0x1EE40] =	vst v63  }
0x55: {  	_ =	swait.ge [sflag:s26], $0x2000  }
0x56: {  	[sflag:s26] =	ssyncset.done $0x0  }
0x57: {  	s21 =	sadd.s32 $0x200, s13;
	[sflag:s26] =	ssyncadd.s32 $0xFFFFE000  }
0x58: {  	[tilespmem:s20], [sflag:$0x2] =	stream.indirect.gather [spmem:s3], $0x40, s21, s18, $0xb8;
	[tilespmem:$0x1EE40] =	vst v63  }
0x59: {  	_ =	swait.ge [sflag:s28], $0x2000  }
0x5a: {  	[sflag:s28] =	ssyncset.done $0x0  }
.Ltmp0:
0x5b: {  	s21 =	sadd.s32 $0x2B00, s13;
	[sflag:s28] =	ssyncadd.s32 $0xFFFFE000;
	(pc) =	sbr.rel @p1 .LBB2_2-.Ltmp0, $4  }
0x5c: {  	[spmem:s4] =	stream.indirect.scatter.add.f32 [tilespmem:s22], [sflag:$0x6], $0x40, s21, s18, $0xb8;
	[tilespmem:$0x1EE40] =	vst v63  }
0x5d: {  	_ =	swait.ge [sflag:s29], $0x2000  }
0x5e: {  	[sflag:s29] =	ssyncset.done $0x0  }
0x5f: {  	s13 =	sadd.s32 $0x280, s13;
	[sflag:s29] =	ssyncadd.s32 $0xFFFFE000  }
0x60: {  	[tilespmem:s22], [sflag:$0x3] =	stream.indirect.gather [spmem:s3], $0x40, s13, s18, $0xb8;
	[tilespmem:$0x1EE40] =	vst v63  }
0x61: {  	_ =	swait.ge [sflag:s23], $0x2000  }
0x62: {  	[sflag:s23] =	ssyncset.done $0x0  }
0x63: {  	[sflag:s23] =	ssyncadd.s32 $0xFFFFE000  }
0x64: {  	[spmem:s4] =	stream.indirect.scatter.add.f32 [tilespmem:s19], [sflag:$0x4], $0x40, s30, s18, $0xb8;
	[tilespmem:$0x1EE40] =	vst v63  }
0x65: {  	_ =	swait.ge [sflag:s25], $0x2000  }
0x66: {  	[sflag:s25] =	ssyncset.done $0x0  }
0x67: {  	[sflag:s25] =	ssyncadd.s32 $0xFFFFE000  }
0x68: {  	[spmem:s4] =	stream.indirect.scatter.add.f32 [tilespmem:s20], [sflag:$0x5], $0x40, s31, s18, $0xb8;
	[tilespmem:$0x1EE40] =	vst v63  }
0x69: {  	_ =	swait.ge [sflag:s28], $0x2000  }
0x6a: {  	[sflag:s28] =	ssyncset.done $0x0  }
0x6b: {  	[sflag:s28] =	ssyncadd.s32 $0xFFFFE000  }
0x6c: {  	[spmem:s4] =	stream.indirect.scatter.add.f32 [tilespmem:s22], [sflag:$0x6], $0x40, s0, s18, $0xb8;
	[tilespmem:$0x1EE40] =	vst v63  }
0x6d: {  	_ =	swait.ge [sflag:s24], $0x2000  }
0x6e: {  	[sflag:s24] =	ssyncset.done $0x0  }
0x6f: {  	[sflag:s24] =	ssyncadd.s32 $0xFFFFE000  }
0x70: {  	_ =	swait.ge [sflag:s26], $0x2000  }
0x71: {  	[sflag:s26] =	ssyncset.done $0x0  }
0x72: {  	[sflag:s26] =	ssyncadd.s32 $0xFFFFE000  }
0x73: {  	_ =	swait.ge [sflag:s29], $0x2000  }
0x74: {  	s1 =	sadd.s32 $0x1, s1;
	[sflag:s29] =	ssyncset.done $0x0  }
0x75: {  	p1 =	sne.s32 s1, s11;
	[sflag:s29] =	ssyncadd.s32 $0xFFFFE000  }
.Ltmp1:
0x76: {  	[bflag:$0x0] =	sbarrier.arrive $0xFFFF;
	(pc) =	sbr.rel @p1 .LBB2_1-.Ltmp1, $4  }
0x77: {  	[hbm:s10], [sflag:s14] =	dma.local [spmem:s17], $0x13C0  }
0x78: {  	_ =	swait.ge [sflag:s12], $0x13C0  }
0x79: {  	[sflag:s12] =	ssyncset.done $0x0  }
0x7a: {  	[sflag:s12] =	ssyncadd.s32 $0xFFFFEC40  }
0x7b: {  	_ =	sfence.sel $0x180000  }
0x7c: {  	[bflag:$0x0] =	sbarrier.arrive $0xFFFF  }
0x7d: {  	_ =	strace $0x9000004A  }
0x7e: {  	s0 =	stileid.u32;
	[bflag:$0x2] =	sbarrier.arrive $0xFFFF  }
0x7f: {  	p0 =	sne.s32 s0, $0x0;
	s0 =	rddreg [dreg:$0x4]  }
0x80: {  	s0 =	sadd.s32 @!p0 $0x100000, s0  }
0x81: {  	[sflag:s0] =	ssyncadd.tile.s32 @!p0 $0x1;
	_ =	shalt  }
.Lfunc_end2:
_tile_overlayer_lowered:
.L_overlay_start_2:
0x82: {  	(tag) =	ssettag $0x2  }
0x83: {  	s0 =	rddreg [dreg:$0x0];
	s2 =	stileid.u32  }
0x84: {  	s1 =	rddreg [dreg:$0x1];
	p0 =	sne.s32 s2, $0x0  }
0x85: {  	s3 =	rddreg [dreg:$0x2];
	[bflag:$0x3] =	sbarrier.arrive $0xFFFF;
	s2 =	simm.s32 @!p0 $0x1C07  }
0x86: {  	[timem:s3], [sflag:s2] =	dma.local @!p0 [hbm:s0], s1  }
0x87: {  	s0 =	simm.s32 @!p0 $0x7  }
0x88: {  	_ =	swait.ge @!p0 [sflag:s0], s1  }
0x89: {  	s1 =	ssub.s32 @!p0 $0x0, s1;
	[sflag:s0] =	ssyncset.done @!p0 $0x0  }
0x8a: {  	[sflag:s0] =	ssyncadd.s32 @!p0 s1  }
0x8b: {  	[bflag:$0x3] =	sbarrier.arrive $0xFFFF  }
0x8c: {  	_ =	shalt  }

// kernel: kernel.17.cloned.1.call-start
scs
__scs_entry_jumppad:
0x0: {  	(pc) =	sbr.rel $0x88, $3  }
0x1: {  	(tag) =	ssettag $0x0;
	lr =	simm.s32 $0x1  }
0x2: {  	[smem:$0x3F99] =	sst lr;
	_ =	strace $0xD0000000  }
0x3: {  	_ = 	snop  }
0x4: {  	_ = 	snop  }
0x5: {  	_ = 	snop  }
0x6: {  	_ = 	snop  }
0x7: {  	_ = 	snop  }
__scs_overlays_trampoline_lowered:
0x8: {  	[smem:$0x3FA8] =	sst s0  }
0x9: {  	[smem:$0x3FA9] =	sst s1  }
0xa: {  	[smem:$0x3FAA] =	sst s2  }
0xb: {  	[smem:$0x3FAB] =	sst s3  }
0xc: {  	[smem:$0x3FAC] =	sst s4  }
0xd: {  	[smem:$0x3FAD] =	sst s5  }
0xe: {  	[smem:$0x3FAE] =	sst s6  }
0xf: {  	[smem:$0x3FAF] =	sst s7  }
0x10: {  	[smem:$0x3FB0] =	sst s8  }
0x11: {  	[smem:$0x3FB1] =	sst s9;
	s0 =	simm.s32 @!p0 $0x0  }
0x12: {  	s1 =	sld [smem:$0x3F97];
	s0 =	simm.s32 @p0 $0x1  }
0x13: {  	[smem:$0x3FB2] =	sst s0;
	s0 =	simm.s32 @!p1 $0x0  }
0x14: {  	s2 =	sld [smem:$0x3F96];
	s0 =	simm.s32 @p1 $0x1  }
0x15: {  	[smem:$0x3FB3] =	sst s0;
	s0 =	simm.s32 @!p2 $0x0  }
0x16: {  	s3 =	sld [smem:$0x3FDB];
	s0 =	simm.s32 @p2 $0x1  }
0x17: {  	s4 =	simm.s32 $0x1BF5;
	[smem:$0x3FB5] =	sst s0  }
0x18: {  	s0 =	sld [smem:$0x3F98];
	_ =	swait.ge [sflag:s4], $0x0  }
0x19: {  	s7 =	sld [smem:$0x3F99]  }
0x1a: {  	s8 =	sadd.s32 $0xFFFFE003, lr  }
0x1b: {  	s9 =	sadd.s32 $0xFFFFFEF7, lr;
	s5 =	simm.s32 $0xFFFFFFFF;
	p2 =	slt.u32 s8, $0xFFFFF086  }
0x1c: {  	p1 =	slt.u32 s9, $0xF7A;
	s5 =	simm.s32 @!p2 $0x0  }
0x1d: {  	s5 =	simm.s32 @p1 $0x1;
	p0 =	seq.s32 s7, s2  }
0x1e: {  	s7 =	smul.u32 @!p0 $0xF7A, s2;
	p2 =	seq.s32 @!p0 s5, $0x0  }
0x1f: {  	s9 =	smul.u32 $0xF7A, s1;
	s8 =	simm.s32 @!p0 $0x1BF5;
	p2 =	por !p2, p0  }
0x20: {  	[sflag:s8] =	ssyncset.s32 @!p0 $0xFFFFF086;
	s6 =	sadd.s32 @!p0 s3, s7;
	s7 =	simm.s32 @!p0 $0x108  }
0x21: {  	s3 =	sadd.s32 s3, s9;
	s6 =	sadd.s32 @!p0 $0x88, s6;
	s7 =	simm.s32 @p2 $0x1082  }
0x22: {  	[simem:s7], [sflag:s8] =	dma.local @!p0 [hbm:s6], $0xF7A  }
0x23: {  	s9 =	sor.u32 $0xD0000000, s2;
	s6 =	simm.s32 $0x108;
	_ =	swait.ge @!p0 [sflag:s8], $0x0  }
0x24: {  	s3 =	sadd.s32 $0x88, s3;
	s6 =	simm.s32 @!p1 $0x1082;
	[sflag:s4] =	ssyncset.s32 $0xFFFFF086  }
0x25: {  	[simem:s6], [sflag:s4] =	dma.local [hbm:s3], $0xF7A  }
0x26: {  	[smem:$0x3F99] =	sst s1;
	(tag) =	ssettag s2;
	_ =	strace s9  }
0x27: {  	s1 =	sld [smem:$0x3FA9]  }
0x28: {  	s2 =	sld [smem:$0x3FAA]  }
0x29: {  	s4 =	sld [smem:$0x3FAC]  }
0x2a: {  	p0 =	seq.s32 s5, $0x0;
	s5 =	sld [smem:$0x3FAD]  }
0x2b: {  	s6 =	sld [smem:$0x3FAE]  }
0x2c: {  	s7 =	sld [smem:$0x3FAF]  }
0x2d: {  	s3 =	simm.s32 $0x108;
	s8 =	sld [smem:$0x3FB0]  }
0x2e: {  	s3 =	simm.s32 @!p0 $0x1082;
	s9 =	sld [smem:$0x3FB1]  }
0x2f: {  	lr =	sadd.s32 s0, s3;
	s0 =	sld [smem:$0x3FA8]  }
0x30: {  	s3 =	sld [smem:$0x3FAB]  }
0x31: {  	[smem:$0x3FB4] =	sst s10  }
0x32: {  	s10 =	sld [smem:$0x3FB2];
	_ =	sdelay $0x3  }
0x33: {  	p0 =	seq.s32 s10, $0x1;
	s10 =	sld [smem:$0x3FB4];
	_ =	sdelay $0x3  }
0x34: {  	[smem:$0x3FB4] =	sst s10  }
0x35: {  	s10 =	sld [smem:$0x3FB3];
	_ =	sdelay $0x3  }
0x36: {  	p1 =	seq.s32 s10, $0x1;
	s10 =	sld [smem:$0x3FB4];
	_ =	sdelay $0x3  }
0x37: {  	[smem:$0x3FB4] =	sst s10  }
0x38: {  	s10 =	sld [smem:$0x3FB5]  }
0x39: {  	_ = 	snop;
	(pc) =	sbr.ind lr, $3  }
0x3a: {  	_ = 	snop  }
0x3b: {  	_ = 	snop  }
0x3c: {  	p2 =	seq.s32 s10, $0x1;
	s10 =	sld [smem:$0x3FB4]  }
0x3d: {  	_ =	shalt  }
0x3e: {  	_ =	shalt  }
0x3f: {  	_ =	shalt  }
0x40: {  	_ =	shalt  }
0x41: {  	_ =	shalt  }
0x42: {  	_ =	shalt  }
0x43: {  	_ =	shalt  }
0x44: {  	_ =	shalt  }
0x45: {  	_ =	shalt  }
0x46: {  	_ =	shalt  }
0x47: {  	_ =	shalt  }
0x48: {  	_ =	shalt  }
0x49: {  	_ =	shalt  }
0x4a: {  	_ =	shalt  }
0x4b: {  	_ =	shalt  }
0x4c: {  	_ =	shalt  }
0x4d: {  	_ =	shalt  }
0x4e: {  	_ =	shalt  }
0x4f: {  	_ =	shalt  }
0x50: {  	_ =	shalt  }
0x51: {  	_ =	shalt  }
0x52: {  	_ =	shalt  }
0x53: {  	_ =	shalt  }
0x54: {  	_ =	shalt  }
0x55: {  	_ =	shalt  }
0x56: {  	_ =	shalt  }
0x57: {  	_ =	shalt  }
0x58: {  	_ =	shalt  }
0x59: {  	_ =	shalt  }
0x5a: {  	_ =	shalt  }
0x5b: {  	_ =	shalt  }
0x5c: {  	_ =	shalt  }
0x5d: {  	_ =	shalt  }
0x5e: {  	_ =	shalt  }
0x5f: {  	_ =	shalt  }
0x60: {  	_ =	shalt  }
0x61: {  	_ =	shalt  }
0x62: {  	_ =	shalt  }
0x63: {  	_ =	shalt  }
0x64: {  	_ =	shalt  }
0x65: {  	_ =	shalt  }
0x66: {  	_ =	shalt  }
0x67: {  	_ =	shalt  }
0x68: {  	_ =	shalt  }
0x69: {  	_ =	shalt  }
0x6a: {  	_ =	shalt  }
0x6b: {  	_ =	shalt  }
0x6c: {  	_ =	shalt  }
0x6d: {  	_ =	shalt  }
0x6e: {  	_ =	shalt  }
0x6f: {  	_ =	shalt  }
0x70: {  	_ =	shalt  }
0x71: {  	_ =	shalt  }
0x72: {  	_ =	shalt  }
0x73: {  	_ =	shalt  }
0x74: {  	_ =	shalt  }
0x75: {  	_ =	shalt  }
0x76: {  	_ =	shalt  }
0x77: {  	_ =	shalt  }
0x78: {  	_ =	shalt  }
0x79: {  	_ =	shalt  }
0x7a: {  	_ =	shalt  }
0x7b: {  	_ =	shalt  }
0x7c: {  	_ =	shalt  }
0x7d: {  	_ =	shalt  }
0x7e: {  	_ =	shalt  }
0x7f: {  	_ =	shalt  }
0x80: {  	_ =	shalt  }
0x81: {  	_ =	shalt  }
0x82: {  	_ =	shalt  }
0x83: {  	_ =	shalt  }
0x84: {  	_ =	shalt  }
0x85: {  	_ =	shalt  }
0x86: {  	_ =	shalt  }
0x87: {  	_ =	shalt  }
.Lfunc_end0:
.L_simem_size_0:
called_computation.2_lowered:
.L_overlay_start_0:
0x88: {  	s2 =	sld [smem:$0x3FD9]  }
0x89: {  	s3 =	sld [smem:$0x3FFE];
	_ =	sdelay $0x1  }
0x8a: {  	s1 =	srdreg.scid  }
0x8b: {  	s0 =	sand.u32 $0x1, s1  }
0x8c: {  	s17 =	sshll.u32 s0, $0xA;
	s2 =	sadd.s32 s3, s2  }
0x8d: {  	s2 =	sadd.s32 s2, s17  }
0x8e: {  	[smem:$0x3FC0] =	sst s2  }
0x8f: {  	_ = 	snop  }
0x90: {  	s2 =	sld [smem:$0x3FD0];
	(tm) =	ssettm $0x1  }
0x91: {  	s18 =	sld [smem:$0x3FFB];
	_ =	sdelay $0x3  }
0x92: {  	_ =	strace s18  }
0x93: {  	s3 =	sld [smem:$0x3FFC];
	_ =	sdelay $0x3  }
0x94: {  	_ =	strace s3  }
0x95: {  	s3 =	sld [smem:$0x3FFD];
	_ =	sdelay $0x3  }
0x96: {  	_ =	strace s3  }
0x97: {  	_ =	strace $0x8FFFFFFF  }
0x98: {  	s19 =	sld [smem:$0x3FDB];
	_ =	sdelay $0x1  }
0x99: {  	s4 =	simm.s32 $_scs_section_size  }
0x9a: {  	s5 =	simm.s32 $_size__tile_overlayer_lowered;
	s6 =	simm.s32 $_tile_overlayer_lowered  }
0x9b: {  	s22 =	simm.s32 $0x1BFF;
	s21 =	sshll.u32 s6, $0x1;
	s3 =	sadd.s32 s4, s19  }
0x9c: {  	s7 =	simm.s32 $0x0;
	s20 =	sshll.u32 s5, $0x1;
	s5 =	sadd.s32 s21, s3  }
0x9d: {  	[timem:s7], [sflag:s22] =	dma.local [hbm:s5], s20  }
0x9e: {  	_ =	swait.ge [sflag:s22], s20  }
0x9f: {  	s4 =	ssub.s32 $0x0, s20;
	[sflag:s22] =	ssyncset.done $0x0  }
0xa0: {  	[sflag:s22] =	ssyncadd.s32 s4;
	_ =	sdelay $0x1  }
0xa1: {  	s23 =	simm.s32 $0x1B8B  }
0xa2: {  	_ =	swait.ge [sflag:s23], $0x1  }
0xa3: {  	[sflag:s23] =	ssyncset.done $0x0  }
0xa4: {  	s25 =	simm.s32 $0x1B8E;
	s24 =	sld [smem:$0x3FFE];
	[sflag:s23] =	ssyncadd.s32 $0xFFFFFFFF  }
0xa5: {  	s26 =	simm.s32 $execute0_lowered;
	[smem:$0x3FD2] =	sst s25  }
0xa6: {  	s5 =	sshll.u32 s26, $0x1;
	_ =	strace $0x8000004C;
	[dreg:$0x1] =	wrdreg $0xFFFFFFFF  }
0xa7: {  	s28 =	simm.s32 $_size_execute0_lowered;
	s3 =	sadd.s32 s3, s5;
	[dreg:$0x0] =	wrdreg $0x0  }
0xa8: {  	s5 =	sshll.u32 s28, $0x1;
	[dreg:$0x2] =	wrdreg s3  }
0xa9: {  	[dreg:$0x3] =	wrdreg s5  }
0xaa: {  	[dreg:$0x4] =	wrdreg $0xC0  }
0xab: {  	_ =	task [dreg:s7], $0x5FFFF  }
0xac: {  	[dreg:$0x1] =	wrdreg $0xFFFFFFFF  }
0xad: {  	[dreg:$0x0] =	wrdreg $0x60  }
0xae: {  	[dreg:$0x2] =	wrdreg s2  }
0xaf: {  	[dreg:$0x3] =	wrdreg s24  }
0xb0: {  	[dreg:$0x4] =	wrdreg $0x134000  }
0xb1: {  	[dreg:$0x5] =	wrdreg $0x182200  }
0xb2: {  	[dreg:$0x6] =	wrdreg $0x9  }
0xb3: {  	_ =	task.clear_ibuf [dreg:s7], $0x7FFFF;
	_ =	strace $0x9000004C  }
0xb4: {  	s29 =	simm.s32 $0x9;
	_ =	strace $0x8000004E  }
0xb5: {  	_ =	swait.ge [sflag:s29], $0x1  }
0xb6: {  	[sflag:s29] =	ssyncadd.s32 $0xFFFFFFFF  }
0xb7: {  	_ =	strace $0x9000004E  }
0xb8: {  	_ =	sfence  }
0xb9: {  	s30 =	sld [smem:$0x0];
	_ =	sdelay $0x2  }
0xba: {  	s31 =	sshll.u32 s1, $0xD;
	s1 =	sshrl.u32 s1, $0x2  }
0xbb: {  	s3 =	sand.u32 $0x4000, s31;
	s1 =	sadd.s32 s1, s30  }
0xbc: {  	s0 =	sor.u32 s3, s0;
	s1 =	sshll.u32 s1, $0x11  }
0xbd: {  	s0 =	sor.u32 s1, s0  }
0xbe: {  	s0 =	sadd.s32 $0x8F2B, s0  }
0xbf: {  	[sflag:s0] =	ssyncadd.remote.s32 $0x1  }
0xc0: {  	_ =	sfence.sel $0xFFFF  }
0xc1: {  	[dreg:$0x0] =	wrdreg $0xFFFFFFFF;
	(pc) =	sbr.abs _section_cstart, $3  }
0xc2: {  	[dreg:$0x1] =	wrdreg $0xFFFFFFFF  }
0xc3: {  	_ =	task.clear_ibuf [dreg:s7], $0x2FFFF;
	_ =	strace $0x9FFFFFFF  }
0xc4: {  	(tm) =	ssettm $0x7FFFFFFF  }
0xc5: {  	_ =	shalt  }
tec
execute0_lowered:
.L_overlay_start_1:
0x0: {  	(tag) =	ssettag $0x1  }
0x1: {  	s0 =	rddreg [dreg:$0x0]  }
0x2: {  	s1 =	srdreg.scid;
	s5 =	rddreg [dreg:$0x1]  }
0x3: {  	s11 =	stileid.u32;
	s2 =	rddreg [dreg:$0x2]  }
0x4: {  	s12 =	simm.s32 $0xF;
	s18 =	simm.s32 $0x100;
	s19 =	simm.s32 $0x5400  }
0x5: {  	s31 =	simm.s32 $0x11400;
	s13 =	simm.s32 $0x5;
	s28 =	simm.s32 $0xC  }
0x6: {  	s29 =	simm.s32 $0xD;
	s30 =	simm.s32 $0xE;
	s1 =	sand.u32 $0x1, s1  }
0x7: {  	s3 =	sshll.u32 s11, $0x1;
	s7 =	smul.u32 $0x4F00, s11;
	s9 =	sadd.s32 $0x17400, s5  }
0x8: {  	s10 =	smul.u32 $0x4E00, s11;
	p0 =	sne.s32 s11, $0xF;
	s25 =	sshll.u32 s11, $0x6  }
0x9: {  	s4 =	sor.u32 s1, s3;
	s3 =	rddreg [dreg:$0x3];
	s8 =	smul.u32 $0x4F000, s1  }
0xa: {  	s1 =	ssub.s32 $0x2, s1;
	s14 =	sor.u32 $0x1C0F, s25;
	s25 =	simm.s32 $0xB  }
0xb: {  	s6 =	smul.u32 $0x540, s4;
	s4 =	simm.s32 $0x0;
	s20 =	sshrl.u32 s1, $0x1  }
0xc: {  	s22 =	sadd.s32 s10, s2;
	s23 =	sshrl.u32 s10, $0x3;
	s24 =	sadd.s32 s7, s3  }
0xd: {  	[smem:$0x7FF] =	sst s4;
	s8 =	sadd.s32 s7, s8;
	s1 =	ssub.s32 s1, s20  }
0xe: {  	s26 =	sshrl.u32 s22, $0x3;
	s17 =	sshrl.u32 s24, $0x3;
	s22 =	simm.s32 $0x9400  }
0xf: {  	s20 =	simm.s32 $0x7;
	s24 =	simm.s32 $0xA;
	_ =	strace $0x8000004D  }
0x10: {  	s6 =	sadd.s32 s6, s5;
	[dreg:$0x5] =	wrdreg s9;
	s8 =	sshrl.u32 s8, $0x3  }
0x11: {  	s1 =	smax.u32 s1, $0x1;
	[dreg:$0xc] =	wrdreg s26;
	s26 =	simm.s32 $0xD400  }
0x12: {  	s5 =	sadd.s32 s8, s5;
	s21 =	sadd.s32 $0xCC00, s6;
	[dreg:$0xb] =	wrdreg s1  }
0x13: {  	s6 =	sadd.s32 $0x1E00, s6;
	s8 =	sadd.s32 s0, s23;
	[dreg:$0x6] =	wrdreg s21  }
.Ltmp0:
0x14: {  	s0 =	sadd.s32 $0x9C00, s0;
	[dreg:$0x7] =	wrdreg s6;
	(pc) =	sbr.rel .LBB2_1-.Ltmp0, $4  }
0x15: {  	s23 =	simm.s32 $0x9;
	[dreg:$0x8] =	wrdreg s8;
	s8 =	sadd.s32 $0x4E000, s2  }
0x16: {  	[dreg:$0x9] =	wrdreg s0;
	s5 =	sadd.s32 $0x17E00, s5;
	s0 =	simm.s32 $0x3  }
0x17: {  	s21 =	simm.s32 $0x8;
	[dreg:$0xa] =	wrdreg s5;
	s1 =	sshrl.u32 @!p0 s8, $0x3  }
0x18: {  	s5 =	simm.s32 $0x0;
	[dreg:$0xd] =	wrdreg s1;
	s1 =	simm.s32 $0x1  }
.LBB2_4:
0x19: {  	_ =	swait.ge [sflag:s21], $0x2000  }
0x1a: {  	[sflag:s21] =	ssyncset.done $0x0  }
0x1b: {  	[sflag:s21] =	ssyncadd.s32 $0xFFFFE000  }
0x1c: {  	_ =	swait.ge [sflag:s23], $0x2000  }
0x1d: {  	[sflag:s23] =	ssyncset.done $0x0  }
0x1e: {  	[sflag:s23] =	ssyncadd.s32 $0xFFFFE000  }
0x1f: {  	_ =	swait.ge [sflag:s24], $0x2000  }
0x20: {  	[sflag:s24] =	ssyncset.done $0x0  }
0x21: {  	[sflag:s24] =	ssyncadd.s32 $0xFFFFE000  }
0x22: {  	_ =	swait.ge [sflag:s25], $0x2000  }
0x23: {  	[sflag:s25] =	ssyncset.done $0x0  }
0x24: {  	[sflag:s25] =	ssyncadd.s32 $0xFFFFE000  }
0x25: {  	_ =	swait.ge [sflag:s28], $0x2000  }
0x26: {  	[sflag:s28] =	ssyncset.done $0x0  }
0x27: {  	[sflag:s28] =	ssyncadd.s32 $0xFFFFE000  }
0x28: {  	_ =	swait.ge [sflag:s29], $0x2000  }
0x29: {  	[sflag:s29] =	ssyncset.done $0x0  }
0x2a: {  	[sflag:s29] =	ssyncadd.s32 $0xFFFFE000  }
0x2b: {  	_ =	swait.ge [sflag:s30], $0x2000  }
0x2c: {  	[sflag:s30] =	ssyncset.done $0x0  }
0x2d: {  	[sflag:s30] =	ssyncadd.s32 $0xFFFFE000  }
0x2e: {  	[bflag:$0x0] =	sbarrier.arrive $0xFFFF  }
0x2f: {  	s6 =	rddreg [dreg:$0xa]  }
0x30: {  	[hbm:s6], [sflag:s14] =	dma.local [spmem:s17], $0x9E0  }
0x31: {  	_ =	swait.ge [sflag:s12], $0x9E0  }
0x32: {  	s5 =	sadd.s32 $0x1, s5;
	s16 =	rddreg [dreg:$0xb]  }
0x33: {  	p1 =	sne.s32 s5, s16  }
.Ltmp1:
0x34: {  	_ = 	snop;
	(pc) =	sbr.rel @!p1 .LBB2_5-.Ltmp1, $3  }
0x35: {  	_ =	sdelay $0x1  }
0x36: {  	[sflag:s12] =	ssyncset.done $0x0  }
0x37: {  	[sflag:s12] =	ssyncadd.s32 $0xFFFFF620  }
.LBB2_1:
0x38: {  	s6 =	rddreg [dreg:$0x6]  }
0x39: {  	[tilespmem:s4], [sflag:$0xF] =	stream.linear.gather [hbm4b:s6+s4], $0x2A00, $0x38;
	[tilespmem:$0x1D120] =	vst v63  }
0x3a: {  	_ =	swait.ge [sflag:s12], $0x2A00  }
0x3b: {  	[sflag:s12] =	ssyncset.done $0x0  }
0x3c: {  	s7 =	simm.s32 $0x2A00;
	s9 =	rddreg [dreg:$0x7];
	[sflag:s12] =	ssyncadd.s32 $0xFFFFD600  }
0x3d: {  	[tilespmem:s7], [sflag:$0xF] =	stream.linear.gather [hbm4b:s9+s4], $0x2A00, $0x38;
	[tilespmem:$0x1D120] =	vst v63  }
0x3e: {  	_ =	swait.ge [sflag:s12], $0x2A00  }
0x3f: {  	[sflag:s12] =	ssyncset.done $0x0;
	s10 =	rddreg [dreg:$0x8]  }
0x40: {  	s11 =	rddreg [dreg:$0xc];
	[sflag:s12] =	ssyncadd.s32 $0xFFFFD600  }
0x41: {  	[spmem:s11], [sflag:s14] =	dma.local [hbm:s10], $0x9C0  }
0x42: {  	_ =	swait.ge [sflag:s12], $0x9C0  }
0x43: {  	[sflag:s12] =	ssyncset.done $0x0;
	s6 =	rddreg [dreg:$0x9]  }
0x44: {  	s7 =	rddreg [dreg:$0xd];
	[sflag:s12] =	ssyncadd.s32 $0xFFFFF640  }
0x45: {  	[spmem:s7], [sflag:s14] =	dma.local @!p0 [hbm:s6], $0x40  }
0x46: {  	s6 =	simm.s32 @!p0 $0xF  }
0x47: {  	_ =	swait.ge @!p0 [sflag:s6], $0x40  }
0x48: {  	[sflag:s6] =	ssyncset.done @!p0 $0x0  }
0x49: {  	s15 =	rddreg [dreg:$0x5];
	[sflag:s6] =	ssyncadd.s32 @!p0 $0xFFFFFFC0  }
0x4a: {  	[spmem:s17], [sflag:s14] =	dma.local [hbm:s15], $0x9E0  }
0x4b: {  	_ =	swait.ge [sflag:s12], $0x9E0  }
0x4c: {  	[sflag:s12] =	ssyncset.done $0x0  }
0x4d: {  	[sflag:s12] =	ssyncadd.s32 $0xFFFFF620  }
0x4e: {  	[bflag:$0x0] =	sbarrier.arrive $0xFFFF  }
0x4f: {  	[tilespmem:s19], [sflag:$0x1] =	stream.indirect.gather [spmem:s2], $0x20, s4, s18, $0xb8;
	[tilespmem:$0x1D120] =	vst v63  }
0x50: {  	s16 =	simm.s32 $0x7400  }
0x51: {  	[tilespmem:s16], [sflag:$0x2] =	stream.indirect.gather [spmem:s2], $0x20, s18, s18, $0xb8;
	[tilespmem:$0x1D120] =	vst v63  }
0x52: {  	s7 =	simm.s32 $0x200  }
0x53: {  	[tilespmem:s22], [sflag:$0x3] =	stream.indirect.gather [spmem:s2], $0x20, s7, s18, $0xb8;
	[tilespmem:$0x1D120] =	vst v63  }
0x54: {  	s8 =	simm.s32 $0x300;
	s9 =	simm.s32 $0xB400  }
0x55: {  	[tilespmem:s9], [sflag:$0x4] =	stream.indirect.gather [spmem:s2], $0x20, s8, s18, $0xb8;
	[tilespmem:$0x1D120] =	vst v63  }
0x56: {  	s10 =	simm.s32 $0x400  }
0x57: {  	[tilespmem:s26], [sflag:$0x5] =	stream.indirect.gather [spmem:s2], $0x20, s10, s18, $0xb8;
	[tilespmem:$0x1D120] =	vst v63  }
0x58: {  	s11 =	simm.s32 $0x500;
	s15 =	simm.s32 $0xF400  }
0x59: {  	[tilespmem:s15], [sflag:$0x6] =	stream.indirect.gather [spmem:s2], $0x20, s11, s18, $0xb8;
	[tilespmem:$0x1D120] =	vst v63  }
0x5a: {  	s6 =	simm.s32 $0x0;
	s16 =	simm.s32 $0x600  }
0x5b: {  	[tilespmem:s31], [sflag:$0x7] =	stream.indirect.gather [spmem:s2], $0x20, s16, s18, $0xb8;
	[tilespmem:$0x1D120] =	vst v63  }
.LBB2_2:
0x5c: {  	_ =	swait.ge [sflag:s1], $0x2000  }
0x5d: {  	s7 =	sshra.s32 s6, $0x2;
	[sflag:s1] =	ssyncset.done $0x0  }
0x5e: {  	p1 =	seq.s32 s6, $0x8C00;
	s8 =	sadd.s32 $0x2A00, s7;
	[sflag:s1] =	ssyncadd.s32 $0xFFFFE000  }
0x5f: {  	[spmem:s3] =	stream.indirect.scatter.add.f32 [tilespmem:s19], [sflag:$0x8], $0x20, s8, s18, $0xb8;
	[tilespmem:$0x1D120] =	vst v63  }
0x60: {  	s8 =	simm.s32 @p1 $0x2  }
0x61: {  	_ =	swait.ge @p1 [sflag:s8], $0x2000  }
0x62: {  	s10 =	sshra.s32 @p1 s6, $0x2;
	s11 =	simm.s32 @p1 $0x100;
	[sflag:s8] =	ssyncset.done @p1 $0x0  }
0x63: {  	s9 =	simm.s32 @p1 $0x7400;
	[sflag:s8] =	ssyncadd.s32 @p1 $0xFFFFE000;
	s8 =	sadd.s32 @p1 $0x2B00, s10  }
0x64: {  	[spmem:s3] =	stream.indirect.scatter.add.f32 @p1 [tilespmem:s9], [sflag:$0x9], $0x20, s8, s11, $0xb8;
	[tilespmem:$0x1D120] =	vst v63  }
0x65: {  	s8 =	simm.s32 @!p1 $0x8  }
0x66: {  	_ =	swait.ge @!p1 [sflag:s8], $0x2000  }
0x67: {  	[sflag:s8] =	ssyncset.done @!p1 $0x0  }
0x68: {  	[sflag:s8] =	ssyncadd.s32 @!p1 $0xFFFFE000;
	s8 =	sshra.s32 @!p1 s6, $0x2  }
0x69: {  	s16 =	simm.s32 @!p1 $0x5400;
	s9 =	simm.s32 @!p1 $0x100;
	s15 =	sadd.s32 @!p1 $0x700, s8  }
0x6a: {  	[tilespmem:s16], [sflag:$0x1] =	stream.indirect.gather @!p1 [spmem:s2], $0x20, s15, s9, $0xb8;
	[tilespmem:$0x1D120] =	vst v63  }
0x6b: {  	s15 =	simm.s32 @!p1 $0x2  }
0x6c: {  	_ =	swait.ge @!p1 [sflag:s15], $0x2000  }
0x6d: {  	[sflag:s15] =	ssyncset.done @!p1 $0x0  }
0x6e: {  	s16 =	simm.s32 @!p1 $0x7400;
	[sflag:s15] =	ssyncadd.s32 @!p1 $0xFFFFE000;
	s15 =	sadd.s32 @!p1 $0x2B00, s8  }
0x6f: {  	[spmem:s3] =	stream.indirect.scatter.add.f32 @!p1 [tilespmem:s16], [sflag:$0x9], $0x20, s15, s9, $0xb8;
	[tilespmem:$0x1D120] =	vst v63  }
0x70: {  	s15 =	simm.s32 @!p1 $0x9  }
0x71: {  	_ =	swait.ge @!p1 [sflag:s15], $0x2000  }
0x72: {  	[sflag:s15] =	ssyncset.done @!p1 $0x0  }
0x73: {  	[sflag:s15] =	ssyncadd.s32 @!p1 $0xFFFFE000;
	s15 =	sadd.s32 @!p1 $0x800, s8  }
0x74: {  	[tilespmem:s16], [sflag:$0x2] =	stream.indirect.gather @!p1 [spmem:s2], $0x20, s15, s9, $0xb8;
	[tilespmem:$0x1D120] =	vst v63  }
0x75: {  	_ =	swait.ge [sflag:s0], $0x2000  }
0x76: {  	[sflag:s0] =	ssyncset.done $0x0  }
0x77: {  	s16 =	sadd.s32 $0x2C00, s7;
	s15 =	simm.s32 @p1 $0x4;
	[sflag:s0] =	ssyncadd.s32 $0xFFFFE000  }
0x78: {  	[spmem:s3] =	stream.indirect.scatter.add.f32 [tilespmem:s22], [sflag:$0xA], $0x20, s16, s18, $0xb8;
	[tilespmem:$0x1D120] =	vst v63  }
0x79: {  	_ =	swait.ge @p1 [sflag:s15], $0x2000  }
0x7a: {  	[sflag:s15] =	ssyncset.done @p1 $0x0  }
0x7b: {  	s16 =	simm.s32 @p1 $0xB400;
	[sflag:s15] =	ssyncadd.s32 @p1 $0xFFFFE000;
	s15 =	sadd.s32 @p1 $0x2D00, s10  }
0x7c: {  	[spmem:s3] =	stream.indirect.scatter.add.f32 @p1 [tilespmem:s16], [sflag:$0xB], $0x20, s15, s11, $0xb8;
	[tilespmem:$0x1D120] =	vst v63  }
0x7d: {  	s15 =	simm.s32 @!p1 $0xA  }
0x7e: {  	_ =	swait.ge @!p1 [sflag:s15], $0x2000  }
0x7f: {  	[sflag:s15] =	ssyncset.done @!p1 $0x0  }
0x80: {  	s16 =	simm.s32 @!p1 $0x9400;
	[sflag:s15] =	ssyncadd.s32 @!p1 $0xFFFFE000;
	s15 =	sadd.s32 @!p1 $0x900, s8  }
0x81: {  	[tilespmem:s16], [sflag:$0x3] =	stream.indirect.gather @!p1 [spmem:s2], $0x20, s15, s9, $0xb8;
	[tilespmem:$0x1D120] =	vst v63  }
0x82: {  	s15 =	simm.s32 @!p1 $0x4  }
0x83: {  	_ =	swait.ge @!p1 [sflag:s15], $0x2000  }
0x84: {  	[sflag:s15] =	ssyncset.done @!p1 $0x0  }
0x85: {  	s16 =	simm.s32 @!p1 $0xB400;
	[sflag:s15] =	ssyncadd.s32 @!p1 $0xFFFFE000;
	s15 =	sadd.s32 @!p1 $0x2D00, s8  }
0x86: {  	[spmem:s3] =	stream.indirect.scatter.add.f32 @!p1 [tilespmem:s16], [sflag:$0xB], $0x20, s15, s9, $0xb8;
	[tilespmem:$0x1D120] =	vst v63  }
0x87: {  	s15 =	simm.s32 @!p1 $0xB  }
0x88: {  	_ =	swait.ge @!p1 [sflag:s15], $0x2000  }
0x89: {  	[sflag:s15] =	ssyncset.done @!p1 $0x0  }
0x8a: {  	[sflag:s15] =	ssyncadd.s32 @!p1 $0xFFFFE000;
	s15 =	sadd.s32 @!p1 $0xA00, s8  }
0x8b: {  	[tilespmem:s16], [sflag:$0x4] =	stream.indirect.gather @!p1 [spmem:s2], $0x20, s15, s9, $0xb8;
	[tilespmem:$0x1D120] =	vst v63  }
0x8c: {  	_ =	swait.ge [sflag:s13], $0x2000  }
0x8d: {  	[sflag:s13] =	ssyncset.done $0x0  }
0x8e: {  	s16 =	sadd.s32 $0x2E00, s7;
	s15 =	simm.s32 @p1 $0x6;
	[sflag:s13] =	ssyncadd.s32 $0xFFFFE000  }
0x8f: {  	[spmem:s3] =	stream.indirect.scatter.add.f32 [tilespmem:s26], [sflag:$0xC], $0x20, s16, s18, $0xb8;
	[tilespmem:$0x1D120] =	vst v63  }
0x90: {  	_ =	swait.ge @p1 [sflag:s15], $0x2000  }
0x91: {  	[sflag:s15] =	ssyncset.done @p1 $0x0  }
0x92: {  	s10 =	sadd.s32 @p1 $0x2F00, s10;
	[sflag:s15] =	ssyncadd.s32 @p1 $0xFFFFE000;
	s15 =	simm.s32 @p1 $0xF400  }
0x93: {  	[spmem:s3] =	stream.indirect.scatter.add.f32 @p1 [tilespmem:s15], [sflag:$0xD], $0x20, s10, s11, $0xb8;
	[tilespmem:$0x1D120] =	vst v63  }
0x94: {  	s10 =	simm.s32 @!p1 $0xC  }
0x95: {  	_ =	swait.ge @!p1 [sflag:s10], $0x2000  }
0x96: {  	[sflag:s10] =	ssyncset.done @!p1 $0x0  }
0x97: {  	s11 =	simm.s32 @!p1 $0xD400;
	[sflag:s10] =	ssyncadd.s32 @!p1 $0xFFFFE000;
	s10 =	sadd.s32 @!p1 $0xB00, s8  }
0x98: {  	[tilespmem:s11], [sflag:$0x5] =	stream.indirect.gather @!p1 [spmem:s2], $0x20, s10, s9, $0xb8;
	[tilespmem:$0x1D120] =	vst v63  }
0x99: {  	s10 =	simm.s32 @!p1 $0x6  }
0x9a: {  	_ =	swait.ge @!p1 [sflag:s10], $0x2000  }
0x9b: {  	[sflag:s10] =	ssyncset.done @!p1 $0x0  }
0x9c: {  	s11 =	simm.s32 @!p1 $0xF400;
	[sflag:s10] =	ssyncadd.s32 @!p1 $0xFFFFE000;
	s10 =	sadd.s32 @!p1 $0x2F00, s8  }
0x9d: {  	[spmem:s3] =	stream.indirect.scatter.add.f32 @!p1 [tilespmem:s11], [sflag:$0xD], $0x20, s10, s9, $0xb8;
	[tilespmem:$0x1D120] =	vst v63  }
0x9e: {  	s10 =	simm.s32 @!p1 $0xD  }
0x9f: {  	_ =	swait.ge @!p1 [sflag:s10], $0x2000  }
0xa0: {  	[sflag:s10] =	ssyncset.done @!p1 $0x0  }
0xa1: {  	s8 =	sadd.s32 @!p1 $0xC00, s8;
	[sflag:s10] =	ssyncadd.s32 @!p1 $0xFFFFE000  }
0xa2: {  	[tilespmem:s11], [sflag:$0x6] =	stream.indirect.gather @!p1 [spmem:s2], $0x20, s8, s9, $0xb8;
	[tilespmem:$0x1D120] =	vst v63  }
.Ltmp2:
0xa3: {  	_ = 	snop;
	(pc) =	sbr.rel @p1 .LBB2_4-.Ltmp2, $4  }
0xa4: {  	_ =	swait.ge [sflag:s20], $0x2000  }
0xa5: {  	[sflag:s20] =	ssyncset.done $0x0  }
0xa6: {  	s16 =	sadd.s32 $0x3000, s7;
	[sflag:s20] =	ssyncadd.s32 $0xFFFFE000  }
0xa7: {  	[spmem:s3] =	stream.indirect.scatter.add.f32 [tilespmem:s31], [sflag:$0xE], $0x20, s16, s18, $0xb8;
	[tilespmem:$0x1D120] =	vst v63  }
.Ltmp3:
0xa8: {  	(pc) =	sbr.rel .LBB2_2-.Ltmp3, $4  }
0xa9: {  	_ =	swait.ge [sflag:s30], $0x2000  }
0xaa: {  	[sflag:s30] =	ssyncset.done $0x0  }
0xab: {  	s7 =	sadd.s32 $0xD00, s7;
	s6 =	sadd.s32 $0x1C00, s6;
	[sflag:s30] =	ssyncadd.s32 $0xFFFFE000  }
0xac: {  	[tilespmem:s31], [sflag:$0x7] =	stream.indirect.gather [spmem:s2], $0x20, s7, s18, $0xb8;
	[tilespmem:$0x1D120] =	vst v63  }
.LBB2_5:
0xad: {  	_ =	sfence.sel $0x180000  }
0xae: {  	[bflag:$0x0] =	sbarrier.arrive $0xFFFF  }
0xaf: {  	_ =	strace $0x9000004D  }
0xb0: {  	s0 =	stileid.u32;
	[bflag:$0x2] =	sbarrier.arrive $0xFFFF  }
0xb1: {  	p0 =	sne.s32 s0, $0x0;
	s0 =	rddreg [dreg:$0x4]  }
0xb2: {  	s0 =	sadd.s32 @!p0 $0x100000, s0  }
0xb3: {  	[sflag:s0] =	ssyncadd.tile.s32 @!p0 $0x1;
	_ =	shalt  }
.Lfunc_end2:
_tile_overlayer_lowered:
.L_overlay_start_2:
0xb4: {  	(tag) =	ssettag $0x2  }
0xb5: {  	s0 =	rddreg [dreg:$0x0];
	s2 =	stileid.u32  }
0xb6: {  	s1 =	rddreg [dreg:$0x1];
	p0 =	sne.s32 s2, $0x0  }
0xb7: {  	s3 =	rddreg [dreg:$0x2];
	[bflag:$0x3] =	sbarrier.arrive $0xFFFF;
	s2 =	simm.s32 @!p0 $0x1C0F  }
0xb8: {  	[timem:s3], [sflag:s2] =	dma.local @!p0 [hbm:s0], s1  }
0xb9: {  	s0 =	simm.s32 @!p0 $0xF  }
0xba: {  	_ =	swait.ge @!p0 [sflag:s0], s1  }
0xbb: {  	s1 =	ssub.s32 @!p0 $0x0, s1;
	[sflag:s0] =	ssyncset.done @!p0 $0x0  }
0xbc: {  	[sflag:s0] =	ssyncadd.s32 @!p0 s1  }
0xbd: {  	[bflag:$0x3] =	sbarrier.arrive $0xFFFF  }
0xbe: {  	_ =	shalt  }

// kernel: kernel.20.cloned.1.call-start
scs
__scs_entry_jumppad:
0x0: {  	(pc) =	sbr.rel $0x88, $3  }
0x1: {  	(tag) =	ssettag $0x0;
	lr =	simm.s32 $0x1  }
0x2: {  	[smem:$0x3F99] =	sst lr;
	_ =	strace $0xD0000000  }
0x3: {  	_ = 	snop  }
0x4: {  	_ = 	snop  }
0x5: {  	_ = 	snop  }
0x6: {  	_ = 	snop  }
0x7: {  	_ = 	snop  }
__scs_overlays_trampoline_lowered:
0x8: {  	[smem:$0x3FA8] =	sst s0  }
0x9: {  	[smem:$0x3FA9] =	sst s1  }
0xa: {  	[smem:$0x3FAA] =	sst s2  }
0xb: {  	[smem:$0x3FAB] =	sst s3  }
0xc: {  	[smem:$0x3FAC] =	sst s4  }
0xd: {  	[smem:$0x3FAD] =	sst s5  }
0xe: {  	[smem:$0x3FAE] =	sst s6  }
0xf: {  	[smem:$0x3FAF] =	sst s7  }
0x10: {  	[smem:$0x3FB0] =	sst s8  }
0x11: {  	[smem:$0x3FB1] =	sst s9;
	s0 =	simm.s32 @!p0 $0x0  }
0x12: {  	s1 =	sld [smem:$0x3F97];
	s0 =	simm.s32 @p0 $0x1  }
0x13: {  	[smem:$0x3FB2] =	sst s0;
	s0 =	simm.s32 @!p1 $0x0  }
0x14: {  	s2 =	sld [smem:$0x3F96];
	s0 =	simm.s32 @p1 $0x1  }
0x15: {  	[smem:$0x3FB3] =	sst s0;
	s0 =	simm.s32 @!p2 $0x0  }
0x16: {  	s3 =	sld [smem:$0x3FDB];
	s0 =	simm.s32 @p2 $0x1  }
0x17: {  	s4 =	simm.s32 $0x1BF5;
	[smem:$0x3FB5] =	sst s0  }
0x18: {  	s0 =	sld [smem:$0x3F98];
	_ =	swait.ge [sflag:s4], $0x0  }
0x19: {  	s7 =	sld [smem:$0x3F99]  }
0x1a: {  	s8 =	sadd.s32 $0xFFFFE003, lr  }
0x1b: {  	s9 =	sadd.s32 $0xFFFFFEF7, lr;
	s5 =	simm.s32 $0xFFFFFFFF;
	p2 =	slt.u32 s8, $0xFFFFF086  }
0x1c: {  	p1 =	slt.u32 s9, $0xF7A;
	s5 =	simm.s32 @!p2 $0x0  }
0x1d: {  	s5 =	simm.s32 @p1 $0x1;
	p0 =	seq.s32 s7, s2  }
0x1e: {  	s7 =	smul.u32 @!p0 $0xF7A, s2;
	p2 =	seq.s32 @!p0 s5, $0x0  }
0x1f: {  	s9 =	smul.u32 $0xF7A, s1;
	s8 =	simm.s32 @!p0 $0x1BF5;
	p2 =	por !p2, p0  }
0x20: {  	[sflag:s8] =	ssyncset.s32 @!p0 $0xFFFFF086;
	s6 =	sadd.s32 @!p0 s3, s7;
	s7 =	simm.s32 @!p0 $0x108  }
0x21: {  	s3 =	sadd.s32 s3, s9;
	s6 =	sadd.s32 @!p0 $0x88, s6;
	s7 =	simm.s32 @p2 $0x1082  }
0x22: {  	[simem:s7], [sflag:s8] =	dma.local @!p0 [hbm:s6], $0xF7A  }
0x23: {  	s9 =	sor.u32 $0xD0000000, s2;
	s6 =	simm.s32 $0x108;
	_ =	swait.ge @!p0 [sflag:s8], $0x0  }
0x24: {  	s3 =	sadd.s32 $0x88, s3;
	s6 =	simm.s32 @!p1 $0x1082;
	[sflag:s4] =	ssyncset.s32 $0xFFFFF086  }
0x25: {  	[simem:s6], [sflag:s4] =	dma.local [hbm:s3], $0xF7A  }
0x26: {  	[smem:$0x3F99] =	sst s1;
	(tag) =	ssettag s2;
	_ =	strace s9  }
0x27: {  	s1 =	sld [smem:$0x3FA9]  }
0x28: {  	s2 =	sld [smem:$0x3FAA]  }
0x29: {  	s4 =	sld [smem:$0x3FAC]  }
0x2a: {  	p0 =	seq.s32 s5, $0x0;
	s5 =	sld [smem:$0x3FAD]  }
0x2b: {  	s6 =	sld [smem:$0x3FAE]  }
0x2c: {  	s7 =	sld [smem:$0x3FAF]  }
0x2d: {  	s3 =	simm.s32 $0x108;
	s8 =	sld [smem:$0x3FB0]  }
0x2e: {  	s3 =	simm.s32 @!p0 $0x1082;
	s9 =	sld [smem:$0x3FB1]  }
0x2f: {  	lr =	sadd.s32 s0, s3;
	s0 =	sld [smem:$0x3FA8]  }
0x30: {  	s3 =	sld [smem:$0x3FAB]  }
0x31: {  	[smem:$0x3FB4] =	sst s10  }
0x32: {  	s10 =	sld [smem:$0x3FB2];
	_ =	sdelay $0x3  }
0x33: {  	p0 =	seq.s32 s10, $0x1;
	s10 =	sld [smem:$0x3FB4];
	_ =	sdelay $0x3  }
0x34: {  	[smem:$0x3FB4] =	sst s10  }
0x35: {  	s10 =	sld [smem:$0x3FB3];
	_ =	sdelay $0x3  }
0x36: {  	p1 =	seq.s32 s10, $0x1;
	s10 =	sld [smem:$0x3FB4];
	_ =	sdelay $0x3  }
0x37: {  	[smem:$0x3FB4] =	sst s10  }
0x38: {  	s10 =	sld [smem:$0x3FB5]  }
0x39: {  	_ = 	snop;
	(pc) =	sbr.ind lr, $3  }
0x3a: {  	_ = 	snop  }
0x3b: {  	_ = 	snop  }
0x3c: {  	p2 =	seq.s32 s10, $0x1;
	s10 =	sld [smem:$0x3FB4]  }
0x3d: {  	_ =	shalt  }
0x3e: {  	_ =	shalt  }
0x3f: {  	_ =	shalt  }
0x40: {  	_ =	shalt  }
0x41: {  	_ =	shalt  }
0x42: {  	_ =	shalt  }
0x43: {  	_ =	shalt  }
0x44: {  	_ =	shalt  }
0x45: {  	_ =	shalt  }
0x46: {  	_ =	shalt  }
0x47: {  	_ =	shalt  }
0x48: {  	_ =	shalt  }
0x49: {  	_ =	shalt  }
0x4a: {  	_ =	shalt  }
0x4b: {  	_ =	shalt  }
0x4c: {  	_ =	shalt  }
0x4d: {  	_ =	shalt  }
0x4e: {  	_ =	shalt  }
0x4f: {  	_ =	shalt  }
0x50: {  	_ =	shalt  }
0x51: {  	_ =	shalt  }
0x52: {  	_ =	shalt  }
0x53: {  	_ =	shalt  }
0x54: {  	_ =	shalt  }
0x55: {  	_ =	shalt  }
0x56: {  	_ =	shalt  }
0x57: {  	_ =	shalt  }
0x58: {  	_ =	shalt  }
0x59: {  	_ =	shalt  }
0x5a: {  	_ =	shalt  }
0x5b: {  	_ =	shalt  }
0x5c: {  	_ =	shalt  }
0x5d: {  	_ =	shalt  }
0x5e: {  	_ =	shalt  }
0x5f: {  	_ =	shalt  }
0x60: {  	_ =	shalt  }
0x61: {  	_ =	shalt  }
0x62: {  	_ =	shalt  }
0x63: {  	_ =	shalt  }
0x64: {  	_ =	shalt  }
0x65: {  	_ =	shalt  }
0x66: {  	_ =	shalt  }
0x67: {  	_ =	shalt  }
0x68: {  	_ =	shalt  }
0x69: {  	_ =	shalt  }
0x6a: {  	_ =	shalt  }
0x6b: {  	_ =	shalt  }
0x6c: {  	_ =	shalt  }
0x6d: {  	_ =	shalt  }
0x6e: {  	_ =	shalt  }
0x6f: {  	_ =	shalt  }
0x70: {  	_ =	shalt  }
0x71: {  	_ =	shalt  }
0x72: {  	_ =	shalt  }
0x73: {  	_ =	shalt  }
0x74: {  	_ =	shalt  }
0x75: {  	_ =	shalt  }
0x76: {  	_ =	shalt  }
0x77: {  	_ =	shalt  }
0x78: {  	_ =	shalt  }
0x79: {  	_ =	shalt  }
0x7a: {  	_ =	shalt  }
0x7b: {  	_ =	shalt  }
0x7c: {  	_ =	shalt  }
0x7d: {  	_ =	shalt  }
0x7e: {  	_ =	shalt  }
0x7f: {  	_ =	shalt  }
0x80: {  	_ =	shalt  }
0x81: {  	_ =	shalt  }
0x82: {  	_ =	shalt  }
0x83: {  	_ =	shalt  }
0x84: {  	_ =	shalt  }
0x85: {  	_ =	shalt  }
0x86: {  	_ =	shalt  }
0x87: {  	_ =	shalt  }
.Lfunc_end0:
.L_simem_size_0:
called_computation.3_lowered:
.L_overlay_start_0:
0x88: {  	s2 =	sld [smem:$0x3FD9]  }
0x89: {  	s3 =	sld [smem:$0x3FFE];
	_ =	sdelay $0x1  }
0x8a: {  	s1 =	srdreg.scid  }
0x8b: {  	s0 =	sand.u32 $0x1, s1  }
0x8c: {  	s17 =	sshll.u32 s0, $0xA;
	s2 =	sadd.s32 s3, s2  }
0x8d: {  	s2 =	sadd.s32 s2, s17  }
0x8e: {  	[smem:$0x3FC0] =	sst s2  }
0x8f: {  	_ = 	snop  }
0x90: {  	s2 =	sld [smem:$0x3FD0];
	(tm) =	ssettm $0x1  }
0x91: {  	s18 =	sld [smem:$0x3FFB];
	_ =	sdelay $0x3  }
0x92: {  	_ =	strace s18  }
0x93: {  	s3 =	sld [smem:$0x3FFC];
	_ =	sdelay $0x3  }
0x94: {  	_ =	strace s3  }
0x95: {  	s3 =	sld [smem:$0x3FFD];
	_ =	sdelay $0x3  }
0x96: {  	_ =	strace s3  }
0x97: {  	_ =	strace $0x8FFFFFFF  }
0x98: {  	s19 =	sld [smem:$0x3FDB];
	_ =	sdelay $0x1  }
0x99: {  	s4 =	simm.s32 $_scs_section_size  }
0x9a: {  	s5 =	simm.s32 $_size__tile_overlayer_lowered;
	s6 =	simm.s32 $_tile_overlayer_lowered  }
0x9b: {  	s22 =	simm.s32 $0x1BFF;
	s21 =	sshll.u32 s6, $0x1;
	s3 =	sadd.s32 s4, s19  }
0x9c: {  	s7 =	simm.s32 $0x0;
	s20 =	sshll.u32 s5, $0x1;
	s5 =	sadd.s32 s21, s3  }
0x9d: {  	[timem:s7], [sflag:s22] =	dma.local [hbm:s5], s20  }
0x9e: {  	_ =	swait.ge [sflag:s22], s20  }
0x9f: {  	s4 =	ssub.s32 $0x0, s20;
	[sflag:s22] =	ssyncset.done $0x0  }
0xa0: {  	[sflag:s22] =	ssyncadd.s32 s4;
	_ =	sdelay $0x1  }
0xa1: {  	s23 =	simm.s32 $0x1B8B  }
0xa2: {  	_ =	swait.ge [sflag:s23], $0x1  }
0xa3: {  	[sflag:s23] =	ssyncset.done $0x0  }
0xa4: {  	s25 =	simm.s32 $0x1B8E;
	s24 =	sld [smem:$0x3FFE];
	[sflag:s23] =	ssyncadd.s32 $0xFFFFFFFF  }
0xa5: {  	s26 =	simm.s32 $execute0_lowered;
	[smem:$0x3FD2] =	sst s25  }
0xa6: {  	s5 =	sshll.u32 s26, $0x1;
	_ =	strace $0x8000004F;
	[dreg:$0x1] =	wrdreg $0xFFFFFFFF  }
0xa7: {  	s28 =	simm.s32 $_size_execute0_lowered;
	s3 =	sadd.s32 s3, s5;
	[dreg:$0x0] =	wrdreg $0x0  }
0xa8: {  	s5 =	sshll.u32 s28, $0x1;
	[dreg:$0x2] =	wrdreg s3  }
0xa9: {  	[dreg:$0x3] =	wrdreg s5  }
0xaa: {  	[dreg:$0x4] =	wrdreg $0xC0  }
0xab: {  	_ =	task [dreg:s7], $0x5FFFF  }
0xac: {  	[dreg:$0x1] =	wrdreg $0xFFFFFFFF  }
0xad: {  	[dreg:$0x0] =	wrdreg $0x60  }
0xae: {  	[dreg:$0x2] =	wrdreg s2  }
0xaf: {  	[dreg:$0x3] =	wrdreg s24  }
0xb0: {  	[dreg:$0x4] =	wrdreg $0x134000  }
0xb1: {  	[dreg:$0x5] =	wrdreg $0x182200  }
0xb2: {  	[dreg:$0x6] =	wrdreg $0x9  }
0xb3: {  	_ =	task.clear_ibuf [dreg:s7], $0x7FFFF;
	_ =	strace $0x9000004F  }
0xb4: {  	s29 =	simm.s32 $0x9;
	_ =	strace $0x80000051  }
0xb5: {  	_ =	swait.ge [sflag:s29], $0x1  }
0xb6: {  	[sflag:s29] =	ssyncadd.s32 $0xFFFFFFFF  }
0xb7: {  	_ =	strace $0x90000051  }
0xb8: {  	_ =	sfence  }
0xb9: {  	s30 =	sld [smem:$0x0];
	_ =	sdelay $0x2  }
0xba: {  	s31 =	sshll.u32 s1, $0xD;
	s1 =	sshrl.u32 s1, $0x2  }
0xbb: {  	s3 =	sand.u32 $0x4000, s31;
	s1 =	sadd.s32 s1, s30  }
0xbc: {  	s0 =	sor.u32 s3, s0;
	s1 =	sshll.u32 s1, $0x11  }
0xbd: {  	s0 =	sor.u32 s1, s0  }
0xbe: {  	s0 =	sadd.s32 $0x8F2B, s0  }
0xbf: {  	[sflag:s0] =	ssyncadd.remote.s32 $0x1  }
0xc0: {  	_ =	sfence.sel $0xFFFF  }
0xc1: {  	[dreg:$0x0] =	wrdreg $0xFFFFFFFF;
	(pc) =	sbr.abs _section_cstart, $3  }
0xc2: {  	[dreg:$0x1] =	wrdreg $0xFFFFFFFF  }
0xc3: {  	_ =	task.clear_ibuf [dreg:s7], $0x2FFFF;
	_ =	strace $0x9FFFFFFF  }
0xc4: {  	(tm) =	ssettm $0x7FFFFFFF  }
0xc5: {  	_ =	shalt  }
tec
execute0_lowered:
.L_overlay_start_1:
0x0: {  	(tag) =	ssettag $0x1  }
0x1: {  	s0 =	rddreg [dreg:$0x0]  }
0x2: {  	s1 =	srdreg.scid;
	s5 =	rddreg [dreg:$0x1]  }
0x3: {  	s11 =	stileid.u32;
	s2 =	rddreg [dreg:$0x2]  }
0x4: {  	s12 =	simm.s32 $0xF;
	s18 =	simm.s32 $0x100;
	s19 =	simm.s32 $0x5400  }
0x5: {  	s31 =	simm.s32 $0x11400;
	s13 =	simm.s32 $0x5;
	s28 =	simm.s32 $0xC  }
0x6: {  	s29 =	simm.s32 $0xD;
	s30 =	simm.s32 $0xE;
	s1 =	sand.u32 $0x1, s1  }
0x7: {  	s3 =	sshll.u32 s11, $0x1;
	s7 =	smul.u32 $0x4F00, s11;
	s9 =	sadd.s32 $0x17400, s5  }
0x8: {  	s10 =	smul.u32 $0x4E00, s11;
	p0 =	sne.s32 s11, $0xF;
	s25 =	sshll.u32 s11, $0x6  }
0x9: {  	s4 =	sor.u32 s1, s3;
	s3 =	rddreg [dreg:$0x3];
	s8 =	smul.u32 $0x4F000, s1  }
0xa: {  	s1 =	ssub.s32 $0x2, s1;
	s14 =	sor.u32 $0x1C0F, s25;
	s25 =	simm.s32 $0xB  }
0xb: {  	s6 =	smul.u32 $0x540, s4;
	s4 =	simm.s32 $0x0;
	s20 =	sshrl.u32 s1, $0x1  }
0xc: {  	s22 =	sadd.s32 s10, s2;
	s23 =	sshrl.u32 s10, $0x3;
	s24 =	sadd.s32 s7, s3  }
0xd: {  	[smem:$0x7FF] =	sst s4;
	s8 =	sadd.s32 s7, s8;
	s1 =	ssub.s32 s1, s20  }
0xe: {  	s26 =	sshrl.u32 s22, $0x3;
	s17 =	sshrl.u32 s24, $0x3;
	s22 =	simm.s32 $0x9400  }
0xf: {  	s20 =	simm.s32 $0x7;
	s24 =	simm.s32 $0xA;
	_ =	strace $0x80000050  }
0x10: {  	s6 =	sadd.s32 s6, s5;
	[dreg:$0x5] =	wrdreg s9;
	s8 =	sshrl.u32 s8, $0x3  }
0x11: {  	s1 =	smax.u32 s1, $0x1;
	[dreg:$0xc] =	wrdreg s26;
	s26 =	simm.s32 $0xD400  }
0x12: {  	s5 =	sadd.s32 s8, s5;
	s21 =	sadd.s32 $0xCC00, s6;
	[dreg:$0xb] =	wrdreg s1  }
0x13: {  	s6 =	sadd.s32 $0x1E00, s6;
	s8 =	sadd.s32 s0, s23;
	[dreg:$0x6] =	wrdreg s21  }
.Ltmp0:
0x14: {  	s0 =	sadd.s32 $0x9C00, s0;
	[dreg:$0x7] =	wrdreg s6;
	(pc) =	sbr.rel .LBB2_1-.Ltmp0, $4  }
0x15: {  	s23 =	simm.s32 $0x9;
	[dreg:$0x8] =	wrdreg s8;
	s8 =	sadd.s32 $0x4E000, s2  }
0x16: {  	[dreg:$0x9] =	wrdreg s0;
	s5 =	sadd.s32 $0x17E00, s5;
	s0 =	simm.s32 $0x3  }
0x17: {  	s21 =	simm.s32 $0x8;
	[dreg:$0xa] =	wrdreg s5;
	s1 =	sshrl.u32 @!p0 s8, $0x3  }
0x18: {  	s5 =	simm.s32 $0x0;
	[dreg:$0xd] =	wrdreg s1;
	s1 =	simm.s32 $0x1  }
.LBB2_4:
0x19: {  	_ =	swait.ge [sflag:s21], $0x2000  }
0x1a: {  	[sflag:s21] =	ssyncset.done $0x0  }
0x1b: {  	[sflag:s21] =	ssyncadd.s32 $0xFFFFE000  }
0x1c: {  	_ =	swait.ge [sflag:s23], $0x2000  }
0x1d: {  	[sflag:s23] =	ssyncset.done $0x0  }
0x1e: {  	[sflag:s23] =	ssyncadd.s32 $0xFFFFE000  }
0x1f: {  	_ =	swait.ge [sflag:s24], $0x2000  }
0x20: {  	[sflag:s24] =	ssyncset.done $0x0  }
0x21: {  	[sflag:s24] =	ssyncadd.s32 $0xFFFFE000  }
0x22: {  	_ =	swait.ge [sflag:s25], $0x2000  }
0x23: {  	[sflag:s25] =	ssyncset.done $0x0  }
0x24: {  	[sflag:s25] =	ssyncadd.s32 $0xFFFFE000  }
0x25: {  	_ =	swait.ge [sflag:s28], $0x2000  }
0x26: {  	[sflag:s28] =	ssyncset.done $0x0  }
0x27: {  	[sflag:s28] =	ssyncadd.s32 $0xFFFFE000  }
0x28: {  	_ =	swait.ge [sflag:s29], $0x2000  }
0x29: {  	[sflag:s29] =	ssyncset.done $0x0  }
0x2a: {  	[sflag:s29] =	ssyncadd.s32 $0xFFFFE000  }
0x2b: {  	_ =	swait.ge [sflag:s30], $0x2000  }
0x2c: {  	[sflag:s30] =	ssyncset.done $0x0  }
0x2d: {  	[sflag:s30] =	ssyncadd.s32 $0xFFFFE000  }
0x2e: {  	[bflag:$0x0] =	sbarrier.arrive $0xFFFF  }
0x2f: {  	s6 =	rddreg [dreg:$0xa]  }
0x30: {  	[hbm:s6], [sflag:s14] =	dma.local [spmem:s17], $0x9E0  }
0x31: {  	_ =	swait.ge [sflag:s12], $0x9E0  }
0x32: {  	s5 =	sadd.s32 $0x1, s5;
	s16 =	rddreg [dreg:$0xb]  }
0x33: {  	p1 =	sne.s32 s5, s16  }
.Ltmp1:
0x34: {  	_ = 	snop;
	(pc) =	sbr.rel @!p1 .LBB2_5-.Ltmp1, $3  }
0x35: {  	_ =	sdelay $0x1  }
0x36: {  	[sflag:s12] =	ssyncset.done $0x0  }
0x37: {  	[sflag:s12] =	ssyncadd.s32 $0xFFFFF620  }
.LBB2_1:
0x38: {  	s6 =	rddreg [dreg:$0x6]  }
0x39: {  	[tilespmem:s4], [sflag:$0xF] =	stream.linear.gather [hbm4b:s6+s4], $0x2A00, $0x38;
	[tilespmem:$0x1D120] =	vst v63  }
0x3a: {  	_ =	swait.ge [sflag:s12], $0x2A00  }
0x3b: {  	[sflag:s12] =	ssyncset.done $0x0  }
0x3c: {  	s7 =	simm.s32 $0x2A00;
	s9 =	rddreg [dreg:$0x7];
	[sflag:s12] =	ssyncadd.s32 $0xFFFFD600  }
0x3d: {  	[tilespmem:s7], [sflag:$0xF] =	stream.linear.gather [hbm4b:s9+s4], $0x2A00, $0x38;
	[tilespmem:$0x1D120] =	vst v63  }
0x3e: {  	_ =	swait.ge [sflag:s12], $0x2A00  }
0x3f: {  	[sflag:s12] =	ssyncset.done $0x0;
	s10 =	rddreg [dreg:$0x8]  }
0x40: {  	s11 =	rddreg [dreg:$0xc];
	[sflag:s12] =	ssyncadd.s32 $0xFFFFD600  }
0x41: {  	[spmem:s11], [sflag:s14] =	dma.local [hbm:s10], $0x9C0  }
0x42: {  	_ =	swait.ge [sflag:s12], $0x9C0  }
0x43: {  	[sflag:s12] =	ssyncset.done $0x0;
	s6 =	rddreg [dreg:$0x9]  }
0x44: {  	s7 =	rddreg [dreg:$0xd];
	[sflag:s12] =	ssyncadd.s32 $0xFFFFF640  }
0x45: {  	[spmem:s7], [sflag:s14] =	dma.local @!p0 [hbm:s6], $0x40  }
0x46: {  	s6 =	simm.s32 @!p0 $0xF  }
0x47: {  	_ =	swait.ge @!p0 [sflag:s6], $0x40  }
0x48: {  	[sflag:s6] =	ssyncset.done @!p0 $0x0  }
0x49: {  	s15 =	rddreg [dreg:$0x5];
	[sflag:s6] =	ssyncadd.s32 @!p0 $0xFFFFFFC0  }
0x4a: {  	[spmem:s17], [sflag:s14] =	dma.local [hbm:s15], $0x9E0  }
0x4b: {  	_ =	swait.ge [sflag:s12], $0x9E0  }
0x4c: {  	[sflag:s12] =	ssyncset.done $0x0  }
0x4d: {  	[sflag:s12] =	ssyncadd.s32 $0xFFFFF620  }
0x4e: {  	[bflag:$0x0] =	sbarrier.arrive $0xFFFF  }
0x4f: {  	[tilespmem:s19], [sflag:$0x1] =	stream.indirect.gather [spmem:s2], $0x20, s4, s18, $0xb8;
	[tilespmem:$0x1D120] =	vst v63  }
0x50: {  	s16 =	simm.s32 $0x7400  }
0x51: {  	[tilespmem:s16], [sflag:$0x2] =	stream.indirect.gather [spmem:s2], $0x20, s18, s18, $0xb8;
	[tilespmem:$0x1D120] =	vst v63  }
0x52: {  	s7 =	simm.s32 $0x200  }
0x53: {  	[tilespmem:s22], [sflag:$0x3] =	stream.indirect.gather [spmem:s2], $0x20, s7, s18, $0xb8;
	[tilespmem:$0x1D120] =	vst v63  }
0x54: {  	s8 =	simm.s32 $0x300;
	s9 =	simm.s32 $0xB400  }
0x55: {  	[tilespmem:s9], [sflag:$0x4] =	stream.indirect.gather [spmem:s2], $0x20, s8, s18, $0xb8;
	[tilespmem:$0x1D120] =	vst v63  }
0x56: {  	s10 =	simm.s32 $0x400  }
0x57: {  	[tilespmem:s26], [sflag:$0x5] =	stream.indirect.gather [spmem:s2], $0x20, s10, s18, $0xb8;
	[tilespmem:$0x1D120] =	vst v63  }
0x58: {  	s11 =	simm.s32 $0x500;
	s15 =	simm.s32 $0xF400  }
0x59: {  	[tilespmem:s15], [sflag:$0x6] =	stream.indirect.gather [spmem:s2], $0x20, s11, s18, $0xb8;
	[tilespmem:$0x1D120] =	vst v63  }
0x5a: {  	s6 =	simm.s32 $0x0;
	s16 =	simm.s32 $0x600  }
0x5b: {  	[tilespmem:s31], [sflag:$0x7] =	stream.indirect.gather [spmem:s2], $0x20, s16, s18, $0xb8;
	[tilespmem:$0x1D120] =	vst v63  }
.LBB2_2:
0x5c: {  	_ =	swait.ge [sflag:s1], $0x2000  }
0x5d: {  	s7 =	sshra.s32 s6, $0x2;
	[sflag:s1] =	ssyncset.done $0x0  }
0x5e: {  	p1 =	seq.s32 s6, $0x8C00;
	s8 =	sadd.s32 $0x2A00, s7;
	[sflag:s1] =	ssyncadd.s32 $0xFFFFE000  }
0x5f: {  	[spmem:s3] =	stream.indirect.scatter.add.f32 [tilespmem:s19], [sflag:$0x8], $0x20, s8, s18, $0xb8;
	[tilespmem:$0x1D120] =	vst v63  }
0x60: {  	s8 =	simm.s32 @p1 $0x2  }
0x61: {  	_ =	swait.ge @p1 [sflag:s8], $0x2000  }
0x62: {  	s10 =	sshra.s32 @p1 s6, $0x2;
	s11 =	simm.s32 @p1 $0x100;
	[sflag:s8] =	ssyncset.done @p1 $0x0  }
0x63: {  	s9 =	simm.s32 @p1 $0x7400;
	[sflag:s8] =	ssyncadd.s32 @p1 $0xFFFFE000;
	s8 =	sadd.s32 @p1 $0x2B00, s10  }
0x64: {  	[spmem:s3] =	stream.indirect.scatter.add.f32 @p1 [tilespmem:s9], [sflag:$0x9], $0x20, s8, s11, $0xb8;
	[tilespmem:$0x1D120] =	vst v63  }
0x65: {  	s8 =	simm.s32 @!p1 $0x8  }
0x66: {  	_ =	swait.ge @!p1 [sflag:s8], $0x2000  }
0x67: {  	[sflag:s8] =	ssyncset.done @!p1 $0x0  }
0x68: {  	[sflag:s8] =	ssyncadd.s32 @!p1 $0xFFFFE000;
	s8 =	sshra.s32 @!p1 s6, $0x2  }
0x69: {  	s16 =	simm.s32 @!p1 $0x5400;
	s9 =	simm.s32 @!p1 $0x100;
	s15 =	sadd.s32 @!p1 $0x700, s8  }
0x6a: {  	[tilespmem:s16], [sflag:$0x1] =	stream.indirect.gather @!p1 [spmem:s2], $0x20, s15, s9, $0xb8;
	[tilespmem:$0x1D120] =	vst v63  }
0x6b: {  	s15 =	simm.s32 @!p1 $0x2  }
0x6c: {  	_ =	swait.ge @!p1 [sflag:s15], $0x2000  }
0x6d: {  	[sflag:s15] =	ssyncset.done @!p1 $0x0  }
0x6e: {  	s16 =	simm.s32 @!p1 $0x7400;
	[sflag:s15] =	ssyncadd.s32 @!p1 $0xFFFFE000;
	s15 =	sadd.s32 @!p1 $0x2B00, s8  }
0x6f: {  	[spmem:s3] =	stream.indirect.scatter.add.f32 @!p1 [tilespmem:s16], [sflag:$0x9], $0x20, s15, s9, $0xb8;
	[tilespmem:$0x1D120] =	vst v63  }
0x70: {  	s15 =	simm.s32 @!p1 $0x9  }
0x71: {  	_ =	swait.ge @!p1 [sflag:s15], $0x2000  }
0x72: {  	[sflag:s15] =	ssyncset.done @!p1 $0x0  }
0x73: {  	[sflag:s15] =	ssyncadd.s32 @!p1 $0xFFFFE000;
	s15 =	sadd.s32 @!p1 $0x800, s8  }
0x74: {  	[tilespmem:s16], [sflag:$0x2] =	stream.indirect.gather @!p1 [spmem:s2], $0x20, s15, s9, $0xb8;
	[tilespmem:$0x1D120] =	vst v63  }
0x75: {  	_ =	swait.ge [sflag:s0], $0x2000  }
0x76: {  	[sflag:s0] =	ssyncset.done $0x0  }
0x77: {  	s16 =	sadd.s32 $0x2C00, s7;
	s15 =	simm.s32 @p1 $0x4;
	[sflag:s0] =	ssyncadd.s32 $0xFFFFE000  }
0x78: {  	[spmem:s3] =	stream.indirect.scatter.add.f32 [tilespmem:s22], [sflag:$0xA], $0x20, s16, s18, $0xb8;
	[tilespmem:$0x1D120] =	vst v63  }
0x79: {  	_ =	swait.ge @p1 [sflag:s15], $0x2000  }
0x7a: {  	[sflag:s15] =	ssyncset.done @p1 $0x0  }
0x7b: {  	s16 =	simm.s32 @p1 $0xB400;
	[sflag:s15] =	ssyncadd.s32 @p1 $0xFFFFE000;
	s15 =	sadd.s32 @p1 $0x2D00, s10  }
0x7c: {  	[spmem:s3] =	stream.indirect.scatter.add.f32 @p1 [tilespmem:s16], [sflag:$0xB], $0x20, s15, s11, $0xb8;
	[tilespmem:$0x1D120] =	vst v63  }
0x7d: {  	s15 =	simm.s32 @!p1 $0xA  }
0x7e: {  	_ =	swait.ge @!p1 [sflag:s15], $0x2000  }
0x7f: {  	[sflag:s15] =	ssyncset.done @!p1 $0x0  }
0x80: {  	s16 =	simm.s32 @!p1 $0x9400;
	[sflag:s15] =	ssyncadd.s32 @!p1 $0xFFFFE000;
	s15 =	sadd.s32 @!p1 $0x900, s8  }
0x81: {  	[tilespmem:s16], [sflag:$0x3] =	stream.indirect.gather @!p1 [spmem:s2], $0x20, s15, s9, $0xb8;
	[tilespmem:$0x1D120] =	vst v63  }
0x82: {  	s15 =	simm.s32 @!p1 $0x4  }
0x83: {  	_ =	swait.ge @!p1 [sflag:s15], $0x2000  }
0x84: {  	[sflag:s15] =	ssyncset.done @!p1 $0x0  }
0x85: {  	s16 =	simm.s32 @!p1 $0xB400;
	[sflag:s15] =	ssyncadd.s32 @!p1 $0xFFFFE000;
	s15 =	sadd.s32 @!p1 $0x2D00, s8  }
0x86: {  	[spmem:s3] =	stream.indirect.scatter.add.f32 @!p1 [tilespmem:s16], [sflag:$0xB], $0x20, s15, s9, $0xb8;
	[tilespmem:$0x1D120] =	vst v63  }
0x87: {  	s15 =	simm.s32 @!p1 $0xB  }
0x88: {  	_ =	swait.ge @!p1 [sflag:s15], $0x2000  }
0x89: {  	[sflag:s15] =	ssyncset.done @!p1 $0x0  }
0x8a: {  	[sflag:s15] =	ssyncadd.s32 @!p1 $0xFFFFE000;
	s15 =	sadd.s32 @!p1 $0xA00, s8  }
0x8b: {  	[tilespmem:s16], [sflag:$0x4] =	stream.indirect.gather @!p1 [spmem:s2], $0x20, s15, s9, $0xb8;
	[tilespmem:$0x1D120] =	vst v63  }
0x8c: {  	_ =	swait.ge [sflag:s13], $0x2000  }
0x8d: {  	[sflag:s13] =	ssyncset.done $0x0  }
0x8e: {  	s16 =	sadd.s32 $0x2E00, s7;
	s15 =	simm.s32 @p1 $0x6;
	[sflag:s13] =	ssyncadd.s32 $0xFFFFE000  }
0x8f: {  	[spmem:s3] =	stream.indirect.scatter.add.f32 [tilespmem:s26], [sflag:$0xC], $0x20, s16, s18, $0xb8;
	[tilespmem:$0x1D120] =	vst v63  }
0x90: {  	_ =	swait.ge @p1 [sflag:s15], $0x2000  }
0x91: {  	[sflag:s15] =	ssyncset.done @p1 $0x0  }
0x92: {  	s10 =	sadd.s32 @p1 $0x2F00, s10;
	[sflag:s15] =	ssyncadd.s32 @p1 $0xFFFFE000;
	s15 =	simm.s32 @p1 $0xF400  }
0x93: {  	[spmem:s3] =	stream.indirect.scatter.add.f32 @p1 [tilespmem:s15], [sflag:$0xD], $0x20, s10, s11, $0xb8;
	[tilespmem:$0x1D120] =	vst v63  }
0x94: {  	s10 =	simm.s32 @!p1 $0xC  }
0x95: {  	_ =	swait.ge @!p1 [sflag:s10], $0x2000  }
0x96: {  	[sflag:s10] =	ssyncset.done @!p1 $0x0  }
0x97: {  	s11 =	simm.s32 @!p1 $0xD400;
	[sflag:s10] =	ssyncadd.s32 @!p1 $0xFFFFE000;
	s10 =	sadd.s32 @!p1 $0xB00, s8  }
0x98: {  	[tilespmem:s11], [sflag:$0x5] =	stream.indirect.gather @!p1 [spmem:s2], $0x20, s10, s9, $0xb8;
	[tilespmem:$0x1D120] =	vst v63  }
0x99: {  	s10 =	simm.s32 @!p1 $0x6  }
0x9a: {  	_ =	swait.ge @!p1 [sflag:s10], $0x2000  }
0x9b: {  	[sflag:s10] =	ssyncset.done @!p1 $0x0  }
0x9c: {  	s11 =	simm.s32 @!p1 $0xF400;
	[sflag:s10] =	ssyncadd.s32 @!p1 $0xFFFFE000;
	s10 =	sadd.s32 @!p1 $0x2F00, s8  }
0x9d: {  	[spmem:s3] =	stream.indirect.scatter.add.f32 @!p1 [tilespmem:s11], [sflag:$0xD], $0x20, s10, s9, $0xb8;
	[tilespmem:$0x1D120] =	vst v63  }
0x9e: {  	s10 =	simm.s32 @!p1 $0xD  }
0x9f: {  	_ =	swait.ge @!p1 [sflag:s10], $0x2000  }
0xa0: {  	[sflag:s10] =	ssyncset.done @!p1 $0x0  }
0xa1: {  	s8 =	sadd.s32 @!p1 $0xC00, s8;
	[sflag:s10] =	ssyncadd.s32 @!p1 $0xFFFFE000  }
0xa2: {  	[tilespmem:s11], [sflag:$0x6] =	stream.indirect.gather @!p1 [spmem:s2], $0x20, s8, s9, $0xb8;
	[tilespmem:$0x1D120] =	vst v63  }
.Ltmp2:
0xa3: {  	_ = 	snop;
	(pc) =	sbr.rel @p1 .LBB2_4-.Ltmp2, $4  }
0xa4: {  	_ =	swait.ge [sflag:s20], $0x2000  }
0xa5: {  	[sflag:s20] =	ssyncset.done $0x0  }
0xa6: {  	s16 =	sadd.s32 $0x3000, s7;
	[sflag:s20] =	ssyncadd.s32 $0xFFFFE000  }
0xa7: {  	[spmem:s3] =	stream.indirect.scatter.add.f32 [tilespmem:s31], [sflag:$0xE], $0x20, s16, s18, $0xb8;
	[tilespmem:$0x1D120] =	vst v63  }
.Ltmp3:
0xa8: {  	(pc) =	sbr.rel .LBB2_2-.Ltmp3, $4  }
0xa9: {  	_ =	swait.ge [sflag:s30], $0x2000  }
0xaa: {  	[sflag:s30] =	ssyncset.done $0x0  }
0xab: {  	s7 =	sadd.s32 $0xD00, s7;
	s6 =	sadd.s32 $0x1C00, s6;
	[sflag:s30] =	ssyncadd.s32 $0xFFFFE000  }
0xac: {  	[tilespmem:s31], [sflag:$0x7] =	stream.indirect.gather [spmem:s2], $0x20, s7, s18, $0xb8;
	[tilespmem:$0x1D120] =	vst v63  }
.LBB2_5:
0xad: {  	_ =	sfence.sel $0x180000  }
0xae: {  	[bflag:$0x0] =	sbarrier.arrive $0xFFFF  }
0xaf: {  	_ =	strace $0x90000050  }
0xb0: {  	s0 =	stileid.u32;
	[bflag:$0x2] =	sbarrier.arrive $0xFFFF  }
0xb1: {  	p0 =	sne.s32 s0, $0x0;
	s0 =	rddreg [dreg:$0x4]  }
0xb2: {  	s0 =	sadd.s32 @!p0 $0x100000, s0  }
0xb3: {  	[sflag:s0] =	ssyncadd.tile.s32 @!p0 $0x1;
	_ =	shalt  }
.Lfunc_end2:
_tile_overlayer_lowered:
.L_overlay_start_2:
0xb4: {  	(tag) =	ssettag $0x2  }
0xb5: {  	s0 =	rddreg [dreg:$0x0];
	s2 =	stileid.u32  }
0xb6: {  	s1 =	rddreg [dreg:$0x1];
	p0 =	sne.s32 s2, $0x0  }
0xb7: {  	s3 =	rddreg [dreg:$0x2];
	[bflag:$0x3] =	sbarrier.arrive $0xFFFF;
	s2 =	simm.s32 @!p0 $0x1C0F  }
0xb8: {  	[timem:s3], [sflag:s2] =	dma.local @!p0 [hbm:s0], s1  }
0xb9: {  	s0 =	simm.s32 @!p0 $0xF  }
0xba: {  	_ =	swait.ge @!p0 [sflag:s0], s1  }
0xbb: {  	s1 =	ssub.s32 @!p0 $0x0, s1;
	[sflag:s0] =	ssyncset.done @!p0 $0x0  }
0xbc: {  	[sflag:s0] =	ssyncadd.s32 @!p0 s1  }
0xbd: {  	[bflag:$0x3] =	sbarrier.arrive $0xFFFF  }
0xbe: {  	_ =	shalt  }

</sc_bundles>
